<compile_context>
chip_gen: v7x
topology: tpu7x:2x2x1
jax: 0.10.2.dev20260603
libtpu: 0.0.44.dev20260713+nightly
codegen_flags: <defaults>
</compile_context>

<pallas_src>
import functools

import jax
import jax.numpy as jnp
from jax import lax
from jax.experimental import pallas as pl
from jax.experimental.pallas import tpu as pltpu
from jax.experimental.pallas import tpu_sc as plsc

N = 100000
E = 6400000
NODE_IN = 128
HID = 128
OUT = 128

_BLK = 2048
_C = 2048
_NROWS = E // 128
_NCHUNK = E // _C
_NW = 32
_SL = 6256


_NIOTA = 782


def _scadd_body(cols2d, ea, iota2d, zr4, zr1, o1, out4, out1,
                acc4, acc1, idxv, ea4, ones, zrows4, zb1, st1):
    c = lax.axis_index("c")
    s = lax.axis_index("s")
    w = c * 16 + s

    pltpu.sync_copy(o1, ones)
    pltpu.sync_copy(zr4, zrows4)
    pltpu.sync_copy(zr1, zb1)

    zbase = w * _NIOTA // _NW
    zend = (w + 1) * _NIOTA // _NW

    def _zrow(r, _):
        pltpu.sync_copy(iota2d.at[pl.ds(r, 1)], idxv.at[pl.ds(0, 1)])
        pltpu.sync_copy(zrows4, acc4.at[idxv.at[0]])
        pltpu.sync_copy(zb1, acc1.at[idxv.at[0]])
        return 0

    lax.fori_loop(zbase, zend, _zrow, 0)
    plsc.subcore_barrier()

    base = w * _NCHUNK // _NW
    end = (w + 1) * _NCHUNK // _NW

    def _chunk(g, _):
        pltpu.sync_copy(cols2d.at[pl.ds(g * (_C // 128), _C // 128)], idxv)
        pltpu.sync_copy(ea.at[pl.ds(g * _C, _C)], ea4)
        for j in range(_C // 128):
            pltpu.sync_copy(ea4.at[pl.ds(j * 128, 128)],
                            acc4.at[idxv.at[j]], add=True)
            pltpu.sync_copy(ones, acc1.at[idxv.at[j]], add=True)
        return 0

    lax.fori_loop(base, end, _chunk, 0)
    plsc.subcore_barrier()

    tail = _SL - 3 * _C

    for k in range(3):

        def _cp(off=k * _C):
            src = s * _SL + off
            pltpu.sync_copy(acc4.at[pl.ds(src, _C)], ea4)
            pltpu.sync_copy(ea4, out4.at[pl.ds(c * N + src, _C)])
            pltpu.sync_copy(acc1.at[pl.ds(src, _C)], st1)
            pltpu.sync_copy(st1, out1.at[pl.ds(c * N + src, _C)])

        _cp()

    @pl.when(s < 15)
    def _():
        src = s * _SL + 3 * _C
        pltpu.sync_copy(acc4.at[pl.ds(src, tail)], ea4.at[pl.ds(0, tail)])
        pltpu.sync_copy(ea4.at[pl.ds(0, tail)],
                        out4.at[pl.ds(c * N + src, tail)])
        pltpu.sync_copy(acc1.at[pl.ds(src, tail)], st1.at[pl.ds(0, tail)])
        pltpu.sync_copy(st1.at[pl.ds(0, tail)],
                        out1.at[pl.ds(c * N + src, tail)])

    @pl.when(s == 15)
    def _():
        src = 15 * _SL + 3 * _C
        pltpu.sync_copy(acc4.at[pl.ds(src, 16)], ea4.at[pl.ds(0, 16)])
        pltpu.sync_copy(ea4.at[pl.ds(0, 16)],
                        out4.at[pl.ds(c * N + src, 16)])
        pltpu.sync_copy(acc1.at[pl.ds(src, 16)], st1.at[pl.ds(0, 16)])
        pltpu.sync_copy(st1.at[pl.ds(0, 16)],
                        out1.at[pl.ds(c * N + src, 16)])


@functools.partial(
    pl.kernel,
    out_type=(jax.ShapeDtypeStruct((2 * N, 4), jnp.float32),
              jax.ShapeDtypeStruct((2 * N,), jnp.float32)),
    mesh=plsc.VectorSubcoreMesh(core_axis_name="c", subcore_axis_name="s"),
    compiler_params=pltpu.CompilerParams(use_tc_tiling_on_sc=False,
                                         needs_layout_passes=False),
    scratch_types=[
        pltpu.VMEM_SHARED((N, 4), jnp.float32),
        pltpu.VMEM_SHARED((N,), jnp.float32),
        pltpu.VMEM((_C // 128, 128), jnp.int32),
        pltpu.VMEM((_C, 4), jnp.float32),
        pltpu.VMEM((128,), jnp.float32),
        pltpu.VMEM((128, 4), jnp.float32),
        pltpu.VMEM((128,), jnp.float32),
        pltpu.VMEM((_C,), jnp.float32),
    ],
)
def _scadd(cols2d, ea, iota2d, zr4, zr1, o1, out4, out1,
           acc4, acc1, idxv, ea4, ones, zrows4, zb1, st1):
    _scadd_body(cols2d, ea, iota2d, zr4, zr1, o1, out4, out1,
                acc4, acc1, idxv, ea4, ones, zrows4, zb1, st1)


_MC = 2000
_EPW = E // _NW
_NEG = -3.4e38


def _scmax_body(col, ea0, ea1, ea2, ea3, out, acc, kbuf, vbuf):
    c = lax.axis_index("c")
    s = lax.axis_index("s")
    w = c * 16 + s

    lane = lax.iota(jnp.int32, 16)
    last = jnp.minimum(lane + 1, 15)
    shifts = [jnp.maximum(lane - (1 << t), 0) for t in range(4)]
    negs = jnp.full((16,), _NEG, jnp.float32)

    for d, ead in enumerate((ea0, ea1, ea2, ea3)):
        def _init(i, _):
            acc[pl.ds(i * 16, 16)] = negs
            return 0

        lax.fori_loop(0, N // 16, _init, 0, unroll=8)

        def _chunk(g, _):
            base = w * _EPW + g * _MC
            pltpu.sync_copy(col.at[pl.ds(base, _MC)], kbuf)
            pltpu.sync_copy(ead.at[pl.ds(base, _MC)], vbuf)

            def _group(i, _):
                k = kbuf[pl.ds(i * 16, 16)]
                v = vbuf[pl.ds(i * 16, 16)]
                ks, vs = plsc.sort_key_val(k, v)
                for t in range(4):
                    kp = ks.at[shifts[t]].get(mode="promise_in_bounds")
                    vp = vs.at[shifts[t]].get(mode="promise_in_bounds")
                    vs = jnp.where(ks == kp, jnp.maximum(vs, vp), vs)
                kn = ks.at[last].get(mode="promise_in_bounds")
                m_end = (ks != kn) | (lane == 15)
                cur = plsc.load_gather(acc, [ks], mask=m_end)
                plsc.store_scatter(acc, [ks], jnp.maximum(cur, vs),
                                   mask=m_end)
                return 0

            lax.fori_loop(0, _MC // 16, _group, 0, unroll=2)
            return 0

        lax.fori_loop(0, _EPW // _MC, _chunk, 0)

        pltpu.sync_copy(acc, out.at[pl.ds((w * 4 + d) * N, N)])


@functools.partial(
    pl.kernel,
    out_type=jax.ShapeDtypeStruct((_NW * 4 * N,), jnp.float32),
    mesh=plsc.VectorSubcoreMesh(core_axis_name="c", subcore_axis_name="s"),
    compiler_params=pltpu.CompilerParams(use_tc_tiling_on_sc=False,
                                         needs_layout_passes=False),
    scratch_types=[
        pltpu.VMEM((N,), jnp.float32),
        pltpu.VMEM((_MC,), jnp.int32),
        pltpu.VMEM((_MC,), jnp.float32),
    ],
)
def _scmax(col, ea0, ea1, ea2, ea3, out, acc, kbuf, vbuf):
    _scmax_body(col, ea0, ea1, ea2, ea3, out, acc, kbuf, vbuf)


def _mlp_body(sum4_ref, cnt_ref, mxT_ref, x_ref, W1a_ref, W1x_ref, b1_ref,
              g1_ref, bt1_ref, W2_ref, b2_ref, g2_ref, bt2_ref, W3_ref,
              b3_ref, out_ref):
    s4 = sum4_ref[...]
    cnt = cnt_ref[...]
    mean4 = s4 / jnp.clip(cnt, 1.0, None)
    mxp = mxT_ref[...]
    mx4 = mxp[0:4]
    for t in range(1, 32):
        mx4 = jnp.maximum(mx4, mxp[4 * t:4 * t + 4])
    mx4 = jnp.where(cnt > 0, mx4, 0.0)
    zero4 = jnp.zeros_like(s4)
    aggT = jnp.concatenate([s4, mx4, mean4, zero4], axis=0)
    x = x_ref[...]
    h = (jax.lax.dot_general(aggT, W1a_ref[...], (((0,), (0,)), ((), ())),
                             preferred_element_type=jnp.float32)
         + jax.lax.dot_general(x, W1x_ref[...], (((1,), (0,)), ((), ())),
                               preferred_element_type=jnp.float32)
         + b1_ref[...])
    mu = jnp.mean(h, axis=-1, keepdims=True)
    var = jnp.mean((h - mu) ** 2, axis=-1, keepdims=True)
    h = (h - mu) * jax.lax.rsqrt(var + 1e-5) * g1_ref[...] + bt1_ref[...]
    h = h * jax.nn.sigmoid(h)
    h = jax.lax.dot_general(h, W2_ref[...], (((1,), (0,)), ((), ())),
                            preferred_element_type=jnp.float32) + b2_ref[...]
    mu = jnp.mean(h, axis=-1, keepdims=True)
    var = jnp.mean((h - mu) ** 2, axis=-1, keepdims=True)
    h = (h - mu) * jax.lax.rsqrt(var + 1e-5) * g2_ref[...] + bt2_ref[...]
    h = h * jax.nn.sigmoid(h)
    out_ref[...] = jax.lax.dot_general(
        h, W3_ref[...], (((1,), (0,)), ((), ())),
        preferred_element_type=jnp.float32) + b3_ref[...]


def _mlp(sum4, cnt2, mxT, x, W1a, W1x, b1, g1, bt1, W2, b2, g2, bt2, W3, b3):
    grid = (pl.cdiv(N, _BLK),)
    full = lambda i: (0, 0)
    return pl.pallas_call(
        _mlp_body,
        grid=grid,
        in_specs=[
            pl.BlockSpec((4, _BLK), lambda i: (0, i)),
            pl.BlockSpec((1, _BLK), lambda i: (0, i)),
            pl.BlockSpec((128, _BLK), lambda i: (0, i)),
            pl.BlockSpec((_BLK, NODE_IN), lambda i: (i, 0)),
            pl.BlockSpec((16, HID), full),
            pl.BlockSpec((NODE_IN, HID), full),
            pl.BlockSpec((1, HID), full),
            pl.BlockSpec((1, HID), full),
            pl.BlockSpec((1, HID), full),
            pl.BlockSpec((HID, HID), full),
            pl.BlockSpec((1, HID), full),
            pl.BlockSpec((1, HID), full),
            pl.BlockSpec((1, HID), full),
            pl.BlockSpec((HID, OUT), full),
            pl.BlockSpec((1, OUT), full),
        ],
        out_specs=pl.BlockSpec((_BLK, OUT), lambda i: (i, 0)),
        out_shape=jax.ShapeDtypeStruct((N, OUT), jnp.float32),
        compiler_params=pltpu.CompilerParams(
            dimension_semantics=("arbitrary",),
        ),
    )(sum4, cnt2, mxT, x, W1a, W1x, b1, g1, bt1, W2, b2, g2, bt2, W3, b3)


def kernel(x, edge_index, edge_attr, u, batch,
           W1, b1, g1, bt1, W2, b2, g2, bt2, W3, b3):
    col = edge_index[1]
    cols2d = col.reshape(_NROWS, 128)
    iota2d = jnp.minimum(jnp.arange(_NIOTA * 128, dtype=jnp.int32),
                         N - 1).reshape(_NIOTA, 128)
    zr4 = jnp.zeros((128, 4), jnp.float32)
    zr1 = jnp.zeros((128,), jnp.float32)
    o1 = jnp.ones((128,), jnp.float32)
    out4, out1 = _scadd(cols2d, edge_attr, iota2d, zr4, zr1, o1)
    sum4 = (out4[:N] + out4[N:]).T.reshape(4, N)
    cnt2 = (out1[:N] + out1[N:]).reshape(1, N)

    mxT = _scmax(col, edge_attr[:, 0], edge_attr[:, 1], edge_attr[:, 2],
                 edge_attr[:, 3]).reshape(128, N)

    W1a = jnp.concatenate([W1[:12], jnp.zeros((4, HID), jnp.float32)], axis=0)
    W1x = W1[12:]
    return _mlp(sum4, cnt2, mxT, x, W1a, W1x,
                b1.reshape(1, HID), g1.reshape(1, HID), bt1.reshape(1, HID),
                W2, b2.reshape(1, HID), g2.reshape(1, HID), bt2.reshape(1, HID),
                W3, b3.reshape(1, OUT))

# --- scband reference (transcript-rebuilt; emitter-appended) ---
"""Pipeline reference for scband-node-model-43954695308053 (READ-ONLY COPY).

The authoritative reference and input builder live on the scoring server;
editing this copy changes nothing except your own understanding.
"""

import jax, jax.numpy as jnp
import numpy as np

N = 100000
E = 6400000
NODE_IN = 128
EDGE_IN = 4
HID = 128
OUT = 128
MLP_IN = NODE_IN + 3 * EDGE_IN  # 140


def setup_inputs(seed: int = 0) -> dict:
    key = jax.random.key(seed)
    ks = jax.random.split(key, 12)
    x = jax.random.normal(ks[0], (N, NODE_IN), dtype=jnp.float32)
    edge_index = jax.random.randint(ks[1], (2, E), 0, N, dtype=jnp.int32)
    edge_attr = jax.random.normal(ks[2], (E, EDGE_IN), dtype=jnp.float32)
    u = jnp.zeros((1, 8), dtype=jnp.float32)
    batch = jnp.zeros((N,), dtype=jnp.int32)
    # MLP_block params (n_layers=2): Lin(140,128)+LN+SiLU, Lin(128,128)+LN+SiLU+Dropout(eval=identity), Lin(128,128)
    s1 = 1.0 / np.sqrt(MLP_IN)
    s2 = 1.0 / np.sqrt(HID)
    W1 = jax.random.uniform(ks[3], (MLP_IN, HID), jnp.float32, -s1, s1)
    b1 = jax.random.uniform(ks[4], (HID,), jnp.float32, -s1, s1)
    g1 = jnp.ones((HID,), jnp.float32)
    bt1 = jnp.zeros((HID,), jnp.float32)
    W2 = jax.random.uniform(ks[5], (HID, HID), jnp.float32, -s2, s2)
    b2 = jax.random.uniform(ks[6], (HID,), jnp.float32, -s2, s2)
    g2 = jnp.ones((HID,), jnp.float32)
    bt2 = jnp.zeros((HID,), jnp.float32)
    W3 = jax.random.uniform(ks[7], (HID, OUT), jnp.float32, -s2, s2)
    b3 = jax.random.uniform(ks[8], (OUT,), jnp.float32, -s2, s2)
    return {"x": x, "edge_index": edge_index, "edge_attr": edge_attr, "u": u, "batch": batch,
            "W1": W1, "b1": b1, "g1": g1, "bt1": bt1,
            "W2": W2, "b2": b2, "g2": g2, "bt2": bt2,
            "W3": W3, "b3": b3}


def _ln(h, g, b):
    mu = jnp.mean(h, axis=-1, keepdims=True)
    var = jnp.mean((h - mu) ** 2, axis=-1, keepdims=True)
    return (h - mu) / jnp.sqrt(var + 1e-5) * g + b


def _silu(h):
    return h * jax.nn.sigmoid(h)


def reference(x, edge_index, edge_attr, u, batch, W1, b1, g1, bt1, W2, b2, g2, bt2, W3, b3):
    # MultiAggregation(['sum','max','mean'], mode='cat') over index=col, dim_size=N
    col = edge_index[1]
    s = jax.ops.segment_sum(edge_attr, col, num_segments=N)
    mx = jax.ops.segment_max(edge_attr, col, num_segments=N)
    cnt = jax.ops.segment_sum(jnp.ones((edge_attr.shape[0],), jnp.float32), col, num_segments=N)
    mx = jnp.where(cnt[:, None] > 0, mx, 0.0)
    mean = s / jnp.clip(cnt, 1.0)[:, None]
    aggr_out = jnp.concatenate([s, mx, mean], axis=1)
    # global_in == 0 -> u/batch unused
    out = jnp.concatenate([aggr_out, x], axis=1)
    h = _silu(_ln(out @ W1 + b1, g1, bt1))
    h = _silu(_ln(h @ W2 + b2, g2, bt2))  # Dropout(p=0.3) is identity in eval
    return h @ W3 + b3

if __name__ == "__main__":
    import jax
    _d = setup_inputs()
    print(jax.jit(kernel)(*tuple(_d.values())))

</pallas_src>

<mosaic_0001>
#map = affine_map<(d0, d1) -> (0, 0)>
#map1 = affine_map<(d0, d1) -> (0)>
module attributes {stable_mosaic.version = 14 : i64} {
  func.func @_scadd(%arg0: i32, %arg1: i32, %arg2: memref<50000x128xi32, #tpu.memory_space<hbm>>, %arg3: memref<6400000x4xf32, #tpu.memory_space<hbm>>, %arg4: memref<782x128xi32, #tpu.memory_space<hbm>>, %arg5: memref<128x4xf32, #tpu.memory_space<hbm>>, %arg6: memref<128xf32, #tpu.memory_space<hbm>>, %arg7: memref<128xf32, #tpu.memory_space<hbm>>, %arg8: memref<200000x4xf32, #tpu.memory_space<hbm>>, %arg9: memref<200000xf32, #tpu.memory_space<hbm>>, %arg10: memref<100000x4xf32, #tpu.memory_space<vmem_shared>>, %arg11: memref<100000xf32, #tpu.memory_space<vmem_shared>>, %arg12: memref<16x128xi32, #tpu.memory_space<vmem>>, %arg13: memref<2048x4xf32, #tpu.memory_space<vmem>>, %arg14: memref<128xf32, #tpu.memory_space<vmem>>, %arg15: memref<128x4xf32, #tpu.memory_space<vmem>>, %arg16: memref<128xf32, #tpu.memory_space<vmem>>, %arg17: memref<2048xf32, #tpu.memory_space<vmem>>) attributes {dimension_semantics = [#tpu.dimension_semantics<core_parallel>, #tpu.dimension_semantics<subcore_parallel>], iteration_bounds = array<i64: 2, 16>, scalar_prefetch = 0 : i64, scratch_operands = 8 : i64, tpu.core_type = #tpu.core_type<sc_vector_subcore>, window_params = [{transform_indices = #map}, {transform_indices = #map}, {transform_indices = #map}, {transform_indices = #map}, {transform_indices = #map1}, {transform_indices = #map1}, {transform_indices = #map}, {transform_indices = #map1}]} {
    %mul3A = arith.constant 16 : i32
    %mul3A_0 = arith.muli %arg0, %mul3A : i32
    %add3A = arith.addi %mul3A_0, %arg1 : i32
    "tpu.region"() ({
      %run_scoped3A = tpu.sem_alloc : memref<!tpu.dma_semaphore, #tpu.memory_space<semaphore_mem>>
      tpu.enqueue_dma source(%arg7 : memref<128xf32, #tpu.memory_space<hbm>>) target(%arg14 : memref<128xf32, #tpu.memory_space<vmem>>) target_semaphore(%run_scoped3A : memref<!tpu.dma_semaphore, #tpu.memory_space<semaphore_mem>>)
      tpu.wait_dma2 semaphore(%run_scoped3A : memref<!tpu.dma_semaphore, #tpu.memory_space<semaphore_mem>>) src(%arg7 : memref<128xf32, #tpu.memory_space<hbm>>) dst(%arg14 : memref<128xf32, #tpu.memory_space<vmem>>)
      tpu.yield
    }) : () -> ()
    "tpu.region"() ({
      %run_scoped3A = tpu.sem_alloc : memref<!tpu.dma_semaphore, #tpu.memory_space<semaphore_mem>>
      tpu.enqueue_dma source(%arg5 : memref<128x4xf32, #tpu.memory_space<hbm>>) target(%arg15 : memref<128x4xf32, #tpu.memory_space<vmem>>) target_semaphore(%run_scoped3A : memref<!tpu.dma_semaphore, #tpu.memory_space<semaphore_mem>>)
      tpu.wait_dma2 semaphore(%run_scoped3A : memref<!tpu.dma_semaphore, #tpu.memory_space<semaphore_mem>>) src(%arg5 : memref<128x4xf32, #tpu.memory_space<hbm>>) dst(%arg15 : memref<128x4xf32, #tpu.memory_space<vmem>>)
      tpu.yield
    }) : () -> ()
    "tpu.region"() ({
      %run_scoped3A = tpu.sem_alloc : memref<!tpu.dma_semaphore, #tpu.memory_space<semaphore_mem>>
      tpu.enqueue_dma source(%arg6 : memref<128xf32, #tpu.memory_space<hbm>>) target(%arg16 : memref<128xf32, #tpu.memory_space<vmem>>) target_semaphore(%run_scoped3A : memref<!tpu.dma_semaphore, #tpu.memory_space<semaphore_mem>>)
      tpu.wait_dma2 semaphore(%run_scoped3A : memref<!tpu.dma_semaphore, #tpu.memory_space<semaphore_mem>>) src(%arg6 : memref<128xf32, #tpu.memory_space<hbm>>) dst(%arg16 : memref<128xf32, #tpu.memory_space<vmem>>)
      tpu.yield
    }) : () -> ()
    %mul3A_1 = arith.constant 782 : i32
    %mul3A_2 = arith.muli %add3A, %mul3A_1 : i32
    %jit3A = arith.constant 32 : i32
    %div3A = arith.divsi %mul3A_2, %jit3A : i32
    %sign3A = arith.constant 0 : i32
    %sign3A_3 = arith.cmpi sgt, %mul3A_2, %sign3A : i32
    %sign3A_4 = arith.extui %sign3A_3 : i1 to i32
    %sign3A_5 = arith.constant 0 : i32
    %sign3A_6 = arith.cmpi slt, %mul3A_2, %sign3A_5 : i32
    %sign3A_7 = arith.extui %sign3A_6 : i1 to i32
    %sign3A_8 = arith.subi %sign3A_4, %sign3A_7 : i32
    %sign3A_9 = arith.constant 0 : i32
    %sign3A_10 = arith.cmpi sgt, %jit3A, %sign3A_9 : i32
    %sign3A_11 = arith.extui %sign3A_10 : i1 to i32
    %sign3A_12 = arith.constant 0 : i32
    %sign3A_13 = arith.cmpi slt, %jit3A, %sign3A_12 : i32
    %sign3A_14 = arith.extui %sign3A_13 : i1 to i32
    %sign3A_15 = arith.subi %sign3A_11, %sign3A_14 : i32
    %ne3A = arith.cmpi ne, %sign3A_8, %sign3A_15 : i32
    %rem3A = arith.remsi %mul3A_2, %jit3A : i32
    %ne3A_16 = arith.constant 0 : i32
    %ne3A_17 = arith.cmpi ne, %rem3A, %ne3A_16 : i32
    %and3A = arith.andi %ne3A, %ne3A_17 : i1
    %sub3A = arith.constant 1 : i32
    %sub3A_18 = arith.subi %div3A, %sub3A : i32
    %select_n3A = arith.select %and3A, %sub3A_18, %div3A : i32
    %add3A_19 = arith.constant 1 : i32
    %add3A_20 = arith.addi %add3A, %add3A_19 : i32
    %mul3A_21 = arith.constant 782 : i32
    %mul3A_22 = arith.muli %add3A_20, %mul3A_21 : i32
    %jit3A_23 = arith.constant 32 : i32
    %div3A_24 = arith.divsi %mul3A_22, %jit3A_23 : i32
    %sign3A_25 = arith.constant 0 : i32
    %sign3A_26 = arith.cmpi sgt, %mul3A_22, %sign3A_25 : i32
    %sign3A_27 = arith.extui %sign3A_26 : i1 to i32
    %sign3A_28 = arith.constant 0 : i32
    %sign3A_29 = arith.cmpi slt, %mul3A_22, %sign3A_28 : i32
    %sign3A_30 = arith.extui %sign3A_29 : i1 to i32
    %sign3A_31 = arith.subi %sign3A_27, %sign3A_30 : i32
    %sign3A_32 = arith.constant 0 : i32
    %sign3A_33 = arith.cmpi sgt, %jit3A_23, %sign3A_32 : i32
    %sign3A_34 = arith.extui %sign3A_33 : i1 to i32
    %sign3A_35 = arith.constant 0 : i32
    %sign3A_36 = arith.cmpi slt, %jit3A_23, %sign3A_35 : i32
    %sign3A_37 = arith.extui %sign3A_36 : i1 to i32
    %sign3A_38 = arith.subi %sign3A_34, %sign3A_37 : i32
    %ne3A_39 = arith.cmpi ne, %sign3A_31, %sign3A_38 : i32
    %rem3A_40 = arith.remsi %mul3A_22, %jit3A_23 : i32
    %ne3A_41 = arith.constant 0 : i32
    %ne3A_42 = arith.cmpi ne, %rem3A_40, %ne3A_41 : i32
    %and3A_43 = arith.andi %ne3A_39, %ne3A_42 : i1
    %sub3A_44 = arith.constant 1 : i32
    %sub3A_45 = arith.subi %div3A_24, %sub3A_44 : i32
    %select_n3A_46 = arith.select %and3A_43, %sub3A_45, %div3A_24 : i32
    %while3A = arith.constant 0 : i32
    %while3A_47 = arith.subi %select_n3A_46, %select_n3A : i32
    %while3A_48 = arith.addi %select_n3A, %while3A_47 : i32
    %while3A_49 = arith.constant 1 : i32
    %while3A_50 = arith.divsi %while3A_47, %while3A_49 : i32
    %while3A_51 = arith.muli %while3A_50, %while3A_49 : i32
    %while3A_52 = arith.addi %select_n3A, %while3A_51 : i32
    %while3A_53 = arith.constant 1 : i32
    %while3A_54 = scf.for %while3A_159 = %select_n3A to %while3A_52 step %while3A_53 iter_args(%while3A_160 = %while3A) -> (i32)  : i32 {
      "tpu.region"() ({
        %run_scoped3A_163 = tpu.sem_alloc : memref<!tpu.dma_semaphore, #tpu.memory_space<semaphore_mem>>
        %dma_start3A = arith.constant 0 : i32
        %dma_start3A_164 = arith.constant 0 : i32
        %dma_start3A_165 = tpu.memref_slice %arg12[%dma_start3A, %dma_start3A_164] : memref<16x128xi32, #tpu.memory_space<vmem>> -> memref<1x128xi32, #tpu.memory_space<vmem>>
        %dma_start3A_166 = arith.constant 0 : i32
        %dma_start3A_167 = tpu.memref_slice %arg4[%while3A_159, %dma_start3A_166] : memref<782x128xi32, #tpu.memory_space<hbm>> -> memref<1x128xi32, #tpu.memory_space<hbm>>
        %dma_start3A_168 = arith.constant 0 : i32
        %dma_start3A_169 = arith.constant 0 : i32
        %dma_start3A_170 = tpu.memref_slice %arg12[%dma_start3A_168, %dma_start3A_169] : memref<16x128xi32, #tpu.memory_space<vmem>> -> memref<1x128xi32, #tpu.memory_space<vmem>>
        %dma_start3A_171 = arith.constant 0 : i32
        %dma_start3A_172 = tpu.memref_slice %arg4[%while3A_159, %dma_start3A_171] : memref<782x128xi32, #tpu.memory_space<hbm>> -> memref<1x128xi32, #tpu.memory_space<hbm>>
        tpu.enqueue_dma source(%dma_start3A_172 : memref<1x128xi32, #tpu.memory_space<hbm>>) target(%dma_start3A_170 : memref<1x128xi32, #tpu.memory_space<vmem>>) target_semaphore(%run_scoped3A_163 : memref<!tpu.dma_semaphore, #tpu.memory_space<semaphore_mem>>)
        %dma_wait3A = arith.constant 0 : i32
        %dma_wait3A_173 = arith.constant 0 : i32
        %dma_wait3A_174 = tpu.memref_slice %arg12[%dma_wait3A, %dma_wait3A_173] : memref<16x128xi32, #tpu.memory_space<vmem>> -> memref<1x128xi32, #tpu.memory_space<vmem>>
        %dma_wait3A_175 = arith.constant 0 : i32
        %dma_wait3A_176 = tpu.memref_slice %arg4[%while3A_159, %dma_wait3A_175] : memref<782x128xi32, #tpu.memory_space<hbm>> -> memref<1x128xi32, #tpu.memory_space<hbm>>
        %dma_wait3A_177 = arith.constant 0 : i32
        %dma_wait3A_178 = arith.constant 0 : i32
        %dma_wait3A_179 = tpu.memref_slice %arg12[%dma_wait3A_177, %dma_wait3A_178] : memref<16x128xi32, #tpu.memory_space<vmem>> -> memref<1x128xi32, #tpu.memory_space<vmem>>
        %dma_wait3A_180 = arith.constant 0 : i32
        %dma_wait3A_181 = tpu.memref_slice %arg4[%while3A_159, %dma_wait3A_180] : memref<782x128xi32, #tpu.memory_space<hbm>> -> memref<1x128xi32, #tpu.memory_space<hbm>>
        tpu.wait_dma2 semaphore(%run_scoped3A_163 : memref<!tpu.dma_semaphore, #tpu.memory_space<semaphore_mem>>) src(%dma_wait3A_181 : memref<1x128xi32, #tpu.memory_space<hbm>>) dst(%dma_wait3A_179 : memref<1x128xi32, #tpu.memory_space<vmem>>)
        tpu.yield
      }) : () -> ()
      %run_scoped3A = arith.constant 0 : i32
      "tpu.region"() ({
        %run_scoped3A_163 = tpu.sem_alloc : memref<!tpu.dma_semaphore, #tpu.memory_space<semaphore_mem>>
        %dma_start3A = arith.constant 0 : i32
        %dma_start3A_164 = tpu.memref_slice %arg12[%run_scoped3A, %dma_start3A] : memref<16x128xi32, #tpu.memory_space<vmem>> -> memref<1x128xi32, #tpu.memory_space<vmem>>
        %dma_start3A_165 = tpu.memref_squeeze %dma_start3A_164 : memref<1x128xi32, #tpu.memory_space<vmem>> -> memref<128xi32, #tpu.memory_space<vmem>>
        %dma_start3A_166 = arith.constant 0 : i32
        %dma_start3A_167 = arith.constant 0 : i32
        %dma_start3A_168 = tpu.memref_slice %arg10[%dma_start3A_166, %dma_start3A_167] : memref<100000x4xf32, #tpu.memory_space<vmem_shared>> -> memref<100000x4xf32, #tpu.memory_space<vmem_shared>>
        tpu.enqueue_indirect_dma source(%arg15 : memref<128x4xf32, #tpu.memory_space<vmem>>) target(%dma_start3A_168 : memref<100000x4xf32, #tpu.memory_space<vmem_shared>>) offsets(%dma_start3A_165 : memref<128xi32, #tpu.memory_space<vmem>>) semaphore(%run_scoped3A_163 : memref<!tpu.dma_semaphore, #tpu.memory_space<semaphore_mem>>)
        %dma_wait3A = arith.constant 0 : i32
        %dma_wait3A_169 = tpu.memref_slice %arg12[%run_scoped3A, %dma_wait3A] : memref<16x128xi32, #tpu.memory_space<vmem>> -> memref<1x128xi32, #tpu.memory_space<vmem>>
        %dma_wait3A_170 = tpu.memref_squeeze %dma_wait3A_169 : memref<1x128xi32, #tpu.memory_space<vmem>> -> memref<128xi32, #tpu.memory_space<vmem>>
        %dma_wait3A_171 = arith.constant 0 : i32
        %dma_wait3A_172 = arith.constant 0 : i32
        %dma_wait3A_173 = tpu.memref_slice %arg10[%dma_wait3A_171, %dma_wait3A_172] : memref<100000x4xf32, #tpu.memory_space<vmem_shared>> -> memref<100000x4xf32, #tpu.memory_space<vmem_shared>>
        tpu.wait_indirect_dma semaphore(%run_scoped3A_163 : memref<!tpu.dma_semaphore, #tpu.memory_space<semaphore_mem>>) src(%arg15 : memref<128x4xf32, #tpu.memory_space<vmem>>) dst(%dma_wait3A_173 : memref<100000x4xf32, #tpu.memory_space<vmem_shared>>)
        tpu.yield
      }) : () -> ()
      %run_scoped3A_161 = arith.constant 0 : i32
      "tpu.region"() ({
        %run_scoped3A_163 = tpu.sem_alloc : memref<!tpu.dma_semaphore, #tpu.memory_space<semaphore_mem>>
        %dma_start3A = arith.constant 0 : i32
        %dma_start3A_164 = tpu.memref_slice %arg12[%run_scoped3A_161, %dma_start3A] : memref<16x128xi32, #tpu.memory_space<vmem>> -> memref<1x128xi32, #tpu.memory_space<vmem>>
        %dma_start3A_165 = tpu.memref_squeeze %dma_start3A_164 : memref<1x128xi32, #tpu.memory_space<vmem>> -> memref<128xi32, #tpu.memory_space<vmem>>
        %dma_start3A_166 = arith.constant 0 : i32
        %dma_start3A_167 = tpu.memref_slice %arg11[%dma_start3A_166] : memref<100000xf32, #tpu.memory_space<vmem_shared>> -> memref<100000xf32, #tpu.memory_space<vmem_shared>>
        tpu.enqueue_indirect_dma source(%arg16 : memref<128xf32, #tpu.memory_space<vmem>>) target(%dma_start3A_167 : memref<100000xf32, #tpu.memory_space<vmem_shared>>) offsets(%dma_start3A_165 : memref<128xi32, #tpu.memory_space<vmem>>) semaphore(%run_scoped3A_163 : memref<!tpu.dma_semaphore, #tpu.memory_space<semaphore_mem>>)
        %dma_wait3A = arith.constant 0 : i32
        %dma_wait3A_168 = tpu.memref_slice %arg12[%run_scoped3A_161, %dma_wait3A] : memref<16x128xi32, #tpu.memory_space<vmem>> -> memref<1x128xi32, #tpu.memory_space<vmem>>
        %dma_wait3A_169 = tpu.memref_squeeze %dma_wait3A_168 : memref<1x128xi32, #tpu.memory_space<vmem>> -> memref<128xi32, #tpu.memory_space<vmem>>
        %dma_wait3A_170 = arith.constant 0 : i32
        %dma_wait3A_171 = tpu.memref_slice %arg11[%dma_wait3A_170] : memref<100000xf32, #tpu.memory_space<vmem_shared>> -> memref<100000xf32, #tpu.memory_space<vmem_shared>>
        tpu.wait_indirect_dma semaphore(%run_scoped3A_163 : memref<!tpu.dma_semaphore, #tpu.memory_space<semaphore_mem>>) src(%arg16 : memref<128xf32, #tpu.memory_space<vmem>>) dst(%dma_wait3A_171 : memref<100000xf32, #tpu.memory_space<vmem_shared>>)
        tpu.yield
      }) : () -> ()
      %while3A_162 = arith.constant 0 : i32
      scf.yield %while3A_162 : i32
    }
    %while3A_55 = arith.constant 1 : i32
    %while3A_56 = scf.for %while3A_159 = %while3A_52 to %while3A_48 step %while3A_55 iter_args(%while3A_160 = %while3A_54) -> (i32)  : i32 {
      "tpu.region"() ({
        %run_scoped3A_163 = tpu.sem_alloc : memref<!tpu.dma_semaphore, #tpu.memory_space<semaphore_mem>>
        %dma_start3A = arith.constant 0 : i32
        %dma_start3A_164 = arith.constant 0 : i32
        %dma_start3A_165 = tpu.memref_slice %arg12[%dma_start3A, %dma_start3A_164] : memref<16x128xi32, #tpu.memory_space<vmem>> -> memref<1x128xi32, #tpu.memory_space<vmem>>
        %dma_start3A_166 = arith.constant 0 : i32
        %dma_start3A_167 = tpu.memref_slice %arg4[%while3A_159, %dma_start3A_166] : memref<782x128xi32, #tpu.memory_space<hbm>> -> memref<1x128xi32, #tpu.memory_space<hbm>>
        %dma_start3A_168 = arith.constant 0 : i32
        %dma_start3A_169 = arith.constant 0 : i32
        %dma_start3A_170 = tpu.memref_slice %arg12[%dma_start3A_168, %dma_start3A_169] : memref<16x128xi32, #tpu.memory_space<vmem>> -> memref<1x128xi32, #tpu.memory_space<vmem>>
        %dma_start3A_171 = arith.constant 0 : i32
        %dma_start3A_172 = tpu.memref_slice %arg4[%while3A_159, %dma_start3A_171] : memref<782x128xi32, #tpu.memory_space<hbm>> -> memref<1x128xi32, #tpu.memory_space<hbm>>
        tpu.enqueue_dma source(%dma_start3A_172 : memref<1x128xi32, #tpu.memory_space<hbm>>) target(%dma_start3A_170 : memref<1x128xi32, #tpu.memory_space<vmem>>) target_semaphore(%run_scoped3A_163 : memref<!tpu.dma_semaphore, #tpu.memory_space<semaphore_mem>>)
        %dma_wait3A = arith.constant 0 : i32
        %dma_wait3A_173 = arith.constant 0 : i32
        %dma_wait3A_174 = tpu.memref_slice %arg12[%dma_wait3A, %dma_wait3A_173] : memref<16x128xi32, #tpu.memory_space<vmem>> -> memref<1x128xi32, #tpu.memory_space<vmem>>
        %dma_wait3A_175 = arith.constant 0 : i32
        %dma_wait3A_176 = tpu.memref_slice %arg4[%while3A_159, %dma_wait3A_175] : memref<782x128xi32, #tpu.memory_space<hbm>> -> memref<1x128xi32, #tpu.memory_space<hbm>>
        %dma_wait3A_177 = arith.constant 0 : i32
        %dma_wait3A_178 = arith.constant 0 : i32
        %dma_wait3A_179 = tpu.memref_slice %arg12[%dma_wait3A_177, %dma_wait3A_178] : memref<16x128xi32, #tpu.memory_space<vmem>> -> memref<1x128xi32, #tpu.memory_space<vmem>>
        %dma_wait3A_180 = arith.constant 0 : i32
        %dma_wait3A_181 = tpu.memref_slice %arg4[%while3A_159, %dma_wait3A_180] : memref<782x128xi32, #tpu.memory_space<hbm>> -> memref<1x128xi32, #tpu.memory_space<hbm>>
        tpu.wait_dma2 semaphore(%run_scoped3A_163 : memref<!tpu.dma_semaphore, #tpu.memory_space<semaphore_mem>>) src(%dma_wait3A_181 : memref<1x128xi32, #tpu.memory_space<hbm>>) dst(%dma_wait3A_179 : memref<1x128xi32, #tpu.memory_space<vmem>>)
        tpu.yield
      }) : () -> ()
      %run_scoped3A = arith.constant 0 : i32
      "tpu.region"() ({
        %run_scoped3A_163 = tpu.sem_alloc : memref<!tpu.dma_semaphore, #tpu.memory_space<semaphore_mem>>
        %dma_start3A = arith.constant 0 : i32
        %dma_start3A_164 = tpu.memref_slice %arg12[%run_scoped3A, %dma_start3A] : memref<16x128xi32, #tpu.memory_space<vmem>> -> memref<1x128xi32, #tpu.memory_space<vmem>>
        %dma_start3A_165 = tpu.memref_squeeze %dma_start3A_164 : memref<1x128xi32, #tpu.memory_space<vmem>> -> memref<128xi32, #tpu.memory_space<vmem>>
        %dma_start3A_166 = arith.constant 0 : i32
        %dma_start3A_167 = arith.constant 0 : i32
        %dma_start3A_168 = tpu.memref_slice %arg10[%dma_start3A_166, %dma_start3A_167] : memref<100000x4xf32, #tpu.memory_space<vmem_shared>> -> memref<100000x4xf32, #tpu.memory_space<vmem_shared>>
        tpu.enqueue_indirect_dma source(%arg15 : memref<128x4xf32, #tpu.memory_space<vmem>>) target(%dma_start3A_168 : memref<100000x4xf32, #tpu.memory_space<vmem_shared>>) offsets(%dma_start3A_165 : memref<128xi32, #tpu.memory_space<vmem>>) semaphore(%run_scoped3A_163 : memref<!tpu.dma_semaphore, #tpu.memory_space<semaphore_mem>>)
        %dma_wait3A = arith.constant 0 : i32
        %dma_wait3A_169 = tpu.memref_slice %arg12[%run_scoped3A, %dma_wait3A] : memref<16x128xi32, #tpu.memory_space<vmem>> -> memref<1x128xi32, #tpu.memory_space<vmem>>
        %dma_wait3A_170 = tpu.memref_squeeze %dma_wait3A_169 : memref<1x128xi32, #tpu.memory_space<vmem>> -> memref<128xi32, #tpu.memory_space<vmem>>
        %dma_wait3A_171 = arith.constant 0 : i32
        %dma_wait3A_172 = arith.constant 0 : i32
        %dma_wait3A_173 = tpu.memref_slice %arg10[%dma_wait3A_171, %dma_wait3A_172] : memref<100000x4xf32, #tpu.memory_space<vmem_shared>> -> memref<100000x4xf32, #tpu.memory_space<vmem_shared>>
        tpu.wait_indirect_dma semaphore(%run_scoped3A_163 : memref<!tpu.dma_semaphore, #tpu.memory_space<semaphore_mem>>) src(%arg15 : memref<128x4xf32, #tpu.memory_space<vmem>>) dst(%dma_wait3A_173 : memref<100000x4xf32, #tpu.memory_space<vmem_shared>>)
        tpu.yield
      }) : () -> ()
      %run_scoped3A_161 = arith.constant 0 : i32
      "tpu.region"() ({
        %run_scoped3A_163 = tpu.sem_alloc : memref<!tpu.dma_semaphore, #tpu.memory_space<semaphore_mem>>
        %dma_start3A = arith.constant 0 : i32
        %dma_start3A_164 = tpu.memref_slice %arg12[%run_scoped3A_161, %dma_start3A] : memref<16x128xi32, #tpu.memory_space<vmem>> -> memref<1x128xi32, #tpu.memory_space<vmem>>
        %dma_start3A_165 = tpu.memref_squeeze %dma_start3A_164 : memref<1x128xi32, #tpu.memory_space<vmem>> -> memref<128xi32, #tpu.memory_space<vmem>>
        %dma_start3A_166 = arith.constant 0 : i32
        %dma_start3A_167 = tpu.memref_slice %arg11[%dma_start3A_166] : memref<100000xf32, #tpu.memory_space<vmem_shared>> -> memref<100000xf32, #tpu.memory_space<vmem_shared>>
        tpu.enqueue_indirect_dma source(%arg16 : memref<128xf32, #tpu.memory_space<vmem>>) target(%dma_start3A_167 : memref<100000xf32, #tpu.memory_space<vmem_shared>>) offsets(%dma_start3A_165 : memref<128xi32, #tpu.memory_space<vmem>>) semaphore(%run_scoped3A_163 : memref<!tpu.dma_semaphore, #tpu.memory_space<semaphore_mem>>)
        %dma_wait3A = arith.constant 0 : i32
        %dma_wait3A_168 = tpu.memref_slice %arg12[%run_scoped3A_161, %dma_wait3A] : memref<16x128xi32, #tpu.memory_space<vmem>> -> memref<1x128xi32, #tpu.memory_space<vmem>>
        %dma_wait3A_169 = tpu.memref_squeeze %dma_wait3A_168 : memref<1x128xi32, #tpu.memory_space<vmem>> -> memref<128xi32, #tpu.memory_space<vmem>>
        %dma_wait3A_170 = arith.constant 0 : i32
        %dma_wait3A_171 = tpu.memref_slice %arg11[%dma_wait3A_170] : memref<100000xf32, #tpu.memory_space<vmem_shared>> -> memref<100000xf32, #tpu.memory_space<vmem_shared>>
        tpu.wait_indirect_dma semaphore(%run_scoped3A_163 : memref<!tpu.dma_semaphore, #tpu.memory_space<semaphore_mem>>) src(%arg16 : memref<128xf32, #tpu.memory_space<vmem>>) dst(%dma_wait3A_171 : memref<100000xf32, #tpu.memory_space<vmem_shared>>)
        tpu.yield
      }) : () -> ()
      %while3A_162 = arith.constant 0 : i32
      scf.yield %while3A_162 : i32
    }
    %barrier3A = arith.constant 0 : index
    tpu.barrier barrier_id(%barrier3A)
    %mul3A_57 = arith.constant 3125 : i32
    %mul3A_58 = arith.muli %add3A, %mul3A_57 : i32
    %jit3A_59 = arith.constant 32 : i32
    %div3A_60 = arith.divsi %mul3A_58, %jit3A_59 : i32
    %sign3A_61 = arith.constant 0 : i32
    %sign3A_62 = arith.cmpi sgt, %mul3A_58, %sign3A_61 : i32
    %sign3A_63 = arith.extui %sign3A_62 : i1 to i32
    %sign3A_64 = arith.constant 0 : i32
    %sign3A_65 = arith.cmpi slt, %mul3A_58, %sign3A_64 : i32
    %sign3A_66 = arith.extui %sign3A_65 : i1 to i32
    %sign3A_67 = arith.subi %sign3A_63, %sign3A_66 : i32
    %sign3A_68 = arith.constant 0 : i32
    %sign3A_69 = arith.cmpi sgt, %jit3A_59, %sign3A_68 : i32
    %sign3A_70 = arith.extui %sign3A_69 : i1 to i32
    %sign3A_71 = arith.constant 0 : i32
    %sign3A_72 = arith.cmpi slt, %jit3A_59, %sign3A_71 : i32
    %sign3A_73 = arith.extui %sign3A_72 : i1 to i32
    %sign3A_74 = arith.subi %sign3A_70, %sign3A_73 : i32
    %ne3A_75 = arith.cmpi ne, %sign3A_67, %sign3A_74 : i32
    %rem3A_76 = arith.remsi %mul3A_58, %jit3A_59 : i32
    %ne3A_77 = arith.constant 0 : i32
    %ne3A_78 = arith.cmpi ne, %rem3A_76, %ne3A_77 : i32
    %and3A_79 = arith.andi %ne3A_75, %ne3A_78 : i1
    %sub3A_80 = arith.constant 1 : i32
    %sub3A_81 = arith.subi %div3A_60, %sub3A_80 : i32
    %select_n3A_82 = arith.select %and3A_79, %sub3A_81, %div3A_60 : i32
    %add3A_83 = arith.constant 1 : i32
    %add3A_84 = arith.addi %add3A, %add3A_83 : i32
    %mul3A_85 = arith.constant 3125 : i32
    %mul3A_86 = arith.muli %add3A_84, %mul3A_85 : i32
    %jit3A_87 = arith.constant 32 : i32
    %div3A_88 = arith.divsi %mul3A_86, %jit3A_87 : i32
    %sign3A_89 = arith.constant 0 : i32
    %sign3A_90 = arith.cmpi sgt, %mul3A_86, %sign3A_89 : i32
    %sign3A_91 = arith.extui %sign3A_90 : i1 to i32
    %sign3A_92 = arith.constant 0 : i32
    %sign3A_93 = arith.cmpi slt, %mul3A_86, %sign3A_92 : i32
    %sign3A_94 = arith.extui %sign3A_93 : i1 to i32
    %sign3A_95 = arith.subi %sign3A_91, %sign3A_94 : i32
    %sign3A_96 = arith.constant 0 : i32
    %sign3A_97 = arith.cmpi sgt, %jit3A_87, %sign3A_96 : i32
    %sign3A_98 = arith.extui %sign3A_97 : i1 to i32
    %sign3A_99 = arith.constant 0 : i32
    %sign3A_100 = arith.cmpi slt, %jit3A_87, %sign3A_99 : i32
    %sign3A_101 = arith.extui %sign3A_100 : i1 to i32
    %sign3A_102 = arith.subi %sign3A_98, %sign3A_101 : i32
    %ne3A_103 = arith.cmpi ne, %sign3A_95, %sign3A_102 : i32
    %rem3A_104 = arith.remsi %mul3A_86, %jit3A_87 : i32
    %ne3A_105 = arith.constant 0 : i32
    %ne3A_106 = arith.cmpi ne, %rem3A_104, %ne3A_105 : i32
    %and3A_107 = arith.andi %ne3A_103, %ne3A_106 : i1
    %sub3A_108 = arith.constant 1 : i32
    %sub3A_109 = arith.subi %div3A_88, %sub3A_108 : i32
    %select_n3A_110 = arith.select %and3A_107, %sub3A_109, %div3A_88 : i32
    %while3A_111 = arith.constant 0 : i32
    %while3A_112 = arith.subi %select_n3A_110, %select_n3A_82 : i32
    %while3A_113 = arith.addi %select_n3A_82, %while3A_112 : i32
    %while3A_114 = arith.constant 1 : i32
    %while3A_115 = arith.divsi %while3A_112, %while3A_114 : i32
    %while3A_116 = arith.muli %while3A_115, %while3A_114 : i32
    %while3A_117 = arith.addi %select_n3A_82, %while3A_116 : i32
    %while3A_118 = arith.constant 1 : i32
    %while3A_119 = scf.for %while3A_159 = %select_n3A_82 to %while3A_117 step %while3A_118 iter_args(%while3A_160 = %while3A_111) -> (i32)  : i32 {
      %mul3A_161 = arith.constant 16 : i32
      %mul3A_162 = arith.muli %while3A_159, %mul3A_161 : i32
      "tpu.region"() ({
        %run_scoped3A_197 = tpu.sem_alloc : memref<!tpu.dma_semaphore, #tpu.memory_space<semaphore_mem>>
        %dma_start3A = arith.constant 0 : i32
        %dma_start3A_198 = tpu.memref_slice %arg2[%mul3A_162, %dma_start3A] : memref<50000x128xi32, #tpu.memory_space<hbm>> -> memref<16x128xi32, #tpu.memory_space<hbm>>
        %dma_start3A_199 = arith.constant 0 : i32
        %dma_start3A_200 = tpu.memref_slice %arg2[%mul3A_162, %dma_start3A_199] : memref<50000x128xi32, #tpu.memory_space<hbm>> -> memref<16x128xi32, #tpu.memory_space<hbm>>
        tpu.enqueue_dma source(%dma_start3A_200 : memref<16x128xi32, #tpu.memory_space<hbm>>) target(%arg12 : memref<16x128xi32, #tpu.memory_space<vmem>>) target_semaphore(%run_scoped3A_197 : memref<!tpu.dma_semaphore, #tpu.memory_space<semaphore_mem>>)
        %dma_wait3A = arith.constant 0 : i32
        %dma_wait3A_201 = tpu.memref_slice %arg2[%mul3A_162, %dma_wait3A] : memref<50000x128xi32, #tpu.memory_space<hbm>> -> memref<16x128xi32, #tpu.memory_space<hbm>>
        %dma_wait3A_202 = arith.constant 0 : i32
        %dma_wait3A_203 = tpu.memref_slice %arg2[%mul3A_162, %dma_wait3A_202] : memref<50000x128xi32, #tpu.memory_space<hbm>> -> memref<16x128xi32, #tpu.memory_space<hbm>>
        tpu.wait_dma2 semaphore(%run_scoped3A_197 : memref<!tpu.dma_semaphore, #tpu.memory_space<semaphore_mem>>) src(%dma_wait3A_203 : memref<16x128xi32, #tpu.memory_space<hbm>>) dst(%arg12 : memref<16x128xi32, #tpu.memory_space<vmem>>)
        tpu.yield
      }) : () -> ()
      %mul3A_163 = arith.constant 2048 : i32
      %mul3A_164 = arith.muli %while3A_159, %mul3A_163 : i32
      "tpu.region"() ({
        %run_scoped3A_197 = tpu.sem_alloc : memref<!tpu.dma_semaphore, #tpu.memory_space<semaphore_mem>>
        %dma_start3A = arith.constant 0 : i32
        %dma_start3A_198 = tpu.memref_slice %arg3[%mul3A_164, %dma_start3A] : memref<6400000x4xf32, #tpu.memory_space<hbm>> -> memref<2048x4xf32, #tpu.memory_space<hbm>>
        %dma_start3A_199 = arith.constant 0 : i32
        %dma_start3A_200 = tpu.memref_slice %arg3[%mul3A_164, %dma_start3A_199] : memref<6400000x4xf32, #tpu.memory_space<hbm>> -> memref<2048x4xf32, #tpu.memory_space<hbm>>
        tpu.enqueue_dma source(%dma_start3A_200 : memref<2048x4xf32, #tpu.memory_space<hbm>>) target(%arg13 : memref<2048x4xf32, #tpu.memory_space<vmem>>) target_semaphore(%run_scoped3A_197 : memref<!tpu.dma_semaphore, #tpu.memory_space<semaphore_mem>>)
        %dma_wait3A = arith.constant 0 : i32
        %dma_wait3A_201 = tpu.memref_slice %arg3[%mul3A_164, %dma_wait3A] : memref<6400000x4xf32, #tpu.memory_space<hbm>> -> memref<2048x4xf32, #tpu.memory_space<hbm>>
        %dma_wait3A_202 = arith.constant 0 : i32
        %dma_wait3A_203 = tpu.memref_slice %arg3[%mul3A_164, %dma_wait3A_202] : memref<6400000x4xf32, #tpu.memory_space<hbm>> -> memref<2048x4xf32, #tpu.memory_space<hbm>>
        tpu.wait_dma2 semaphore(%run_scoped3A_197 : memref<!tpu.dma_semaphore, #tpu.memory_space<semaphore_mem>>) src(%dma_wait3A_203 : memref<2048x4xf32, #tpu.memory_space<hbm>>) dst(%arg13 : memref<2048x4xf32, #tpu.memory_space<vmem>>)
        tpu.yield
      }) : () -> ()
      %run_scoped3A = arith.constant 0 : i32
      "tpu.region"() ({
        %run_scoped3A_197 = tpu.sem_alloc : memref<!tpu.dma_semaphore, #tpu.memory_space<semaphore_mem>>
        %dma_start3A = arith.constant 0 : i32
        %dma_start3A_198 = arith.constant 0 : i32
        %dma_start3A_199 = tpu.memref_slice %arg13[%dma_start3A, %dma_start3A_198] : memref<2048x4xf32, #tpu.memory_space<vmem>> -> memref<128x4xf32, #tpu.memory_space<vmem>>
        %dma_start3A_200 = arith.constant 0 : i32
        %dma_start3A_201 = tpu.memref_slice %arg12[%run_scoped3A, %dma_start3A_200] : memref<16x128xi32, #tpu.memory_space<vmem>> -> memref<1x128xi32, #tpu.memory_space<vmem>>
        %dma_start3A_202 = tpu.memref_squeeze %dma_start3A_201 : memref<1x128xi32, #tpu.memory_space<vmem>> -> memref<128xi32, #tpu.memory_space<vmem>>
        %dma_start3A_203 = arith.constant 0 : i32
        %dma_start3A_204 = arith.constant 0 : i32
        %dma_start3A_205 = tpu.memref_slice %arg10[%dma_start3A_203, %dma_start3A_204] : memref<100000x4xf32, #tpu.memory_space<vmem_shared>> -> memref<100000x4xf32, #tpu.memory_space<vmem_shared>>
        tpu.enqueue_indirect_dma source(%dma_start3A_199 : memref<128x4xf32, #tpu.memory_space<vmem>>) target(%dma_start3A_205 : memref<100000x4xf32, #tpu.memory_space<vmem_shared>>) offsets(%dma_start3A_202 : memref<128xi32, #tpu.memory_space<vmem>>) semaphore(%run_scoped3A_197 : memref<!tpu.dma_semaphore, #tpu.memory_space<semaphore_mem>>) {add = true}
        %dma_wait3A = arith.constant 0 : i32
        %dma_wait3A_206 = arith.constant 0 : i32
        %dma_wait3A_207 = tpu.memref_slice %arg13[%dma_wait3A, %dma_wait3A_206] : memref<2048x4xf32, #tpu.memory_space<vmem>> -> memref<128x4xf32, #tpu.memory_space<vmem>>
        %dma_wait3A_208 = arith.constant 0 : i32
        %dma_wait3A_209 = tpu.memref_slice %arg12[%run_scoped3A, %dma_wait3A_208] : memref<16x128xi32, #tpu.memory_space<vmem>> -> memref<1x128xi32, #tpu.memory_space<vmem>>
        %dma_wait3A_210 = tpu.memref_squeeze %dma_wait3A_209 : memref<1x128xi32, #tpu.memory_space<vmem>> -> memref<128xi32, #tpu.memory_space<vmem>>
        %dma_wait3A_211 = arith.constant 0 : i32
        %dma_wait3A_212 = arith.constant 0 : i32
        %dma_wait3A_213 = tpu.memref_slice %arg10[%dma_wait3A_211, %dma_wait3A_212] : memref<100000x4xf32, #tpu.memory_space<vmem_shared>> -> memref<100000x4xf32, #tpu.memory_space<vmem_shared>>
        tpu.wait_indirect_dma semaphore(%run_scoped3A_197 : memref<!tpu.dma_semaphore, #tpu.memory_space<semaphore_mem>>) src(%dma_wait3A_207 : memref<128x4xf32, #tpu.memory_space<vmem>>) dst(%dma_wait3A_213 : memref<100000x4xf32, #tpu.memory_space<vmem_shared>>)
        tpu.yield
      }) : () -> ()
      %run_scoped3A_165 = arith.constant 0 : i32
      "tpu.region"() ({
        %run_scoped3A_197 = tpu.sem_alloc : memref<!tpu.dma_semaphore, #tpu.memory_space<semaphore_mem>>
        %dma_start3A = arith.constant 0 : i32
        %dma_start3A_198 = tpu.memref_slice %arg12[%run_scoped3A_165, %dma_start3A] : memref<16x128xi32, #tpu.memory_space<vmem>> -> memref<1x128xi32, #tpu.memory_space<vmem>>
        %dma_start3A_199 = tpu.memref_squeeze %dma_start3A_198 : memref<1x128xi32, #tpu.memory_space<vmem>> -> memref<128xi32, #tpu.memory_space<vmem>>
        %dma_start3A_200 = arith.constant 0 : i32
        %dma_start3A_201 = tpu.memref_slice %arg11[%dma_start3A_200] : memref<100000xf32, #tpu.memory_space<vmem_shared>> -> memref<100000xf32, #tpu.memory_space<vmem_shared>>
        tpu.enqueue_indirect_dma source(%arg14 : memref<128xf32, #tpu.memory_space<vmem>>) target(%dma_start3A_201 : memref<100000xf32, #tpu.memory_space<vmem_shared>>) offsets(%dma_start3A_199 : memref<128xi32, #tpu.memory_space<vmem>>) semaphore(%run_scoped3A_197 : memref<!tpu.dma_semaphore, #tpu.memory_space<semaphore_mem>>) {add = true}
        %dma_wait3A = arith.constant 0 : i32
        %dma_wait3A_202 = tpu.memref_slice %arg12[%run_scoped3A_165, %dma_wait3A] : memref<16x128xi32, #tpu.memory_space<vmem>> -> memref<1x128xi32, #tpu.memory_space<vmem>>
        %dma_wait3A_203 = tpu.memref_squeeze %dma_wait3A_202 : memref<1x128xi32, #tpu.memory_space<vmem>> -> memref<128xi32, #tpu.memory_space<vmem>>
        %dma_wait3A_204 = arith.constant 0 : i32
        %dma_wait3A_205 = tpu.memref_slice %arg11[%dma_wait3A_204] : memref<100000xf32, #tpu.memory_space<vmem_shared>> -> memref<100000xf32, #tpu.memory_space<vmem_shared>>
        tpu.wait_indirect_dma semaphore(%run_scoped3A_197 : memref<!tpu.dma_semaphore, #tpu.memory_space<semaphore_mem>>) src(%arg14 : memref<128xf32, #tpu.memory_space<vmem>>) dst(%dma_wait3A_205 : memref<100000xf32, #tpu.memory_space<vmem_shared>>)
        tpu.yield
      }) : () -> ()
      %run_scoped3A_166 = arith.constant 1 : i32
      "tpu.region"() ({
        %run_scoped3A_197 = tpu.sem_alloc : memref<!tpu.dma_semaphore, #tpu.memory_space<semaphore_mem>>
        %dma_start3A = arith.constant 128 : i32
        %dma_start3A_198 = arith.constant 0 : i32
        %dma_start3A_199 = tpu.memref_slice %arg13[%dma_start3A, %dma_start3A_198] : memref<2048x4xf32, #tpu.memory_space<vmem>> -> memref<128x4xf32, #tpu.memory_space<vmem>>
        %dma_start3A_200 = arith.constant 0 : i32
        %dma_start3A_201 = tpu.memref_slice %arg12[%run_scoped3A_166, %dma_start3A_200] : memref<16x128xi32, #tpu.memory_space<vmem>> -> memref<1x128xi32, #tpu.memory_space<vmem>>
        %dma_start3A_202 = tpu.memref_squeeze %dma_start3A_201 : memref<1x128xi32, #tpu.memory_space<vmem>> -> memref<128xi32, #tpu.memory_space<vmem>>
        %dma_start3A_203 = arith.constant 0 : i32
        %dma_start3A_204 = arith.constant 0 : i32
        %dma_start3A_205 = tpu.memref_slice %arg10[%dma_start3A_203, %dma_start3A_204] : memref<100000x4xf32, #tpu.memory_space<vmem_shared>> -> memref<100000x4xf32, #tpu.memory_space<vmem_shared>>
        tpu.enqueue_indirect_dma source(%dma_start3A_199 : memref<128x4xf32, #tpu.memory_space<vmem>>) target(%dma_start3A_205 : memref<100000x4xf32, #tpu.memory_space<vmem_shared>>) offsets(%dma_start3A_202 : memref<128xi32, #tpu.memory_space<vmem>>) semaphore(%run_scoped3A_197 : memref<!tpu.dma_semaphore, #tpu.memory_space<semaphore_mem>>) {add = true}
        %dma_wait3A = arith.constant 128 : i32
        %dma_wait3A_206 = arith.constant 0 : i32
        %dma_wait3A_207 = tpu.memref_slice %arg13[%dma_wait3A, %dma_wait3A_206] : memref<2048x4xf32, #tpu.memory_space<vmem>> -> memref<128x4xf32, #tpu.memory_space<vmem>>
        %dma_wait3A_208 = arith.constant 0 : i32
        %dma_wait3A_209 = tpu.memref_slice %arg12[%run_scoped3A_166, %dma_wait3A_208] : memref<16x128xi32, #tpu.memory_space<vmem>> -> memref<1x128xi32, #tpu.memory_space<vmem>>
        %dma_wait3A_210 = tpu.memref_squeeze %dma_wait3A_209 : memref<1x128xi32, #tpu.memory_space<vmem>> -> memref<128xi32, #tpu.memory_space<vmem>>
        %dma_wait3A_211 = arith.constant 0 : i32
        %dma_wait3A_212 = arith.constant 0 : i32
        %dma_wait3A_213 = tpu.memref_slice %arg10[%dma_wait3A_211, %dma_wait3A_212] : memref<100000x4xf32, #tpu.memory_space<vmem_shared>> -> memref<100000x4xf32, #tpu.memory_space<vmem_shared>>
        tpu.wait_indirect_dma semaphore(%run_scoped3A_197 : memref<!tpu.dma_semaphore, #tpu.memory_space<semaphore_mem>>) src(%dma_wait3A_207 : memref<128x4xf32, #tpu.memory_space<vmem>>) dst(%dma_wait3A_213 : memref<100000x4xf32, #tpu.memory_space<vmem_shared>>)
        tpu.yield
      }) : () -> ()
      %run_scoped3A_167 = arith.constant 1 : i32
      "tpu.region"() ({
        %run_scoped3A_197 = tpu.sem_alloc : memref<!tpu.dma_semaphore, #tpu.memory_space<semaphore_mem>>
        %dma_start3A = arith.constant 0 : i32
        %dma_start3A_198 = tpu.memref_slice %arg12[%run_scoped3A_167, %dma_start3A] : memref<16x128xi32, #tpu.memory_space<vmem>> -> memref<1x128xi32, #tpu.memory_space<vmem>>
        %dma_start3A_199 = tpu.memref_squeeze %dma_start3A_198 : memref<1x128xi32, #tpu.memory_space<vmem>> -> memref<128xi32, #tpu.memory_space<vmem>>
        %dma_start3A_200 = arith.constant 0 : i32
        %dma_start3A_201 = tpu.memref_slice %arg11[%dma_start3A_200] : memref<100000xf32, #tpu.memory_space<vmem_shared>> -> memref<100000xf32, #tpu.memory_space<vmem_shared>>
        tpu.enqueue_indirect_dma source(%arg14 : memref<128xf32, #tpu.memory_space<vmem>>) target(%dma_start3A_201 : memref<100000xf32, #tpu.memory_space<vmem_shared>>) offsets(%dma_start3A_199 : memref<128xi32, #tpu.memory_space<vmem>>) semaphore(%run_scoped3A_197 : memref<!tpu.dma_semaphore, #tpu.memory_space<semaphore_mem>>) {add = true}
        %dma_wait3A = arith.constant 0 : i32
        %dma_wait3A_202 = tpu.memref_slice %arg12[%run_scoped3A_167, %dma_wait3A] : memref<16x128xi32, #tpu.memory_space<vmem>> -> memref<1x128xi32, #tpu.memory_space<vmem>>
        %dma_wait3A_203 = tpu.memref_squeeze %dma_wait3A_202 : memref<1x128xi32, #tpu.memory_space<vmem>> -> memref<128xi32, #tpu.memory_space<vmem>>
        %dma_wait3A_204 = arith.constant 0 : i32
        %dma_wait3A_205 = tpu.memref_slice %arg11[%dma_wait3A_204] : memref<100000xf32, #tpu.memory_space<vmem_shared>> -> memref<100000xf32, #tpu.memory_space<vmem_shared>>
        tpu.wait_indirect_dma semaphore(%run_scoped3A_197 : memref<!tpu.dma_semaphore, #tpu.memory_space<semaphore_mem>>) src(%arg14 : memref<128xf32, #tpu.memory_space<vmem>>) dst(%dma_wait3A_205 : memref<100000xf32, #tpu.memory_space<vmem_shared>>)
        tpu.yield
      }) : () -> ()
      %run_scoped3A_168 = arith.constant 2 : i32
      "tpu.region"() ({
        %run_scoped3A_197 = tpu.sem_alloc : memref<!tpu.dma_semaphore, #tpu.memory_space<semaphore_mem>>
        %dma_start3A = arith.constant 256 : i32
        %dma_start3A_198 = arith.constant 0 : i32
        %dma_start3A_199 = tpu.memref_slice %arg13[%dma_start3A, %dma_start3A_198] : memref<2048x4xf32, #tpu.memory_space<vmem>> -> memref<128x4xf32, #tpu.memory_space<vmem>>
        %dma_start3A_200 = arith.constant 0 : i32
        %dma_start3A_201 = tpu.memref_slice %arg12[%run_scoped3A_168, %dma_start3A_200] : memref<16x128xi32, #tpu.memory_space<vmem>> -> memref<1x128xi32, #tpu.memory_space<vmem>>
        %dma_start3A_202 = tpu.memref_squeeze %dma_start3A_201 : memref<1x128xi32, #tpu.memory_space<vmem>> -> memref<128xi32, #tpu.memory_space<vmem>>
        %dma_start3A_203 = arith.constant 0 : i32
        %dma_start3A_204 = arith.constant 0 : i32
        %dma_start3A_205 = tpu.memref_slice %arg10[%dma_start3A_203, %dma_start3A_204] : memref<100000x4xf32, #tpu.memory_space<vmem_shared>> -> memref<100000x4xf32, #tpu.memory_space<vmem_shared>>
        tpu.enqueue_indirect_dma source(%dma_start3A_199 : memref<128x4xf32, #tpu.memory_space<vmem>>) target(%dma_start3A_205 : memref<100000x4xf32, #tpu.memory_space<vmem_shared>>) offsets(%dma_start3A_202 : memref<128xi32, #tpu.memory_space<vmem>>) semaphore(%run_scoped3A_197 : memref<!tpu.dma_semaphore, #tpu.memory_space<semaphore_mem>>) {add = true}
        %dma_wait3A = arith.constant 256 : i32
        %dma_wait3A_206 = arith.constant 0 : i32
        %dma_wait3A_207 = tpu.memref_slice %arg13[%dma_wait3A, %dma_wait3A_206] : memref<2048x4xf32, #tpu.memory_space<vmem>> -> memref<128x4xf32, #tpu.memory_space<vmem>>
        %dma_wait3A_208 = arith.constant 0 : i32
        %dma_wait3A_209 = tpu.memref_slice %arg12[%run_scoped3A_168, %dma_wait3A_208] : memref<16x128xi32, #tpu.memory_space<vmem>> -> memref<1x128xi32, #tpu.memory_space<vmem>>
        %dma_wait3A_210 = tpu.memref_squeeze %dma_wait3A_209 : memref<1x128xi32, #tpu.memory_space<vmem>> -> memref<128xi32, #tpu.memory_space<vmem>>
        %dma_wait3A_211 = arith.constant 0 : i32
        %dma_wait3A_212 = arith.constant 0 : i32
        %dma_wait3A_213 = tpu.memref_slice %arg10[%dma_wait3A_211, %dma_wait3A_212] : memref<100000x4xf32, #tpu.memory_space<vmem_shared>> -> memref<100000x4xf32, #tpu.memory_space<vmem_shared>>
        tpu.wait_indirect_dma semaphore(%run_scoped3A_197 : memref<!tpu.dma_semaphore, #tpu.memory_space<semaphore_mem>>) src(%dma_wait3A_207 : memref<128x4xf32, #tpu.memory_space<vmem>>) dst(%dma_wait3A_213 : memref<100000x4xf32, #tpu.memory_space<vmem_shared>>)
        tpu.yield
      }) : () -> ()
      %run_scoped3A_169 = arith.constant 2 : i32
      "tpu.region"() ({
        %run_scoped3A_197 = tpu.sem_alloc : memref<!tpu.dma_semaphore, #tpu.memory_space<semaphore_mem>>
        %dma_start3A = arith.constant 0 : i32
        %dma_start3A_198 = tpu.memref_slice %arg12[%run_scoped3A_169, %dma_start3A] : memref<16x128xi32, #tpu.memory_space<vmem>> -> memref<1x128xi32, #tpu.memory_space<vmem>>
        %dma_start3A_199 = tpu.memref_squeeze %dma_start3A_198 : memref<1x128xi32, #tpu.memory_space<vmem>> -> memref<128xi32, #tpu.memory_space<vmem>>
        %dma_start3A_200 = arith.constant 0 : i32
        %dma_start3A_201 = tpu.memref_slice %arg11[%dma_start3A_200] : memref<100000xf32, #tpu.memory_space<vmem_shared>> -> memref<100000xf32, #tpu.memory_space<vmem_shared>>
        tpu.enqueue_indirect_dma source(%arg14 : memref<128xf32, #tpu.memory_space<vmem>>) target(%dma_start3A_201 : memref<100000xf32, #tpu.memory_space<vmem_shared>>) offsets(%dma_start3A_199 : memref<128xi32, #tpu.memory_space<vmem>>) semaphore(%run_scoped3A_197 : memref<!tpu.dma_semaphore, #tpu.memory_space<semaphore_mem>>) {add = true}
        %dma_wait3A = arith.constant 0 : i32
        %dma_wait3A_202 = tpu.memref_slice %arg12[%run_scoped3A_169, %dma_wait3A] : memref<16x128xi32, #tpu.memory_space<vmem>> -> memref<1x128xi32, #tpu.memory_space<vmem>>
        %dma_wait3A_203 = tpu.memref_squeeze %dma_wait3A_202 : memref<1x128xi32, #tpu.memory_space<vmem>> -> memref<128xi32, #tpu.memory_space<vmem>>
        %dma_wait3A_204 = arith.constant 0 : i32
        %dma_wait3A_205 = tpu.memref_slice %arg11[%dma_wait3A_204] : memref<100000xf32, #tpu.memory_space<vmem_shared>> -> memref<100000xf32, #tpu.memory_space<vmem_shared>>
        tpu.wait_indirect_dma semaphore(%run_scoped3A_197 : memref<!tpu.dma_semaphore, #tpu.memory_space<semaphore_mem>>) src(%arg14 : memref<128xf32, #tpu.memory_space<vmem>>) dst(%dma_wait3A_205 : memref<100000xf32, #tpu.memory_space<vmem_shared>>)
        tpu.yield
      }) : () -> ()
      %run_scoped3A_170 = arith.constant 3 : i32
      "tpu.region"() ({
        %run_scoped3A_197 = tpu.sem_alloc : memref<!tpu.dma_semaphore, #tpu.memory_space<semaphore_mem>>
        %dma_start3A = arith.constant 384 : i32
        %dma_start3A_198 = arith.constant 0 : i32
        %dma_start3A_199 = tpu.memref_slice %arg13[%dma_start3A, %dma_start3A_198] : memref<2048x4xf32, #tpu.memory_space<vmem>> -> memref<128x4xf32, #tpu.memory_space<vmem>>
        %dma_start3A_200 = arith.constant 0 : i32
        %dma_start3A_201 = tpu.memref_slice %arg12[%run_scoped3A_170, %dma_start3A_200] : memref<16x128xi32, #tpu.memory_space<vmem>> -> memref<1x128xi32, #tpu.memory_space<vmem>>
        %dma_start3A_202 = tpu.memref_squeeze %dma_start3A_201 : memref<1x128xi32, #tpu.memory_space<vmem>> -> memref<128xi32, #tpu.memory_space<vmem>>
        %dma_start3A_203 = arith.constant 0 : i32
        %dma_start3A_204 = arith.constant 0 : i32
        %dma_start3A_205 = tpu.memref_slice %arg10[%dma_start3A_203, %dma_start3A_204] : memref<100000x4xf32, #tpu.memory_space<vmem_shared>> -> memref<100000x4xf32, #tpu.memory_space<vmem_shared>>
        tpu.enqueue_indirect_dma source(%dma_start3A_199 : memref<128x4xf32, #tpu.memory_space<vmem>>) target(%dma_start3A_205 : memref<100000x4xf32, #tpu.memory_space<vmem_shared>>) offsets(%dma_start3A_202 : memref<128xi32, #tpu.memory_space<vmem>>) semaphore(%run_scoped3A_197 : memref<!tpu.dma_semaphore, #tpu.memory_space<semaphore_mem>>) {add = true}
        %dma_wait3A = arith.constant 384 : i32
        %dma_wait3A_206 = arith.constant 0 : i32
        %dma_wait3A_207 = tpu.memref_slice %arg13[%dma_wait3A, %dma_wait3A_206] : memref<2048x4xf32, #tpu.memory_space<vmem>> -> memref<128x4xf32, #tpu.memory_space<vmem>>
        %dma_wait3A_208 = arith.constant 0 : i32
        %dma_wait3A_209 = tpu.memref_slice %arg12[%run_scoped3A_170, %dma_wait3A_208] : memref<16x128xi32, #tpu.memory_space<vmem>> -> memref<1x128xi32, #tpu.memory_space<vmem>>
        %dma_wait3A_210 = tpu.memref_squeeze %dma_wait3A_209 : memref<1x128xi32, #tpu.memory_space<vmem>> -> memref<128xi32, #tpu.memory_space<vmem>>
        %dma_wait3A_211 = arith.constant 0 : i32
        %dma_wait3A_212 = arith.constant 0 : i32
        %dma_wait3A_213 = tpu.memref_slice %arg10[%dma_wait3A_211, %dma_wait3A_212] : memref<100000x4xf32, #tpu.memory_space<vmem_shared>> -> memref<100000x4xf32, #tpu.memory_space<vmem_shared>>
        tpu.wait_indirect_dma semaphore(%run_scoped3A_197 : memref<!tpu.dma_semaphore, #tpu.memory_space<semaphore_mem>>) src(%dma_wait3A_207 : memref<128x4xf32, #tpu.memory_space<vmem>>) dst(%dma_wait3A_213 : memref<100000x4xf32, #tpu.memory_space<vmem_shared>>)
        tpu.yield
      }) : () -> ()
      %run_scoped3A_171 = arith.constant 3 : i32
      "tpu.region"() ({
        %run_scoped3A_197 = tpu.sem_alloc : memref<!tpu.dma_semaphore, #tpu.memory_space<semaphore_mem>>
        %dma_start3A = arith.constant 0 : i32
        %dma_start3A_198 = tpu.memref_slice %arg12[%run_scoped3A_171, %dma_start3A] : memref<16x128xi32, #tpu.memory_space<vmem>> -> memref<1x128xi32, #tpu.memory_space<vmem>>
        %dma_start3A_199 = tpu.memref_squeeze %dma_start3A_198 : memref<1x128xi32, #tpu.memory_space<vmem>> -> memref<128xi32, #tpu.memory_space<vmem>>
        %dma_start3A_200 = arith.constant 0 : i32
        %dma_start3A_201 = tpu.memref_slice %arg11[%dma_start3A_200] : memref<100000xf32, #tpu.memory_space<vmem_shared>> -> memref<100000xf32, #tpu.memory_space<vmem_shared>>
        tpu.enqueue_indirect_dma source(%arg14 : memref<128xf32, #tpu.memory_space<vmem>>) target(%dma_start3A_201 : memref<100000xf32, #tpu.memory_space<vmem_shared>>) offsets(%dma_start3A_199 : memref<128xi32, #tpu.memory_space<vmem>>) semaphore(%run_scoped3A_197 : memref<!tpu.dma_semaphore, #tpu.memory_space<semaphore_mem>>) {add = true}
        %dma_wait3A = arith.constant 0 : i32
        %dma_wait3A_202 = tpu.memref_slice %arg12[%run_scoped3A_171, %dma_wait3A] : memref<16x128xi32, #tpu.memory_space<vmem>> -> memref<1x128xi32, #tpu.memory_space<vmem>>
        %dma_wait3A_203 = tpu.memref_squeeze %dma_wait3A_202 : memref<1x128xi32, #tpu.memory_space<vmem>> -> memref<128xi32, #tpu.memory_space<vmem>>
        %dma_wait3A_204 = arith.constant 0 : i32
        %dma_wait3A_205 = tpu.memref_slice %arg11[%dma_wait3A_204] : memref<100000xf32, #tpu.memory_space<vmem_shared>> -> memref<100000xf32, #tpu.memory_space<vmem_shared>>
        tpu.wait_indirect_dma semaphore(%run_scoped3A_197 : memref<!tpu.dma_semaphore, #tpu.memory_space<semaphore_mem>>) src(%arg14 : memref<128xf32, #tpu.memory_space<vmem>>) dst(%dma_wait3A_205 : memref<100000xf32, #tpu.memory_space<vmem_shared>>)
        tpu.yield
      }) : () -> ()
      %run_scoped3A_172 = arith.constant 4 : i32
      "tpu.region"() ({
        %run_scoped3A_197 = tpu.sem_alloc : memref<!tpu.dma_semaphore, #tpu.memory_space<semaphore_mem>>
        %dma_start3A = arith.constant 512 : i32
        %dma_start3A_198 = arith.constant 0 : i32
        %dma_start3A_199 = tpu.memref_slice %arg13[%dma_start3A, %dma_start3A_198] : memref<2048x4xf32, #tpu.memory_space<vmem>> -> memref<128x4xf32, #tpu.memory_space<vmem>>
        %dma_start3A_200 = arith.constant 0 : i32
        %dma_start3A_201 = tpu.memref_slice %arg12[%run_scoped3A_172, %dma_start3A_200] : memref<16x128xi32, #tpu.memory_space<vmem>> -> memref<1x128xi32, #tpu.memory_space<vmem>>
        %dma_start3A_202 = tpu.memref_squeeze %dma_start3A_201 : memref<1x128xi32, #tpu.memory_space<vmem>> -> memref<128xi32, #tpu.memory_space<vmem>>
        %dma_start3A_203 = arith.constant 0 : i32
        %dma_start3A_204 = arith.constant 0 : i32
        %dma_start3A_205 = tpu.memref_slice %arg10[%dma_start3A_203, %dma_start3A_204] : memref<100000x4xf32, #tpu.memory_space<vmem_shared>> -> memref<100000x4xf32, #tpu.memory_space<vmem_shared>>
        tpu.enqueue_indirect_dma source(%dma_start3A_199 : memref<128x4xf32, #tpu.memory_space<vmem>>) target(%dma_start3A_205 : memref<100000x4xf32, #tpu.memory_space<vmem_shared>>) offsets(%dma_start3A_202 : memref<128xi32, #tpu.memory_space<vmem>>) semaphore(%run_scoped3A_197 : memref<!tpu.dma_semaphore, #tpu.memory_space<semaphore_mem>>) {add = true}
        %dma_wait3A = arith.constant 512 : i32
        %dma_wait3A_206 = arith.constant 0 : i32
        %dma_wait3A_207 = tpu.memref_slice %arg13[%dma_wait3A, %dma_wait3A_206] : memref<2048x4xf32, #tpu.memory_space<vmem>> -> memref<128x4xf32, #tpu.memory_space<vmem>>
        %dma_wait3A_208 = arith.constant 0 : i32
        %dma_wait3A_209 = tpu.memref_slice %arg12[%run_scoped3A_172, %dma_wait3A_208] : memref<16x128xi32, #tpu.memory_space<vmem>> -> memref<1x128xi32, #tpu.memory_space<vmem>>
        %dma_wait3A_210 = tpu.memref_squeeze %dma_wait3A_209 : memref<1x128xi32, #tpu.memory_space<vmem>> -> memref<128xi32, #tpu.memory_space<vmem>>
        %dma_wait3A_211 = arith.constant 0 : i32
        %dma_wait3A_212 = arith.constant 0 : i32
        %dma_wait3A_213 = tpu.memref_slice %arg10[%dma_wait3A_211, %dma_wait3A_212] : memref<100000x4xf32, #tpu.memory_space<vmem_shared>> -> memref<100000x4xf32, #tpu.memory_space<vmem_shared>>
        tpu.wait_indirect_dma semaphore(%run_scoped3A_197 : memref<!tpu.dma_semaphore, #tpu.memory_space<semaphore_mem>>) src(%dma_wait3A_207 : memref<128x4xf32, #tpu.memory_space<vmem>>) dst(%dma_wait3A_213 : memref<100000x4xf32, #tpu.memory_space<vmem_shared>>)
        tpu.yield
      }) : () -> ()
      %run_scoped3A_173 = arith.constant 4 : i32
      "tpu.region"() ({
        %run_scoped3A_197 = tpu.sem_alloc : memref<!tpu.dma_semaphore, #tpu.memory_space<semaphore_mem>>
        %dma_start3A = arith.constant 0 : i32
        %dma_start3A_198 = tpu.memref_slice %arg12[%run_scoped3A_173, %dma_start3A] : memref<16x128xi32, #tpu.memory_space<vmem>> -> memref<1x128xi32, #tpu.memory_space<vmem>>
        %dma_start3A_199 = tpu.memref_squeeze %dma_start3A_198 : memref<1x128xi32, #tpu.memory_space<vmem>> -> memref<128xi32, #tpu.memory_space<vmem>>
        %dma_start3A_200 = arith.constant 0 : i32
        %dma_start3A_201 = tpu.memref_slice %arg11[%dma_start3A_200] : memref<100000xf32, #tpu.memory_space<vmem_shared>> -> memref<100000xf32, #tpu.memory_space<vmem_shared>>
        tpu.enqueue_indirect_dma source(%arg14 : memref<128xf32, #tpu.memory_space<vmem>>) target(%dma_start3A_201 : memref<100000xf32, #tpu.memory_space<vmem_shared>>) offsets(%dma_start3A_199 : memref<128xi32, #tpu.memory_space<vmem>>) semaphore(%run_scoped3A_197 : memref<!tpu.dma_semaphore, #tpu.memory_space<semaphore_mem>>) {add = true}
        %dma_wait3A = arith.constant 0 : i32
        %dma_wait3A_202 = tpu.memref_slice %arg12[%run_scoped3A_173, %dma_wait3A] : memref<16x128xi32, #tpu.memory_space<vmem>> -> memref<1x128xi32, #tpu.memory_space<vmem>>
        %dma_wait3A_203 = tpu.memref_squeeze %dma_wait3A_202 : memref<1x128xi32, #tpu.memory_space<vmem>> -> memref<128xi32, #tpu.memory_space<vmem>>
        %dma_wait3A_204 = arith.constant 0 : i32
        %dma_wait3A_205 = tpu.memref_slice %arg11[%dma_wait3A_204] : memref<100000xf32, #tpu.memory_space<vmem_shared>> -> memref<100000xf32, #tpu.memory_space<vmem_shared>>
        tpu.wait_indirect_dma semaphore(%run_scoped3A_197 : memref<!tpu.dma_semaphore, #tpu.memory_space<semaphore_mem>>) src(%arg14 : memref<128xf32, #tpu.memory_space<vmem>>) dst(%dma_wait3A_205 : memref<100000xf32, #tpu.memory_space<vmem_shared>>)
        tpu.yield
      }) : () -> ()
      %run_scoped3A_174 = arith.constant 5 : i32
      "tpu.region"() ({
        %run_scoped3A_197 = tpu.sem_alloc : memref<!tpu.dma_semaphore, #tpu.memory_space<semaphore_mem>>
        %dma_start3A = arith.constant 640 : i32
        %dma_start3A_198 = arith.constant 0 : i32
        %dma_start3A_199 = tpu.memref_slice %arg13[%dma_start3A, %dma_start3A_198] : memref<2048x4xf32, #tpu.memory_space<vmem>> -> memref<128x4xf32, #tpu.memory_space<vmem>>
        %dma_start3A_200 = arith.constant 0 : i32
        %dma_start3A_201 = tpu.memref_slice %arg12[%run_scoped3A_174, %dma_start3A_200] : memref<16x128xi32, #tpu.memory_space<vmem>> -> memref<1x128xi32, #tpu.memory_space<vmem>>
        %dma_start3A_202 = tpu.memref_squeeze %dma_start3A_201 : memref<1x128xi32, #tpu.memory_space<vmem>> -> memref<128xi32, #tpu.memory_space<vmem>>
        %dma_start3A_203 = arith.constant 0 : i32
        %dma_start3A_204 = arith.constant 0 : i32
        %dma_start3A_205 = tpu.memref_slice %arg10[%dma_start3A_203, %dma_start3A_204] : memref<100000x4xf32, #tpu.memory_space<vmem_shared>> -> memref<100000x4xf32, #tpu.memory_space<vmem_shared>>
        tpu.enqueue_indirect_dma source(%dma_start3A_199 : memref<128x4xf32, #tpu.memory_space<vmem>>) target(%dma_start3A_205 : memref<100000x4xf32, #tpu.memory_space<vmem_shared>>) offsets(%dma_start3A_202 : memref<128xi32, #tpu.memory_space<vmem>>) semaphore(%run_scoped3A_197 : memref<!tpu.dma_semaphore, #tpu.memory_space<semaphore_mem>>) {add = true}
        %dma_wait3A = arith.constant 640 : i32
        %dma_wait3A_206 = arith.constant 0 : i32
        %dma_wait3A_207 = tpu.memref_slice %arg13[%dma_wait3A, %dma_wait3A_206] : memref<2048x4xf32, #tpu.memory_space<vmem>> -> memref<128x4xf32, #tpu.memory_space<vmem>>
        %dma_wait3A_208 = arith.constant 0 : i32
        %dma_wait3A_209 = tpu.memref_slice %arg12[%run_scoped3A_174, %dma_wait3A_208] : memref<16x128xi32, #tpu.memory_space<vmem>> -> memref<1x128xi32, #tpu.memory_space<vmem>>
        %dma_wait3A_210 = tpu.memref_squeeze %dma_wait3A_209 : memref<1x128xi32, #tpu.memory_space<vmem>> -> memref<128xi32, #tpu.memory_space<vmem>>
        %dma_wait3A_211 = arith.constant 0 : i32
        %dma_wait3A_212 = arith.constant 0 : i32
        %dma_wait3A_213 = tpu.memref_slice %arg10[%dma_wait3A_211, %dma_wait3A_212] : memref<100000x4xf32, #tpu.memory_space<vmem_shared>> -> memref<100000x4xf32, #tpu.memory_space<vmem_shared>>
        tpu.wait_indirect_dma semaphore(%run_scoped3A_197 : memref<!tpu.dma_semaphore, #tpu.memory_space<semaphore_mem>>) src(%dma_wait3A_207 : memref<128x4xf32, #tpu.memory_space<vmem>>) dst(%dma_wait3A_213 : memref<100000x4xf32, #tpu.memory_space<vmem_shared>>)
        tpu.yield
      }) : () -> ()
      %run_scoped3A_175 = arith.constant 5 : i32
      "tpu.region"() ({
        %run_scoped3A_197 = tpu.sem_alloc : memref<!tpu.dma_semaphore, #tpu.memory_space<semaphore_mem>>
        %dma_start3A = arith.constant 0 : i32
        %dma_start3A_198 = tpu.memref_slice %arg12[%run_scoped3A_175, %dma_start3A] : memref<16x128xi32, #tpu.memory_space<vmem>> -> memref<1x128xi32, #tpu.memory_space<vmem>>
        %dma_start3A_199 = tpu.memref_squeeze %dma_start3A_198 : memref<1x128xi32, #tpu.memory_space<vmem>> -> memref<128xi32, #tpu.memory_space<vmem>>
        %dma_start3A_200 = arith.constant 0 : i32
        %dma_start3A_201 = tpu.memref_slice %arg11[%dma_start3A_200] : memref<100000xf32, #tpu.memory_space<vmem_shared>> -> memref<100000xf32, #tpu.memory_space<vmem_shared>>
        tpu.enqueue_indirect_dma source(%arg14 : memref<128xf32, #tpu.memory_space<vmem>>) target(%dma_start3A_201 : memref<100000xf32, #tpu.memory_space<vmem_shared>>) offsets(%dma_start3A_199 : memref<128xi32, #tpu.memory_space<vmem>>) semaphore(%run_scoped3A_197 : memref<!tpu.dma_semaphore, #tpu.memory_space<semaphore_mem>>) {add = true}
        %dma_wait3A = arith.constant 0 : i32
        %dma_wait3A_202 = tpu.memref_slice %arg12[%run_scoped3A_175, %dma_wait3A] : memref<16x128xi32, #tpu.memory_space<vmem>> -> memref<1x128xi32, #tpu.memory_space<vmem>>
        %dma_wait3A_203 = tpu.memref_squeeze %dma_wait3A_202 : memref<1x128xi32, #tpu.memory_space<vmem>> -> memref<128xi32, #tpu.memory_space<vmem>>
        %dma_wait3A_204 = arith.constant 0 : i32
        %dma_wait3A_205 = tpu.memref_slice %arg11[%dma_wait3A_204] : memref<100000xf32, #tpu.memory_space<vmem_shared>> -> memref<100000xf32, #tpu.memory_space<vmem_shared>>
        tpu.wait_indirect_dma semaphore(%run_scoped3A_197 : memref<!tpu.dma_semaphore, #tpu.memory_space<semaphore_mem>>) src(%arg14 : memref<128xf32, #tpu.memory_space<vmem>>) dst(%dma_wait3A_205 : memref<100000xf32, #tpu.memory_space<vmem_shared>>)
        tpu.yield
      }) : () -> ()
      %run_scoped3A_176 = arith.constant 6 : i32
      "tpu.region"() ({
        %run_scoped3A_197 = tpu.sem_alloc : memref<!tpu.dma_semaphore, #tpu.memory_space<semaphore_mem>>
        %dma_start3A = arith.constant 768 : i32
        %dma_start3A_198 = arith.constant 0 : i32
        %dma_start3A_199 = tpu.memref_slice %arg13[%dma_start3A, %dma_start3A_198] : memref<2048x4xf32, #tpu.memory_space<vmem>> -> memref<128x4xf32, #tpu.memory_space<vmem>>
        %dma_start3A_200 = arith.constant 0 : i32
        %dma_start3A_201 = tpu.memref_slice %arg12[%run_scoped3A_176, %dma_start3A_200] : memref<16x128xi32, #tpu.memory_space<vmem>> -> memref<1x128xi32, #tpu.memory_space<vmem>>
        %dma_start3A_202 = tpu.memref_squeeze %dma_start3A_201 : memref<1x128xi32, #tpu.memory_space<vmem>> -> memref<128xi32, #tpu.memory_space<vmem>>
        %dma_start3A_203 = arith.constant 0 : i32
        %dma_start3A_204 = arith.constant 0 : i32
        %dma_start3A_205 = tpu.memref_slice %arg10[%dma_start3A_203, %dma_start3A_204] : memref<100000x4xf32, #tpu.memory_space<vmem_shared>> -> memref<100000x4xf32, #tpu.memory_space<vmem_shared>>
        tpu.enqueue_indirect_dma source(%dma_start3A_199 : memref<128x4xf32, #tpu.memory_space<vmem>>) target(%dma_start3A_205 : memref<100000x4xf32, #tpu.memory_space<vmem_shared>>) offsets(%dma_start3A_202 : memref<128xi32, #tpu.memory_space<vmem>>) semaphore(%run_scoped3A_197 : memref<!tpu.dma_semaphore, #tpu.memory_space<semaphore_mem>>) {add = true}
        %dma_wait3A = arith.constant 768 : i32
        %dma_wait3A_206 = arith.constant 0 : i32
        %dma_wait3A_207 = tpu.memref_slice %arg13[%dma_wait3A, %dma_wait3A_206] : memref<2048x4xf32, #tpu.memory_space<vmem>> -> memref<128x4xf32, #tpu.memory_space<vmem>>
        %dma_wait3A_208 = arith.constant 0 : i32
        %dma_wait3A_209 = tpu.memref_slice %arg12[%run_scoped3A_176, %dma_wait3A_208] : memref<16x128xi32, #tpu.memory_space<vmem>> -> memref<1x128xi32, #tpu.memory_space<vmem>>
        %dma_wait3A_210 = tpu.memref_squeeze %dma_wait3A_209 : memref<1x128xi32, #tpu.memory_space<vmem>> -> memref<128xi32, #tpu.memory_space<vmem>>
        %dma_wait3A_211 = arith.constant 0 : i32
        %dma_wait3A_212 = arith.constant 0 : i32
        %dma_wait3A_213 = tpu.memref_slice %arg10[%dma_wait3A_211, %dma_wait3A_212] : memref<100000x4xf32, #tpu.memory_space<vmem_shared>> -> memref<100000x4xf32, #tpu.memory_space<vmem_shared>>
        tpu.wait_indirect_dma semaphore(%run_scoped3A_197 : memref<!tpu.dma_semaphore, #tpu.memory_space<semaphore_mem>>) src(%dma_wait3A_207 : memref<128x4xf32, #tpu.memory_space<vmem>>) dst(%dma_wait3A_213 : memref<100000x4xf32, #tpu.memory_space<vmem_shared>>)
        tpu.yield
      }) : () -> ()
      %run_scoped3A_177 = arith.constant 6 : i32
      "tpu.region"() ({
        %run_scoped3A_197 = tpu.sem_alloc : memref<!tpu.dma_semaphore, #tpu.memory_space<semaphore_mem>>
        %dma_start3A = arith.constant 0 : i32
        %dma_start3A_198 = tpu.memref_slice %arg12[%run_scoped3A_177, %dma_start3A] : memref<16x128xi32, #tpu.memory_space<vmem>> -> memref<1x128xi32, #tpu.memory_space<vmem>>
        %dma_start3A_199 = tpu.memref_squeeze %dma_start3A_198 : memref<1x128xi32, #tpu.memory_space<vmem>> -> memref<128xi32, #tpu.memory_space<vmem>>
        %dma_start3A_200 = arith.constant 0 : i32
        %dma_start3A_201 = tpu.memref_slice %arg11[%dma_start3A_200] : memref<100000xf32, #tpu.memory_space<vmem_shared>> -> memref<100000xf32, #tpu.memory_space<vmem_shared>>
        tpu.enqueue_indirect_dma source(%arg14 : memref<128xf32, #tpu.memory_space<vmem>>) target(%dma_start3A_201 : memref<100000xf32, #tpu.memory_space<vmem_shared>>) offsets(%dma_start3A_199 : memref<128xi32, #tpu.memory_space<vmem>>) semaphore(%run_scoped3A_197 : memref<!tpu.dma_semaphore, #tpu.memory_space<semaphore_mem>>) {add = true}
        %dma_wait3A = arith.constant 0 : i32
        %dma_wait3A_202 = tpu.memref_slice %arg12[%run_scoped3A_177, %dma_wait3A] : memref<16x128xi32, #tpu.memory_space<vmem>> -> memref<1x128xi32, #tpu.memory_space<vmem>>
        %dma_wait3A_203 = tpu.memref_squeeze %dma_wait3A_202 : memref<1x128xi32, #tpu.memory_space<vmem>> -> memref<128xi32, #tpu.memory_space<vmem>>
        %dma_wait3A_204 = arith.constant 0 : i32
        %dma_wait3A_205 = tpu.memref_slice %arg11[%dma_wait3A_204] : memref<100000xf32, #tpu.memory_space<vmem_shared>> -> memref<100000xf32, #tpu.memory_space<vmem_shared>>
        tpu.wait_indirect_dma semaphore(%run_scoped3A_197 : memref<!tpu.dma_semaphore, #tpu.memory_space<semaphore_mem>>) src(%arg14 : memref<128xf32, #tpu.memory_space<vmem>>) dst(%dma_wait3A_205 : memref<100000xf32, #tpu.memory_space<vmem_shared>>)
        tpu.yield
      }) : () -> ()
      %run_scoped3A_178 = arith.constant 7 : i32
      "tpu.region"() ({
        %run_scoped3A_197 = tpu.sem_alloc : memref<!tpu.dma_semaphore, #tpu.memory_space<semaphore_mem>>
        %dma_start3A = arith.constant 896 : i32
        %dma_start3A_198 = arith.constant 0 : i32
        %dma_start3A_199 = tpu.memref_slice %arg13[%dma_start3A, %dma_start3A_198] : memref<2048x4xf32, #tpu.memory_space<vmem>> -> memref<128x4xf32, #tpu.memory_space<vmem>>
        %dma_start3A_200 = arith.constant 0 : i32
        %dma_start3A_201 = tpu.memref_slice %arg12[%run_scoped3A_178, %dma_start3A_200] : memref<16x128xi32, #tpu.memory_space<vmem>> -> memref<1x128xi32, #tpu.memory_space<vmem>>
        %dma_start3A_202 = tpu.memref_squeeze %dma_start3A_201 : memref<1x128xi32, #tpu.memory_space<vmem>> -> memref<128xi32, #tpu.memory_space<vmem>>
        %dma_start3A_203 = arith.constant 0 : i32
        %dma_start3A_204 = arith.constant 0 : i32
        %dma_start3A_205 = tpu.memref_slice %arg10[%dma_start3A_203, %dma_start3A_204] : memref<100000x4xf32, #tpu.memory_space<vmem_shared>> -> memref<100000x4xf32, #tpu.memory_space<vmem_shared>>
        tpu.enqueue_indirect_dma source(%dma_start3A_199 : memref<128x4xf32, #tpu.memory_space<vmem>>) target(%dma_start3A_205 : memref<100000x4xf32, #tpu.memory_space<vmem_shared>>) offsets(%dma_start3A_202 : memref<128xi32, #tpu.memory_space<vmem>>) semaphore(%run_scoped3A_197 : memref<!tpu.dma_semaphore, #tpu.memory_space<semaphore_mem>>) {add = true}
        %dma_wait3A = arith.constant 896 : i32
        %dma_wait3A_206 = arith.constant 0 : i32
        %dma_wait3A_207 = tpu.memref_slice %arg13[%dma_wait3A, %dma_wait3A_206] : memref<2048x4xf32, #tpu.memory_space<vmem>> -> memref<128x4xf32, #tpu.memory_space<vmem>>
        %dma_wait3A_208 = arith.constant 0 : i32
        %dma_wait3A_209 = tpu.memref_slice %arg12[%run_scoped3A_178, %dma_wait3A_208] : memref<16x128xi32, #tpu.memory_space<vmem>> -> memref<1x128xi32, #tpu.memory_space<vmem>>
        %dma_wait3A_210 = tpu.memref_squeeze %dma_wait3A_209 : memref<1x128xi32, #tpu.memory_space<vmem>> -> memref<128xi32, #tpu.memory_space<vmem>>
        %dma_wait3A_211 = arith.constant 0 : i32
        %dma_wait3A_212 = arith.constant 0 : i32
        %dma_wait3A_213 = tpu.memref_slice %arg10[%dma_wait3A_211, %dma_wait3A_212] : memref<100000x4xf32, #tpu.memory_space<vmem_shared>> -> memref<100000x4xf32, #tpu.memory_space<vmem_shared>>
        tpu.wait_indirect_dma semaphore(%run_scoped3A_197 : memref<!tpu.dma_semaphore, #tpu.memory_space<semaphore_mem>>) src(%dma_wait3A_207 : memref<128x4xf32, #tpu.memory_space<vmem>>) dst(%dma_wait3A_213 : memref<100000x4xf32, #tpu.memory_space<vmem_shared>>)
        tpu.yield
      }) : () -> ()
      %run_scoped3A_179 = arith.constant 7 : i32
      "tpu.region"() ({
        %run_scoped3A_197 = tpu.sem_alloc : memref<!tpu.dma_semaphore, #tpu.memory_space<semaphore_mem>>
        %dma_start3A = arith.constant 0 : i32
        %dma_start3A_198 = tpu.memref_slice %arg12[%run_scoped3A_179, %dma_start3A] : memref<16x128xi32, #tpu.memory_space<vmem>> -> memref<1x128xi32, #tpu.memory_space<vmem>>
        %dma_start3A_199 = tpu.memref_squeeze %dma_start3A_198 : memref<1x128xi32, #tpu.memory_space<vmem>> -> memref<128xi32, #tpu.memory_space<vmem>>
        %dma_start3A_200 = arith.constant 0 : i32
        %dma_start3A_201 = tpu.memref_slice %arg11[%dma_start3A_200] : memref<100000xf32, #tpu.memory_space<vmem_shared>> -> memref<100000xf32, #tpu.memory_space<vmem_shared>>
        tpu.enqueue_indirect_dma source(%arg14 : memref<128xf32, #tpu.memory_space<vmem>>) target(%dma_start3A_201 : memref<100000xf32, #tpu.memory_space<vmem_shared>>) offsets(%dma_start3A_199 : memref<128xi32, #tpu.memory_space<vmem>>) semaphore(%run_scoped3A_197 : memref<!tpu.dma_semaphore, #tpu.memory_space<semaphore_mem>>) {add = true}
        %dma_wait3A = arith.constant 0 : i32
        %dma_wait3A_202 = tpu.memref_slice %arg12[%run_scoped3A_179, %dma_wait3A] : memref<16x128xi32, #tpu.memory_space<vmem>> -> memref<1x128xi32, #tpu.memory_space<vmem>>
        %dma_wait3A_203 = tpu.memref_squeeze %dma_wait3A_202 : memref<1x128xi32, #tpu.memory_space<vmem>> -> memref<128xi32, #tpu.memory_space<vmem>>
        %dma_wait3A_204 = arith.constant 0 : i32
        %dma_wait3A_205 = tpu.memref_slice %arg11[%dma_wait3A_204] : memref<100000xf32, #tpu.memory_space<vmem_shared>> -> memref<100000xf32, #tpu.memory_space<vmem_shared>>
        tpu.wait_indirect_dma semaphore(%run_scoped3A_197 : memref<!tpu.dma_semaphore, #tpu.memory_space<semaphore_mem>>) src(%arg14 : memref<128xf32, #tpu.memory_space<vmem>>) dst(%dma_wait3A_205 : memref<100000xf32, #tpu.memory_space<vmem_shared>>)
        tpu.yield
      }) : () -> ()
      %run_scoped3A_180 = arith.constant 8 : i32
      "tpu.region"() ({
        %run_scoped3A_197 = tpu.sem_alloc : memref<!tpu.dma_semaphore, #tpu.memory_space<semaphore_mem>>
        %dma_start3A = arith.constant 1024 : i32
        %dma_start3A_198 = arith.constant 0 : i32
        %dma_start3A_199 = tpu.memref_slice %arg13[%dma_start3A, %dma_start3A_198] : memref<2048x4xf32, #tpu.memory_space<vmem>> -> memref<128x4xf32, #tpu.memory_space<vmem>>
        %dma_start3A_200 = arith.constant 0 : i32
        %dma_start3A_201 = tpu.memref_slice %arg12[%run_scoped3A_180, %dma_start3A_200] : memref<16x128xi32, #tpu.memory_space<vmem>> -> memref<1x128xi32, #tpu.memory_space<vmem>>
        %dma_start3A_202 = tpu.memref_squeeze %dma_start3A_201 : memref<1x128xi32, #tpu.memory_space<vmem>> -> memref<128xi32, #tpu.memory_space<vmem>>
        %dma_start3A_203 = arith.constant 0 : i32
        %dma_start3A_204 = arith.constant 0 : i32
        %dma_start3A_205 = tpu.memref_slice %arg10[%dma_start3A_203, %dma_start3A_204] : memref<100000x4xf32, #tpu.memory_space<vmem_shared>> -> memref<100000x4xf32, #tpu.memory_space<vmem_shared>>
        tpu.enqueue_indirect_dma source(%dma_start3A_199 : memref<128x4xf32, #tpu.memory_space<vmem>>) target(%dma_start3A_205 : memref<100000x4xf32, #tpu.memory_space<vmem_shared>>) offsets(%dma_start3A_202 : memref<128xi32, #tpu.memory_space<vmem>>) semaphore(%run_scoped3A_197 : memref<!tpu.dma_semaphore, #tpu.memory_space<semaphore_mem>>) {add = true}
        %dma_wait3A = arith.constant 1024 : i32
        %dma_wait3A_206 = arith.constant 0 : i32
        %dma_wait3A_207 = tpu.memref_slice %arg13[%dma_wait3A, %dma_wait3A_206] : memref<2048x4xf32, #tpu.memory_space<vmem>> -> memref<128x4xf32, #tpu.memory_space<vmem>>
        %dma_wait3A_208 = arith.constant 0 : i32
        %dma_wait3A_209 = tpu.memref_slice %arg12[%run_scoped3A_180, %dma_wait3A_208] : memref<16x128xi32, #tpu.memory_space<vmem>> -> memref<1x128xi32, #tpu.memory_space<vmem>>
        %dma_wait3A_210 = tpu.memref_squeeze %dma_wait3A_209 : memref<1x128xi32, #tpu.memory_space<vmem>> -> memref<128xi32, #tpu.memory_space<vmem>>
        %dma_wait3A_211 = arith.constant 0 : i32
        %dma_wait3A_212 = arith.constant 0 : i32
        %dma_wait3A_213 = tpu.memref_slice %arg10[%dma_wait3A_211, %dma_wait3A_212] : memref<100000x4xf32, #tpu.memory_space<vmem_shared>> -> memref<100000x4xf32, #tpu.memory_space<vmem_shared>>
        tpu.wait_indirect_dma semaphore(%run_scoped3A_197 : memref<!tpu.dma_semaphore, #tpu.memory_space<semaphore_mem>>) src(%dma_wait3A_207 : memref<128x4xf32, #tpu.memory_space<vmem>>) dst(%dma_wait3A_213 : memref<100000x4xf32, #tpu.memory_space<vmem_shared>>)
        tpu.yield
      }) : () -> ()
      %run_scoped3A_181 = arith.constant 8 : i32
      "tpu.region"() ({
        %run_scoped3A_197 = tpu.sem_alloc : memref<!tpu.dma_semaphore, #tpu.memory_space<semaphore_mem>>
        %dma_start3A = arith.constant 0 : i32
        %dma_start3A_198 = tpu.memref_slice %arg12[%run_scoped3A_181, %dma_start3A] : memref<16x128xi32, #tpu.memory_space<vmem>> -> memref<1x128xi32, #tpu.memory_space<vmem>>
        %dma_start3A_199 = tpu.memref_squeeze %dma_start3A_198 : memref<1x128xi32, #tpu.memory_space<vmem>> -> memref<128xi32, #tpu.memory_space<vmem>>
        %dma_start3A_200 = arith.constant 0 : i32
        %dma_start3A_201 = tpu.memref_slice %arg11[%dma_start3A_200] : memref<100000xf32, #tpu.memory_space<vmem_shared>> -> memref<100000xf32, #tpu.memory_space<vmem_shared>>
        tpu.enqueue_indirect_dma source(%arg14 : memref<128xf32, #tpu.memory_space<vmem>>) target(%dma_start3A_201 : memref<100000xf32, #tpu.memory_space<vmem_shared>>) offsets(%dma_start3A_199 : memref<128xi32, #tpu.memory_space<vmem>>) semaphore(%run_scoped3A_197 : memref<!tpu.dma_semaphore, #tpu.memory_space<semaphore_mem>>) {add = true}
        %dma_wait3A = arith.constant 0 : i32
        %dma_wait3A_202 = tpu.memref_slice %arg12[%run_scoped3A_181, %dma_wait3A] : memref<16x128xi32, #tpu.memory_space<vmem>> -> memref<1x128xi32, #tpu.memory_space<vmem>>
        %dma_wait3A_203 = tpu.memref_squeeze %dma_wait3A_202 : memref<1x128xi32, #tpu.memory_space<vmem>> -> memref<128xi32, #tpu.memory_space<vmem>>
        %dma_wait3A_204 = arith.constant 0 : i32
        %dma_wait3A_205 = tpu.memref_slice %arg11[%dma_wait3A_204] : memref<100000xf32, #tpu.memory_space<vmem_shared>> -> memref<100000xf32, #tpu.memory_space<vmem_shared>>
        tpu.wait_indirect_dma semaphore(%run_scoped3A_197 : memref<!tpu.dma_semaphore, #tpu.memory_space<semaphore_mem>>) src(%arg14 : memref<128xf32, #tpu.memory_space<vmem>>) dst(%dma_wait3A_205 : memref<100000xf32, #tpu.memory_space<vmem_shared>>)
        tpu.yield
      }) : () -> ()
      %run_scoped3A_182 = arith.constant 9 : i32
      "tpu.region"() ({
        %run_scoped3A_197 = tpu.sem_alloc : memref<!tpu.dma_semaphore, #tpu.memory_space<semaphore_mem>>
        %dma_start3A = arith.constant 1152 : i32
        %dma_start3A_198 = arith.constant 0 : i32
        %dma_start3A_199 = tpu.memref_slice %arg13[%dma_start3A, %dma_start3A_198] : memref<2048x4xf32, #tpu.memory_space<vmem>> -> memref<128x4xf32, #tpu.memory_space<vmem>>
        %dma_start3A_200 = arith.constant 0 : i32
        %dma_start3A_201 = tpu.memref_slice %arg12[%run_scoped3A_182, %dma_start3A_200] : memref<16x128xi32, #tpu.memory_space<vmem>> -> memref<1x128xi32, #tpu.memory_space<vmem>>
        %dma_start3A_202 = tpu.memref_squeeze %dma_start3A_201 : memref<1x128xi32, #tpu.memory_space<vmem>> -> memref<128xi32, #tpu.memory_space<vmem>>
        %dma_start3A_203 = arith.constant 0 : i32
        %dma_start3A_204 = arith.constant 0 : i32
        %dma_start3A_205 = tpu.memref_slice %arg10[%dma_start3A_203, %dma_start3A_204] : memref<100000x4xf32, #tpu.memory_space<vmem_shared>> -> memref<100000x4xf32, #tpu.memory_space<vmem_shared>>
        tpu.enqueue_indirect_dma source(%dma_start3A_199 : memref<128x4xf32, #tpu.memory_space<vmem>>) target(%dma_start3A_205 : memref<100000x4xf32, #tpu.memory_space<vmem_shared>>) offsets(%dma_start3A_202 : memref<128xi32, #tpu.memory_space<vmem>>) semaphore(%run_scoped3A_197 : memref<!tpu.dma_semaphore, #tpu.memory_space<semaphore_mem>>) {add = true}
        %dma_wait3A = arith.constant 1152 : i32
        %dma_wait3A_206 = arith.constant 0 : i32
        %dma_wait3A_207 = tpu.memref_slice %arg13[%dma_wait3A, %dma_wait3A_206] : memref<2048x4xf32, #tpu.memory_space<vmem>> -> memref<128x4xf32, #tpu.memory_space<vmem>>
        %dma_wait3A_208 = arith.constant 0 : i32
        %dma_wait3A_209 = tpu.memref_slice %arg12[%run_scoped3A_182, %dma_wait3A_208] : memref<16x128xi32, #tpu.memory_space<vmem>> -> memref<1x128xi32, #tpu.memory_space<vmem>>
        %dma_wait3A_210 = tpu.memref_squeeze %dma_wait3A_209 : memref<1x128xi32, #tpu.memory_space<vmem>> -> memref<128xi32, #tpu.memory_space<vmem>>
        %dma_wait3A_211 = arith.constant 0 : i32
        %dma_wait3A_212 = arith.constant 0 : i32
        %dma_wait3A_213 = tpu.memref_slice %arg10[%dma_wait3A_211, %dma_wait3A_212] : memref<100000x4xf32, #tpu.memory_space<vmem_shared>> -> memref<100000x4xf32, #tpu.memory_space<vmem_shared>>
        tpu.wait_indirect_dma semaphore(%run_scoped3A_197 : memref<!tpu.dma_semaphore, #tpu.memory_space<semaphore_mem>>) src(%dma_wait3A_207 : memref<128x4xf32, #tpu.memory_space<vmem>>) dst(%dma_wait3A_213 : memref<100000x4xf32, #tpu.memory_space<vmem_shared>>)
        tpu.yield
      }) : () -> ()
      %run_scoped3A_183 = arith.constant 9 : i32
      "tpu.region"() ({
        %run_scoped3A_197 = tpu.sem_alloc : memref<!tpu.dma_semaphore, #tpu.memory_space<semaphore_mem>>
        %dma_start3A = arith.constant 0 : i32
        %dma_start3A_198 = tpu.memref_slice %arg12[%run_scoped3A_183, %dma_start3A] : memref<16x128xi32, #tpu.memory_space<vmem>> -> memref<1x128xi32, #tpu.memory_space<vmem>>
        %dma_start3A_199 = tpu.memref_squeeze %dma_start3A_198 : memref<1x128xi32, #tpu.memory_space<vmem>> -> memref<128xi32, #tpu.memory_space<vmem>>
        %dma_start3A_200 = arith.constant 0 : i32
        %dma_start3A_201 = tpu.memref_slice %arg11[%dma_start3A_200] : memref<100000xf32, #tpu.memory_space<vmem_shared>> -> memref<100000xf32, #tpu.memory_space<vmem_shared>>
        tpu.enqueue_indirect_dma source(%arg14 : memref<128xf32, #tpu.memory_space<vmem>>) target(%dma_start3A_201 : memref<100000xf32, #tpu.memory_space<vmem_shared>>) offsets(%dma_start3A_199 : memref<128xi32, #tpu.memory_space<vmem>>) semaphore(%run_scoped3A_197 : memref<!tpu.dma_semaphore, #tpu.memory_space<semaphore_mem>>) {add = true}
        %dma_wait3A = arith.constant 0 : i32
        %dma_wait3A_202 = tpu.memref_slice %arg12[%run_scoped3A_183, %dma_wait3A] : memref<16x128xi32, #tpu.memory_space<vmem>> -> memref<1x128xi32, #tpu.memory_space<vmem>>
        %dma_wait3A_203 = tpu.memref_squeeze %dma_wait3A_202 : memref<1x128xi32, #tpu.memory_space<vmem>> -> memref<128xi32, #tpu.memory_space<vmem>>
        %dma_wait3A_204 = arith.constant 0 : i32
        %dma_wait3A_205 = tpu.memref_slice %arg11[%dma_wait3A_204] : memref<100000xf32, #tpu.memory_space<vmem_shared>> -> memref<100000xf32, #tpu.memory_space<vmem_shared>>
        tpu.wait_indirect_dma semaphore(%run_scoped3A_197 : memref<!tpu.dma_semaphore, #tpu.memory_space<semaphore_mem>>) src(%arg14 : memref<128xf32, #tpu.memory_space<vmem>>) dst(%dma_wait3A_205 : memref<100000xf32, #tpu.memory_space<vmem_shared>>)
        tpu.yield
      }) : () -> ()
      %run_scoped3A_184 = arith.constant 10 : i32
      "tpu.region"() ({
        %run_scoped3A_197 = tpu.sem_alloc : memref<!tpu.dma_semaphore, #tpu.memory_space<semaphore_mem>>
        %dma_start3A = arith.constant 1280 : i32
        %dma_start3A_198 = arith.constant 0 : i32
        %dma_start3A_199 = tpu.memref_slice %arg13[%dma_start3A, %dma_start3A_198] : memref<2048x4xf32, #tpu.memory_space<vmem>> -> memref<128x4xf32, #tpu.memory_space<vmem>>
        %dma_start3A_200 = arith.constant 0 : i32
        %dma_start3A_201 = tpu.memref_slice %arg12[%run_scoped3A_184, %dma_start3A_200] : memref<16x128xi32, #tpu.memory_space<vmem>> -> memref<1x128xi32, #tpu.memory_space<vmem>>
        %dma_start3A_202 = tpu.memref_squeeze %dma_start3A_201 : memref<1x128xi32, #tpu.memory_space<vmem>> -> memref<128xi32, #tpu.memory_space<vmem>>
        %dma_start3A_203 = arith.constant 0 : i32
        %dma_start3A_204 = arith.constant 0 : i32
        %dma_start3A_205 = tpu.memref_slice %arg10[%dma_start3A_203, %dma_start3A_204] : memref<100000x4xf32, #tpu.memory_space<vmem_shared>> -> memref<100000x4xf32, #tpu.memory_space<vmem_shared>>
        tpu.enqueue_indirect_dma source(%dma_start3A_199 : memref<128x4xf32, #tpu.memory_space<vmem>>) target(%dma_start3A_205 : memref<100000x4xf32, #tpu.memory_space<vmem_shared>>) offsets(%dma_start3A_202 : memref<128xi32, #tpu.memory_space<vmem>>) semaphore(%run_scoped3A_197 : memref<!tpu.dma_semaphore, #tpu.memory_space<semaphore_mem>>) {add = true}
        %dma_wait3A = arith.constant 1280 : i32
        %dma_wait3A_206 = arith.constant 0 : i32
        %dma_wait3A_207 = tpu.memref_slice %arg13[%dma_wait3A, %dma_wait3A_206] : memref<2048x4xf32, #tpu.memory_space<vmem>> -> memref<128x4xf32, #tpu.memory_space<vmem>>
        %dma_wait3A_208 = arith.constant 0 : i32
        %dma_wait3A_209 = tpu.memref_slice %arg12[%run_scoped3A_184, %dma_wait3A_208] : memref<16x128xi32, #tpu.memory_space<vmem>> -> memref<1x128xi32, #tpu.memory_space<vmem>>
        %dma_wait3A_210 = tpu.memref_squeeze %dma_wait3A_209 : memref<1x128xi32, #tpu.memory_space<vmem>> -> memref<128xi32, #tpu.memory_space<vmem>>
        %dma_wait3A_211 = arith.constant 0 : i32
        %dma_wait3A_212 = arith.constant 0 : i32
        %dma_wait3A_213 = tpu.memref_slice %arg10[%dma_wait3A_211, %dma_wait3A_212] : memref<100000x4xf32, #tpu.memory_space<vmem_shared>> -> memref<100000x4xf32, #tpu.memory_space<vmem_shared>>
        tpu.wait_indirect_dma semaphore(%run_scoped3A_197 : memref<!tpu.dma_semaphore, #tpu.memory_space<semaphore_mem>>) src(%dma_wait3A_207 : memref<128x4xf32, #tpu.memory_space<vmem>>) dst(%dma_wait3A_213 : memref<100000x4xf32, #tpu.memory_space<vmem_shared>>)
        tpu.yield
      }) : () -> ()
      %run_scoped3A_185 = arith.constant 10 : i32
      "tpu.region"() ({
        %run_scoped3A_197 = tpu.sem_alloc : memref<!tpu.dma_semaphore, #tpu.memory_space<semaphore_mem>>
        %dma_start3A = arith.constant 0 : i32
        %dma_start3A_198 = tpu.memref_slice %arg12[%run_scoped3A_185, %dma_start3A] : memref<16x128xi32, #tpu.memory_space<vmem>> -> memref<1x128xi32, #tpu.memory_space<vmem>>
        %dma_start3A_199 = tpu.memref_squeeze %dma_start3A_198 : memref<1x128xi32, #tpu.memory_space<vmem>> -> memref<128xi32, #tpu.memory_space<vmem>>
        %dma_start3A_200 = arith.constant 0 : i32
        %dma_start3A_201 = tpu.memref_slice %arg11[%dma_start3A_200] : memref<100000xf32, #tpu.memory_space<vmem_shared>> -> memref<100000xf32, #tpu.memory_space<vmem_shared>>
        tpu.enqueue_indirect_dma source(%arg14 : memref<128xf32, #tpu.memory_space<vmem>>) target(%dma_start3A_201 : memref<100000xf32, #tpu.memory_space<vmem_shared>>) offsets(%dma_start3A_199 : memref<128xi32, #tpu.memory_space<vmem>>) semaphore(%run_scoped3A_197 : memref<!tpu.dma_semaphore, #tpu.memory_space<semaphore_mem>>) {add = true}
        %dma_wait3A = arith.constant 0 : i32
        %dma_wait3A_202 = tpu.memref_slice %arg12[%run_scoped3A_185, %dma_wait3A] : memref<16x128xi32, #tpu.memory_space<vmem>> -> memref<1x128xi32, #tpu.memory_space<vmem>>
        %dma_wait3A_203 = tpu.memref_squeeze %dma_wait3A_202 : memref<1x128xi32, #tpu.memory_space<vmem>> -> memref<128xi32, #tpu.memory_space<vmem>>
        %dma_wait3A_204 = arith.constant 0 : i32
        %dma_wait3A_205 = tpu.memref_slice %arg11[%dma_wait3A_204] : memref<100000xf32, #tpu.memory_space<vmem_shared>> -> memref<100000xf32, #tpu.memory_space<vmem_shared>>
        tpu.wait_indirect_dma semaphore(%run_scoped3A_197 : memref<!tpu.dma_semaphore, #tpu.memory_space<semaphore_mem>>) src(%arg14 : memref<128xf32, #tpu.memory_space<vmem>>) dst(%dma_wait3A_205 : memref<100000xf32, #tpu.memory_space<vmem_shared>>)
        tpu.yield
      }) : () -> ()
      %run_scoped3A_186 = arith.constant 11 : i32
      "tpu.region"() ({
        %run_scoped3A_197 = tpu.sem_alloc : memref<!tpu.dma_semaphore, #tpu.memory_space<semaphore_mem>>
        %dma_start3A = arith.constant 1408 : i32
        %dma_start3A_198 = arith.constant 0 : i32
        %dma_start3A_199 = tpu.memref_slice %arg13[%dma_start3A, %dma_start3A_198] : memref<2048x4xf32, #tpu.memory_space<vmem>> -> memref<128x4xf32, #tpu.memory_space<vmem>>
        %dma_start3A_200 = arith.constant 0 : i32
        %dma_start3A_201 = tpu.memref_slice %arg12[%run_scoped3A_186, %dma_start3A_200] : memref<16x128xi32, #tpu.memory_space<vmem>> -> memref<1x128xi32, #tpu.memory_space<vmem>>
        %dma_start3A_202 = tpu.memref_squeeze %dma_start3A_201 : memref<1x128xi32, #tpu.memory_space<vmem>> -> memref<128xi32, #tpu.memory_space<vmem>>
        %dma_start3A_203 = arith.constant 0 : i32
        %dma_start3A_204 = arith.constant 0 : i32
        %dma_start3A_205 = tpu.memref_slice %arg10[%dma_start3A_203, %dma_start3A_204] : memref<100000x4xf32, #tpu.memory_space<vmem_shared>> -> memref<100000x4xf32, #tpu.memory_space<vmem_shared>>
        tpu.enqueue_indirect_dma source(%dma_start3A_199 : memref<128x4xf32, #tpu.memory_space<vmem>>) target(%dma_start3A_205 : memref<100000x4xf32, #tpu.memory_space<vmem_shared>>) offsets(%dma_start3A_202 : memref<128xi32, #tpu.memory_space<vmem>>) semaphore(%run_scoped3A_197 : memref<!tpu.dma_semaphore, #tpu.memory_space<semaphore_mem>>) {add = true}
        %dma_wait3A = arith.constant 1408 : i32
        %dma_wait3A_206 = arith.constant 0 : i32
        %dma_wait3A_207 = tpu.memref_slice %arg13[%dma_wait3A, %dma_wait3A_206] : memref<2048x4xf32, #tpu.memory_space<vmem>> -> memref<128x4xf32, #tpu.memory_space<vmem>>
        %dma_wait3A_208 = arith.constant 0 : i32
        %dma_wait3A_209 = tpu.memref_slice %arg12[%run_scoped3A_186, %dma_wait3A_208] : memref<16x128xi32, #tpu.memory_space<vmem>> -> memref<1x128xi32, #tpu.memory_space<vmem>>
        %dma_wait3A_210 = tpu.memref_squeeze %dma_wait3A_209 : memref<1x128xi32, #tpu.memory_space<vmem>> -> memref<128xi32, #tpu.memory_space<vmem>>
        %dma_wait3A_211 = arith.constant 0 : i32
        %dma_wait3A_212 = arith.constant 0 : i32
        %dma_wait3A_213 = tpu.memref_slice %arg10[%dma_wait3A_211, %dma_wait3A_212] : memref<100000x4xf32, #tpu.memory_space<vmem_shared>> -> memref<100000x4xf32, #tpu.memory_space<vmem_shared>>
        tpu.wait_indirect_dma semaphore(%run_scoped3A_197 : memref<!tpu.dma_semaphore, #tpu.memory_space<semaphore_mem>>) src(%dma_wait3A_207 : memref<128x4xf32, #tpu.memory_space<vmem>>) dst(%dma_wait3A_213 : memref<100000x4xf32, #tpu.memory_space<vmem_shared>>)
        tpu.yield
      }) : () -> ()
      %run_scoped3A_187 = arith.constant 11 : i32
      "tpu.region"() ({
        %run_scoped3A_197 = tpu.sem_alloc : memref<!tpu.dma_semaphore, #tpu.memory_space<semaphore_mem>>
        %dma_start3A = arith.constant 0 : i32
        %dma_start3A_198 = tpu.memref_slice %arg12[%run_scoped3A_187, %dma_start3A] : memref<16x128xi32, #tpu.memory_space<vmem>> -> memref<1x128xi32, #tpu.memory_space<vmem>>
        %dma_start3A_199 = tpu.memref_squeeze %dma_start3A_198 : memref<1x128xi32, #tpu.memory_space<vmem>> -> memref<128xi32, #tpu.memory_space<vmem>>
        %dma_start3A_200 = arith.constant 0 : i32
        %dma_start3A_201 = tpu.memref_slice %arg11[%dma_start3A_200] : memref<100000xf32, #tpu.memory_space<vmem_shared>> -> memref<100000xf32, #tpu.memory_space<vmem_shared>>
        tpu.enqueue_indirect_dma source(%arg14 : memref<128xf32, #tpu.memory_space<vmem>>) target(%dma_start3A_201 : memref<100000xf32, #tpu.memory_space<vmem_shared>>) offsets(%dma_start3A_199 : memref<128xi32, #tpu.memory_space<vmem>>) semaphore(%run_scoped3A_197 : memref<!tpu.dma_semaphore, #tpu.memory_space<semaphore_mem>>) {add = true}
        %dma_wait3A = arith.constant 0 : i32
        %dma_wait3A_202 = tpu.memref_slice %arg12[%run_scoped3A_187, %dma_wait3A] : memref<16x128xi32, #tpu.memory_space<vmem>> -> memref<1x128xi32, #tpu.memory_space<vmem>>
        %dma_wait3A_203 = tpu.memref_squeeze %dma_wait3A_202 : memref<1x128xi32, #tpu.memory_space<vmem>> -> memref<128xi32, #tpu.memory_space<vmem>>
        %dma_wait3A_204 = arith.constant 0 : i32
        %dma_wait3A_205 = tpu.memref_slice %arg11[%dma_wait3A_204] : memref<100000xf32, #tpu.memory_space<vmem_shared>> -> memref<100000xf32, #tpu.memory_space<vmem_shared>>
        tpu.wait_indirect_dma semaphore(%run_scoped3A_197 : memref<!tpu.dma_semaphore, #tpu.memory_space<semaphore_mem>>) src(%arg14 : memref<128xf32, #tpu.memory_space<vmem>>) dst(%dma_wait3A_205 : memref<100000xf32, #tpu.memory_space<vmem_shared>>)
        tpu.yield
      }) : () -> ()
      %run_scoped3A_188 = arith.constant 12 : i32
      "tpu.region"() ({
        %run_scoped3A_197 = tpu.sem_alloc : memref<!tpu.dma_semaphore, #tpu.memory_space<semaphore_mem>>
        %dma_start3A = arith.constant 1536 : i32
        %dma_start3A_198 = arith.constant 0 : i32
        %dma_start3A_199 = tpu.memref_slice %arg13[%dma_start3A, %dma_start3A_198] : memref<2048x4xf32, #tpu.memory_space<vmem>> -> memref<128x4xf32, #tpu.memory_space<vmem>>
        %dma_start3A_200 = arith.constant 0 : i32
        %dma_start3A_201 = tpu.memref_slice %arg12[%run_scoped3A_188, %dma_start3A_200] : memref<16x128xi32, #tpu.memory_space<vmem>> -> memref<1x128xi32, #tpu.memory_space<vmem>>
        %dma_start3A_202 = tpu.memref_squeeze %dma_start3A_201 : memref<1x128xi32, #tpu.memory_space<vmem>> -> memref<128xi32, #tpu.memory_space<vmem>>
        %dma_start3A_203 = arith.constant 0 : i32
        %dma_start3A_204 = arith.constant 0 : i32
        %dma_start3A_205 = tpu.memref_slice %arg10[%dma_start3A_203, %dma_start3A_204] : memref<100000x4xf32, #tpu.memory_space<vmem_shared>> -> memref<100000x4xf32, #tpu.memory_space<vmem_shared>>
        tpu.enqueue_indirect_dma source(%dma_start3A_199 : memref<128x4xf32, #tpu.memory_space<vmem>>) target(%dma_start3A_205 : memref<100000x4xf32, #tpu.memory_space<vmem_shared>>) offsets(%dma_start3A_202 : memref<128xi32, #tpu.memory_space<vmem>>) semaphore(%run_scoped3A_197 : memref<!tpu.dma_semaphore, #tpu.memory_space<semaphore_mem>>) {add = true}
        %dma_wait3A = arith.constant 1536 : i32
        %dma_wait3A_206 = arith.constant 0 : i32
        %dma_wait3A_207 = tpu.memref_slice %arg13[%dma_wait3A, %dma_wait3A_206] : memref<2048x4xf32, #tpu.memory_space<vmem>> -> memref<128x4xf32, #tpu.memory_space<vmem>>
        %dma_wait3A_208 = arith.constant 0 : i32
        %dma_wait3A_209 = tpu.memref_slice %arg12[%run_scoped3A_188, %dma_wait3A_208] : memref<16x128xi32, #tpu.memory_space<vmem>> -> memref<1x128xi32, #tpu.memory_space<vmem>>
        %dma_wait3A_210 = tpu.memref_squeeze %dma_wait3A_209 : memref<1x128xi32, #tpu.memory_space<vmem>> -> memref<128xi32, #tpu.memory_space<vmem>>
        %dma_wait3A_211 = arith.constant 0 : i32
        %dma_wait3A_212 = arith.constant 0 : i32
        %dma_wait3A_213 = tpu.memref_slice %arg10[%dma_wait3A_211, %dma_wait3A_212] : memref<100000x4xf32, #tpu.memory_space<vmem_shared>> -> memref<100000x4xf32, #tpu.memory_space<vmem_shared>>
        tpu.wait_indirect_dma semaphore(%run_scoped3A_197 : memref<!tpu.dma_semaphore, #tpu.memory_space<semaphore_mem>>) src(%dma_wait3A_207 : memref<128x4xf32, #tpu.memory_space<vmem>>) dst(%dma_wait3A_213 : memref<100000x4xf32, #tpu.memory_space<vmem_shared>>)
        tpu.yield
      }) : () -> ()
      %run_scoped3A_189 = arith.constant 12 : i32
      "tpu.region"() ({
        %run_scoped3A_197 = tpu.sem_alloc : memref<!tpu.dma_semaphore, #tpu.memory_space<semaphore_mem>>
        %dma_start3A = arith.constant 0 : i32
        %dma_start3A_198 = tpu.memref_slice %arg12[%run_scoped3A_189, %dma_start3A] : memref<16x128xi32, #tpu.memory_space<vmem>> -> memref<1x128xi32, #tpu.memory_space<vmem>>
        %dma_start3A_199 = tpu.memref_squeeze %dma_start3A_198 : memref<1x128xi32, #tpu.memory_space<vmem>> -> memref<128xi32, #tpu.memory_space<vmem>>
        %dma_start3A_200 = arith.constant 0 : i32
        %dma_start3A_201 = tpu.memref_slice %arg11[%dma_start3A_200] : memref<100000xf32, #tpu.memory_space<vmem_shared>> -> memref<100000xf32, #tpu.memory_space<vmem_shared>>
        tpu.enqueue_indirect_dma source(%arg14 : memref<128xf32, #tpu.memory_space<vmem>>) target(%dma_start3A_201 : memref<100000xf32, #tpu.memory_space<vmem_shared>>) offsets(%dma_start3A_199 : memref<128xi32, #tpu.memory_space<vmem>>) semaphore(%run_scoped3A_197 : memref<!tpu.dma_semaphore, #tpu.memory_space<semaphore_mem>>) {add = true}
        %dma_wait3A = arith.constant 0 : i32
        %dma_wait3A_202 = tpu.memref_slice %arg12[%run_scoped3A_189, %dma_wait3A] : memref<16x128xi32, #tpu.memory_space<vmem>> -> memref<1x128xi32, #tpu.memory_space<vmem>>
        %dma_wait3A_203 = tpu.memref_squeeze %dma_wait3A_202 : memref<1x128xi32, #tpu.memory_space<vmem>> -> memref<128xi32, #tpu.memory_space<vmem>>
        %dma_wait3A_204 = arith.constant 0 : i32
        %dma_wait3A_205 = tpu.memref_slice %arg11[%dma_wait3A_204] : memref<100000xf32, #tpu.memory_space<vmem_shared>> -> memref<100000xf32, #tpu.memory_space<vmem_shared>>
        tpu.wait_indirect_dma semaphore(%run_scoped3A_197 : memref<!tpu.dma_semaphore, #tpu.memory_space<semaphore_mem>>) src(%arg14 : memref<128xf32, #tpu.memory_space<vmem>>) dst(%dma_wait3A_205 : memref<100000xf32, #tpu.memory_space<vmem_shared>>)
        tpu.yield
      }) : () -> ()
      %run_scoped3A_190 = arith.constant 13 : i32
      "tpu.region"() ({
        %run_scoped3A_197 = tpu.sem_alloc : memref<!tpu.dma_semaphore, #tpu.memory_space<semaphore_mem>>
        %dma_start3A = arith.constant 1664 : i32
        %dma_start3A_198 = arith.constant 0 : i32
        %dma_start3A_199 = tpu.memref_slice %arg13[%dma_start3A, %dma_start3A_198] : memref<2048x4xf32, #tpu.memory_space<vmem>> -> memref<128x4xf32, #tpu.memory_space<vmem>>
        %dma_start3A_200 = arith.constant 0 : i32
        %dma_start3A_201 = tpu.memref_slice %arg12[%run_scoped3A_190, %dma_start3A_200] : memref<16x128xi32, #tpu.memory_space<vmem>> -> memref<1x128xi32, #tpu.memory_space<vmem>>
        %dma_start3A_202 = tpu.memref_squeeze %dma_start3A_201 : memref<1x128xi32, #tpu.memory_space<vmem>> -> memref<128xi32, #tpu.memory_space<vmem>>
        %dma_start3A_203 = arith.constant 0 : i32
        %dma_start3A_204 = arith.constant 0 : i32
        %dma_start3A_205 = tpu.memref_slice %arg10[%dma_start3A_203, %dma_start3A_204] : memref<100000x4xf32, #tpu.memory_space<vmem_shared>> -> memref<100000x4xf32, #tpu.memory_space<vmem_shared>>
        tpu.enqueue_indirect_dma source(%dma_start3A_199 : memref<128x4xf32, #tpu.memory_space<vmem>>) target(%dma_start3A_205 : memref<100000x4xf32, #tpu.memory_space<vmem_shared>>) offsets(%dma_start3A_202 : memref<128xi32, #tpu.memory_space<vmem>>) semaphore(%run_scoped3A_197 : memref<!tpu.dma_semaphore, #tpu.memory_space<semaphore_mem>>) {add = true}
        %dma_wait3A = arith.constant 1664 : i32
        %dma_wait3A_206 = arith.constant 0 : i32
        %dma_wait3A_207 = tpu.memref_slice %arg13[%dma_wait3A, %dma_wait3A_206] : memref<2048x4xf32, #tpu.memory_space<vmem>> -> memref<128x4xf32, #tpu.memory_space<vmem>>
        %dma_wait3A_208 = arith.constant 0 : i32
        %dma_wait3A_209 = tpu.memref_slice %arg12[%run_scoped3A_190, %dma_wait3A_208] : memref<16x128xi32, #tpu.memory_space<vmem>> -> memref<1x128xi32, #tpu.memory_space<vmem>>
        %dma_wait3A_210 = tpu.memref_squeeze %dma_wait3A_209 : memref<1x128xi32, #tpu.memory_space<vmem>> -> memref<128xi32, #tpu.memory_space<vmem>>
        %dma_wait3A_211 = arith.constant 0 : i32
        %dma_wait3A_212 = arith.constant 0 : i32
        %dma_wait3A_213 = tpu.memref_slice %arg10[%dma_wait3A_211, %dma_wait3A_212] : memref<100000x4xf32, #tpu.memory_space<vmem_shared>> -> memref<100000x4xf32, #tpu.memory_space<vmem_shared>>
        tpu.wait_indirect_dma semaphore(%run_scoped3A_197 : memref<!tpu.dma_semaphore, #tpu.memory_space<semaphore_mem>>) src(%dma_wait3A_207 : memref<128x4xf32, #tpu.memory_space<vmem>>) dst(%dma_wait3A_213 : memref<100000x4xf32, #tpu.memory_space<vmem_shared>>)
        tpu.yield
      }) : () -> ()
      %run_scoped3A_191 = arith.constant 13 : i32
      "tpu.region"() ({
        %run_scoped3A_197 = tpu.sem_alloc : memref<!tpu.dma_semaphore, #tpu.memory_space<semaphore_mem>>
        %dma_start3A = arith.constant 0 : i32
        %dma_start3A_198 = tpu.memref_slice %arg12[%run_scoped3A_191, %dma_start3A] : memref<16x128xi32, #tpu.memory_space<vmem>> -> memref<1x128xi32, #tpu.memory_space<vmem>>
        %dma_start3A_199 = tpu.memref_squeeze %dma_start3A_198 : memref<1x128xi32, #tpu.memory_space<vmem>> -> memref<128xi32, #tpu.memory_space<vmem>>
        %dma_start3A_200 = arith.constant 0 : i32
        %dma_start3A_201 = tpu.memref_slice %arg11[%dma_start3A_200] : memref<100000xf32, #tpu.memory_space<vmem_shared>> -> memref<100000xf32, #tpu.memory_space<vmem_shared>>
        tpu.enqueue_indirect_dma source(%arg14 : memref<128xf32, #tpu.memory_space<vmem>>) target(%dma_start3A_201 : memref<100000xf32, #tpu.memory_space<vmem_shared>>) offsets(%dma_start3A_199 : memref<128xi32, #tpu.memory_space<vmem>>) semaphore(%run_scoped3A_197 : memref<!tpu.dma_semaphore, #tpu.memory_space<semaphore_mem>>) {add = true}
        %dma_wait3A = arith.constant 0 : i32
        %dma_wait3A_202 = tpu.memref_slice %arg12[%run_scoped3A_191, %dma_wait3A] : memref<16x128xi32, #tpu.memory_space<vmem>> -> memref<1x128xi32, #tpu.memory_space<vmem>>
        %dma_wait3A_203 = tpu.memref_squeeze %dma_wait3A_202 : memref<1x128xi32, #tpu.memory_space<vmem>> -> memref<128xi32, #tpu.memory_space<vmem>>
        %dma_wait3A_204 = arith.constant 0 : i32
        %dma_wait3A_205 = tpu.memref_slice %arg11[%dma_wait3A_204] : memref<100000xf32, #tpu.memory_space<vmem_shared>> -> memref<100000xf32, #tpu.memory_space<vmem_shared>>
        tpu.wait_indirect_dma semaphore(%run_scoped3A_197 : memref<!tpu.dma_semaphore, #tpu.memory_space<semaphore_mem>>) src(%arg14 : memref<128xf32, #tpu.memory_space<vmem>>) dst(%dma_wait3A_205 : memref<100000xf32, #tpu.memory_space<vmem_shared>>)
        tpu.yield
      }) : () -> ()
      %run_scoped3A_192 = arith.constant 14 : i32
      "tpu.region"() ({
        %run_scoped3A_197 = tpu.sem_alloc : memref<!tpu.dma_semaphore, #tpu.memory_space<semaphore_mem>>
        %dma_start3A = arith.constant 1792 : i32
        %dma_start3A_198 = arith.constant 0 : i32
        %dma_start3A_199 = tpu.memref_slice %arg13[%dma_start3A, %dma_start3A_198] : memref<2048x4xf32, #tpu.memory_space<vmem>> -> memref<128x4xf32, #tpu.memory_space<vmem>>
        %dma_start3A_200 = arith.constant 0 : i32
        %dma_start3A_201 = tpu.memref_slice %arg12[%run_scoped3A_192, %dma_start3A_200] : memref<16x128xi32, #tpu.memory_space<vmem>> -> memref<1x128xi32, #tpu.memory_space<vmem>>
        %dma_start3A_202 = tpu.memref_squeeze %dma_start3A_201 : memref<1x128xi32, #tpu.memory_space<vmem>> -> memref<128xi32, #tpu.memory_space<vmem>>
        %dma_start3A_203 = arith.constant 0 : i32
        %dma_start3A_204 = arith.constant 0 : i32
        %dma_start3A_205 = tpu.memref_slice %arg10[%dma_start3A_203, %dma_start3A_204] : memref<100000x4xf32, #tpu.memory_space<vmem_shared>> -> memref<100000x4xf32, #tpu.memory_space<vmem_shared>>
        tpu.enqueue_indirect_dma source(%dma_start3A_199 : memref<128x4xf32, #tpu.memory_space<vmem>>) target(%dma_start3A_205 : memref<100000x4xf32, #tpu.memory_space<vmem_shared>>) offsets(%dma_start3A_202 : memref<128xi32, #tpu.memory_space<vmem>>) semaphore(%run_scoped3A_197 : memref<!tpu.dma_semaphore, #tpu.memory_space<semaphore_mem>>) {add = true}
        %dma_wait3A = arith.constant 1792 : i32
        %dma_wait3A_206 = arith.constant 0 : i32
        %dma_wait3A_207 = tpu.memref_slice %arg13[%dma_wait3A, %dma_wait3A_206] : memref<2048x4xf32, #tpu.memory_space<vmem>> -> memref<128x4xf32, #tpu.memory_space<vmem>>
        %dma_wait3A_208 = arith.constant 0 : i32
        %dma_wait3A_209 = tpu.memref_slice %arg12[%run_scoped3A_192, %dma_wait3A_208] : memref<16x128xi32, #tpu.memory_space<vmem>> -> memref<1x128xi32, #tpu.memory_space<vmem>>
        %dma_wait3A_210 = tpu.memref_squeeze %dma_wait3A_209 : memref<1x128xi32, #tpu.memory_space<vmem>> -> memref<128xi32, #tpu.memory_space<vmem>>
        %dma_wait3A_211 = arith.constant 0 : i32
        %dma_wait3A_212 = arith.constant 0 : i32
        %dma_wait3A_213 = tpu.memref_slice %arg10[%dma_wait3A_211, %dma_wait3A_212] : memref<100000x4xf32, #tpu.memory_space<vmem_shared>> -> memref<100000x4xf32, #tpu.memory_space<vmem_shared>>
        tpu.wait_indirect_dma semaphore(%run_scoped3A_197 : memref<!tpu.dma_semaphore, #tpu.memory_space<semaphore_mem>>) src(%dma_wait3A_207 : memref<128x4xf32, #tpu.memory_space<vmem>>) dst(%dma_wait3A_213 : memref<100000x4xf32, #tpu.memory_space<vmem_shared>>)
        tpu.yield
      }) : () -> ()
      %run_scoped3A_193 = arith.constant 14 : i32
      "tpu.region"() ({
        %run_scoped3A_197 = tpu.sem_alloc : memref<!tpu.dma_semaphore, #tpu.memory_space<semaphore_mem>>
        %dma_start3A = arith.constant 0 : i32
        %dma_start3A_198 = tpu.memref_slice %arg12[%run_scoped3A_193, %dma_start3A] : memref<16x128xi32, #tpu.memory_space<vmem>> -> memref<1x128xi32, #tpu.memory_space<vmem>>
        %dma_start3A_199 = tpu.memref_squeeze %dma_start3A_198 : memref<1x128xi32, #tpu.memory_space<vmem>> -> memref<128xi32, #tpu.memory_space<vmem>>
        %dma_start3A_200 = arith.constant 0 : i32
        %dma_start3A_201 = tpu.memref_slice %arg11[%dma_start3A_200] : memref<100000xf32, #tpu.memory_space<vmem_shared>> -> memref<100000xf32, #tpu.memory_space<vmem_shared>>
        tpu.enqueue_indirect_dma source(%arg14 : memref<128xf32, #tpu.memory_space<vmem>>) target(%dma_start3A_201 : memref<100000xf32, #tpu.memory_space<vmem_shared>>) offsets(%dma_start3A_199 : memref<128xi32, #tpu.memory_space<vmem>>) semaphore(%run_scoped3A_197 : memref<!tpu.dma_semaphore, #tpu.memory_space<semaphore_mem>>) {add = true}
        %dma_wait3A = arith.constant 0 : i32
        %dma_wait3A_202 = tpu.memref_slice %arg12[%run_scoped3A_193, %dma_wait3A] : memref<16x128xi32, #tpu.memory_space<vmem>> -> memref<1x128xi32, #tpu.memory_space<vmem>>
        %dma_wait3A_203 = tpu.memref_squeeze %dma_wait3A_202 : memref<1x128xi32, #tpu.memory_space<vmem>> -> memref<128xi32, #tpu.memory_space<vmem>>
        %dma_wait3A_204 = arith.constant 0 : i32
        %dma_wait3A_205 = tpu.memref_slice %arg11[%dma_wait3A_204] : memref<100000xf32, #tpu.memory_space<vmem_shared>> -> memref<100000xf32, #tpu.memory_space<vmem_shared>>
        tpu.wait_indirect_dma semaphore(%run_scoped3A_197 : memref<!tpu.dma_semaphore, #tpu.memory_space<semaphore_mem>>) src(%arg14 : memref<128xf32, #tpu.memory_space<vmem>>) dst(%dma_wait3A_205 : memref<100000xf32, #tpu.memory_space<vmem_shared>>)
        tpu.yield
      }) : () -> ()
      %run_scoped3A_194 = arith.constant 15 : i32
      "tpu.region"() ({
        %run_scoped3A_197 = tpu.sem_alloc : memref<!tpu.dma_semaphore, #tpu.memory_space<semaphore_mem>>
        %dma_start3A = arith.constant 1920 : i32
        %dma_start3A_198 = arith.constant 0 : i32
        %dma_start3A_199 = tpu.memref_slice %arg13[%dma_start3A, %dma_start3A_198] : memref<2048x4xf32, #tpu.memory_space<vmem>> -> memref<128x4xf32, #tpu.memory_space<vmem>>
        %dma_start3A_200 = arith.constant 0 : i32
        %dma_start3A_201 = tpu.memref_slice %arg12[%run_scoped3A_194, %dma_start3A_200] : memref<16x128xi32, #tpu.memory_space<vmem>> -> memref<1x128xi32, #tpu.memory_space<vmem>>
        %dma_start3A_202 = tpu.memref_squeeze %dma_start3A_201 : memref<1x128xi32, #tpu.memory_space<vmem>> -> memref<128xi32, #tpu.memory_space<vmem>>
        %dma_start3A_203 = arith.constant 0 : i32
        %dma_start3A_204 = arith.constant 0 : i32
        %dma_start3A_205 = tpu.memref_slice %arg10[%dma_start3A_203, %dma_start3A_204] : memref<100000x4xf32, #tpu.memory_space<vmem_shared>> -> memref<100000x4xf32, #tpu.memory_space<vmem_shared>>
        tpu.enqueue_indirect_dma source(%dma_start3A_199 : memref<128x4xf32, #tpu.memory_space<vmem>>) target(%dma_start3A_205 : memref<100000x4xf32, #tpu.memory_space<vmem_shared>>) offsets(%dma_start3A_202 : memref<128xi32, #tpu.memory_space<vmem>>) semaphore(%run_scoped3A_197 : memref<!tpu.dma_semaphore, #tpu.memory_space<semaphore_mem>>) {add = true}
        %dma_wait3A = arith.constant 1920 : i32
        %dma_wait3A_206 = arith.constant 0 : i32
        %dma_wait3A_207 = tpu.memref_slice %arg13[%dma_wait3A, %dma_wait3A_206] : memref<2048x4xf32, #tpu.memory_space<vmem>> -> memref<128x4xf32, #tpu.memory_space<vmem>>
        %dma_wait3A_208 = arith.constant 0 : i32
        %dma_wait3A_209 = tpu.memref_slice %arg12[%run_scoped3A_194, %dma_wait3A_208] : memref<16x128xi32, #tpu.memory_space<vmem>> -> memref<1x128xi32, #tpu.memory_space<vmem>>
        %dma_wait3A_210 = tpu.memref_squeeze %dma_wait3A_209 : memref<1x128xi32, #tpu.memory_space<vmem>> -> memref<128xi32, #tpu.memory_space<vmem>>
        %dma_wait3A_211 = arith.constant 0 : i32
        %dma_wait3A_212 = arith.constant 0 : i32
        %dma_wait3A_213 = tpu.memref_slice %arg10[%dma_wait3A_211, %dma_wait3A_212] : memref<100000x4xf32, #tpu.memory_space<vmem_shared>> -> memref<100000x4xf32, #tpu.memory_space<vmem_shared>>
        tpu.wait_indirect_dma semaphore(%run_scoped3A_197 : memref<!tpu.dma_semaphore, #tpu.memory_space<semaphore_mem>>) src(%dma_wait3A_207 : memref<128x4xf32, #tpu.memory_space<vmem>>) dst(%dma_wait3A_213 : memref<100000x4xf32, #tpu.memory_space<vmem_shared>>)
        tpu.yield
      }) : () -> ()
      %run_scoped3A_195 = arith.constant 15 : i32
      "tpu.region"() ({
        %run_scoped3A_197 = tpu.sem_alloc : memref<!tpu.dma_semaphore, #tpu.memory_space<semaphore_mem>>
        %dma_start3A = arith.constant 0 : i32
        %dma_start3A_198 = tpu.memref_slice %arg12[%run_scoped3A_195, %dma_start3A] : memref<16x128xi32, #tpu.memory_space<vmem>> -> memref<1x128xi32, #tpu.memory_space<vmem>>
        %dma_start3A_199 = tpu.memref_squeeze %dma_start3A_198 : memref<1x128xi32, #tpu.memory_space<vmem>> -> memref<128xi32, #tpu.memory_space<vmem>>
        %dma_start3A_200 = arith.constant 0 : i32
        %dma_start3A_201 = tpu.memref_slice %arg11[%dma_start3A_200] : memref<100000xf32, #tpu.memory_space<vmem_shared>> -> memref<100000xf32, #tpu.memory_space<vmem_shared>>
        tpu.enqueue_indirect_dma source(%arg14 : memref<128xf32, #tpu.memory_space<vmem>>) target(%dma_start3A_201 : memref<100000xf32, #tpu.memory_space<vmem_shared>>) offsets(%dma_start3A_199 : memref<128xi32, #tpu.memory_space<vmem>>) semaphore(%run_scoped3A_197 : memref<!tpu.dma_semaphore, #tpu.memory_space<semaphore_mem>>) {add = true}
        %dma_wait3A = arith.constant 0 : i32
        %dma_wait3A_202 = tpu.memref_slice %arg12[%run_scoped3A_195, %dma_wait3A] : memref<16x128xi32, #tpu.memory_space<vmem>> -> memref<1x128xi32, #tpu.memory_space<vmem>>
        %dma_wait3A_203 = tpu.memref_squeeze %dma_wait3A_202 : memref<1x128xi32, #tpu.memory_space<vmem>> -> memref<128xi32, #tpu.memory_space<vmem>>
        %dma_wait3A_204 = arith.constant 0 : i32
        %dma_wait3A_205 = tpu.memref_slice %arg11[%dma_wait3A_204] : memref<100000xf32, #tpu.memory_space<vmem_shared>> -> memref<100000xf32, #tpu.memory_space<vmem_shared>>
        tpu.wait_indirect_dma semaphore(%run_scoped3A_197 : memref<!tpu.dma_semaphore, #tpu.memory_space<semaphore_mem>>) src(%arg14 : memref<128xf32, #tpu.memory_space<vmem>>) dst(%dma_wait3A_205 : memref<100000xf32, #tpu.memory_space<vmem_shared>>)
        tpu.yield
      }) : () -> ()
      %while3A_196 = arith.constant 0 : i32
      scf.yield %while3A_196 : i32
    }
    %while3A_120 = arith.constant 1 : i32
    %while3A_121 = scf.for %while3A_159 = %while3A_117 to %while3A_113 step %while3A_120 iter_args(%while3A_160 = %while3A_119) -> (i32)  : i32 {
      %mul3A_161 = arith.constant 16 : i32
      %mul3A_162 = arith.muli %while3A_159, %mul3A_161 : i32
      "tpu.region"() ({
        %run_scoped3A_197 = tpu.sem_alloc : memref<!tpu.dma_semaphore, #tpu.memory_space<semaphore_mem>>
        %dma_start3A = arith.constant 0 : i32
        %dma_start3A_198 = tpu.memref_slice %arg2[%mul3A_162, %dma_start3A] : memref<50000x128xi32, #tpu.memory_space<hbm>> -> memref<16x128xi32, #tpu.memory_space<hbm>>
        %dma_start3A_199 = arith.constant 0 : i32
        %dma_start3A_200 = tpu.memref_slice %arg2[%mul3A_162, %dma_start3A_199] : memref<50000x128xi32, #tpu.memory_space<hbm>> -> memref<16x128xi32, #tpu.memory_space<hbm>>
        tpu.enqueue_dma source(%dma_start3A_200 : memref<16x128xi32, #tpu.memory_space<hbm>>) target(%arg12 : memref<16x128xi32, #tpu.memory_space<vmem>>) target_semaphore(%run_scoped3A_197 : memref<!tpu.dma_semaphore, #tpu.memory_space<semaphore_mem>>)
        %dma_wait3A = arith.constant 0 : i32
        %dma_wait3A_201 = tpu.memref_slice %arg2[%mul3A_162, %dma_wait3A] : memref<50000x128xi32, #tpu.memory_space<hbm>> -> memref<16x128xi32, #tpu.memory_space<hbm>>
        %dma_wait3A_202 = arith.constant 0 : i32
        %dma_wait3A_203 = tpu.memref_slice %arg2[%mul3A_162, %dma_wait3A_202] : memref<50000x128xi32, #tpu.memory_space<hbm>> -> memref<16x128xi32, #tpu.memory_space<hbm>>
        tpu.wait_dma2 semaphore(%run_scoped3A_197 : memref<!tpu.dma_semaphore, #tpu.memory_space<semaphore_mem>>) src(%dma_wait3A_203 : memref<16x128xi32, #tpu.memory_space<hbm>>) dst(%arg12 : memref<16x128xi32, #tpu.memory_space<vmem>>)
        tpu.yield
      }) : () -> ()
      %mul3A_163 = arith.constant 2048 : i32
      %mul3A_164 = arith.muli %while3A_159, %mul3A_163 : i32
      "tpu.region"() ({
        %run_scoped3A_197 = tpu.sem_alloc : memref<!tpu.dma_semaphore, #tpu.memory_space<semaphore_mem>>
        %dma_start3A = arith.constant 0 : i32
        %dma_start3A_198 = tpu.memref_slice %arg3[%mul3A_164, %dma_start3A] : memref<6400000x4xf32, #tpu.memory_space<hbm>> -> memref<2048x4xf32, #tpu.memory_space<hbm>>
        %dma_start3A_199 = arith.constant 0 : i32
        %dma_start3A_200 = tpu.memref_slice %arg3[%mul3A_164, %dma_start3A_199] : memref<6400000x4xf32, #tpu.memory_space<hbm>> -> memref<2048x4xf32, #tpu.memory_space<hbm>>
        tpu.enqueue_dma source(%dma_start3A_200 : memref<2048x4xf32, #tpu.memory_space<hbm>>) target(%arg13 : memref<2048x4xf32, #tpu.memory_space<vmem>>) target_semaphore(%run_scoped3A_197 : memref<!tpu.dma_semaphore, #tpu.memory_space<semaphore_mem>>)
        %dma_wait3A = arith.constant 0 : i32
        %dma_wait3A_201 = tpu.memref_slice %arg3[%mul3A_164, %dma_wait3A] : memref<6400000x4xf32, #tpu.memory_space<hbm>> -> memref<2048x4xf32, #tpu.memory_space<hbm>>
        %dma_wait3A_202 = arith.constant 0 : i32
        %dma_wait3A_203 = tpu.memref_slice %arg3[%mul3A_164, %dma_wait3A_202] : memref<6400000x4xf32, #tpu.memory_space<hbm>> -> memref<2048x4xf32, #tpu.memory_space<hbm>>
        tpu.wait_dma2 semaphore(%run_scoped3A_197 : memref<!tpu.dma_semaphore, #tpu.memory_space<semaphore_mem>>) src(%dma_wait3A_203 : memref<2048x4xf32, #tpu.memory_space<hbm>>) dst(%arg13 : memref<2048x4xf32, #tpu.memory_space<vmem>>)
        tpu.yield
      }) : () -> ()
      %run_scoped3A = arith.constant 0 : i32
      "tpu.region"() ({
        %run_scoped3A_197 = tpu.sem_alloc : memref<!tpu.dma_semaphore, #tpu.memory_space<semaphore_mem>>
        %dma_start3A = arith.constant 0 : i32
        %dma_start3A_198 = arith.constant 0 : i32
        %dma_start3A_199 = tpu.memref_slice %arg13[%dma_start3A, %dma_start3A_198] : memref<2048x4xf32, #tpu.memory_space<vmem>> -> memref<128x4xf32, #tpu.memory_space<vmem>>
        %dma_start3A_200 = arith.constant 0 : i32
        %dma_start3A_201 = tpu.memref_slice %arg12[%run_scoped3A, %dma_start3A_200] : memref<16x128xi32, #tpu.memory_space<vmem>> -> memref<1x128xi32, #tpu.memory_space<vmem>>
        %dma_start3A_202 = tpu.memref_squeeze %dma_start3A_201 : memref<1x128xi32, #tpu.memory_space<vmem>> -> memref<128xi32, #tpu.memory_space<vmem>>
        %dma_start3A_203 = arith.constant 0 : i32
        %dma_start3A_204 = arith.constant 0 : i32
        %dma_start3A_205 = tpu.memref_slice %arg10[%dma_start3A_203, %dma_start3A_204] : memref<100000x4xf32, #tpu.memory_space<vmem_shared>> -> memref<100000x4xf32, #tpu.memory_space<vmem_shared>>
        tpu.enqueue_indirect_dma source(%dma_start3A_199 : memref<128x4xf32, #tpu.memory_space<vmem>>) target(%dma_start3A_205 : memref<100000x4xf32, #tpu.memory_space<vmem_shared>>) offsets(%dma_start3A_202 : memref<128xi32, #tpu.memory_space<vmem>>) semaphore(%run_scoped3A_197 : memref<!tpu.dma_semaphore, #tpu.memory_space<semaphore_mem>>) {add = true}
        %dma_wait3A = arith.constant 0 : i32
        %dma_wait3A_206 = arith.constant 0 : i32
        %dma_wait3A_207 = tpu.memref_slice %arg13[%dma_wait3A, %dma_wait3A_206] : memref<2048x4xf32, #tpu.memory_space<vmem>> -> memref<128x4xf32, #tpu.memory_space<vmem>>
        %dma_wait3A_208 = arith.constant 0 : i32
        %dma_wait3A_209 = tpu.memref_slice %arg12[%run_scoped3A, %dma_wait3A_208] : memref<16x128xi32, #tpu.memory_space<vmem>> -> memref<1x128xi32, #tpu.memory_space<vmem>>
        %dma_wait3A_210 = tpu.memref_squeeze %dma_wait3A_209 : memref<1x128xi32, #tpu.memory_space<vmem>> -> memref<128xi32, #tpu.memory_space<vmem>>
        %dma_wait3A_211 = arith.constant 0 : i32
        %dma_wait3A_212 = arith.constant 0 : i32
        %dma_wait3A_213 = tpu.memref_slice %arg10[%dma_wait3A_211, %dma_wait3A_212] : memref<100000x4xf32, #tpu.memory_space<vmem_shared>> -> memref<100000x4xf32, #tpu.memory_space<vmem_shared>>
        tpu.wait_indirect_dma semaphore(%run_scoped3A_197 : memref<!tpu.dma_semaphore, #tpu.memory_space<semaphore_mem>>) src(%dma_wait3A_207 : memref<128x4xf32, #tpu.memory_space<vmem>>) dst(%dma_wait3A_213 : memref<100000x4xf32, #tpu.memory_space<vmem_shared>>)
        tpu.yield
      }) : () -> ()
      %run_scoped3A_165 = arith.constant 0 : i32
      "tpu.region"() ({
        %run_scoped3A_197 = tpu.sem_alloc : memref<!tpu.dma_semaphore, #tpu.memory_space<semaphore_mem>>
        %dma_start3A = arith.constant 0 : i32
        %dma_start3A_198 = tpu.memref_slice %arg12[%run_scoped3A_165, %dma_start3A] : memref<16x128xi32, #tpu.memory_space<vmem>> -> memref<1x128xi32, #tpu.memory_space<vmem>>
        %dma_start3A_199 = tpu.memref_squeeze %dma_start3A_198 : memref<1x128xi32, #tpu.memory_space<vmem>> -> memref<128xi32, #tpu.memory_space<vmem>>
        %dma_start3A_200 = arith.constant 0 : i32
        %dma_start3A_201 = tpu.memref_slice %arg11[%dma_start3A_200] : memref<100000xf32, #tpu.memory_space<vmem_shared>> -> memref<100000xf32, #tpu.memory_space<vmem_shared>>
        tpu.enqueue_indirect_dma source(%arg14 : memref<128xf32, #tpu.memory_space<vmem>>) target(%dma_start3A_201 : memref<100000xf32, #tpu.memory_space<vmem_shared>>) offsets(%dma_start3A_199 : memref<128xi32, #tpu.memory_space<vmem>>) semaphore(%run_scoped3A_197 : memref<!tpu.dma_semaphore, #tpu.memory_space<semaphore_mem>>) {add = true}
        %dma_wait3A = arith.constant 0 : i32
        %dma_wait3A_202 = tpu.memref_slice %arg12[%run_scoped3A_165, %dma_wait3A] : memref<16x128xi32, #tpu.memory_space<vmem>> -> memref<1x128xi32, #tpu.memory_space<vmem>>
        %dma_wait3A_203 = tpu.memref_squeeze %dma_wait3A_202 : memref<1x128xi32, #tpu.memory_space<vmem>> -> memref<128xi32, #tpu.memory_space<vmem>>
        %dma_wait3A_204 = arith.constant 0 : i32
        %dma_wait3A_205 = tpu.memref_slice %arg11[%dma_wait3A_204] : memref<100000xf32, #tpu.memory_space<vmem_shared>> -> memref<100000xf32, #tpu.memory_space<vmem_shared>>
        tpu.wait_indirect_dma semaphore(%run_scoped3A_197 : memref<!tpu.dma_semaphore, #tpu.memory_space<semaphore_mem>>) src(%arg14 : memref<128xf32, #tpu.memory_space<vmem>>) dst(%dma_wait3A_205 : memref<100000xf32, #tpu.memory_space<vmem_shared>>)
        tpu.yield
      }) : () -> ()
      %run_scoped3A_166 = arith.constant 1 : i32
      "tpu.region"() ({
        %run_scoped3A_197 = tpu.sem_alloc : memref<!tpu.dma_semaphore, #tpu.memory_space<semaphore_mem>>
        %dma_start3A = arith.constant 128 : i32
        %dma_start3A_198 = arith.constant 0 : i32
        %dma_start3A_199 = tpu.memref_slice %arg13[%dma_start3A, %dma_start3A_198] : memref<2048x4xf32, #tpu.memory_space<vmem>> -> memref<128x4xf32, #tpu.memory_space<vmem>>
        %dma_start3A_200 = arith.constant 0 : i32
        %dma_start3A_201 = tpu.memref_slice %arg12[%run_scoped3A_166, %dma_start3A_200] : memref<16x128xi32, #tpu.memory_space<vmem>> -> memref<1x128xi32, #tpu.memory_space<vmem>>
        %dma_start3A_202 = tpu.memref_squeeze %dma_start3A_201 : memref<1x128xi32, #tpu.memory_space<vmem>> -> memref<128xi32, #tpu.memory_space<vmem>>
        %dma_start3A_203 = arith.constant 0 : i32
        %dma_start3A_204 = arith.constant 0 : i32
        %dma_start3A_205 = tpu.memref_slice %arg10[%dma_start3A_203, %dma_start3A_204] : memref<100000x4xf32, #tpu.memory_space<vmem_shared>> -> memref<100000x4xf32, #tpu.memory_space<vmem_shared>>
        tpu.enqueue_indirect_dma source(%dma_start3A_199 : memref<128x4xf32, #tpu.memory_space<vmem>>) target(%dma_start3A_205 : memref<100000x4xf32, #tpu.memory_space<vmem_shared>>) offsets(%dma_start3A_202 : memref<128xi32, #tpu.memory_space<vmem>>) semaphore(%run_scoped3A_197 : memref<!tpu.dma_semaphore, #tpu.memory_space<semaphore_mem>>) {add = true}
        %dma_wait3A = arith.constant 128 : i32
        %dma_wait3A_206 = arith.constant 0 : i32
        %dma_wait3A_207 = tpu.memref_slice %arg13[%dma_wait3A, %dma_wait3A_206] : memref<2048x4xf32, #tpu.memory_space<vmem>> -> memref<128x4xf32, #tpu.memory_space<vmem>>
        %dma_wait3A_208 = arith.constant 0 : i32
        %dma_wait3A_209 = tpu.memref_slice %arg12[%run_scoped3A_166, %dma_wait3A_208] : memref<16x128xi32, #tpu.memory_space<vmem>> -> memref<1x128xi32, #tpu.memory_space<vmem>>
        %dma_wait3A_210 = tpu.memref_squeeze %dma_wait3A_209 : memref<1x128xi32, #tpu.memory_space<vmem>> -> memref<128xi32, #tpu.memory_space<vmem>>
        %dma_wait3A_211 = arith.constant 0 : i32
        %dma_wait3A_212 = arith.constant 0 : i32
        %dma_wait3A_213 = tpu.memref_slice %arg10[%dma_wait3A_211, %dma_wait3A_212] : memref<100000x4xf32, #tpu.memory_space<vmem_shared>> -> memref<100000x4xf32, #tpu.memory_space<vmem_shared>>
        tpu.wait_indirect_dma semaphore(%run_scoped3A_197 : memref<!tpu.dma_semaphore, #tpu.memory_space<semaphore_mem>>) src(%dma_wait3A_207 : memref<128x4xf32, #tpu.memory_space<vmem>>) dst(%dma_wait3A_213 : memref<100000x4xf32, #tpu.memory_space<vmem_shared>>)
        tpu.yield
      }) : () -> ()
      %run_scoped3A_167 = arith.constant 1 : i32
      "tpu.region"() ({
        %run_scoped3A_197 = tpu.sem_alloc : memref<!tpu.dma_semaphore, #tpu.memory_space<semaphore_mem>>
        %dma_start3A = arith.constant 0 : i32
        %dma_start3A_198 = tpu.memref_slice %arg12[%run_scoped3A_167, %dma_start3A] : memref<16x128xi32, #tpu.memory_space<vmem>> -> memref<1x128xi32, #tpu.memory_space<vmem>>
        %dma_start3A_199 = tpu.memref_squeeze %dma_start3A_198 : memref<1x128xi32, #tpu.memory_space<vmem>> -> memref<128xi32, #tpu.memory_space<vmem>>
        %dma_start3A_200 = arith.constant 0 : i32
        %dma_start3A_201 = tpu.memref_slice %arg11[%dma_start3A_200] : memref<100000xf32, #tpu.memory_space<vmem_shared>> -> memref<100000xf32, #tpu.memory_space<vmem_shared>>
        tpu.enqueue_indirect_dma source(%arg14 : memref<128xf32, #tpu.memory_space<vmem>>) target(%dma_start3A_201 : memref<100000xf32, #tpu.memory_space<vmem_shared>>) offsets(%dma_start3A_199 : memref<128xi32, #tpu.memory_space<vmem>>) semaphore(%run_scoped3A_197 : memref<!tpu.dma_semaphore, #tpu.memory_space<semaphore_mem>>) {add = true}
        %dma_wait3A = arith.constant 0 : i32
        %dma_wait3A_202 = tpu.memref_slice %arg12[%run_scoped3A_167, %dma_wait3A] : memref<16x128xi32, #tpu.memory_space<vmem>> -> memref<1x128xi32, #tpu.memory_space<vmem>>
        %dma_wait3A_203 = tpu.memref_squeeze %dma_wait3A_202 : memref<1x128xi32, #tpu.memory_space<vmem>> -> memref<128xi32, #tpu.memory_space<vmem>>
        %dma_wait3A_204 = arith.constant 0 : i32
        %dma_wait3A_205 = tpu.memref_slice %arg11[%dma_wait3A_204] : memref<100000xf32, #tpu.memory_space<vmem_shared>> -> memref<100000xf32, #tpu.memory_space<vmem_shared>>
        tpu.wait_indirect_dma semaphore(%run_scoped3A_197 : memref<!tpu.dma_semaphore, #tpu.memory_space<semaphore_mem>>) src(%arg14 : memref<128xf32, #tpu.memory_space<vmem>>) dst(%dma_wait3A_205 : memref<100000xf32, #tpu.memory_space<vmem_shared>>)
        tpu.yield
      }) : () -> ()
      %run_scoped3A_168 = arith.constant 2 : i32
      "tpu.region"() ({
        %run_scoped3A_197 = tpu.sem_alloc : memref<!tpu.dma_semaphore, #tpu.memory_space<semaphore_mem>>
        %dma_start3A = arith.constant 256 : i32
        %dma_start3A_198 = arith.constant 0 : i32
        %dma_start3A_199 = tpu.memref_slice %arg13[%dma_start3A, %dma_start3A_198] : memref<2048x4xf32, #tpu.memory_space<vmem>> -> memref<128x4xf32, #tpu.memory_space<vmem>>
        %dma_start3A_200 = arith.constant 0 : i32
        %dma_start3A_201 = tpu.memref_slice %arg12[%run_scoped3A_168, %dma_start3A_200] : memref<16x128xi32, #tpu.memory_space<vmem>> -> memref<1x128xi32, #tpu.memory_space<vmem>>
        %dma_start3A_202 = tpu.memref_squeeze %dma_start3A_201 : memref<1x128xi32, #tpu.memory_space<vmem>> -> memref<128xi32, #tpu.memory_space<vmem>>
        %dma_start3A_203 = arith.constant 0 : i32
        %dma_start3A_204 = arith.constant 0 : i32
        %dma_start3A_205 = tpu.memref_slice %arg10[%dma_start3A_203, %dma_start3A_204] : memref<100000x4xf32, #tpu.memory_space<vmem_shared>> -> memref<100000x4xf32, #tpu.memory_space<vmem_shared>>
        tpu.enqueue_indirect_dma source(%dma_start3A_199 : memref<128x4xf32, #tpu.memory_space<vmem>>) target(%dma_start3A_205 : memref<100000x4xf32, #tpu.memory_space<vmem_shared>>) offsets(%dma_start3A_202 : memref<128xi32, #tpu.memory_space<vmem>>) semaphore(%run_scoped3A_197 : memref<!tpu.dma_semaphore, #tpu.memory_space<semaphore_mem>>) {add = true}
        %dma_wait3A = arith.constant 256 : i32
        %dma_wait3A_206 = arith.constant 0 : i32
        %dma_wait3A_207 = tpu.memref_slice %arg13[%dma_wait3A, %dma_wait3A_206] : memref<2048x4xf32, #tpu.memory_space<vmem>> -> memref<128x4xf32, #tpu.memory_space<vmem>>
        %dma_wait3A_208 = arith.constant 0 : i32
        %dma_wait3A_209 = tpu.memref_slice %arg12[%run_scoped3A_168, %dma_wait3A_208] : memref<16x128xi32, #tpu.memory_space<vmem>> -> memref<1x128xi32, #tpu.memory_space<vmem>>
        %dma_wait3A_210 = tpu.memref_squeeze %dma_wait3A_209 : memref<1x128xi32, #tpu.memory_space<vmem>> -> memref<128xi32, #tpu.memory_space<vmem>>
        %dma_wait3A_211 = arith.constant 0 : i32
        %dma_wait3A_212 = arith.constant 0 : i32
        %dma_wait3A_213 = tpu.memref_slice %arg10[%dma_wait3A_211, %dma_wait3A_212] : memref<100000x4xf32, #tpu.memory_space<vmem_shared>> -> memref<100000x4xf32, #tpu.memory_space<vmem_shared>>
        tpu.wait_indirect_dma semaphore(%run_scoped3A_197 : memref<!tpu.dma_semaphore, #tpu.memory_space<semaphore_mem>>) src(%dma_wait3A_207 : memref<128x4xf32, #tpu.memory_space<vmem>>) dst(%dma_wait3A_213 : memref<100000x4xf32, #tpu.memory_space<vmem_shared>>)
        tpu.yield
      }) : () -> ()
      %run_scoped3A_169 = arith.constant 2 : i32
      "tpu.region"() ({
        %run_scoped3A_197 = tpu.sem_alloc : memref<!tpu.dma_semaphore, #tpu.memory_space<semaphore_mem>>
        %dma_start3A = arith.constant 0 : i32
        %dma_start3A_198 = tpu.memref_slice %arg12[%run_scoped3A_169, %dma_start3A] : memref<16x128xi32, #tpu.memory_space<vmem>> -> memref<1x128xi32, #tpu.memory_space<vmem>>
        %dma_start3A_199 = tpu.memref_squeeze %dma_start3A_198 : memref<1x128xi32, #tpu.memory_space<vmem>> -> memref<128xi32, #tpu.memory_space<vmem>>
        %dma_start3A_200 = arith.constant 0 : i32
        %dma_start3A_201 = tpu.memref_slice %arg11[%dma_start3A_200] : memref<100000xf32, #tpu.memory_space<vmem_shared>> -> memref<100000xf32, #tpu.memory_space<vmem_shared>>
        tpu.enqueue_indirect_dma source(%arg14 : memref<128xf32, #tpu.memory_space<vmem>>) target(%dma_start3A_201 : memref<100000xf32, #tpu.memory_space<vmem_shared>>) offsets(%dma_start3A_199 : memref<128xi32, #tpu.memory_space<vmem>>) semaphore(%run_scoped3A_197 : memref<!tpu.dma_semaphore, #tpu.memory_space<semaphore_mem>>) {add = true}
        %dma_wait3A = arith.constant 0 : i32
        %dma_wait3A_202 = tpu.memref_slice %arg12[%run_scoped3A_169, %dma_wait3A] : memref<16x128xi32, #tpu.memory_space<vmem>> -> memref<1x128xi32, #tpu.memory_space<vmem>>
        %dma_wait3A_203 = tpu.memref_squeeze %dma_wait3A_202 : memref<1x128xi32, #tpu.memory_space<vmem>> -> memref<128xi32, #tpu.memory_space<vmem>>
        %dma_wait3A_204 = arith.constant 0 : i32
        %dma_wait3A_205 = tpu.memref_slice %arg11[%dma_wait3A_204] : memref<100000xf32, #tpu.memory_space<vmem_shared>> -> memref<100000xf32, #tpu.memory_space<vmem_shared>>
        tpu.wait_indirect_dma semaphore(%run_scoped3A_197 : memref<!tpu.dma_semaphore, #tpu.memory_space<semaphore_mem>>) src(%arg14 : memref<128xf32, #tpu.memory_space<vmem>>) dst(%dma_wait3A_205 : memref<100000xf32, #tpu.memory_space<vmem_shared>>)
        tpu.yield
      }) : () -> ()
      %run_scoped3A_170 = arith.constant 3 : i32
      "tpu.region"() ({
        %run_scoped3A_197 = tpu.sem_alloc : memref<!tpu.dma_semaphore, #tpu.memory_space<semaphore_mem>>
        %dma_start3A = arith.constant 384 : i32
        %dma_start3A_198 = arith.constant 0 : i32
        %dma_start3A_199 = tpu.memref_slice %arg13[%dma_start3A, %dma_start3A_198] : memref<2048x4xf32, #tpu.memory_space<vmem>> -> memref<128x4xf32, #tpu.memory_space<vmem>>
        %dma_start3A_200 = arith.constant 0 : i32
        %dma_start3A_201 = tpu.memref_slice %arg12[%run_scoped3A_170, %dma_start3A_200] : memref<16x128xi32, #tpu.memory_space<vmem>> -> memref<1x128xi32, #tpu.memory_space<vmem>>
        %dma_start3A_202 = tpu.memref_squeeze %dma_start3A_201 : memref<1x128xi32, #tpu.memory_space<vmem>> -> memref<128xi32, #tpu.memory_space<vmem>>
        %dma_start3A_203 = arith.constant 0 : i32
        %dma_start3A_204 = arith.constant 0 : i32
        %dma_start3A_205 = tpu.memref_slice %arg10[%dma_start3A_203, %dma_start3A_204] : memref<100000x4xf32, #tpu.memory_space<vmem_shared>> -> memref<100000x4xf32, #tpu.memory_space<vmem_shared>>
        tpu.enqueue_indirect_dma source(%dma_start3A_199 : memref<128x4xf32, #tpu.memory_space<vmem>>) target(%dma_start3A_205 : memref<100000x4xf32, #tpu.memory_space<vmem_shared>>) offsets(%dma_start3A_202 : memref<128xi32, #tpu.memory_space<vmem>>) semaphore(%run_scoped3A_197 : memref<!tpu.dma_semaphore, #tpu.memory_space<semaphore_mem>>) {add = true}
        %dma_wait3A = arith.constant 384 : i32
        %dma_wait3A_206 = arith.constant 0 : i32
        %dma_wait3A_207 = tpu.memref_slice %arg13[%dma_wait3A, %dma_wait3A_206] : memref<2048x4xf32, #tpu.memory_space<vmem>> -> memref<128x4xf32, #tpu.memory_space<vmem>>
        %dma_wait3A_208 = arith.constant 0 : i32
        %dma_wait3A_209 = tpu.memref_slice %arg12[%run_scoped3A_170, %dma_wait3A_208] : memref<16x128xi32, #tpu.memory_space<vmem>> -> memref<1x128xi32, #tpu.memory_space<vmem>>
        %dma_wait3A_210 = tpu.memref_squeeze %dma_wait3A_209 : memref<1x128xi32, #tpu.memory_space<vmem>> -> memref<128xi32, #tpu.memory_space<vmem>>
        %dma_wait3A_211 = arith.constant 0 : i32
        %dma_wait3A_212 = arith.constant 0 : i32
        %dma_wait3A_213 = tpu.memref_slice %arg10[%dma_wait3A_211, %dma_wait3A_212] : memref<100000x4xf32, #tpu.memory_space<vmem_shared>> -> memref<100000x4xf32, #tpu.memory_space<vmem_shared>>
        tpu.wait_indirect_dma semaphore(%run_scoped3A_197 : memref<!tpu.dma_semaphore, #tpu.memory_space<semaphore_mem>>) src(%dma_wait3A_207 : memref<128x4xf32, #tpu.memory_space<vmem>>) dst(%dma_wait3A_213 : memref<100000x4xf32, #tpu.memory_space<vmem_shared>>)
        tpu.yield
      }) : () -> ()
      %run_scoped3A_171 = arith.constant 3 : i32
      "tpu.region"() ({
        %run_scoped3A_197 = tpu.sem_alloc : memref<!tpu.dma_semaphore, #tpu.memory_space<semaphore_mem>>
        %dma_start3A = arith.constant 0 : i32
        %dma_start3A_198 = tpu.memref_slice %arg12[%run_scoped3A_171, %dma_start3A] : memref<16x128xi32, #tpu.memory_space<vmem>> -> memref<1x128xi32, #tpu.memory_space<vmem>>
        %dma_start3A_199 = tpu.memref_squeeze %dma_start3A_198 : memref<1x128xi32, #tpu.memory_space<vmem>> -> memref<128xi32, #tpu.memory_space<vmem>>
        %dma_start3A_200 = arith.constant 0 : i32
        %dma_start3A_201 = tpu.memref_slice %arg11[%dma_start3A_200] : memref<100000xf32, #tpu.memory_space<vmem_shared>> -> memref<100000xf32, #tpu.memory_space<vmem_shared>>
        tpu.enqueue_indirect_dma source(%arg14 : memref<128xf32, #tpu.memory_space<vmem>>) target(%dma_start3A_201 : memref<100000xf32, #tpu.memory_space<vmem_shared>>) offsets(%dma_start3A_199 : memref<128xi32, #tpu.memory_space<vmem>>) semaphore(%run_scoped3A_197 : memref<!tpu.dma_semaphore, #tpu.memory_space<semaphore_mem>>) {add = true}
        %dma_wait3A = arith.constant 0 : i32
        %dma_wait3A_202 = tpu.memref_slice %arg12[%run_scoped3A_171, %dma_wait3A] : memref<16x128xi32, #tpu.memory_space<vmem>> -> memref<1x128xi32, #tpu.memory_space<vmem>>
        %dma_wait3A_203 = tpu.memref_squeeze %dma_wait3A_202 : memref<1x128xi32, #tpu.memory_space<vmem>> -> memref<128xi32, #tpu.memory_space<vmem>>
        %dma_wait3A_204 = arith.constant 0 : i32
        %dma_wait3A_205 = tpu.memref_slice %arg11[%dma_wait3A_204] : memref<100000xf32, #tpu.memory_space<vmem_shared>> -> memref<100000xf32, #tpu.memory_space<vmem_shared>>
        tpu.wait_indirect_dma semaphore(%run_scoped3A_197 : memref<!tpu.dma_semaphore, #tpu.memory_space<semaphore_mem>>) src(%arg14 : memref<128xf32, #tpu.memory_space<vmem>>) dst(%dma_wait3A_205 : memref<100000xf32, #tpu.memory_space<vmem_shared>>)
        tpu.yield
      }) : () -> ()
      %run_scoped3A_172 = arith.constant 4 : i32
      "tpu.region"() ({
        %run_scoped3A_197 = tpu.sem_alloc : memref<!tpu.dma_semaphore, #tpu.memory_space<semaphore_mem>>
        %dma_start3A = arith.constant 512 : i32
        %dma_start3A_198 = arith.constant 0 : i32
        %dma_start3A_199 = tpu.memref_slice %arg13[%dma_start3A, %dma_start3A_198] : memref<2048x4xf32, #tpu.memory_space<vmem>> -> memref<128x4xf32, #tpu.memory_space<vmem>>
        %dma_start3A_200 = arith.constant 0 : i32
        %dma_start3A_201 = tpu.memref_slice %arg12[%run_scoped3A_172, %dma_start3A_200] : memref<16x128xi32, #tpu.memory_space<vmem>> -> memref<1x128xi32, #tpu.memory_space<vmem>>
        %dma_start3A_202 = tpu.memref_squeeze %dma_start3A_201 : memref<1x128xi32, #tpu.memory_space<vmem>> -> memref<128xi32, #tpu.memory_space<vmem>>
        %dma_start3A_203 = arith.constant 0 : i32
        %dma_start3A_204 = arith.constant 0 : i32
        %dma_start3A_205 = tpu.memref_slice %arg10[%dma_start3A_203, %dma_start3A_204] : memref<100000x4xf32, #tpu.memory_space<vmem_shared>> -> memref<100000x4xf32, #tpu.memory_space<vmem_shared>>
        tpu.enqueue_indirect_dma source(%dma_start3A_199 : memref<128x4xf32, #tpu.memory_space<vmem>>) target(%dma_start3A_205 : memref<100000x4xf32, #tpu.memory_space<vmem_shared>>) offsets(%dma_start3A_202 : memref<128xi32, #tpu.memory_space<vmem>>) semaphore(%run_scoped3A_197 : memref<!tpu.dma_semaphore, #tpu.memory_space<semaphore_mem>>) {add = true}
        %dma_wait3A = arith.constant 512 : i32
        %dma_wait3A_206 = arith.constant 0 : i32
        %dma_wait3A_207 = tpu.memref_slice %arg13[%dma_wait3A, %dma_wait3A_206] : memref<2048x4xf32, #tpu.memory_space<vmem>> -> memref<128x4xf32, #tpu.memory_space<vmem>>
        %dma_wait3A_208 = arith.constant 0 : i32
        %dma_wait3A_209 = tpu.memref_slice %arg12[%run_scoped3A_172, %dma_wait3A_208] : memref<16x128xi32, #tpu.memory_space<vmem>> -> memref<1x128xi32, #tpu.memory_space<vmem>>
        %dma_wait3A_210 = tpu.memref_squeeze %dma_wait3A_209 : memref<1x128xi32, #tpu.memory_space<vmem>> -> memref<128xi32, #tpu.memory_space<vmem>>
        %dma_wait3A_211 = arith.constant 0 : i32
        %dma_wait3A_212 = arith.constant 0 : i32
        %dma_wait3A_213 = tpu.memref_slice %arg10[%dma_wait3A_211, %dma_wait3A_212] : memref<100000x4xf32, #tpu.memory_space<vmem_shared>> -> memref<100000x4xf32, #tpu.memory_space<vmem_shared>>
        tpu.wait_indirect_dma semaphore(%run_scoped3A_197 : memref<!tpu.dma_semaphore, #tpu.memory_space<semaphore_mem>>) src(%dma_wait3A_207 : memref<128x4xf32, #tpu.memory_space<vmem>>) dst(%dma_wait3A_213 : memref<100000x4xf32, #tpu.memory_space<vmem_shared>>)
        tpu.yield
      }) : () -> ()
      %run_scoped3A_173 = arith.constant 4 : i32
      "tpu.region"() ({
        %run_scoped3A_197 = tpu.sem_alloc : memref<!tpu.dma_semaphore, #tpu.memory_space<semaphore_mem>>
        %dma_start3A = arith.constant 0 : i32
        %dma_start3A_198 = tpu.memref_slice %arg12[%run_scoped3A_173, %dma_start3A] : memref<16x128xi32, #tpu.memory_space<vmem>> -> memref<1x128xi32, #tpu.memory_space<vmem>>
        %dma_start3A_199 = tpu.memref_squeeze %dma_start3A_198 : memref<1x128xi32, #tpu.memory_space<vmem>> -> memref<128xi32, #tpu.memory_space<vmem>>
        %dma_start3A_200 = arith.constant 0 : i32
        %dma_start3A_201 = tpu.memref_slice %arg11[%dma_start3A_200] : memref<100000xf32, #tpu.memory_space<vmem_shared>> -> memref<100000xf32, #tpu.memory_space<vmem_shared>>
        tpu.enqueue_indirect_dma source(%arg14 : memref<128xf32, #tpu.memory_space<vmem>>) target(%dma_start3A_201 : memref<100000xf32, #tpu.memory_space<vmem_shared>>) offsets(%dma_start3A_199 : memref<128xi32, #tpu.memory_space<vmem>>) semaphore(%run_scoped3A_197 : memref<!tpu.dma_semaphore, #tpu.memory_space<semaphore_mem>>) {add = true}
        %dma_wait3A = arith.constant 0 : i32
        %dma_wait3A_202 = tpu.memref_slice %arg12[%run_scoped3A_173, %dma_wait3A] : memref<16x128xi32, #tpu.memory_space<vmem>> -> memref<1x128xi32, #tpu.memory_space<vmem>>
        %dma_wait3A_203 = tpu.memref_squeeze %dma_wait3A_202 : memref<1x128xi32, #tpu.memory_space<vmem>> -> memref<128xi32, #tpu.memory_space<vmem>>
        %dma_wait3A_204 = arith.constant 0 : i32
        %dma_wait3A_205 = tpu.memref_slice %arg11[%dma_wait3A_204] : memref<100000xf32, #tpu.memory_space<vmem_shared>> -> memref<100000xf32, #tpu.memory_space<vmem_shared>>
        tpu.wait_indirect_dma semaphore(%run_scoped3A_197 : memref<!tpu.dma_semaphore, #tpu.memory_space<semaphore_mem>>) src(%arg14 : memref<128xf32, #tpu.memory_space<vmem>>) dst(%dma_wait3A_205 : memref<100000xf32, #tpu.memory_space<vmem_shared>>)
        tpu.yield
      }) : () -> ()
      %run_scoped3A_174 = arith.constant 5 : i32
      "tpu.region"() ({
        %run_scoped3A_197 = tpu.sem_alloc : memref<!tpu.dma_semaphore, #tpu.memory_space<semaphore_mem>>
        %dma_start3A = arith.constant 640 : i32
        %dma_start3A_198 = arith.constant 0 : i32
        %dma_start3A_199 = tpu.memref_slice %arg13[%dma_start3A, %dma_start3A_198] : memref<2048x4xf32, #tpu.memory_space<vmem>> -> memref<128x4xf32, #tpu.memory_space<vmem>>
        %dma_start3A_200 = arith.constant 0 : i32
        %dma_start3A_201 = tpu.memref_slice %arg12[%run_scoped3A_174, %dma_start3A_200] : memref<16x128xi32, #tpu.memory_space<vmem>> -> memref<1x128xi32, #tpu.memory_space<vmem>>
        %dma_start3A_202 = tpu.memref_squeeze %dma_start3A_201 : memref<1x128xi32, #tpu.memory_space<vmem>> -> memref<128xi32, #tpu.memory_space<vmem>>
        %dma_start3A_203 = arith.constant 0 : i32
        %dma_start3A_204 = arith.constant 0 : i32
        %dma_start3A_205 = tpu.memref_slice %arg10[%dma_start3A_203, %dma_start3A_204] : memref<100000x4xf32, #tpu.memory_space<vmem_shared>> -> memref<100000x4xf32, #tpu.memory_space<vmem_shared>>
        tpu.enqueue_indirect_dma source(%dma_start3A_199 : memref<128x4xf32, #tpu.memory_space<vmem>>) target(%dma_start3A_205 : memref<100000x4xf32, #tpu.memory_space<vmem_shared>>) offsets(%dma_start3A_202 : memref<128xi32, #tpu.memory_space<vmem>>) semaphore(%run_scoped3A_197 : memref<!tpu.dma_semaphore, #tpu.memory_space<semaphore_mem>>) {add = true}
        %dma_wait3A = arith.constant 640 : i32
        %dma_wait3A_206 = arith.constant 0 : i32
        %dma_wait3A_207 = tpu.memref_slice %arg13[%dma_wait3A, %dma_wait3A_206] : memref<2048x4xf32, #tpu.memory_space<vmem>> -> memref<128x4xf32, #tpu.memory_space<vmem>>
        %dma_wait3A_208 = arith.constant 0 : i32
        %dma_wait3A_209 = tpu.memref_slice %arg12[%run_scoped3A_174, %dma_wait3A_208] : memref<16x128xi32, #tpu.memory_space<vmem>> -> memref<1x128xi32, #tpu.memory_space<vmem>>
        %dma_wait3A_210 = tpu.memref_squeeze %dma_wait3A_209 : memref<1x128xi32, #tpu.memory_space<vmem>> -> memref<128xi32, #tpu.memory_space<vmem>>
        %dma_wait3A_211 = arith.constant 0 : i32
        %dma_wait3A_212 = arith.constant 0 : i32
        %dma_wait3A_213 = tpu.memref_slice %arg10[%dma_wait3A_211, %dma_wait3A_212] : memref<100000x4xf32, #tpu.memory_space<vmem_shared>> -> memref<100000x4xf32, #tpu.memory_space<vmem_shared>>
        tpu.wait_indirect_dma semaphore(%run_scoped3A_197 : memref<!tpu.dma_semaphore, #tpu.memory_space<semaphore_mem>>) src(%dma_wait3A_207 : memref<128x4xf32, #tpu.memory_space<vmem>>) dst(%dma_wait3A_213 : memref<100000x4xf32, #tpu.memory_space<vmem_shared>>)
        tpu.yield
      }) : () -> ()
      %run_scoped3A_175 = arith.constant 5 : i32
      "tpu.region"() ({
        %run_scoped3A_197 = tpu.sem_alloc : memref<!tpu.dma_semaphore, #tpu.memory_space<semaphore_mem>>
        %dma_start3A = arith.constant 0 : i32
        %dma_start3A_198 = tpu.memref_slice %arg12[%run_scoped3A_175, %dma_start3A] : memref<16x128xi32, #tpu.memory_space<vmem>> -> memref<1x128xi32, #tpu.memory_space<vmem>>
        %dma_start3A_199 = tpu.memref_squeeze %dma_start3A_198 : memref<1x128xi32, #tpu.memory_space<vmem>> -> memref<128xi32, #tpu.memory_space<vmem>>
        %dma_start3A_200 = arith.constant 0 : i32
        %dma_start3A_201 = tpu.memref_slice %arg11[%dma_start3A_200] : memref<100000xf32, #tpu.memory_space<vmem_shared>> -> memref<100000xf32, #tpu.memory_space<vmem_shared>>
        tpu.enqueue_indirect_dma source(%arg14 : memref<128xf32, #tpu.memory_space<vmem>>) target(%dma_start3A_201 : memref<100000xf32, #tpu.memory_space<vmem_shared>>) offsets(%dma_start3A_199 : memref<128xi32, #tpu.memory_space<vmem>>) semaphore(%run_scoped3A_197 : memref<!tpu.dma_semaphore, #tpu.memory_space<semaphore_mem>>) {add = true}
        %dma_wait3A = arith.constant 0 : i32
        %dma_wait3A_202 = tpu.memref_slice %arg12[%run_scoped3A_175, %dma_wait3A] : memref<16x128xi32, #tpu.memory_space<vmem>> -> memref<1x128xi32, #tpu.memory_space<vmem>>
        %dma_wait3A_203 = tpu.memref_squeeze %dma_wait3A_202 : memref<1x128xi32, #tpu.memory_space<vmem>> -> memref<128xi32, #tpu.memory_space<vmem>>
        %dma_wait3A_204 = arith.constant 0 : i32
        %dma_wait3A_205 = tpu.memref_slice %arg11[%dma_wait3A_204] : memref<100000xf32, #tpu.memory_space<vmem_shared>> -> memref<100000xf32, #tpu.memory_space<vmem_shared>>
        tpu.wait_indirect_dma semaphore(%run_scoped3A_197 : memref<!tpu.dma_semaphore, #tpu.memory_space<semaphore_mem>>) src(%arg14 : memref<128xf32, #tpu.memory_space<vmem>>) dst(%dma_wait3A_205 : memref<100000xf32, #tpu.memory_space<vmem_shared>>)
        tpu.yield
      }) : () -> ()
      %run_scoped3A_176 = arith.constant 6 : i32
      "tpu.region"() ({
        %run_scoped3A_197 = tpu.sem_alloc : memref<!tpu.dma_semaphore, #tpu.memory_space<semaphore_mem>>
        %dma_start3A = arith.constant 768 : i32
        %dma_start3A_198 = arith.constant 0 : i32
        %dma_start3A_199 = tpu.memref_slice %arg13[%dma_start3A, %dma_start3A_198] : memref<2048x4xf32, #tpu.memory_space<vmem>> -> memref<128x4xf32, #tpu.memory_space<vmem>>
        %dma_start3A_200 = arith.constant 0 : i32
        %dma_start3A_201 = tpu.memref_slice %arg12[%run_scoped3A_176, %dma_start3A_200] : memref<16x128xi32, #tpu.memory_space<vmem>> -> memref<1x128xi32, #tpu.memory_space<vmem>>
        %dma_start3A_202 = tpu.memref_squeeze %dma_start3A_201 : memref<1x128xi32, #tpu.memory_space<vmem>> -> memref<128xi32, #tpu.memory_space<vmem>>
        %dma_start3A_203 = arith.constant 0 : i32
        %dma_start3A_204 = arith.constant 0 : i32
        %dma_start3A_205 = tpu.memref_slice %arg10[%dma_start3A_203, %dma_start3A_204] : memref<100000x4xf32, #tpu.memory_space<vmem_shared>> -> memref<100000x4xf32, #tpu.memory_space<vmem_shared>>
        tpu.enqueue_indirect_dma source(%dma_start3A_199 : memref<128x4xf32, #tpu.memory_space<vmem>>) target(%dma_start3A_205 : memref<100000x4xf32, #tpu.memory_space<vmem_shared>>) offsets(%dma_start3A_202 : memref<128xi32, #tpu.memory_space<vmem>>) semaphore(%run_scoped3A_197 : memref<!tpu.dma_semaphore, #tpu.memory_space<semaphore_mem>>) {add = true}
        %dma_wait3A = arith.constant 768 : i32
        %dma_wait3A_206 = arith.constant 0 : i32
        %dma_wait3A_207 = tpu.memref_slice %arg13[%dma_wait3A, %dma_wait3A_206] : memref<2048x4xf32, #tpu.memory_space<vmem>> -> memref<128x4xf32, #tpu.memory_space<vmem>>
        %dma_wait3A_208 = arith.constant 0 : i32
        %dma_wait3A_209 = tpu.memref_slice %arg12[%run_scoped3A_176, %dma_wait3A_208] : memref<16x128xi32, #tpu.memory_space<vmem>> -> memref<1x128xi32, #tpu.memory_space<vmem>>
        %dma_wait3A_210 = tpu.memref_squeeze %dma_wait3A_209 : memref<1x128xi32, #tpu.memory_space<vmem>> -> memref<128xi32, #tpu.memory_space<vmem>>
        %dma_wait3A_211 = arith.constant 0 : i32
        %dma_wait3A_212 = arith.constant 0 : i32
        %dma_wait3A_213 = tpu.memref_slice %arg10[%dma_wait3A_211, %dma_wait3A_212] : memref<100000x4xf32, #tpu.memory_space<vmem_shared>> -> memref<100000x4xf32, #tpu.memory_space<vmem_shared>>
        tpu.wait_indirect_dma semaphore(%run_scoped3A_197 : memref<!tpu.dma_semaphore, #tpu.memory_space<semaphore_mem>>) src(%dma_wait3A_207 : memref<128x4xf32, #tpu.memory_space<vmem>>) dst(%dma_wait3A_213 : memref<100000x4xf32, #tpu.memory_space<vmem_shared>>)
        tpu.yield
      }) : () -> ()
      %run_scoped3A_177 = arith.constant 6 : i32
      "tpu.region"() ({
        %run_scoped3A_197 = tpu.sem_alloc : memref<!tpu.dma_semaphore, #tpu.memory_space<semaphore_mem>>
        %dma_start3A = arith.constant 0 : i32
        %dma_start3A_198 = tpu.memref_slice %arg12[%run_scoped3A_177, %dma_start3A] : memref<16x128xi32, #tpu.memory_space<vmem>> -> memref<1x128xi32, #tpu.memory_space<vmem>>
        %dma_start3A_199 = tpu.memref_squeeze %dma_start3A_198 : memref<1x128xi32, #tpu.memory_space<vmem>> -> memref<128xi32, #tpu.memory_space<vmem>>
        %dma_start3A_200 = arith.constant 0 : i32
        %dma_start3A_201 = tpu.memref_slice %arg11[%dma_start3A_200] : memref<100000xf32, #tpu.memory_space<vmem_shared>> -> memref<100000xf32, #tpu.memory_space<vmem_shared>>
        tpu.enqueue_indirect_dma source(%arg14 : memref<128xf32, #tpu.memory_space<vmem>>) target(%dma_start3A_201 : memref<100000xf32, #tpu.memory_space<vmem_shared>>) offsets(%dma_start3A_199 : memref<128xi32, #tpu.memory_space<vmem>>) semaphore(%run_scoped3A_197 : memref<!tpu.dma_semaphore, #tpu.memory_space<semaphore_mem>>) {add = true}
        %dma_wait3A = arith.constant 0 : i32
        %dma_wait3A_202 = tpu.memref_slice %arg12[%run_scoped3A_177, %dma_wait3A] : memref<16x128xi32, #tpu.memory_space<vmem>> -> memref<1x128xi32, #tpu.memory_space<vmem>>
        %dma_wait3A_203 = tpu.memref_squeeze %dma_wait3A_202 : memref<1x128xi32, #tpu.memory_space<vmem>> -> memref<128xi32, #tpu.memory_space<vmem>>
        %dma_wait3A_204 = arith.constant 0 : i32
        %dma_wait3A_205 = tpu.memref_slice %arg11[%dma_wait3A_204] : memref<100000xf32, #tpu.memory_space<vmem_shared>> -> memref<100000xf32, #tpu.memory_space<vmem_shared>>
        tpu.wait_indirect_dma semaphore(%run_scoped3A_197 : memref<!tpu.dma_semaphore, #tpu.memory_space<semaphore_mem>>) src(%arg14 : memref<128xf32, #tpu.memory_space<vmem>>) dst(%dma_wait3A_205 : memref<100000xf32, #tpu.memory_space<vmem_shared>>)
        tpu.yield
      }) : () -> ()
      %run_scoped3A_178 = arith.constant 7 : i32
      "tpu.region"() ({
        %run_scoped3A_197 = tpu.sem_alloc : memref<!tpu.dma_semaphore, #tpu.memory_space<semaphore_mem>>
        %dma_start3A = arith.constant 896 : i32
        %dma_start3A_198 = arith.constant 0 : i32
        %dma_start3A_199 = tpu.memref_slice %arg13[%dma_start3A, %dma_start3A_198] : memref<2048x4xf32, #tpu.memory_space<vmem>> -> memref<128x4xf32, #tpu.memory_space<vmem>>
        %dma_start3A_200 = arith.constant 0 : i32
        %dma_start3A_201 = tpu.memref_slice %arg12[%run_scoped3A_178, %dma_start3A_200] : memref<16x128xi32, #tpu.memory_space<vmem>> -> memref<1x128xi32, #tpu.memory_space<vmem>>
        %dma_start3A_202 = tpu.memref_squeeze %dma_start3A_201 : memref<1x128xi32, #tpu.memory_space<vmem>> -> memref<128xi32, #tpu.memory_space<vmem>>
        %dma_start3A_203 = arith.constant 0 : i32
        %dma_start3A_204 = arith.constant 0 : i32
        %dma_start3A_205 = tpu.memref_slice %arg10[%dma_start3A_203, %dma_start3A_204] : memref<100000x4xf32, #tpu.memory_space<vmem_shared>> -> memref<100000x4xf32, #tpu.memory_space<vmem_shared>>
        tpu.enqueue_indirect_dma source(%dma_start3A_199 : memref<128x4xf32, #tpu.memory_space<vmem>>) target(%dma_start3A_205 : memref<100000x4xf32, #tpu.memory_space<vmem_shared>>) offsets(%dma_start3A_202 : memref<128xi32, #tpu.memory_space<vmem>>) semaphore(%run_scoped3A_197 : memref<!tpu.dma_semaphore, #tpu.memory_space<semaphore_mem>>) {add = true}
        %dma_wait3A = arith.constant 896 : i32
        %dma_wait3A_206 = arith.constant 0 : i32
        %dma_wait3A_207 = tpu.memref_slice %arg13[%dma_wait3A, %dma_wait3A_206] : memref<2048x4xf32, #tpu.memory_space<vmem>> -> memref<128x4xf32, #tpu.memory_space<vmem>>
        %dma_wait3A_208 = arith.constant 0 : i32
        %dma_wait3A_209 = tpu.memref_slice %arg12[%run_scoped3A_178, %dma_wait3A_208] : memref<16x128xi32, #tpu.memory_space<vmem>> -> memref<1x128xi32, #tpu.memory_space<vmem>>
        %dma_wait3A_210 = tpu.memref_squeeze %dma_wait3A_209 : memref<1x128xi32, #tpu.memory_space<vmem>> -> memref<128xi32, #tpu.memory_space<vmem>>
        %dma_wait3A_211 = arith.constant 0 : i32
        %dma_wait3A_212 = arith.constant 0 : i32
        %dma_wait3A_213 = tpu.memref_slice %arg10[%dma_wait3A_211, %dma_wait3A_212] : memref<100000x4xf32, #tpu.memory_space<vmem_shared>> -> memref<100000x4xf32, #tpu.memory_space<vmem_shared>>
        tpu.wait_indirect_dma semaphore(%run_scoped3A_197 : memref<!tpu.dma_semaphore, #tpu.memory_space<semaphore_mem>>) src(%dma_wait3A_207 : memref<128x4xf32, #tpu.memory_space<vmem>>) dst(%dma_wait3A_213 : memref<100000x4xf32, #tpu.memory_space<vmem_shared>>)
        tpu.yield
      }) : () -> ()
      %run_scoped3A_179 = arith.constant 7 : i32
      "tpu.region"() ({
        %run_scoped3A_197 = tpu.sem_alloc : memref<!tpu.dma_semaphore, #tpu.memory_space<semaphore_mem>>
        %dma_start3A = arith.constant 0 : i32
        %dma_start3A_198 = tpu.memref_slice %arg12[%run_scoped3A_179, %dma_start3A] : memref<16x128xi32, #tpu.memory_space<vmem>> -> memref<1x128xi32, #tpu.memory_space<vmem>>
        %dma_start3A_199 = tpu.memref_squeeze %dma_start3A_198 : memref<1x128xi32, #tpu.memory_space<vmem>> -> memref<128xi32, #tpu.memory_space<vmem>>
        %dma_start3A_200 = arith.constant 0 : i32
        %dma_start3A_201 = tpu.memref_slice %arg11[%dma_start3A_200] : memref<100000xf32, #tpu.memory_space<vmem_shared>> -> memref<100000xf32, #tpu.memory_space<vmem_shared>>
        tpu.enqueue_indirect_dma source(%arg14 : memref<128xf32, #tpu.memory_space<vmem>>) target(%dma_start3A_201 : memref<100000xf32, #tpu.memory_space<vmem_shared>>) offsets(%dma_start3A_199 : memref<128xi32, #tpu.memory_space<vmem>>) semaphore(%run_scoped3A_197 : memref<!tpu.dma_semaphore, #tpu.memory_space<semaphore_mem>>) {add = true}
        %dma_wait3A = arith.constant 0 : i32
        %dma_wait3A_202 = tpu.memref_slice %arg12[%run_scoped3A_179, %dma_wait3A] : memref<16x128xi32, #tpu.memory_space<vmem>> -> memref<1x128xi32, #tpu.memory_space<vmem>>
        %dma_wait3A_203 = tpu.memref_squeeze %dma_wait3A_202 : memref<1x128xi32, #tpu.memory_space<vmem>> -> memref<128xi32, #tpu.memory_space<vmem>>
        %dma_wait3A_204 = arith.constant 0 : i32
        %dma_wait3A_205 = tpu.memref_slice %arg11[%dma_wait3A_204] : memref<100000xf32, #tpu.memory_space<vmem_shared>> -> memref<100000xf32, #tpu.memory_space<vmem_shared>>
        tpu.wait_indirect_dma semaphore(%run_scoped3A_197 : memref<!tpu.dma_semaphore, #tpu.memory_space<semaphore_mem>>) src(%arg14 : memref<128xf32, #tpu.memory_space<vmem>>) dst(%dma_wait3A_205 : memref<100000xf32, #tpu.memory_space<vmem_shared>>)
        tpu.yield
      }) : () -> ()
      %run_scoped3A_180 = arith.constant 8 : i32
      "tpu.region"() ({
        %run_scoped3A_197 = tpu.sem_alloc : memref<!tpu.dma_semaphore, #tpu.memory_space<semaphore_mem>>
        %dma_start3A = arith.constant 1024 : i32
        %dma_start3A_198 = arith.constant 0 : i32
        %dma_start3A_199 = tpu.memref_slice %arg13[%dma_start3A, %dma_start3A_198] : memref<2048x4xf32, #tpu.memory_space<vmem>> -> memref<128x4xf32, #tpu.memory_space<vmem>>
        %dma_start3A_200 = arith.constant 0 : i32
        %dma_start3A_201 = tpu.memref_slice %arg12[%run_scoped3A_180, %dma_start3A_200] : memref<16x128xi32, #tpu.memory_space<vmem>> -> memref<1x128xi32, #tpu.memory_space<vmem>>
        %dma_start3A_202 = tpu.memref_squeeze %dma_start3A_201 : memref<1x128xi32, #tpu.memory_space<vmem>> -> memref<128xi32, #tpu.memory_space<vmem>>
        %dma_start3A_203 = arith.constant 0 : i32
        %dma_start3A_204 = arith.constant 0 : i32
        %dma_start3A_205 = tpu.memref_slice %arg10[%dma_start3A_203, %dma_start3A_204] : memref<100000x4xf32, #tpu.memory_space<vmem_shared>> -> memref<100000x4xf32, #tpu.memory_space<vmem_shared>>
        tpu.enqueue_indirect_dma source(%dma_start3A_199 : memref<128x4xf32, #tpu.memory_space<vmem>>) target(%dma_start3A_205 : memref<100000x4xf32, #tpu.memory_space<vmem_shared>>) offsets(%dma_start3A_202 : memref<128xi32, #tpu.memory_space<vmem>>) semaphore(%run_scoped3A_197 : memref<!tpu.dma_semaphore, #tpu.memory_space<semaphore_mem>>) {add = true}
        %dma_wait3A = arith.constant 1024 : i32
        %dma_wait3A_206 = arith.constant 0 : i32
        %dma_wait3A_207 = tpu.memref_slice %arg13[%dma_wait3A, %dma_wait3A_206] : memref<2048x4xf32, #tpu.memory_space<vmem>> -> memref<128x4xf32, #tpu.memory_space<vmem>>
        %dma_wait3A_208 = arith.constant 0 : i32
        %dma_wait3A_209 = tpu.memref_slice %arg12[%run_scoped3A_180, %dma_wait3A_208] : memref<16x128xi32, #tpu.memory_space<vmem>> -> memref<1x128xi32, #tpu.memory_space<vmem>>
        %dma_wait3A_210 = tpu.memref_squeeze %dma_wait3A_209 : memref<1x128xi32, #tpu.memory_space<vmem>> -> memref<128xi32, #tpu.memory_space<vmem>>
        %dma_wait3A_211 = arith.constant 0 : i32
        %dma_wait3A_212 = arith.constant 0 : i32
        %dma_wait3A_213 = tpu.memref_slice %arg10[%dma_wait3A_211, %dma_wait3A_212] : memref<100000x4xf32, #tpu.memory_space<vmem_shared>> -> memref<100000x4xf32, #tpu.memory_space<vmem_shared>>
        tpu.wait_indirect_dma semaphore(%run_scoped3A_197 : memref<!tpu.dma_semaphore, #tpu.memory_space<semaphore_mem>>) src(%dma_wait3A_207 : memref<128x4xf32, #tpu.memory_space<vmem>>) dst(%dma_wait3A_213 : memref<100000x4xf32, #tpu.memory_space<vmem_shared>>)
        tpu.yield
      }) : () -> ()
      %run_scoped3A_181 = arith.constant 8 : i32
      "tpu.region"() ({
        %run_scoped3A_197 = tpu.sem_alloc : memref<!tpu.dma_semaphore, #tpu.memory_space<semaphore_mem>>
        %dma_start3A = arith.constant 0 : i32
        %dma_start3A_198 = tpu.memref_slice %arg12[%run_scoped3A_181, %dma_start3A] : memref<16x128xi32, #tpu.memory_space<vmem>> -> memref<1x128xi32, #tpu.memory_space<vmem>>
        %dma_start3A_199 = tpu.memref_squeeze %dma_start3A_198 : memref<1x128xi32, #tpu.memory_space<vmem>> -> memref<128xi32, #tpu.memory_space<vmem>>
        %dma_start3A_200 = arith.constant 0 : i32
        %dma_start3A_201 = tpu.memref_slice %arg11[%dma_start3A_200] : memref<100000xf32, #tpu.memory_space<vmem_shared>> -> memref<100000xf32, #tpu.memory_space<vmem_shared>>
        tpu.enqueue_indirect_dma source(%arg14 : memref<128xf32, #tpu.memory_space<vmem>>) target(%dma_start3A_201 : memref<100000xf32, #tpu.memory_space<vmem_shared>>) offsets(%dma_start3A_199 : memref<128xi32, #tpu.memory_space<vmem>>) semaphore(%run_scoped3A_197 : memref<!tpu.dma_semaphore, #tpu.memory_space<semaphore_mem>>) {add = true}
        %dma_wait3A = arith.constant 0 : i32
        %dma_wait3A_202 = tpu.memref_slice %arg12[%run_scoped3A_181, %dma_wait3A] : memref<16x128xi32, #tpu.memory_space<vmem>> -> memref<1x128xi32, #tpu.memory_space<vmem>>
        %dma_wait3A_203 = tpu.memref_squeeze %dma_wait3A_202 : memref<1x128xi32, #tpu.memory_space<vmem>> -> memref<128xi32, #tpu.memory_space<vmem>>
        %dma_wait3A_204 = arith.constant 0 : i32
        %dma_wait3A_205 = tpu.memref_slice %arg11[%dma_wait3A_204] : memref<100000xf32, #tpu.memory_space<vmem_shared>> -> memref<100000xf32, #tpu.memory_space<vmem_shared>>
        tpu.wait_indirect_dma semaphore(%run_scoped3A_197 : memref<!tpu.dma_semaphore, #tpu.memory_space<semaphore_mem>>) src(%arg14 : memref<128xf32, #tpu.memory_space<vmem>>) dst(%dma_wait3A_205 : memref<100000xf32, #tpu.memory_space<vmem_shared>>)
        tpu.yield
      }) : () -> ()
      %run_scoped3A_182 = arith.constant 9 : i32
      "tpu.region"() ({
        %run_scoped3A_197 = tpu.sem_alloc : memref<!tpu.dma_semaphore, #tpu.memory_space<semaphore_mem>>
        %dma_start3A = arith.constant 1152 : i32
        %dma_start3A_198 = arith.constant 0 : i32
        %dma_start3A_199 = tpu.memref_slice %arg13[%dma_start3A, %dma_start3A_198] : memref<2048x4xf32, #tpu.memory_space<vmem>> -> memref<128x4xf32, #tpu.memory_space<vmem>>
        %dma_start3A_200 = arith.constant 0 : i32
        %dma_start3A_201 = tpu.memref_slice %arg12[%run_scoped3A_182, %dma_start3A_200] : memref<16x128xi32, #tpu.memory_space<vmem>> -> memref<1x128xi32, #tpu.memory_space<vmem>>
        %dma_start3A_202 = tpu.memref_squeeze %dma_start3A_201 : memref<1x128xi32, #tpu.memory_space<vmem>> -> memref<128xi32, #tpu.memory_space<vmem>>
        %dma_start3A_203 = arith.constant 0 : i32
        %dma_start3A_204 = arith.constant 0 : i32
        %dma_start3A_205 = tpu.memref_slice %arg10[%dma_start3A_203, %dma_start3A_204] : memref<100000x4xf32, #tpu.memory_space<vmem_shared>> -> memref<100000x4xf32, #tpu.memory_space<vmem_shared>>
        tpu.enqueue_indirect_dma source(%dma_start3A_199 : memref<128x4xf32, #tpu.memory_space<vmem>>) target(%dma_start3A_205 : memref<100000x4xf32, #tpu.memory_space<vmem_shared>>) offsets(%dma_start3A_202 : memref<128xi32, #tpu.memory_space<vmem>>) semaphore(%run_scoped3A_197 : memref<!tpu.dma_semaphore, #tpu.memory_space<semaphore_mem>>) {add = true}
        %dma_wait3A = arith.constant 1152 : i32
        %dma_wait3A_206 = arith.constant 0 : i32
        %dma_wait3A_207 = tpu.memref_slice %arg13[%dma_wait3A, %dma_wait3A_206] : memref<2048x4xf32, #tpu.memory_space<vmem>> -> memref<128x4xf32, #tpu.memory_space<vmem>>
        %dma_wait3A_208 = arith.constant 0 : i32
        %dma_wait3A_209 = tpu.memref_slice %arg12[%run_scoped3A_182, %dma_wait3A_208] : memref<16x128xi32, #tpu.memory_space<vmem>> -> memref<1x128xi32, #tpu.memory_space<vmem>>
        %dma_wait3A_210 = tpu.memref_squeeze %dma_wait3A_209 : memref<1x128xi32, #tpu.memory_space<vmem>> -> memref<128xi32, #tpu.memory_space<vmem>>
        %dma_wait3A_211 = arith.constant 0 : i32
        %dma_wait3A_212 = arith.constant 0 : i32
        %dma_wait3A_213 = tpu.memref_slice %arg10[%dma_wait3A_211, %dma_wait3A_212] : memref<100000x4xf32, #tpu.memory_space<vmem_shared>> -> memref<100000x4xf32, #tpu.memory_space<vmem_shared>>
        tpu.wait_indirect_dma semaphore(%run_scoped3A_197 : memref<!tpu.dma_semaphore, #tpu.memory_space<semaphore_mem>>) src(%dma_wait3A_207 : memref<128x4xf32, #tpu.memory_space<vmem>>) dst(%dma_wait3A_213 : memref<100000x4xf32, #tpu.memory_space<vmem_shared>>)
        tpu.yield
      }) : () -> ()
      %run_scoped3A_183 = arith.constant 9 : i32
      "tpu.region"() ({
        %run_scoped3A_197 = tpu.sem_alloc : memref<!tpu.dma_semaphore, #tpu.memory_space<semaphore_mem>>
        %dma_start3A = arith.constant 0 : i32
        %dma_start3A_198 = tpu.memref_slice %arg12[%run_scoped3A_183, %dma_start3A] : memref<16x128xi32, #tpu.memory_space<vmem>> -> memref<1x128xi32, #tpu.memory_space<vmem>>
        %dma_start3A_199 = tpu.memref_squeeze %dma_start3A_198 : memref<1x128xi32, #tpu.memory_space<vmem>> -> memref<128xi32, #tpu.memory_space<vmem>>
        %dma_start3A_200 = arith.constant 0 : i32
        %dma_start3A_201 = tpu.memref_slice %arg11[%dma_start3A_200] : memref<100000xf32, #tpu.memory_space<vmem_shared>> -> memref<100000xf32, #tpu.memory_space<vmem_shared>>
        tpu.enqueue_indirect_dma source(%arg14 : memref<128xf32, #tpu.memory_space<vmem>>) target(%dma_start3A_201 : memref<100000xf32, #tpu.memory_space<vmem_shared>>) offsets(%dma_start3A_199 : memref<128xi32, #tpu.memory_space<vmem>>) semaphore(%run_scoped3A_197 : memref<!tpu.dma_semaphore, #tpu.memory_space<semaphore_mem>>) {add = true}
        %dma_wait3A = arith.constant 0 : i32
        %dma_wait3A_202 = tpu.memref_slice %arg12[%run_scoped3A_183, %dma_wait3A] : memref<16x128xi32, #tpu.memory_space<vmem>> -> memref<1x128xi32, #tpu.memory_space<vmem>>
        %dma_wait3A_203 = tpu.memref_squeeze %dma_wait3A_202 : memref<1x128xi32, #tpu.memory_space<vmem>> -> memref<128xi32, #tpu.memory_space<vmem>>
        %dma_wait3A_204 = arith.constant 0 : i32
        %dma_wait3A_205 = tpu.memref_slice %arg11[%dma_wait3A_204] : memref<100000xf32, #tpu.memory_space<vmem_shared>> -> memref<100000xf32, #tpu.memory_space<vmem_shared>>
        tpu.wait_indirect_dma semaphore(%run_scoped3A_197 : memref<!tpu.dma_semaphore, #tpu.memory_space<semaphore_mem>>) src(%arg14 : memref<128xf32, #tpu.memory_space<vmem>>) dst(%dma_wait3A_205 : memref<100000xf32, #tpu.memory_space<vmem_shared>>)
        tpu.yield
      }) : () -> ()
      %run_scoped3A_184 = arith.constant 10 : i32
      "tpu.region"() ({
        %run_scoped3A_197 = tpu.sem_alloc : memref<!tpu.dma_semaphore, #tpu.memory_space<semaphore_mem>>
        %dma_start3A = arith.constant 1280 : i32
        %dma_start3A_198 = arith.constant 0 : i32
        %dma_start3A_199 = tpu.memref_slice %arg13[%dma_start3A, %dma_start3A_198] : memref<2048x4xf32, #tpu.memory_space<vmem>> -> memref<128x4xf32, #tpu.memory_space<vmem>>
        %dma_start3A_200 = arith.constant 0 : i32
        %dma_start3A_201 = tpu.memref_slice %arg12[%run_scoped3A_184, %dma_start3A_200] : memref<16x128xi32, #tpu.memory_space<vmem>> -> memref<1x128xi32, #tpu.memory_space<vmem>>
        %dma_start3A_202 = tpu.memref_squeeze %dma_start3A_201 : memref<1x128xi32, #tpu.memory_space<vmem>> -> memref<128xi32, #tpu.memory_space<vmem>>
        %dma_start3A_203 = arith.constant 0 : i32
        %dma_start3A_204 = arith.constant 0 : i32
        %dma_start3A_205 = tpu.memref_slice %arg10[%dma_start3A_203, %dma_start3A_204] : memref<100000x4xf32, #tpu.memory_space<vmem_shared>> -> memref<100000x4xf32, #tpu.memory_space<vmem_shared>>
        tpu.enqueue_indirect_dma source(%dma_start3A_199 : memref<128x4xf32, #tpu.memory_space<vmem>>) target(%dma_start3A_205 : memref<100000x4xf32, #tpu.memory_space<vmem_shared>>) offsets(%dma_start3A_202 : memref<128xi32, #tpu.memory_space<vmem>>) semaphore(%run_scoped3A_197 : memref<!tpu.dma_semaphore, #tpu.memory_space<semaphore_mem>>) {add = true}
        %dma_wait3A = arith.constant 1280 : i32
        %dma_wait3A_206 = arith.constant 0 : i32
        %dma_wait3A_207 = tpu.memref_slice %arg13[%dma_wait3A, %dma_wait3A_206] : memref<2048x4xf32, #tpu.memory_space<vmem>> -> memref<128x4xf32, #tpu.memory_space<vmem>>
        %dma_wait3A_208 = arith.constant 0 : i32
        %dma_wait3A_209 = tpu.memref_slice %arg12[%run_scoped3A_184, %dma_wait3A_208] : memref<16x128xi32, #tpu.memory_space<vmem>> -> memref<1x128xi32, #tpu.memory_space<vmem>>
        %dma_wait3A_210 = tpu.memref_squeeze %dma_wait3A_209 : memref<1x128xi32, #tpu.memory_space<vmem>> -> memref<128xi32, #tpu.memory_space<vmem>>
        %dma_wait3A_211 = arith.constant 0 : i32
        %dma_wait3A_212 = arith.constant 0 : i32
        %dma_wait3A_213 = tpu.memref_slice %arg10[%dma_wait3A_211, %dma_wait3A_212] : memref<100000x4xf32, #tpu.memory_space<vmem_shared>> -> memref<100000x4xf32, #tpu.memory_space<vmem_shared>>
        tpu.wait_indirect_dma semaphore(%run_scoped3A_197 : memref<!tpu.dma_semaphore, #tpu.memory_space<semaphore_mem>>) src(%dma_wait3A_207 : memref<128x4xf32, #tpu.memory_space<vmem>>) dst(%dma_wait3A_213 : memref<100000x4xf32, #tpu.memory_space<vmem_shared>>)
        tpu.yield
      }) : () -> ()
      %run_scoped3A_185 = arith.constant 10 : i32
      "tpu.region"() ({
        %run_scoped3A_197 = tpu.sem_alloc : memref<!tpu.dma_semaphore, #tpu.memory_space<semaphore_mem>>
        %dma_start3A = arith.constant 0 : i32
        %dma_start3A_198 = tpu.memref_slice %arg12[%run_scoped3A_185, %dma_start3A] : memref<16x128xi32, #tpu.memory_space<vmem>> -> memref<1x128xi32, #tpu.memory_space<vmem>>
        %dma_start3A_199 = tpu.memref_squeeze %dma_start3A_198 : memref<1x128xi32, #tpu.memory_space<vmem>> -> memref<128xi32, #tpu.memory_space<vmem>>
        %dma_start3A_200 = arith.constant 0 : i32
        %dma_start3A_201 = tpu.memref_slice %arg11[%dma_start3A_200] : memref<100000xf32, #tpu.memory_space<vmem_shared>> -> memref<100000xf32, #tpu.memory_space<vmem_shared>>
        tpu.enqueue_indirect_dma source(%arg14 : memref<128xf32, #tpu.memory_space<vmem>>) target(%dma_start3A_201 : memref<100000xf32, #tpu.memory_space<vmem_shared>>) offsets(%dma_start3A_199 : memref<128xi32, #tpu.memory_space<vmem>>) semaphore(%run_scoped3A_197 : memref<!tpu.dma_semaphore, #tpu.memory_space<semaphore_mem>>) {add = true}
        %dma_wait3A = arith.constant 0 : i32
        %dma_wait3A_202 = tpu.memref_slice %arg12[%run_scoped3A_185, %dma_wait3A] : memref<16x128xi32, #tpu.memory_space<vmem>> -> memref<1x128xi32, #tpu.memory_space<vmem>>
        %dma_wait3A_203 = tpu.memref_squeeze %dma_wait3A_202 : memref<1x128xi32, #tpu.memory_space<vmem>> -> memref<128xi32, #tpu.memory_space<vmem>>
        %dma_wait3A_204 = arith.constant 0 : i32
        %dma_wait3A_205 = tpu.memref_slice %arg11[%dma_wait3A_204] : memref<100000xf32, #tpu.memory_space<vmem_shared>> -> memref<100000xf32, #tpu.memory_space<vmem_shared>>
        tpu.wait_indirect_dma semaphore(%run_scoped3A_197 : memref<!tpu.dma_semaphore, #tpu.memory_space<semaphore_mem>>) src(%arg14 : memref<128xf32, #tpu.memory_space<vmem>>) dst(%dma_wait3A_205 : memref<100000xf32, #tpu.memory_space<vmem_shared>>)
        tpu.yield
      }) : () -> ()
      %run_scoped3A_186 = arith.constant 11 : i32
      "tpu.region"() ({
        %run_scoped3A_197 = tpu.sem_alloc : memref<!tpu.dma_semaphore, #tpu.memory_space<semaphore_mem>>
        %dma_start3A = arith.constant 1408 : i32
        %dma_start3A_198 = arith.constant 0 : i32
        %dma_start3A_199 = tpu.memref_slice %arg13[%dma_start3A, %dma_start3A_198] : memref<2048x4xf32, #tpu.memory_space<vmem>> -> memref<128x4xf32, #tpu.memory_space<vmem>>
        %dma_start3A_200 = arith.constant 0 : i32
        %dma_start3A_201 = tpu.memref_slice %arg12[%run_scoped3A_186, %dma_start3A_200] : memref<16x128xi32, #tpu.memory_space<vmem>> -> memref<1x128xi32, #tpu.memory_space<vmem>>
        %dma_start3A_202 = tpu.memref_squeeze %dma_start3A_201 : memref<1x128xi32, #tpu.memory_space<vmem>> -> memref<128xi32, #tpu.memory_space<vmem>>
        %dma_start3A_203 = arith.constant 0 : i32
        %dma_start3A_204 = arith.constant 0 : i32
        %dma_start3A_205 = tpu.memref_slice %arg10[%dma_start3A_203, %dma_start3A_204] : memref<100000x4xf32, #tpu.memory_space<vmem_shared>> -> memref<100000x4xf32, #tpu.memory_space<vmem_shared>>
        tpu.enqueue_indirect_dma source(%dma_start3A_199 : memref<128x4xf32, #tpu.memory_space<vmem>>) target(%dma_start3A_205 : memref<100000x4xf32, #tpu.memory_space<vmem_shared>>) offsets(%dma_start3A_202 : memref<128xi32, #tpu.memory_space<vmem>>) semaphore(%run_scoped3A_197 : memref<!tpu.dma_semaphore, #tpu.memory_space<semaphore_mem>>) {add = true}
        %dma_wait3A = arith.constant 1408 : i32
        %dma_wait3A_206 = arith.constant 0 : i32
        %dma_wait3A_207 = tpu.memref_slice %arg13[%dma_wait3A, %dma_wait3A_206] : memref<2048x4xf32, #tpu.memory_space<vmem>> -> memref<128x4xf32, #tpu.memory_space<vmem>>
        %dma_wait3A_208 = arith.constant 0 : i32
        %dma_wait3A_209 = tpu.memref_slice %arg12[%run_scoped3A_186, %dma_wait3A_208] : memref<16x128xi32, #tpu.memory_space<vmem>> -> memref<1x128xi32, #tpu.memory_space<vmem>>
        %dma_wait3A_210 = tpu.memref_squeeze %dma_wait3A_209 : memref<1x128xi32, #tpu.memory_space<vmem>> -> memref<128xi32, #tpu.memory_space<vmem>>
        %dma_wait3A_211 = arith.constant 0 : i32
        %dma_wait3A_212 = arith.constant 0 : i32
        %dma_wait3A_213 = tpu.memref_slice %arg10[%dma_wait3A_211, %dma_wait3A_212] : memref<100000x4xf32, #tpu.memory_space<vmem_shared>> -> memref<100000x4xf32, #tpu.memory_space<vmem_shared>>
        tpu.wait_indirect_dma semaphore(%run_scoped3A_197 : memref<!tpu.dma_semaphore, #tpu.memory_space<semaphore_mem>>) src(%dma_wait3A_207 : memref<128x4xf32, #tpu.memory_space<vmem>>) dst(%dma_wait3A_213 : memref<100000x4xf32, #tpu.memory_space<vmem_shared>>)
        tpu.yield
      }) : () -> ()
      %run_scoped3A_187 = arith.constant 11 : i32
      "tpu.region"() ({
        %run_scoped3A_197 = tpu.sem_alloc : memref<!tpu.dma_semaphore, #tpu.memory_space<semaphore_mem>>
        %dma_start3A = arith.constant 0 : i32
        %dma_start3A_198 = tpu.memref_slice %arg12[%run_scoped3A_187, %dma_start3A] : memref<16x128xi32, #tpu.memory_space<vmem>> -> memref<1x128xi32, #tpu.memory_space<vmem>>
        %dma_start3A_199 = tpu.memref_squeeze %dma_start3A_198 : memref<1x128xi32, #tpu.memory_space<vmem>> -> memref<128xi32, #tpu.memory_space<vmem>>
        %dma_start3A_200 = arith.constant 0 : i32
        %dma_start3A_201 = tpu.memref_slice %arg11[%dma_start3A_200] : memref<100000xf32, #tpu.memory_space<vmem_shared>> -> memref<100000xf32, #tpu.memory_space<vmem_shared>>
        tpu.enqueue_indirect_dma source(%arg14 : memref<128xf32, #tpu.memory_space<vmem>>) target(%dma_start3A_201 : memref<100000xf32, #tpu.memory_space<vmem_shared>>) offsets(%dma_start3A_199 : memref<128xi32, #tpu.memory_space<vmem>>) semaphore(%run_scoped3A_197 : memref<!tpu.dma_semaphore, #tpu.memory_space<semaphore_mem>>) {add = true}
        %dma_wait3A = arith.constant 0 : i32
        %dma_wait3A_202 = tpu.memref_slice %arg12[%run_scoped3A_187, %dma_wait3A] : memref<16x128xi32, #tpu.memory_space<vmem>> -> memref<1x128xi32, #tpu.memory_space<vmem>>
        %dma_wait3A_203 = tpu.memref_squeeze %dma_wait3A_202 : memref<1x128xi32, #tpu.memory_space<vmem>> -> memref<128xi32, #tpu.memory_space<vmem>>
        %dma_wait3A_204 = arith.constant 0 : i32
        %dma_wait3A_205 = tpu.memref_slice %arg11[%dma_wait3A_204] : memref<100000xf32, #tpu.memory_space<vmem_shared>> -> memref<100000xf32, #tpu.memory_space<vmem_shared>>
        tpu.wait_indirect_dma semaphore(%run_scoped3A_197 : memref<!tpu.dma_semaphore, #tpu.memory_space<semaphore_mem>>) src(%arg14 : memref<128xf32, #tpu.memory_space<vmem>>) dst(%dma_wait3A_205 : memref<100000xf32, #tpu.memory_space<vmem_shared>>)
        tpu.yield
      }) : () -> ()
      %run_scoped3A_188 = arith.constant 12 : i32
      "tpu.region"() ({
        %run_scoped3A_197 = tpu.sem_alloc : memref<!tpu.dma_semaphore, #tpu.memory_space<semaphore_mem>>
        %dma_start3A = arith.constant 1536 : i32
        %dma_start3A_198 = arith.constant 0 : i32
        %dma_start3A_199 = tpu.memref_slice %arg13[%dma_start3A, %dma_start3A_198] : memref<2048x4xf32, #tpu.memory_space<vmem>> -> memref<128x4xf32, #tpu.memory_space<vmem>>
        %dma_start3A_200 = arith.constant 0 : i32
        %dma_start3A_201 = tpu.memref_slice %arg12[%run_scoped3A_188, %dma_start3A_200] : memref<16x128xi32, #tpu.memory_space<vmem>> -> memref<1x128xi32, #tpu.memory_space<vmem>>
        %dma_start3A_202 = tpu.memref_squeeze %dma_start3A_201 : memref<1x128xi32, #tpu.memory_space<vmem>> -> memref<128xi32, #tpu.memory_space<vmem>>
        %dma_start3A_203 = arith.constant 0 : i32
        %dma_start3A_204 = arith.constant 0 : i32
        %dma_start3A_205 = tpu.memref_slice %arg10[%dma_start3A_203, %dma_start3A_204] : memref<100000x4xf32, #tpu.memory_space<vmem_shared>> -> memref<100000x4xf32, #tpu.memory_space<vmem_shared>>
        tpu.enqueue_indirect_dma source(%dma_start3A_199 : memref<128x4xf32, #tpu.memory_space<vmem>>) target(%dma_start3A_205 : memref<100000x4xf32, #tpu.memory_space<vmem_shared>>) offsets(%dma_start3A_202 : memref<128xi32, #tpu.memory_space<vmem>>) semaphore(%run_scoped3A_197 : memref<!tpu.dma_semaphore, #tpu.memory_space<semaphore_mem>>) {add = true}
        %dma_wait3A = arith.constant 1536 : i32
        %dma_wait3A_206 = arith.constant 0 : i32
        %dma_wait3A_207 = tpu.memref_slice %arg13[%dma_wait3A, %dma_wait3A_206] : memref<2048x4xf32, #tpu.memory_space<vmem>> -> memref<128x4xf32, #tpu.memory_space<vmem>>
        %dma_wait3A_208 = arith.constant 0 : i32
        %dma_wait3A_209 = tpu.memref_slice %arg12[%run_scoped3A_188, %dma_wait3A_208] : memref<16x128xi32, #tpu.memory_space<vmem>> -> memref<1x128xi32, #tpu.memory_space<vmem>>
        %dma_wait3A_210 = tpu.memref_squeeze %dma_wait3A_209 : memref<1x128xi32, #tpu.memory_space<vmem>> -> memref<128xi32, #tpu.memory_space<vmem>>
        %dma_wait3A_211 = arith.constant 0 : i32
        %dma_wait3A_212 = arith.constant 0 : i32
        %dma_wait3A_213 = tpu.memref_slice %arg10[%dma_wait3A_211, %dma_wait3A_212] : memref<100000x4xf32, #tpu.memory_space<vmem_shared>> -> memref<100000x4xf32, #tpu.memory_space<vmem_shared>>
        tpu.wait_indirect_dma semaphore(%run_scoped3A_197 : memref<!tpu.dma_semaphore, #tpu.memory_space<semaphore_mem>>) src(%dma_wait3A_207 : memref<128x4xf32, #tpu.memory_space<vmem>>) dst(%dma_wait3A_213 : memref<100000x4xf32, #tpu.memory_space<vmem_shared>>)
        tpu.yield
      }) : () -> ()
      %run_scoped3A_189 = arith.constant 12 : i32
      "tpu.region"() ({
        %run_scoped3A_197 = tpu.sem_alloc : memref<!tpu.dma_semaphore, #tpu.memory_space<semaphore_mem>>
        %dma_start3A = arith.constant 0 : i32
        %dma_start3A_198 = tpu.memref_slice %arg12[%run_scoped3A_189, %dma_start3A] : memref<16x128xi32, #tpu.memory_space<vmem>> -> memref<1x128xi32, #tpu.memory_space<vmem>>
        %dma_start3A_199 = tpu.memref_squeeze %dma_start3A_198 : memref<1x128xi32, #tpu.memory_space<vmem>> -> memref<128xi32, #tpu.memory_space<vmem>>
        %dma_start3A_200 = arith.constant 0 : i32
        %dma_start3A_201 = tpu.memref_slice %arg11[%dma_start3A_200] : memref<100000xf32, #tpu.memory_space<vmem_shared>> -> memref<100000xf32, #tpu.memory_space<vmem_shared>>
        tpu.enqueue_indirect_dma source(%arg14 : memref<128xf32, #tpu.memory_space<vmem>>) target(%dma_start3A_201 : memref<100000xf32, #tpu.memory_space<vmem_shared>>) offsets(%dma_start3A_199 : memref<128xi32, #tpu.memory_space<vmem>>) semaphore(%run_scoped3A_197 : memref<!tpu.dma_semaphore, #tpu.memory_space<semaphore_mem>>) {add = true}
        %dma_wait3A = arith.constant 0 : i32
        %dma_wait3A_202 = tpu.memref_slice %arg12[%run_scoped3A_189, %dma_wait3A] : memref<16x128xi32, #tpu.memory_space<vmem>> -> memref<1x128xi32, #tpu.memory_space<vmem>>
        %dma_wait3A_203 = tpu.memref_squeeze %dma_wait3A_202 : memref<1x128xi32, #tpu.memory_space<vmem>> -> memref<128xi32, #tpu.memory_space<vmem>>
        %dma_wait3A_204 = arith.constant 0 : i32
        %dma_wait3A_205 = tpu.memref_slice %arg11[%dma_wait3A_204] : memref<100000xf32, #tpu.memory_space<vmem_shared>> -> memref<100000xf32, #tpu.memory_space<vmem_shared>>
        tpu.wait_indirect_dma semaphore(%run_scoped3A_197 : memref<!tpu.dma_semaphore, #tpu.memory_space<semaphore_mem>>) src(%arg14 : memref<128xf32, #tpu.memory_space<vmem>>) dst(%dma_wait3A_205 : memref<100000xf32, #tpu.memory_space<vmem_shared>>)
        tpu.yield
      }) : () -> ()
      %run_scoped3A_190 = arith.constant 13 : i32
      "tpu.region"() ({
        %run_scoped3A_197 = tpu.sem_alloc : memref<!tpu.dma_semaphore, #tpu.memory_space<semaphore_mem>>
        %dma_start3A = arith.constant 1664 : i32
        %dma_start3A_198 = arith.constant 0 : i32
        %dma_start3A_199 = tpu.memref_slice %arg13[%dma_start3A, %dma_start3A_198] : memref<2048x4xf32, #tpu.memory_space<vmem>> -> memref<128x4xf32, #tpu.memory_space<vmem>>
        %dma_start3A_200 = arith.constant 0 : i32
        %dma_start3A_201 = tpu.memref_slice %arg12[%run_scoped3A_190, %dma_start3A_200] : memref<16x128xi32, #tpu.memory_space<vmem>> -> memref<1x128xi32, #tpu.memory_space<vmem>>
        %dma_start3A_202 = tpu.memref_squeeze %dma_start3A_201 : memref<1x128xi32, #tpu.memory_space<vmem>> -> memref<128xi32, #tpu.memory_space<vmem>>
        %dma_start3A_203 = arith.constant 0 : i32
        %dma_start3A_204 = arith.constant 0 : i32
        %dma_start3A_205 = tpu.memref_slice %arg10[%dma_start3A_203, %dma_start3A_204] : memref<100000x4xf32, #tpu.memory_space<vmem_shared>> -> memref<100000x4xf32, #tpu.memory_space<vmem_shared>>
        tpu.enqueue_indirect_dma source(%dma_start3A_199 : memref<128x4xf32, #tpu.memory_space<vmem>>) target(%dma_start3A_205 : memref<100000x4xf32, #tpu.memory_space<vmem_shared>>) offsets(%dma_start3A_202 : memref<128xi32, #tpu.memory_space<vmem>>) semaphore(%run_scoped3A_197 : memref<!tpu.dma_semaphore, #tpu.memory_space<semaphore_mem>>) {add = true}
        %dma_wait3A = arith.constant 1664 : i32
        %dma_wait3A_206 = arith.constant 0 : i32
        %dma_wait3A_207 = tpu.memref_slice %arg13[%dma_wait3A, %dma_wait3A_206] : memref<2048x4xf32, #tpu.memory_space<vmem>> -> memref<128x4xf32, #tpu.memory_space<vmem>>
        %dma_wait3A_208 = arith.constant 0 : i32
        %dma_wait3A_209 = tpu.memref_slice %arg12[%run_scoped3A_190, %dma_wait3A_208] : memref<16x128xi32, #tpu.memory_space<vmem>> -> memref<1x128xi32, #tpu.memory_space<vmem>>
        %dma_wait3A_210 = tpu.memref_squeeze %dma_wait3A_209 : memref<1x128xi32, #tpu.memory_space<vmem>> -> memref<128xi32, #tpu.memory_space<vmem>>
        %dma_wait3A_211 = arith.constant 0 : i32
        %dma_wait3A_212 = arith.constant 0 : i32
        %dma_wait3A_213 = tpu.memref_slice %arg10[%dma_wait3A_211, %dma_wait3A_212] : memref<100000x4xf32, #tpu.memory_space<vmem_shared>> -> memref<100000x4xf32, #tpu.memory_space<vmem_shared>>
        tpu.wait_indirect_dma semaphore(%run_scoped3A_197 : memref<!tpu.dma_semaphore, #tpu.memory_space<semaphore_mem>>) src(%dma_wait3A_207 : memref<128x4xf32, #tpu.memory_space<vmem>>) dst(%dma_wait3A_213 : memref<100000x4xf32, #tpu.memory_space<vmem_shared>>)
        tpu.yield
      }) : () -> ()
      %run_scoped3A_191 = arith.constant 13 : i32
      "tpu.region"() ({
        %run_scoped3A_197 = tpu.sem_alloc : memref<!tpu.dma_semaphore, #tpu.memory_space<semaphore_mem>>
        %dma_start3A = arith.constant 0 : i32
        %dma_start3A_198 = tpu.memref_slice %arg12[%run_scoped3A_191, %dma_start3A] : memref<16x128xi32, #tpu.memory_space<vmem>> -> memref<1x128xi32, #tpu.memory_space<vmem>>
        %dma_start3A_199 = tpu.memref_squeeze %dma_start3A_198 : memref<1x128xi32, #tpu.memory_space<vmem>> -> memref<128xi32, #tpu.memory_space<vmem>>
        %dma_start3A_200 = arith.constant 0 : i32
        %dma_start3A_201 = tpu.memref_slice %arg11[%dma_start3A_200] : memref<100000xf32, #tpu.memory_space<vmem_shared>> -> memref<100000xf32, #tpu.memory_space<vmem_shared>>
        tpu.enqueue_indirect_dma source(%arg14 : memref<128xf32, #tpu.memory_space<vmem>>) target(%dma_start3A_201 : memref<100000xf32, #tpu.memory_space<vmem_shared>>) offsets(%dma_start3A_199 : memref<128xi32, #tpu.memory_space<vmem>>) semaphore(%run_scoped3A_197 : memref<!tpu.dma_semaphore, #tpu.memory_space<semaphore_mem>>) {add = true}
        %dma_wait3A = arith.constant 0 : i32
        %dma_wait3A_202 = tpu.memref_slice %arg12[%run_scoped3A_191, %dma_wait3A] : memref<16x128xi32, #tpu.memory_space<vmem>> -> memref<1x128xi32, #tpu.memory_space<vmem>>
        %dma_wait3A_203 = tpu.memref_squeeze %dma_wait3A_202 : memref<1x128xi32, #tpu.memory_space<vmem>> -> memref<128xi32, #tpu.memory_space<vmem>>
        %dma_wait3A_204 = arith.constant 0 : i32
        %dma_wait3A_205 = tpu.memref_slice %arg11[%dma_wait3A_204] : memref<100000xf32, #tpu.memory_space<vmem_shared>> -> memref<100000xf32, #tpu.memory_space<vmem_shared>>
        tpu.wait_indirect_dma semaphore(%run_scoped3A_197 : memref<!tpu.dma_semaphore, #tpu.memory_space<semaphore_mem>>) src(%arg14 : memref<128xf32, #tpu.memory_space<vmem>>) dst(%dma_wait3A_205 : memref<100000xf32, #tpu.memory_space<vmem_shared>>)
        tpu.yield
      }) : () -> ()
      %run_scoped3A_192 = arith.constant 14 : i32
      "tpu.region"() ({
        %run_scoped3A_197 = tpu.sem_alloc : memref<!tpu.dma_semaphore, #tpu.memory_space<semaphore_mem>>
        %dma_start3A = arith.constant 1792 : i32
        %dma_start3A_198 = arith.constant 0 : i32
        %dma_start3A_199 = tpu.memref_slice %arg13[%dma_start3A, %dma_start3A_198] : memref<2048x4xf32, #tpu.memory_space<vmem>> -> memref<128x4xf32, #tpu.memory_space<vmem>>
        %dma_start3A_200 = arith.constant 0 : i32
        %dma_start3A_201 = tpu.memref_slice %arg12[%run_scoped3A_192, %dma_start3A_200] : memref<16x128xi32, #tpu.memory_space<vmem>> -> memref<1x128xi32, #tpu.memory_space<vmem>>
        %dma_start3A_202 = tpu.memref_squeeze %dma_start3A_201 : memref<1x128xi32, #tpu.memory_space<vmem>> -> memref<128xi32, #tpu.memory_space<vmem>>
        %dma_start3A_203 = arith.constant 0 : i32
        %dma_start3A_204 = arith.constant 0 : i32
        %dma_start3A_205 = tpu.memref_slice %arg10[%dma_start3A_203, %dma_start3A_204] : memref<100000x4xf32, #tpu.memory_space<vmem_shared>> -> memref<100000x4xf32, #tpu.memory_space<vmem_shared>>
        tpu.enqueue_indirect_dma source(%dma_start3A_199 : memref<128x4xf32, #tpu.memory_space<vmem>>) target(%dma_start3A_205 : memref<100000x4xf32, #tpu.memory_space<vmem_shared>>) offsets(%dma_start3A_202 : memref<128xi32, #tpu.memory_space<vmem>>) semaphore(%run_scoped3A_197 : memref<!tpu.dma_semaphore, #tpu.memory_space<semaphore_mem>>) {add = true}
        %dma_wait3A = arith.constant 1792 : i32
        %dma_wait3A_206 = arith.constant 0 : i32
        %dma_wait3A_207 = tpu.memref_slice %arg13[%dma_wait3A, %dma_wait3A_206] : memref<2048x4xf32, #tpu.memory_space<vmem>> -> memref<128x4xf32, #tpu.memory_space<vmem>>
        %dma_wait3A_208 = arith.constant 0 : i32
        %dma_wait3A_209 = tpu.memref_slice %arg12[%run_scoped3A_192, %dma_wait3A_208] : memref<16x128xi32, #tpu.memory_space<vmem>> -> memref<1x128xi32, #tpu.memory_space<vmem>>
        %dma_wait3A_210 = tpu.memref_squeeze %dma_wait3A_209 : memref<1x128xi32, #tpu.memory_space<vmem>> -> memref<128xi32, #tpu.memory_space<vmem>>
        %dma_wait3A_211 = arith.constant 0 : i32
        %dma_wait3A_212 = arith.constant 0 : i32
        %dma_wait3A_213 = tpu.memref_slice %arg10[%dma_wait3A_211, %dma_wait3A_212] : memref<100000x4xf32, #tpu.memory_space<vmem_shared>> -> memref<100000x4xf32, #tpu.memory_space<vmem_shared>>
        tpu.wait_indirect_dma semaphore(%run_scoped3A_197 : memref<!tpu.dma_semaphore, #tpu.memory_space<semaphore_mem>>) src(%dma_wait3A_207 : memref<128x4xf32, #tpu.memory_space<vmem>>) dst(%dma_wait3A_213 : memref<100000x4xf32, #tpu.memory_space<vmem_shared>>)
        tpu.yield
      }) : () -> ()
      %run_scoped3A_193 = arith.constant 14 : i32
      "tpu.region"() ({
        %run_scoped3A_197 = tpu.sem_alloc : memref<!tpu.dma_semaphore, #tpu.memory_space<semaphore_mem>>
        %dma_start3A = arith.constant 0 : i32
        %dma_start3A_198 = tpu.memref_slice %arg12[%run_scoped3A_193, %dma_start3A] : memref<16x128xi32, #tpu.memory_space<vmem>> -> memref<1x128xi32, #tpu.memory_space<vmem>>
        %dma_start3A_199 = tpu.memref_squeeze %dma_start3A_198 : memref<1x128xi32, #tpu.memory_space<vmem>> -> memref<128xi32, #tpu.memory_space<vmem>>
        %dma_start3A_200 = arith.constant 0 : i32
        %dma_start3A_201 = tpu.memref_slice %arg11[%dma_start3A_200] : memref<100000xf32, #tpu.memory_space<vmem_shared>> -> memref<100000xf32, #tpu.memory_space<vmem_shared>>
        tpu.enqueue_indirect_dma source(%arg14 : memref<128xf32, #tpu.memory_space<vmem>>) target(%dma_start3A_201 : memref<100000xf32, #tpu.memory_space<vmem_shared>>) offsets(%dma_start3A_199 : memref<128xi32, #tpu.memory_space<vmem>>) semaphore(%run_scoped3A_197 : memref<!tpu.dma_semaphore, #tpu.memory_space<semaphore_mem>>) {add = true}
        %dma_wait3A = arith.constant 0 : i32
        %dma_wait3A_202 = tpu.memref_slice %arg12[%run_scoped3A_193, %dma_wait3A] : memref<16x128xi32, #tpu.memory_space<vmem>> -> memref<1x128xi32, #tpu.memory_space<vmem>>
        %dma_wait3A_203 = tpu.memref_squeeze %dma_wait3A_202 : memref<1x128xi32, #tpu.memory_space<vmem>> -> memref<128xi32, #tpu.memory_space<vmem>>
        %dma_wait3A_204 = arith.constant 0 : i32
        %dma_wait3A_205 = tpu.memref_slice %arg11[%dma_wait3A_204] : memref<100000xf32, #tpu.memory_space<vmem_shared>> -> memref<100000xf32, #tpu.memory_space<vmem_shared>>
        tpu.wait_indirect_dma semaphore(%run_scoped3A_197 : memref<!tpu.dma_semaphore, #tpu.memory_space<semaphore_mem>>) src(%arg14 : memref<128xf32, #tpu.memory_space<vmem>>) dst(%dma_wait3A_205 : memref<100000xf32, #tpu.memory_space<vmem_shared>>)
        tpu.yield
      }) : () -> ()
      %run_scoped3A_194 = arith.constant 15 : i32
      "tpu.region"() ({
        %run_scoped3A_197 = tpu.sem_alloc : memref<!tpu.dma_semaphore, #tpu.memory_space<semaphore_mem>>
        %dma_start3A = arith.constant 1920 : i32
        %dma_start3A_198 = arith.constant 0 : i32
        %dma_start3A_199 = tpu.memref_slice %arg13[%dma_start3A, %dma_start3A_198] : memref<2048x4xf32, #tpu.memory_space<vmem>> -> memref<128x4xf32, #tpu.memory_space<vmem>>
        %dma_start3A_200 = arith.constant 0 : i32
        %dma_start3A_201 = tpu.memref_slice %arg12[%run_scoped3A_194, %dma_start3A_200] : memref<16x128xi32, #tpu.memory_space<vmem>> -> memref<1x128xi32, #tpu.memory_space<vmem>>
        %dma_start3A_202 = tpu.memref_squeeze %dma_start3A_201 : memref<1x128xi32, #tpu.memory_space<vmem>> -> memref<128xi32, #tpu.memory_space<vmem>>
        %dma_start3A_203 = arith.constant 0 : i32
        %dma_start3A_204 = arith.constant 0 : i32
        %dma_start3A_205 = tpu.memref_slice %arg10[%dma_start3A_203, %dma_start3A_204] : memref<100000x4xf32, #tpu.memory_space<vmem_shared>> -> memref<100000x4xf32, #tpu.memory_space<vmem_shared>>
        tpu.enqueue_indirect_dma source(%dma_start3A_199 : memref<128x4xf32, #tpu.memory_space<vmem>>) target(%dma_start3A_205 : memref<100000x4xf32, #tpu.memory_space<vmem_shared>>) offsets(%dma_start3A_202 : memref<128xi32, #tpu.memory_space<vmem>>) semaphore(%run_scoped3A_197 : memref<!tpu.dma_semaphore, #tpu.memory_space<semaphore_mem>>) {add = true}
        %dma_wait3A = arith.constant 1920 : i32
        %dma_wait3A_206 = arith.constant 0 : i32
        %dma_wait3A_207 = tpu.memref_slice %arg13[%dma_wait3A, %dma_wait3A_206] : memref<2048x4xf32, #tpu.memory_space<vmem>> -> memref<128x4xf32, #tpu.memory_space<vmem>>
        %dma_wait3A_208 = arith.constant 0 : i32
        %dma_wait3A_209 = tpu.memref_slice %arg12[%run_scoped3A_194, %dma_wait3A_208] : memref<16x128xi32, #tpu.memory_space<vmem>> -> memref<1x128xi32, #tpu.memory_space<vmem>>
        %dma_wait3A_210 = tpu.memref_squeeze %dma_wait3A_209 : memref<1x128xi32, #tpu.memory_space<vmem>> -> memref<128xi32, #tpu.memory_space<vmem>>
        %dma_wait3A_211 = arith.constant 0 : i32
        %dma_wait3A_212 = arith.constant 0 : i32
        %dma_wait3A_213 = tpu.memref_slice %arg10[%dma_wait3A_211, %dma_wait3A_212] : memref<100000x4xf32, #tpu.memory_space<vmem_shared>> -> memref<100000x4xf32, #tpu.memory_space<vmem_shared>>
        tpu.wait_indirect_dma semaphore(%run_scoped3A_197 : memref<!tpu.dma_semaphore, #tpu.memory_space<semaphore_mem>>) src(%dma_wait3A_207 : memref<128x4xf32, #tpu.memory_space<vmem>>) dst(%dma_wait3A_213 : memref<100000x4xf32, #tpu.memory_space<vmem_shared>>)
        tpu.yield
      }) : () -> ()
      %run_scoped3A_195 = arith.constant 15 : i32
      "tpu.region"() ({
        %run_scoped3A_197 = tpu.sem_alloc : memref<!tpu.dma_semaphore, #tpu.memory_space<semaphore_mem>>
        %dma_start3A = arith.constant 0 : i32
        %dma_start3A_198 = tpu.memref_slice %arg12[%run_scoped3A_195, %dma_start3A] : memref<16x128xi32, #tpu.memory_space<vmem>> -> memref<1x128xi32, #tpu.memory_space<vmem>>
        %dma_start3A_199 = tpu.memref_squeeze %dma_start3A_198 : memref<1x128xi32, #tpu.memory_space<vmem>> -> memref<128xi32, #tpu.memory_space<vmem>>
        %dma_start3A_200 = arith.constant 0 : i32
        %dma_start3A_201 = tpu.memref_slice %arg11[%dma_start3A_200] : memref<100000xf32, #tpu.memory_space<vmem_shared>> -> memref<100000xf32, #tpu.memory_space<vmem_shared>>
        tpu.enqueue_indirect_dma source(%arg14 : memref<128xf32, #tpu.memory_space<vmem>>) target(%dma_start3A_201 : memref<100000xf32, #tpu.memory_space<vmem_shared>>) offsets(%dma_start3A_199 : memref<128xi32, #tpu.memory_space<vmem>>) semaphore(%run_scoped3A_197 : memref<!tpu.dma_semaphore, #tpu.memory_space<semaphore_mem>>) {add = true}
        %dma_wait3A = arith.constant 0 : i32
        %dma_wait3A_202 = tpu.memref_slice %arg12[%run_scoped3A_195, %dma_wait3A] : memref<16x128xi32, #tpu.memory_space<vmem>> -> memref<1x128xi32, #tpu.memory_space<vmem>>
        %dma_wait3A_203 = tpu.memref_squeeze %dma_wait3A_202 : memref<1x128xi32, #tpu.memory_space<vmem>> -> memref<128xi32, #tpu.memory_space<vmem>>
        %dma_wait3A_204 = arith.constant 0 : i32
        %dma_wait3A_205 = tpu.memref_slice %arg11[%dma_wait3A_204] : memref<100000xf32, #tpu.memory_space<vmem_shared>> -> memref<100000xf32, #tpu.memory_space<vmem_shared>>
        tpu.wait_indirect_dma semaphore(%run_scoped3A_197 : memref<!tpu.dma_semaphore, #tpu.memory_space<semaphore_mem>>) src(%arg14 : memref<128xf32, #tpu.memory_space<vmem>>) dst(%dma_wait3A_205 : memref<100000xf32, #tpu.memory_space<vmem_shared>>)
        tpu.yield
      }) : () -> ()
      %while3A_196 = arith.constant 0 : i32
      scf.yield %while3A_196 : i32
    }
    %barrier3A_122 = arith.constant 0 : index
    tpu.barrier barrier_id(%barrier3A_122)
    %mul3A_123 = arith.constant 6256 : i32
    %mul3A_124 = arith.muli %arg1, %mul3A_123 : i32
    %add3A_125 = arith.constant 0 : i32
    %add3A_126 = arith.addi %mul3A_124, %add3A_125 : i32
    "tpu.region"() ({
      %run_scoped3A = tpu.sem_alloc : memref<!tpu.dma_semaphore, #tpu.memory_space<semaphore_mem>>
      %dma_start3A = arith.constant 0 : i32
      %dma_start3A_159 = tpu.memref_slice %arg10[%add3A_126, %dma_start3A] : memref<100000x4xf32, #tpu.memory_space<vmem_shared>> -> memref<2048x4xf32, #tpu.memory_space<vmem_shared>>
      %dma_start3A_160 = arith.constant 0 : i32
      %dma_start3A_161 = tpu.memref_slice %arg10[%add3A_126, %dma_start3A_160] : memref<100000x4xf32, #tpu.memory_space<vmem_shared>> -> memref<2048x4xf32, #tpu.memory_space<vmem_shared>>
      tpu.enqueue_dma source(%dma_start3A_161 : memref<2048x4xf32, #tpu.memory_space<vmem_shared>>) target(%arg13 : memref<2048x4xf32, #tpu.memory_space<vmem>>) target_semaphore(%run_scoped3A : memref<!tpu.dma_semaphore, #tpu.memory_space<semaphore_mem>>)
      %dma_wait3A = arith.constant 0 : i32
      %dma_wait3A_162 = tpu.memref_slice %arg10[%add3A_126, %dma_wait3A] : memref<100000x4xf32, #tpu.memory_space<vmem_shared>> -> memref<2048x4xf32, #tpu.memory_space<vmem_shared>>
      %dma_wait3A_163 = arith.constant 0 : i32
      %dma_wait3A_164 = tpu.memref_slice %arg10[%add3A_126, %dma_wait3A_163] : memref<100000x4xf32, #tpu.memory_space<vmem_shared>> -> memref<2048x4xf32, #tpu.memory_space<vmem_shared>>
      tpu.wait_dma2 semaphore(%run_scoped3A : memref<!tpu.dma_semaphore, #tpu.memory_space<semaphore_mem>>) src(%dma_wait3A_164 : memref<2048x4xf32, #tpu.memory_space<vmem_shared>>) dst(%arg13 : memref<2048x4xf32, #tpu.memory_space<vmem>>)
      tpu.yield
    }) : () -> ()
    %mul3A_127 = arith.constant 100000 : i32
    %mul3A_128 = arith.muli %arg0, %mul3A_127 : i32
    %add3A_129 = arith.addi %mul3A_128, %add3A_126 : i32
    "tpu.region"() ({
      %run_scoped3A = tpu.sem_alloc : memref<!tpu.dma_semaphore, #tpu.memory_space<semaphore_mem>>
      %dma_start3A = arith.constant 0 : i32
      %dma_start3A_159 = tpu.memref_slice %arg8[%add3A_129, %dma_start3A] : memref<200000x4xf32, #tpu.memory_space<hbm>> -> memref<2048x4xf32, #tpu.memory_space<hbm>>
      %dma_start3A_160 = arith.constant 0 : i32
      %dma_start3A_161 = tpu.memref_slice %arg8[%add3A_129, %dma_start3A_160] : memref<200000x4xf32, #tpu.memory_space<hbm>> -> memref<2048x4xf32, #tpu.memory_space<hbm>>
      tpu.enqueue_dma source(%arg13 : memref<2048x4xf32, #tpu.memory_space<vmem>>) target(%dma_start3A_161 : memref<2048x4xf32, #tpu.memory_space<hbm>>) target_semaphore(%run_scoped3A : memref<!tpu.dma_semaphore, #tpu.memory_space<semaphore_mem>>)
      %dma_wait3A = arith.constant 0 : i32
      %dma_wait3A_162 = tpu.memref_slice %arg8[%add3A_129, %dma_wait3A] : memref<200000x4xf32, #tpu.memory_space<hbm>> -> memref<2048x4xf32, #tpu.memory_space<hbm>>
      %dma_wait3A_163 = arith.constant 0 : i32
      %dma_wait3A_164 = tpu.memref_slice %arg8[%add3A_129, %dma_wait3A_163] : memref<200000x4xf32, #tpu.memory_space<hbm>> -> memref<2048x4xf32, #tpu.memory_space<hbm>>
      tpu.wait_dma2 semaphore(%run_scoped3A : memref<!tpu.dma_semaphore, #tpu.memory_space<semaphore_mem>>) src(%arg13 : memref<2048x4xf32, #tpu.memory_space<vmem>>) dst(%dma_wait3A_164 : memref<2048x4xf32, #tpu.memory_space<hbm>>)
      tpu.yield
    }) : () -> ()
    "tpu.region"() ({
      %run_scoped3A = tpu.sem_alloc : memref<!tpu.dma_semaphore, #tpu.memory_space<semaphore_mem>>
      %dma_start3A = tpu.memref_slice %arg11[%add3A_126] : memref<100000xf32, #tpu.memory_space<vmem_shared>> -> memref<2048xf32, #tpu.memory_space<vmem_shared>>
      %dma_start3A_159 = tpu.memref_slice %arg11[%add3A_126] : memref<100000xf32, #tpu.memory_space<vmem_shared>> -> memref<2048xf32, #tpu.memory_space<vmem_shared>>
      tpu.enqueue_dma source(%dma_start3A_159 : memref<2048xf32, #tpu.memory_space<vmem_shared>>) target(%arg17 : memref<2048xf32, #tpu.memory_space<vmem>>) target_semaphore(%run_scoped3A : memref<!tpu.dma_semaphore, #tpu.memory_space<semaphore_mem>>)
      %dma_wait3A = tpu.memref_slice %arg11[%add3A_126] : memref<100000xf32, #tpu.memory_space<vmem_shared>> -> memref<2048xf32, #tpu.memory_space<vmem_shared>>
      %dma_wait3A_160 = tpu.memref_slice %arg11[%add3A_126] : memref<100000xf32, #tpu.memory_space<vmem_shared>> -> memref<2048xf32, #tpu.memory_space<vmem_shared>>
      tpu.wait_dma2 semaphore(%run_scoped3A : memref<!tpu.dma_semaphore, #tpu.memory_space<semaphore_mem>>) src(%dma_wait3A_160 : memref<2048xf32, #tpu.memory_space<vmem_shared>>) dst(%arg17 : memref<2048xf32, #tpu.memory_space<vmem>>)
      tpu.yield
    }) : () -> ()
    %mul3A_130 = arith.constant 100000 : i32
    %mul3A_131 = arith.muli %arg0, %mul3A_130 : i32
    %add3A_132 = arith.addi %mul3A_131, %add3A_126 : i32
    "tpu.region"() ({
      %run_scoped3A = tpu.sem_alloc : memref<!tpu.dma_semaphore, #tpu.memory_space<semaphore_mem>>
      %dma_start3A = tpu.memref_slice %arg9[%add3A_132] : memref<200000xf32, #tpu.memory_space<hbm>> -> memref<2048xf32, #tpu.memory_space<hbm>>
      %dma_start3A_159 = tpu.memref_slice %arg9[%add3A_132] : memref<200000xf32, #tpu.memory_space<hbm>> -> memref<2048xf32, #tpu.memory_space<hbm>>
      tpu.enqueue_dma source(%arg17 : memref<2048xf32, #tpu.memory_space<vmem>>) target(%dma_start3A_159 : memref<2048xf32, #tpu.memory_space<hbm>>) target_semaphore(%run_scoped3A : memref<!tpu.dma_semaphore, #tpu.memory_space<semaphore_mem>>)
      %dma_wait3A = tpu.memref_slice %arg9[%add3A_132] : memref<200000xf32, #tpu.memory_space<hbm>> -> memref<2048xf32, #tpu.memory_space<hbm>>
      %dma_wait3A_160 = tpu.memref_slice %arg9[%add3A_132] : memref<200000xf32, #tpu.memory_space<hbm>> -> memref<2048xf32, #tpu.memory_space<hbm>>
      tpu.wait_dma2 semaphore(%run_scoped3A : memref<!tpu.dma_semaphore, #tpu.memory_space<semaphore_mem>>) src(%arg17 : memref<2048xf32, #tpu.memory_space<vmem>>) dst(%dma_wait3A_160 : memref<2048xf32, #tpu.memory_space<hbm>>)
      tpu.yield
    }) : () -> ()
    %mul3A_133 = arith.constant 6256 : i32
    %mul3A_134 = arith.muli %arg1, %mul3A_133 : i32
    %add3A_135 = arith.constant 2048 : i32
    %add3A_136 = arith.addi %mul3A_134, %add3A_135 : i32
    "tpu.region"() ({
      %run_scoped3A = tpu.sem_alloc : memref<!tpu.dma_semaphore, #tpu.memory_space<semaphore_mem>>
      %dma_start3A = arith.constant 0 : i32
      %dma_start3A_159 = tpu.memref_slice %arg10[%add3A_136, %dma_start3A] : memref<100000x4xf32, #tpu.memory_space<vmem_shared>> -> memref<2048x4xf32, #tpu.memory_space<vmem_shared>>
      %dma_start3A_160 = arith.constant 0 : i32
      %dma_start3A_161 = tpu.memref_slice %arg10[%add3A_136, %dma_start3A_160] : memref<100000x4xf32, #tpu.memory_space<vmem_shared>> -> memref<2048x4xf32, #tpu.memory_space<vmem_shared>>
      tpu.enqueue_dma source(%dma_start3A_161 : memref<2048x4xf32, #tpu.memory_space<vmem_shared>>) target(%arg13 : memref<2048x4xf32, #tpu.memory_space<vmem>>) target_semaphore(%run_scoped3A : memref<!tpu.dma_semaphore, #tpu.memory_space<semaphore_mem>>)
      %dma_wait3A = arith.constant 0 : i32
      %dma_wait3A_162 = tpu.memref_slice %arg10[%add3A_136, %dma_wait3A] : memref<100000x4xf32, #tpu.memory_space<vmem_shared>> -> memref<2048x4xf32, #tpu.memory_space<vmem_shared>>
      %dma_wait3A_163 = arith.constant 0 : i32
      %dma_wait3A_164 = tpu.memref_slice %arg10[%add3A_136, %dma_wait3A_163] : memref<100000x4xf32, #tpu.memory_space<vmem_shared>> -> memref<2048x4xf32, #tpu.memory_space<vmem_shared>>
      tpu.wait_dma2 semaphore(%run_scoped3A : memref<!tpu.dma_semaphore, #tpu.memory_space<semaphore_mem>>) src(%dma_wait3A_164 : memref<2048x4xf32, #tpu.memory_space<vmem_shared>>) dst(%arg13 : memref<2048x4xf32, #tpu.memory_space<vmem>>)
      tpu.yield
    }) : () -> ()
    %mul3A_137 = arith.constant 100000 : i32
    %mul3A_138 = arith.muli %arg0, %mul3A_137 : i32
    %add3A_139 = arith.addi %mul3A_138, %add3A_136 : i32
    "tpu.region"() ({
      %run_scoped3A = tpu.sem_alloc : memref<!tpu.dma_semaphore, #tpu.memory_space<semaphore_mem>>
      %dma_start3A = arith.constant 0 : i32
      %dma_start3A_159 = tpu.memref_slice %arg8[%add3A_139, %dma_start3A] : memref<200000x4xf32, #tpu.memory_space<hbm>> -> memref<2048x4xf32, #tpu.memory_space<hbm>>
      %dma_start3A_160 = arith.constant 0 : i32
      %dma_start3A_161 = tpu.memref_slice %arg8[%add3A_139, %dma_start3A_160] : memref<200000x4xf32, #tpu.memory_space<hbm>> -> memref<2048x4xf32, #tpu.memory_space<hbm>>
      tpu.enqueue_dma source(%arg13 : memref<2048x4xf32, #tpu.memory_space<vmem>>) target(%dma_start3A_161 : memref<2048x4xf32, #tpu.memory_space<hbm>>) target_semaphore(%run_scoped3A : memref<!tpu.dma_semaphore, #tpu.memory_space<semaphore_mem>>)
      %dma_wait3A = arith.constant 0 : i32
      %dma_wait3A_162 = tpu.memref_slice %arg8[%add3A_139, %dma_wait3A] : memref<200000x4xf32, #tpu.memory_space<hbm>> -> memref<2048x4xf32, #tpu.memory_space<hbm>>
      %dma_wait3A_163 = arith.constant 0 : i32
      %dma_wait3A_164 = tpu.memref_slice %arg8[%add3A_139, %dma_wait3A_163] : memref<200000x4xf32, #tpu.memory_space<hbm>> -> memref<2048x4xf32, #tpu.memory_space<hbm>>
      tpu.wait_dma2 semaphore(%run_scoped3A : memref<!tpu.dma_semaphore, #tpu.memory_space<semaphore_mem>>) src(%arg13 : memref<2048x4xf32, #tpu.memory_space<vmem>>) dst(%dma_wait3A_164 : memref<2048x4xf32, #tpu.memory_space<hbm>>)
      tpu.yield
    }) : () -> ()
    "tpu.region"() ({
      %run_scoped3A = tpu.sem_alloc : memref<!tpu.dma_semaphore, #tpu.memory_space<semaphore_mem>>
      %dma_start3A = tpu.memref_slice %arg11[%add3A_136] : memref<100000xf32, #tpu.memory_space<vmem_shared>> -> memref<2048xf32, #tpu.memory_space<vmem_shared>>
      %dma_start3A_159 = tpu.memref_slice %arg11[%add3A_136] : memref<100000xf32, #tpu.memory_space<vmem_shared>> -> memref<2048xf32, #tpu.memory_space<vmem_shared>>
      tpu.enqueue_dma source(%dma_start3A_159 : memref<2048xf32, #tpu.memory_space<vmem_shared>>) target(%arg17 : memref<2048xf32, #tpu.memory_space<vmem>>) target_semaphore(%run_scoped3A : memref<!tpu.dma_semaphore, #tpu.memory_space<semaphore_mem>>)
      %dma_wait3A = tpu.memref_slice %arg11[%add3A_136] : memref<100000xf32, #tpu.memory_space<vmem_shared>> -> memref<2048xf32, #tpu.memory_space<vmem_shared>>
      %dma_wait3A_160 = tpu.memref_slice %arg11[%add3A_136] : memref<100000xf32, #tpu.memory_space<vmem_shared>> -> memref<2048xf32, #tpu.memory_space<vmem_shared>>
      tpu.wait_dma2 semaphore(%run_scoped3A : memref<!tpu.dma_semaphore, #tpu.memory_space<semaphore_mem>>) src(%dma_wait3A_160 : memref<2048xf32, #tpu.memory_space<vmem_shared>>) dst(%arg17 : memref<2048xf32, #tpu.memory_space<vmem>>)
      tpu.yield
    }) : () -> ()
    %mul3A_140 = arith.constant 100000 : i32
    %mul3A_141 = arith.muli %arg0, %mul3A_140 : i32
    %add3A_142 = arith.addi %mul3A_141, %add3A_136 : i32
    "tpu.region"() ({
      %run_scoped3A = tpu.sem_alloc : memref<!tpu.dma_semaphore, #tpu.memory_space<semaphore_mem>>
      %dma_start3A = tpu.memref_slice %arg9[%add3A_142] : memref<200000xf32, #tpu.memory_space<hbm>> -> memref<2048xf32, #tpu.memory_space<hbm>>
      %dma_start3A_159 = tpu.memref_slice %arg9[%add3A_142] : memref<200000xf32, #tpu.memory_space<hbm>> -> memref<2048xf32, #tpu.memory_space<hbm>>
      tpu.enqueue_dma source(%arg17 : memref<2048xf32, #tpu.memory_space<vmem>>) target(%dma_start3A_159 : memref<2048xf32, #tpu.memory_space<hbm>>) target_semaphore(%run_scoped3A : memref<!tpu.dma_semaphore, #tpu.memory_space<semaphore_mem>>)
      %dma_wait3A = tpu.memref_slice %arg9[%add3A_142] : memref<200000xf32, #tpu.memory_space<hbm>> -> memref<2048xf32, #tpu.memory_space<hbm>>
      %dma_wait3A_160 = tpu.memref_slice %arg9[%add3A_142] : memref<200000xf32, #tpu.memory_space<hbm>> -> memref<2048xf32, #tpu.memory_space<hbm>>
      tpu.wait_dma2 semaphore(%run_scoped3A : memref<!tpu.dma_semaphore, #tpu.memory_space<semaphore_mem>>) src(%arg17 : memref<2048xf32, #tpu.memory_space<vmem>>) dst(%dma_wait3A_160 : memref<2048xf32, #tpu.memory_space<hbm>>)
      tpu.yield
    }) : () -> ()
    %mul3A_143 = arith.constant 6256 : i32
    %mul3A_144 = arith.muli %arg1, %mul3A_143 : i32
    %add3A_145 = arith.constant 4096 : i32
    %add3A_146 = arith.addi %mul3A_144, %add3A_145 : i32
    "tpu.region"() ({
      %run_scoped3A = tpu.sem_alloc : memref<!tpu.dma_semaphore, #tpu.memory_space<semaphore_mem>>
      %dma_start3A = arith.constant 0 : i32
      %dma_start3A_159 = tpu.memref_slice %arg10[%add3A_146, %dma_start3A] : memref<100000x4xf32, #tpu.memory_space<vmem_shared>> -> memref<2048x4xf32, #tpu.memory_space<vmem_shared>>
      %dma_start3A_160 = arith.constant 0 : i32
      %dma_start3A_161 = tpu.memref_slice %arg10[%add3A_146, %dma_start3A_160] : memref<100000x4xf32, #tpu.memory_space<vmem_shared>> -> memref<2048x4xf32, #tpu.memory_space<vmem_shared>>
      tpu.enqueue_dma source(%dma_start3A_161 : memref<2048x4xf32, #tpu.memory_space<vmem_shared>>) target(%arg13 : memref<2048x4xf32, #tpu.memory_space<vmem>>) target_semaphore(%run_scoped3A : memref<!tpu.dma_semaphore, #tpu.memory_space<semaphore_mem>>)
      %dma_wait3A = arith.constant 0 : i32
      %dma_wait3A_162 = tpu.memref_slice %arg10[%add3A_146, %dma_wait3A] : memref<100000x4xf32, #tpu.memory_space<vmem_shared>> -> memref<2048x4xf32, #tpu.memory_space<vmem_shared>>
      %dma_wait3A_163 = arith.constant 0 : i32
      %dma_wait3A_164 = tpu.memref_slice %arg10[%add3A_146, %dma_wait3A_163] : memref<100000x4xf32, #tpu.memory_space<vmem_shared>> -> memref<2048x4xf32, #tpu.memory_space<vmem_shared>>
      tpu.wait_dma2 semaphore(%run_scoped3A : memref<!tpu.dma_semaphore, #tpu.memory_space<semaphore_mem>>) src(%dma_wait3A_164 : memref<2048x4xf32, #tpu.memory_space<vmem_shared>>) dst(%arg13 : memref<2048x4xf32, #tpu.memory_space<vmem>>)
      tpu.yield
    }) : () -> ()
    %mul3A_147 = arith.constant 100000 : i32
    %mul3A_148 = arith.muli %arg0, %mul3A_147 : i32
    %add3A_149 = arith.addi %mul3A_148, %add3A_146 : i32
    "tpu.region"() ({
      %run_scoped3A = tpu.sem_alloc : memref<!tpu.dma_semaphore, #tpu.memory_space<semaphore_mem>>
      %dma_start3A = arith.constant 0 : i32
      %dma_start3A_159 = tpu.memref_slice %arg8[%add3A_149, %dma_start3A] : memref<200000x4xf32, #tpu.memory_space<hbm>> -> memref<2048x4xf32, #tpu.memory_space<hbm>>
      %dma_start3A_160 = arith.constant 0 : i32
      %dma_start3A_161 = tpu.memref_slice %arg8[%add3A_149, %dma_start3A_160] : memref<200000x4xf32, #tpu.memory_space<hbm>> -> memref<2048x4xf32, #tpu.memory_space<hbm>>
      tpu.enqueue_dma source(%arg13 : memref<2048x4xf32, #tpu.memory_space<vmem>>) target(%dma_start3A_161 : memref<2048x4xf32, #tpu.memory_space<hbm>>) target_semaphore(%run_scoped3A : memref<!tpu.dma_semaphore, #tpu.memory_space<semaphore_mem>>)
      %dma_wait3A = arith.constant 0 : i32
      %dma_wait3A_162 = tpu.memref_slice %arg8[%add3A_149, %dma_wait3A] : memref<200000x4xf32, #tpu.memory_space<hbm>> -> memref<2048x4xf32, #tpu.memory_space<hbm>>
      %dma_wait3A_163 = arith.constant 0 : i32
      %dma_wait3A_164 = tpu.memref_slice %arg8[%add3A_149, %dma_wait3A_163] : memref<200000x4xf32, #tpu.memory_space<hbm>> -> memref<2048x4xf32, #tpu.memory_space<hbm>>
      tpu.wait_dma2 semaphore(%run_scoped3A : memref<!tpu.dma_semaphore, #tpu.memory_space<semaphore_mem>>) src(%arg13 : memref<2048x4xf32, #tpu.memory_space<vmem>>) dst(%dma_wait3A_164 : memref<2048x4xf32, #tpu.memory_space<hbm>>)
      tpu.yield
    }) : () -> ()
    "tpu.region"() ({
      %run_scoped3A = tpu.sem_alloc : memref<!tpu.dma_semaphore, #tpu.memory_space<semaphore_mem>>
      %dma_start3A = tpu.memref_slice %arg11[%add3A_146] : memref<100000xf32, #tpu.memory_space<vmem_shared>> -> memref<2048xf32, #tpu.memory_space<vmem_shared>>
      %dma_start3A_159 = tpu.memref_slice %arg11[%add3A_146] : memref<100000xf32, #tpu.memory_space<vmem_shared>> -> memref<2048xf32, #tpu.memory_space<vmem_shared>>
      tpu.enqueue_dma source(%dma_start3A_159 : memref<2048xf32, #tpu.memory_space<vmem_shared>>) target(%arg17 : memref<2048xf32, #tpu.memory_space<vmem>>) target_semaphore(%run_scoped3A : memref<!tpu.dma_semaphore, #tpu.memory_space<semaphore_mem>>)
      %dma_wait3A = tpu.memref_slice %arg11[%add3A_146] : memref<100000xf32, #tpu.memory_space<vmem_shared>> -> memref<2048xf32, #tpu.memory_space<vmem_shared>>
      %dma_wait3A_160 = tpu.memref_slice %arg11[%add3A_146] : memref<100000xf32, #tpu.memory_space<vmem_shared>> -> memref<2048xf32, #tpu.memory_space<vmem_shared>>
      tpu.wait_dma2 semaphore(%run_scoped3A : memref<!tpu.dma_semaphore, #tpu.memory_space<semaphore_mem>>) src(%dma_wait3A_160 : memref<2048xf32, #tpu.memory_space<vmem_shared>>) dst(%arg17 : memref<2048xf32, #tpu.memory_space<vmem>>)
      tpu.yield
    }) : () -> ()
    %mul3A_150 = arith.constant 100000 : i32
    %mul3A_151 = arith.muli %arg0, %mul3A_150 : i32
    %add3A_152 = arith.addi %mul3A_151, %add3A_146 : i32
    "tpu.region"() ({
      %run_scoped3A = tpu.sem_alloc : memref<!tpu.dma_semaphore, #tpu.memory_space<semaphore_mem>>
      %dma_start3A = tpu.memref_slice %arg9[%add3A_152] : memref<200000xf32, #tpu.memory_space<hbm>> -> memref<2048xf32, #tpu.memory_space<hbm>>
      %dma_start3A_159 = tpu.memref_slice %arg9[%add3A_152] : memref<200000xf32, #tpu.memory_space<hbm>> -> memref<2048xf32, #tpu.memory_space<hbm>>
      tpu.enqueue_dma source(%arg17 : memref<2048xf32, #tpu.memory_space<vmem>>) target(%dma_start3A_159 : memref<2048xf32, #tpu.memory_space<hbm>>) target_semaphore(%run_scoped3A : memref<!tpu.dma_semaphore, #tpu.memory_space<semaphore_mem>>)
      %dma_wait3A = tpu.memref_slice %arg9[%add3A_152] : memref<200000xf32, #tpu.memory_space<hbm>> -> memref<2048xf32, #tpu.memory_space<hbm>>
      %dma_wait3A_160 = tpu.memref_slice %arg9[%add3A_152] : memref<200000xf32, #tpu.memory_space<hbm>> -> memref<2048xf32, #tpu.memory_space<hbm>>
      tpu.wait_dma2 semaphore(%run_scoped3A : memref<!tpu.dma_semaphore, #tpu.memory_space<semaphore_mem>>) src(%arg17 : memref<2048xf32, #tpu.memory_space<vmem>>) dst(%dma_wait3A_160 : memref<2048xf32, #tpu.memory_space<hbm>>)
      tpu.yield
    }) : () -> ()
    %lt3A = arith.constant 15 : i32
    %lt3A_153 = arith.cmpi slt, %arg1, %lt3A : i32
    %convert_element_type3A = arith.extui %lt3A_153 : i1 to i32
    %cond3A = arith.constant 0 : i32
    %cond3A_154 = arith.cmpi ne, %convert_element_type3A, %cond3A : i32
    scf.if %cond3A_154 {
      %mul3A_159 = arith.constant 6256 : i32
      %mul3A_160 = arith.muli %arg1, %mul3A_159 : i32
      %add3A_161 = arith.constant 6144 : i32
      %add3A_162 = arith.addi %mul3A_160, %add3A_161 : i32
      "tpu.region"() ({
        %run_scoped3A = tpu.sem_alloc : memref<!tpu.dma_semaphore, #tpu.memory_space<semaphore_mem>>
        %dma_start3A = arith.constant 0 : i32
        %dma_start3A_169 = arith.constant 0 : i32
        %dma_start3A_170 = tpu.memref_slice %arg13[%dma_start3A, %dma_start3A_169] : memref<2048x4xf32, #tpu.memory_space<vmem>> -> memref<112x4xf32, #tpu.memory_space<vmem>>
        %dma_start3A_171 = arith.constant 0 : i32
        %dma_start3A_172 = tpu.memref_slice %arg10[%add3A_162, %dma_start3A_171] : memref<100000x4xf32, #tpu.memory_space<vmem_shared>> -> memref<112x4xf32, #tpu.memory_space<vmem_shared>>
        %dma_start3A_173 = arith.constant 0 : i32
        %dma_start3A_174 = arith.constant 0 : i32
        %dma_start3A_175 = tpu.memref_slice %arg13[%dma_start3A_173, %dma_start3A_174] : memref<2048x4xf32, #tpu.memory_space<vmem>> -> memref<112x4xf32, #tpu.memory_space<vmem>>
        %dma_start3A_176 = arith.constant 0 : i32
        %dma_start3A_177 = tpu.memref_slice %arg10[%add3A_162, %dma_start3A_176] : memref<100000x4xf32, #tpu.memory_space<vmem_shared>> -> memref<112x4xf32, #tpu.memory_space<vmem_shared>>
        tpu.enqueue_dma source(%dma_start3A_177 : memref<112x4xf32, #tpu.memory_space<vmem_shared>>) target(%dma_start3A_175 : memref<112x4xf32, #tpu.memory_space<vmem>>) target_semaphore(%run_scoped3A : memref<!tpu.dma_semaphore, #tpu.memory_space<semaphore_mem>>)
        %dma_wait3A = arith.constant 0 : i32
        %dma_wait3A_178 = arith.constant 0 : i32
        %dma_wait3A_179 = tpu.memref_slice %arg13[%dma_wait3A, %dma_wait3A_178] : memref<2048x4xf32, #tpu.memory_space<vmem>> -> memref<112x4xf32, #tpu.memory_space<vmem>>
        %dma_wait3A_180 = arith.constant 0 : i32
        %dma_wait3A_181 = tpu.memref_slice %arg10[%add3A_162, %dma_wait3A_180] : memref<100000x4xf32, #tpu.memory_space<vmem_shared>> -> memref<112x4xf32, #tpu.memory_space<vmem_shared>>
        %dma_wait3A_182 = arith.constant 0 : i32
        %dma_wait3A_183 = arith.constant 0 : i32
        %dma_wait3A_184 = tpu.memref_slice %arg13[%dma_wait3A_182, %dma_wait3A_183] : memref<2048x4xf32, #tpu.memory_space<vmem>> -> memref<112x4xf32, #tpu.memory_space<vmem>>
        %dma_wait3A_185 = arith.constant 0 : i32
        %dma_wait3A_186 = tpu.memref_slice %arg10[%add3A_162, %dma_wait3A_185] : memref<100000x4xf32, #tpu.memory_space<vmem_shared>> -> memref<112x4xf32, #tpu.memory_space<vmem_shared>>
        tpu.wait_dma2 semaphore(%run_scoped3A : memref<!tpu.dma_semaphore, #tpu.memory_space<semaphore_mem>>) src(%dma_wait3A_186 : memref<112x4xf32, #tpu.memory_space<vmem_shared>>) dst(%dma_wait3A_184 : memref<112x4xf32, #tpu.memory_space<vmem>>)
        tpu.yield
      }) : () -> ()
      %mul3A_163 = arith.constant 100000 : i32
      %mul3A_164 = arith.muli %arg0, %mul3A_163 : i32
      %add3A_165 = arith.addi %mul3A_164, %add3A_162 : i32
      "tpu.region"() ({
        %run_scoped3A = tpu.sem_alloc : memref<!tpu.dma_semaphore, #tpu.memory_space<semaphore_mem>>
        %dma_start3A = arith.constant 0 : i32
        %dma_start3A_169 = arith.constant 0 : i32
        %dma_start3A_170 = tpu.memref_slice %arg13[%dma_start3A, %dma_start3A_169] : memref<2048x4xf32, #tpu.memory_space<vmem>> -> memref<112x4xf32, #tpu.memory_space<vmem>>
        %dma_start3A_171 = arith.constant 0 : i32
        %dma_start3A_172 = tpu.memref_slice %arg8[%add3A_165, %dma_start3A_171] : memref<200000x4xf32, #tpu.memory_space<hbm>> -> memref<112x4xf32, #tpu.memory_space<hbm>>
        %dma_start3A_173 = arith.constant 0 : i32
        %dma_start3A_174 = tpu.memref_slice %arg8[%add3A_165, %dma_start3A_173] : memref<200000x4xf32, #tpu.memory_space<hbm>> -> memref<112x4xf32, #tpu.memory_space<hbm>>
        %dma_start3A_175 = arith.constant 0 : i32
        %dma_start3A_176 = arith.constant 0 : i32
        %dma_start3A_177 = tpu.memref_slice %arg13[%dma_start3A_175, %dma_start3A_176] : memref<2048x4xf32, #tpu.memory_space<vmem>> -> memref<112x4xf32, #tpu.memory_space<vmem>>
        tpu.enqueue_dma source(%dma_start3A_177 : memref<112x4xf32, #tpu.memory_space<vmem>>) target(%dma_start3A_174 : memref<112x4xf32, #tpu.memory_space<hbm>>) target_semaphore(%run_scoped3A : memref<!tpu.dma_semaphore, #tpu.memory_space<semaphore_mem>>)
        %dma_wait3A = arith.constant 0 : i32
        %dma_wait3A_178 = arith.constant 0 : i32
        %dma_wait3A_179 = tpu.memref_slice %arg13[%dma_wait3A, %dma_wait3A_178] : memref<2048x4xf32, #tpu.memory_space<vmem>> -> memref<112x4xf32, #tpu.memory_space<vmem>>
        %dma_wait3A_180 = arith.constant 0 : i32
        %dma_wait3A_181 = tpu.memref_slice %arg8[%add3A_165, %dma_wait3A_180] : memref<200000x4xf32, #tpu.memory_space<hbm>> -> memref<112x4xf32, #tpu.memory_space<hbm>>
        %dma_wait3A_182 = arith.constant 0 : i32
        %dma_wait3A_183 = tpu.memref_slice %arg8[%add3A_165, %dma_wait3A_182] : memref<200000x4xf32, #tpu.memory_space<hbm>> -> memref<112x4xf32, #tpu.memory_space<hbm>>
        %dma_wait3A_184 = arith.constant 0 : i32
        %dma_wait3A_185 = arith.constant 0 : i32
        %dma_wait3A_186 = tpu.memref_slice %arg13[%dma_wait3A_184, %dma_wait3A_185] : memref<2048x4xf32, #tpu.memory_space<vmem>> -> memref<112x4xf32, #tpu.memory_space<vmem>>
        tpu.wait_dma2 semaphore(%run_scoped3A : memref<!tpu.dma_semaphore, #tpu.memory_space<semaphore_mem>>) src(%dma_wait3A_186 : memref<112x4xf32, #tpu.memory_space<vmem>>) dst(%dma_wait3A_183 : memref<112x4xf32, #tpu.memory_space<hbm>>)
        tpu.yield
      }) : () -> ()
      "tpu.region"() ({
        %run_scoped3A = tpu.sem_alloc : memref<!tpu.dma_semaphore, #tpu.memory_space<semaphore_mem>>
        %dma_start3A = arith.constant 0 : i32
        %dma_start3A_169 = tpu.memref_slice %arg17[%dma_start3A] : memref<2048xf32, #tpu.memory_space<vmem>> -> memref<112xf32, #tpu.memory_space<vmem>>
        %dma_start3A_170 = tpu.memref_slice %arg11[%add3A_162] : memref<100000xf32, #tpu.memory_space<vmem_shared>> -> memref<112xf32, #tpu.memory_space<vmem_shared>>
        %dma_start3A_171 = arith.constant 0 : i32
        %dma_start3A_172 = tpu.memref_slice %arg17[%dma_start3A_171] : memref<2048xf32, #tpu.memory_space<vmem>> -> memref<112xf32, #tpu.memory_space<vmem>>
        %dma_start3A_173 = tpu.memref_slice %arg11[%add3A_162] : memref<100000xf32, #tpu.memory_space<vmem_shared>> -> memref<112xf32, #tpu.memory_space<vmem_shared>>
        tpu.enqueue_dma source(%dma_start3A_173 : memref<112xf32, #tpu.memory_space<vmem_shared>>) target(%dma_start3A_172 : memref<112xf32, #tpu.memory_space<vmem>>) target_semaphore(%run_scoped3A : memref<!tpu.dma_semaphore, #tpu.memory_space<semaphore_mem>>)
        %dma_wait3A = arith.constant 0 : i32
        %dma_wait3A_174 = tpu.memref_slice %arg17[%dma_wait3A] : memref<2048xf32, #tpu.memory_space<vmem>> -> memref<112xf32, #tpu.memory_space<vmem>>
        %dma_wait3A_175 = tpu.memref_slice %arg11[%add3A_162] : memref<100000xf32, #tpu.memory_space<vmem_shared>> -> memref<112xf32, #tpu.memory_space<vmem_shared>>
        %dma_wait3A_176 = arith.constant 0 : i32
        %dma_wait3A_177 = tpu.memref_slice %arg17[%dma_wait3A_176] : memref<2048xf32, #tpu.memory_space<vmem>> -> memref<112xf32, #tpu.memory_space<vmem>>
        %dma_wait3A_178 = tpu.memref_slice %arg11[%add3A_162] : memref<100000xf32, #tpu.memory_space<vmem_shared>> -> memref<112xf32, #tpu.memory_space<vmem_shared>>
        tpu.wait_dma2 semaphore(%run_scoped3A : memref<!tpu.dma_semaphore, #tpu.memory_space<semaphore_mem>>) src(%dma_wait3A_178 : memref<112xf32, #tpu.memory_space<vmem_shared>>) dst(%dma_wait3A_177 : memref<112xf32, #tpu.memory_space<vmem>>)
        tpu.yield
      }) : () -> ()
      %mul3A_166 = arith.constant 100000 : i32
      %mul3A_167 = arith.muli %arg0, %mul3A_166 : i32
      %add3A_168 = arith.addi %mul3A_167, %add3A_162 : i32
      "tpu.region"() ({
        %run_scoped3A = tpu.sem_alloc : memref<!tpu.dma_semaphore, #tpu.memory_space<semaphore_mem>>
        %dma_start3A = arith.constant 0 : i32
        %dma_start3A_169 = tpu.memref_slice %arg17[%dma_start3A] : memref<2048xf32, #tpu.memory_space<vmem>> -> memref<112xf32, #tpu.memory_space<vmem>>
        %dma_start3A_170 = tpu.memref_slice %arg9[%add3A_168] : memref<200000xf32, #tpu.memory_space<hbm>> -> memref<112xf32, #tpu.memory_space<hbm>>
        %dma_start3A_171 = tpu.memref_slice %arg9[%add3A_168] : memref<200000xf32, #tpu.memory_space<hbm>> -> memref<112xf32, #tpu.memory_space<hbm>>
        %dma_start3A_172 = arith.constant 0 : i32
        %dma_start3A_173 = tpu.memref_slice %arg17[%dma_start3A_172] : memref<2048xf32, #tpu.memory_space<vmem>> -> memref<112xf32, #tpu.memory_space<vmem>>
        tpu.enqueue_dma source(%dma_start3A_173 : memref<112xf32, #tpu.memory_space<vmem>>) target(%dma_start3A_171 : memref<112xf32, #tpu.memory_space<hbm>>) target_semaphore(%run_scoped3A : memref<!tpu.dma_semaphore, #tpu.memory_space<semaphore_mem>>)
        %dma_wait3A = arith.constant 0 : i32
        %dma_wait3A_174 = tpu.memref_slice %arg17[%dma_wait3A] : memref<2048xf32, #tpu.memory_space<vmem>> -> memref<112xf32, #tpu.memory_space<vmem>>
        %dma_wait3A_175 = tpu.memref_slice %arg9[%add3A_168] : memref<200000xf32, #tpu.memory_space<hbm>> -> memref<112xf32, #tpu.memory_space<hbm>>
        %dma_wait3A_176 = tpu.memref_slice %arg9[%add3A_168] : memref<200000xf32, #tpu.memory_space<hbm>> -> memref<112xf32, #tpu.memory_space<hbm>>
        %dma_wait3A_177 = arith.constant 0 : i32
        %dma_wait3A_178 = tpu.memref_slice %arg17[%dma_wait3A_177] : memref<2048xf32, #tpu.memory_space<vmem>> -> memref<112xf32, #tpu.memory_space<vmem>>
        tpu.wait_dma2 semaphore(%run_scoped3A : memref<!tpu.dma_semaphore, #tpu.memory_space<semaphore_mem>>) src(%dma_wait3A_178 : memref<112xf32, #tpu.memory_space<vmem>>) dst(%dma_wait3A_176 : memref<112xf32, #tpu.memory_space<hbm>>)
        tpu.yield
      }) : () -> ()
    } else {
    }
    %eq3A = arith.constant 15 : i32
    %eq3A_155 = arith.cmpi eq, %arg1, %eq3A : i32
    %convert_element_type3A_156 = arith.extui %eq3A_155 : i1 to i32
    %cond3A_157 = arith.constant 0 : i32
    %cond3A_158 = arith.cmpi ne, %convert_element_type3A_156, %cond3A_157 : i32
    scf.if %cond3A_158 {
      "tpu.region"() ({
        %run_scoped3A = tpu.sem_alloc : memref<!tpu.dma_semaphore, #tpu.memory_space<semaphore_mem>>
        %dma_start3A = arith.constant 0 : i32
        %dma_start3A_167 = arith.constant 0 : i32
        %dma_start3A_168 = tpu.memref_slice %arg13[%dma_start3A, %dma_start3A_167] : memref<2048x4xf32, #tpu.memory_space<vmem>> -> memref<16x4xf32, #tpu.memory_space<vmem>>
        %dma_start3A_169 = arith.constant 99984 : i32
        %dma_start3A_170 = arith.constant 0 : i32
        %dma_start3A_171 = tpu.memref_slice %arg10[%dma_start3A_169, %dma_start3A_170] : memref<100000x4xf32, #tpu.memory_space<vmem_shared>> -> memref<16x4xf32, #tpu.memory_space<vmem_shared>>
        %dma_start3A_172 = arith.constant 0 : i32
        %dma_start3A_173 = arith.constant 0 : i32
        %dma_start3A_174 = tpu.memref_slice %arg13[%dma_start3A_172, %dma_start3A_173] : memref<2048x4xf32, #tpu.memory_space<vmem>> -> memref<16x4xf32, #tpu.memory_space<vmem>>
        %dma_start3A_175 = arith.constant 99984 : i32
        %dma_start3A_176 = arith.constant 0 : i32
        %dma_start3A_177 = tpu.memref_slice %arg10[%dma_start3A_175, %dma_start3A_176] : memref<100000x4xf32, #tpu.memory_space<vmem_shared>> -> memref<16x4xf32, #tpu.memory_space<vmem_shared>>
        tpu.enqueue_dma source(%dma_start3A_177 : memref<16x4xf32, #tpu.memory_space<vmem_shared>>) target(%dma_start3A_174 : memref<16x4xf32, #tpu.memory_space<vmem>>) target_semaphore(%run_scoped3A : memref<!tpu.dma_semaphore, #tpu.memory_space<semaphore_mem>>)
        %dma_wait3A = arith.constant 0 : i32
        %dma_wait3A_178 = arith.constant 0 : i32
        %dma_wait3A_179 = tpu.memref_slice %arg13[%dma_wait3A, %dma_wait3A_178] : memref<2048x4xf32, #tpu.memory_space<vmem>> -> memref<16x4xf32, #tpu.memory_space<vmem>>
        %dma_wait3A_180 = arith.constant 99984 : i32
        %dma_wait3A_181 = arith.constant 0 : i32
        %dma_wait3A_182 = tpu.memref_slice %arg10[%dma_wait3A_180, %dma_wait3A_181] : memref<100000x4xf32, #tpu.memory_space<vmem_shared>> -> memref<16x4xf32, #tpu.memory_space<vmem_shared>>
        %dma_wait3A_183 = arith.constant 0 : i32
        %dma_wait3A_184 = arith.constant 0 : i32
        %dma_wait3A_185 = tpu.memref_slice %arg13[%dma_wait3A_183, %dma_wait3A_184] : memref<2048x4xf32, #tpu.memory_space<vmem>> -> memref<16x4xf32, #tpu.memory_space<vmem>>
        %dma_wait3A_186 = arith.constant 99984 : i32
        %dma_wait3A_187 = arith.constant 0 : i32
        %dma_wait3A_188 = tpu.memref_slice %arg10[%dma_wait3A_186, %dma_wait3A_187] : memref<100000x4xf32, #tpu.memory_space<vmem_shared>> -> memref<16x4xf32, #tpu.memory_space<vmem_shared>>
        tpu.wait_dma2 semaphore(%run_scoped3A : memref<!tpu.dma_semaphore, #tpu.memory_space<semaphore_mem>>) src(%dma_wait3A_188 : memref<16x4xf32, #tpu.memory_space<vmem_shared>>) dst(%dma_wait3A_185 : memref<16x4xf32, #tpu.memory_space<vmem>>)
        tpu.yield
      }) : () -> ()
      %mul3A_159 = arith.constant 100000 : i32
      %mul3A_160 = arith.muli %arg0, %mul3A_159 : i32
      %add3A_161 = arith.constant 99984 : i32
      %add3A_162 = arith.addi %mul3A_160, %add3A_161 : i32
      "tpu.region"() ({
        %run_scoped3A = tpu.sem_alloc : memref<!tpu.dma_semaphore, #tpu.memory_space<semaphore_mem>>
        %dma_start3A = arith.constant 0 : i32
        %dma_start3A_167 = arith.constant 0 : i32
        %dma_start3A_168 = tpu.memref_slice %arg13[%dma_start3A, %dma_start3A_167] : memref<2048x4xf32, #tpu.memory_space<vmem>> -> memref<16x4xf32, #tpu.memory_space<vmem>>
        %dma_start3A_169 = arith.constant 0 : i32
        %dma_start3A_170 = tpu.memref_slice %arg8[%add3A_162, %dma_start3A_169] : memref<200000x4xf32, #tpu.memory_space<hbm>> -> memref<16x4xf32, #tpu.memory_space<hbm>>
        %dma_start3A_171 = arith.constant 0 : i32
        %dma_start3A_172 = tpu.memref_slice %arg8[%add3A_162, %dma_start3A_171] : memref<200000x4xf32, #tpu.memory_space<hbm>> -> memref<16x4xf32, #tpu.memory_space<hbm>>
        %dma_start3A_173 = arith.constant 0 : i32
        %dma_start3A_174 = arith.constant 0 : i32
        %dma_start3A_175 = tpu.memref_slice %arg13[%dma_start3A_173, %dma_start3A_174] : memref<2048x4xf32, #tpu.memory_space<vmem>> -> memref<16x4xf32, #tpu.memory_space<vmem>>
        tpu.enqueue_dma source(%dma_start3A_175 : memref<16x4xf32, #tpu.memory_space<vmem>>) target(%dma_start3A_172 : memref<16x4xf32, #tpu.memory_space<hbm>>) target_semaphore(%run_scoped3A : memref<!tpu.dma_semaphore, #tpu.memory_space<semaphore_mem>>)
        %dma_wait3A = arith.constant 0 : i32
        %dma_wait3A_176 = arith.constant 0 : i32
        %dma_wait3A_177 = tpu.memref_slice %arg13[%dma_wait3A, %dma_wait3A_176] : memref<2048x4xf32, #tpu.memory_space<vmem>> -> memref<16x4xf32, #tpu.memory_space<vmem>>
        %dma_wait3A_178 = arith.constant 0 : i32
        %dma_wait3A_179 = tpu.memref_slice %arg8[%add3A_162, %dma_wait3A_178] : memref<200000x4xf32, #tpu.memory_space<hbm>> -> memref<16x4xf32, #tpu.memory_space<hbm>>
        %dma_wait3A_180 = arith.constant 0 : i32
        %dma_wait3A_181 = tpu.memref_slice %arg8[%add3A_162, %dma_wait3A_180] : memref<200000x4xf32, #tpu.memory_space<hbm>> -> memref<16x4xf32, #tpu.memory_space<hbm>>
        %dma_wait3A_182 = arith.constant 0 : i32
        %dma_wait3A_183 = arith.constant 0 : i32
        %dma_wait3A_184 = tpu.memref_slice %arg13[%dma_wait3A_182, %dma_wait3A_183] : memref<2048x4xf32, #tpu.memory_space<vmem>> -> memref<16x4xf32, #tpu.memory_space<vmem>>
        tpu.wait_dma2 semaphore(%run_scoped3A : memref<!tpu.dma_semaphore, #tpu.memory_space<semaphore_mem>>) src(%dma_wait3A_184 : memref<16x4xf32, #tpu.memory_space<vmem>>) dst(%dma_wait3A_181 : memref<16x4xf32, #tpu.memory_space<hbm>>)
        tpu.yield
      }) : () -> ()
      "tpu.region"() ({
        %run_scoped3A = tpu.sem_alloc : memref<!tpu.dma_semaphore, #tpu.memory_space<semaphore_mem>>
        %dma_start3A = arith.constant 0 : i32
        %dma_start3A_167 = tpu.memref_slice %arg17[%dma_start3A] : memref<2048xf32, #tpu.memory_space<vmem>> -> memref<16xf32, #tpu.memory_space<vmem>>
        %dma_start3A_168 = arith.constant 99984 : i32
        %dma_start3A_169 = tpu.memref_slice %arg11[%dma_start3A_168] : memref<100000xf32, #tpu.memory_space<vmem_shared>> -> memref<16xf32, #tpu.memory_space<vmem_shared>>
        %dma_start3A_170 = arith.constant 0 : i32
        %dma_start3A_171 = tpu.memref_slice %arg17[%dma_start3A_170] : memref<2048xf32, #tpu.memory_space<vmem>> -> memref<16xf32, #tpu.memory_space<vmem>>
        %dma_start3A_172 = arith.constant 99984 : i32
        %dma_start3A_173 = tpu.memref_slice %arg11[%dma_start3A_172] : memref<100000xf32, #tpu.memory_space<vmem_shared>> -> memref<16xf32, #tpu.memory_space<vmem_shared>>
        tpu.enqueue_dma source(%dma_start3A_173 : memref<16xf32, #tpu.memory_space<vmem_shared>>) target(%dma_start3A_171 : memref<16xf32, #tpu.memory_space<vmem>>) target_semaphore(%run_scoped3A : memref<!tpu.dma_semaphore, #tpu.memory_space<semaphore_mem>>)
        %dma_wait3A = arith.constant 0 : i32
        %dma_wait3A_174 = tpu.memref_slice %arg17[%dma_wait3A] : memref<2048xf32, #tpu.memory_space<vmem>> -> memref<16xf32, #tpu.memory_space<vmem>>
        %dma_wait3A_175 = arith.constant 99984 : i32
        %dma_wait3A_176 = tpu.memref_slice %arg11[%dma_wait3A_175] : memref<100000xf32, #tpu.memory_space<vmem_shared>> -> memref<16xf32, #tpu.memory_space<vmem_shared>>
        %dma_wait3A_177 = arith.constant 0 : i32
        %dma_wait3A_178 = tpu.memref_slice %arg17[%dma_wait3A_177] : memref<2048xf32, #tpu.memory_space<vmem>> -> memref<16xf32, #tpu.memory_space<vmem>>
        %dma_wait3A_179 = arith.constant 99984 : i32
        %dma_wait3A_180 = tpu.memref_slice %arg11[%dma_wait3A_179] : memref<100000xf32, #tpu.memory_space<vmem_shared>> -> memref<16xf32, #tpu.memory_space<vmem_shared>>
        tpu.wait_dma2 semaphore(%run_scoped3A : memref<!tpu.dma_semaphore, #tpu.memory_space<semaphore_mem>>) src(%dma_wait3A_180 : memref<16xf32, #tpu.memory_space<vmem_shared>>) dst(%dma_wait3A_178 : memref<16xf32, #tpu.memory_space<vmem>>)
        tpu.yield
      }) : () -> ()
      %mul3A_163 = arith.constant 100000 : i32
      %mul3A_164 = arith.muli %arg0, %mul3A_163 : i32
      %add3A_165 = arith.constant 99984 : i32
      %add3A_166 = arith.addi %mul3A_164, %add3A_165 : i32
      "tpu.region"() ({
        %run_scoped3A = tpu.sem_alloc : memref<!tpu.dma_semaphore, #tpu.memory_space<semaphore_mem>>
        %dma_start3A = arith.constant 0 : i32
        %dma_start3A_167 = tpu.memref_slice %arg17[%dma_start3A] : memref<2048xf32, #tpu.memory_space<vmem>> -> memref<16xf32, #tpu.memory_space<vmem>>
        %dma_start3A_168 = tpu.memref_slice %arg9[%add3A_166] : memref<200000xf32, #tpu.memory_space<hbm>> -> memref<16xf32, #tpu.memory_space<hbm>>
        %dma_start3A_169 = tpu.memref_slice %arg9[%add3A_166] : memref<200000xf32, #tpu.memory_space<hbm>> -> memref<16xf32, #tpu.memory_space<hbm>>
        %dma_start3A_170 = arith.constant 0 : i32
        %dma_start3A_171 = tpu.memref_slice %arg17[%dma_start3A_170] : memref<2048xf32, #tpu.memory_space<vmem>> -> memref<16xf32, #tpu.memory_space<vmem>>
        tpu.enqueue_dma source(%dma_start3A_171 : memref<16xf32, #tpu.memory_space<vmem>>) target(%dma_start3A_169 : memref<16xf32, #tpu.memory_space<hbm>>) target_semaphore(%run_scoped3A : memref<!tpu.dma_semaphore, #tpu.memory_space<semaphore_mem>>)
        %dma_wait3A = arith.constant 0 : i32
        %dma_wait3A_172 = tpu.memref_slice %arg17[%dma_wait3A] : memref<2048xf32, #tpu.memory_space<vmem>> -> memref<16xf32, #tpu.memory_space<vmem>>
        %dma_wait3A_173 = tpu.memref_slice %arg9[%add3A_166] : memref<200000xf32, #tpu.memory_space<hbm>> -> memref<16xf32, #tpu.memory_space<hbm>>
        %dma_wait3A_174 = tpu.memref_slice %arg9[%add3A_166] : memref<200000xf32, #tpu.memory_space<hbm>> -> memref<16xf32, #tpu.memory_space<hbm>>
        %dma_wait3A_175 = arith.constant 0 : i32
        %dma_wait3A_176 = tpu.memref_slice %arg17[%dma_wait3A_175] : memref<2048xf32, #tpu.memory_space<vmem>> -> memref<16xf32, #tpu.memory_space<vmem>>
        tpu.wait_dma2 semaphore(%run_scoped3A : memref<!tpu.dma_semaphore, #tpu.memory_space<semaphore_mem>>) src(%dma_wait3A_176 : memref<16xf32, #tpu.memory_space<vmem>>) dst(%dma_wait3A_174 : memref<16xf32, #tpu.memory_space<hbm>>)
        tpu.yield
      }) : () -> ()
    } else {
    }
    return
  }
}

#map = affine_map<(d0, d1) -> (0)>
module attributes {stable_mosaic.version = 14 : i64} {
  func.func @_scmax(%arg0: i32, %arg1: i32, %arg2: memref<6400000xi32, #tpu.memory_space<hbm>>, %arg3: memref<6400000xf32, #tpu.memory_space<hbm>>, %arg4: memref<6400000xf32, #tpu.memory_space<hbm>>, %arg5: memref<6400000xf32, #tpu.memory_space<hbm>>, %arg6: memref<6400000xf32, #tpu.memory_space<hbm>>, %arg7: memref<12800000xf32, #tpu.memory_space<hbm>>, %arg8: memref<100000xf32, #tpu.memory_space<vmem>>, %arg9: memref<2000xi32, #tpu.memory_space<vmem>>, %arg10: memref<2000xf32, #tpu.memory_space<vmem>>) attributes {dimension_semantics = [#tpu.dimension_semantics<core_parallel>, #tpu.dimension_semantics<subcore_parallel>], iteration_bounds = array<i64: 2, 16>, scalar_prefetch = 0 : i64, scratch_operands = 3 : i64, tpu.core_type = #tpu.core_type<sc_vector_subcore>, window_params = [{transform_indices = #map}, {transform_indices = #map}, {transform_indices = #map}, {transform_indices = #map}, {transform_indices = #map}, {transform_indices = #map}]} {
    %mul3A = arith.constant 16 : i32
    %mul3A_0 = arith.muli %arg0, %mul3A : i32
    %add3A = arith.addi %mul3A_0, %arg1 : i32
    %iota3A = tpu.iota {dimensions = array<i32: 0>} : vector<16xi32>
    %add3A_1 = arith.constant 1 : i32
    %add3A_2 = vector.broadcast %add3A_1 : i32 to vector<16xi32>
    %add3A_3 = arith.addi %iota3A, %add3A_2 : vector<16xi32>
    %min3A = arith.constant 15 : i32
    %min3A_4 = vector.broadcast %min3A : i32 to vector<16xi32>
    %min3A_5 = arith.minsi %add3A_3, %min3A_4 : vector<16xi32>
    %sub3A = arith.constant 1 : i32
    %sub3A_6 = vector.broadcast %sub3A : i32 to vector<16xi32>
    %sub3A_7 = arith.subi %iota3A, %sub3A_6 : vector<16xi32>
    %max3A = arith.constant 0 : i32
    %max3A_8 = vector.broadcast %max3A : i32 to vector<16xi32>
    %max3A_9 = arith.maxsi %sub3A_7, %max3A_8 : vector<16xi32>
    %sub3A_10 = arith.constant 2 : i32
    %sub3A_11 = vector.broadcast %sub3A_10 : i32 to vector<16xi32>
    %sub3A_12 = arith.subi %iota3A, %sub3A_11 : vector<16xi32>
    %max3A_13 = arith.constant 0 : i32
    %max3A_14 = vector.broadcast %max3A_13 : i32 to vector<16xi32>
    %max3A_15 = arith.maxsi %sub3A_12, %max3A_14 : vector<16xi32>
    %sub3A_16 = arith.constant 4 : i32
    %sub3A_17 = vector.broadcast %sub3A_16 : i32 to vector<16xi32>
    %sub3A_18 = arith.subi %iota3A, %sub3A_17 : vector<16xi32>
    %max3A_19 = arith.constant 0 : i32
    %max3A_20 = vector.broadcast %max3A_19 : i32 to vector<16xi32>
    %max3A_21 = arith.maxsi %sub3A_18, %max3A_20 : vector<16xi32>
    %sub3A_22 = arith.constant 8 : i32
    %sub3A_23 = vector.broadcast %sub3A_22 : i32 to vector<16xi32>
    %sub3A_24 = arith.subi %iota3A, %sub3A_23 : vector<16xi32>
    %max3A_25 = arith.constant 0 : i32
    %max3A_26 = vector.broadcast %max3A_25 : i32 to vector<16xi32>
    %max3A_27 = arith.maxsi %sub3A_24, %max3A_26 : vector<16xi32>
    %broadcast_in_dim3A = arith.constant -3.400000e+38 : f32
    %broadcast_in_dim3A_28 = vector.broadcast %broadcast_in_dim3A : f32 to vector<16xf32>
    %scan3A = arith.constant 0 : i32
    %scan3A_29 = arith.constant 0 : i32
    %scan3A_30 = arith.constant 6248 : i32
    %scan3A_31 = arith.addi %scan3A_29, %scan3A_30 : i32
    %scan3A_32 = arith.constant 8 : i32
    %scan3A_33 = scf.for %scan3A_163 = %scan3A_29 to %scan3A_31 step %scan3A_32 iter_args(%scan3A_164 = %scan3A) -> (i32)  : i32 {
      %mul3A_165 = arith.constant 16 : i32
      %mul3A_166 = arith.muli %scan3A_163, %mul3A_165 : i32
      %swap3A_167 = arith.index_cast %mul3A_166 : i32 to index
      %swap3A_168 = tpu.vector_load %arg8[%swap3A_167] {strides = array<i32>} : memref<100000xf32, #tpu.memory_space<vmem>>, vector<16xf32>,
      tpu.vector_store %arg8[%swap3A_167], %broadcast_in_dim3A_28 {strides = array<i32>} : memref<100000xf32, #tpu.memory_space<vmem>>, vector<16xf32>,
      %scan3A_169 = arith.constant 0 : i32
      %scan3A_170 = arith.constant 1 : i32
      %scan3A_171 = arith.addi %scan3A_163, %scan3A_170 : i32
      %mul3A_172 = arith.constant 16 : i32
      %mul3A_173 = arith.muli %scan3A_171, %mul3A_172 : i32
      %swap3A_174 = arith.index_cast %mul3A_173 : i32 to index
      %swap3A_175 = tpu.vector_load %arg8[%swap3A_174] {strides = array<i32>} : memref<100000xf32, #tpu.memory_space<vmem>>, vector<16xf32>,
      tpu.vector_store %arg8[%swap3A_174], %broadcast_in_dim3A_28 {strides = array<i32>} : memref<100000xf32, #tpu.memory_space<vmem>>, vector<16xf32>,
      %scan3A_176 = arith.constant 0 : i32
      %scan3A_177 = arith.constant 2 : i32
      %scan3A_178 = arith.addi %scan3A_163, %scan3A_177 : i32
      %mul3A_179 = arith.constant 16 : i32
      %mul3A_180 = arith.muli %scan3A_178, %mul3A_179 : i32
      %swap3A_181 = arith.index_cast %mul3A_180 : i32 to index
      %swap3A_182 = tpu.vector_load %arg8[%swap3A_181] {strides = array<i32>} : memref<100000xf32, #tpu.memory_space<vmem>>, vector<16xf32>,
      tpu.vector_store %arg8[%swap3A_181], %broadcast_in_dim3A_28 {strides = array<i32>} : memref<100000xf32, #tpu.memory_space<vmem>>, vector<16xf32>,
      %scan3A_183 = arith.constant 0 : i32
      %scan3A_184 = arith.constant 3 : i32
      %scan3A_185 = arith.addi %scan3A_163, %scan3A_184 : i32
      %mul3A_186 = arith.constant 16 : i32
      %mul3A_187 = arith.muli %scan3A_185, %mul3A_186 : i32
      %swap3A_188 = arith.index_cast %mul3A_187 : i32 to index
      %swap3A_189 = tpu.vector_load %arg8[%swap3A_188] {strides = array<i32>} : memref<100000xf32, #tpu.memory_space<vmem>>, vector<16xf32>,
      tpu.vector_store %arg8[%swap3A_188], %broadcast_in_dim3A_28 {strides = array<i32>} : memref<100000xf32, #tpu.memory_space<vmem>>, vector<16xf32>,
      %scan3A_190 = arith.constant 0 : i32
      %scan3A_191 = arith.constant 4 : i32
      %scan3A_192 = arith.addi %scan3A_163, %scan3A_191 : i32
      %mul3A_193 = arith.constant 16 : i32
      %mul3A_194 = arith.muli %scan3A_192, %mul3A_193 : i32
      %swap3A_195 = arith.index_cast %mul3A_194 : i32 to index
      %swap3A_196 = tpu.vector_load %arg8[%swap3A_195] {strides = array<i32>} : memref<100000xf32, #tpu.memory_space<vmem>>, vector<16xf32>,
      tpu.vector_store %arg8[%swap3A_195], %broadcast_in_dim3A_28 {strides = array<i32>} : memref<100000xf32, #tpu.memory_space<vmem>>, vector<16xf32>,
      %scan3A_197 = arith.constant 0 : i32
      %scan3A_198 = arith.constant 5 : i32
      %scan3A_199 = arith.addi %scan3A_163, %scan3A_198 : i32
      %mul3A_200 = arith.constant 16 : i32
      %mul3A_201 = arith.muli %scan3A_199, %mul3A_200 : i32
      %swap3A_202 = arith.index_cast %mul3A_201 : i32 to index
      %swap3A_203 = tpu.vector_load %arg8[%swap3A_202] {strides = array<i32>} : memref<100000xf32, #tpu.memory_space<vmem>>, vector<16xf32>,
      tpu.vector_store %arg8[%swap3A_202], %broadcast_in_dim3A_28 {strides = array<i32>} : memref<100000xf32, #tpu.memory_space<vmem>>, vector<16xf32>,
      %scan3A_204 = arith.constant 0 : i32
      %scan3A_205 = arith.constant 6 : i32
      %scan3A_206 = arith.addi %scan3A_163, %scan3A_205 : i32
      %mul3A_207 = arith.constant 16 : i32
      %mul3A_208 = arith.muli %scan3A_206, %mul3A_207 : i32
      %swap3A_209 = arith.index_cast %mul3A_208 : i32 to index
      %swap3A_210 = tpu.vector_load %arg8[%swap3A_209] {strides = array<i32>} : memref<100000xf32, #tpu.memory_space<vmem>>, vector<16xf32>,
      tpu.vector_store %arg8[%swap3A_209], %broadcast_in_dim3A_28 {strides = array<i32>} : memref<100000xf32, #tpu.memory_space<vmem>>, vector<16xf32>,
      %scan3A_211 = arith.constant 0 : i32
      %scan3A_212 = arith.constant 7 : i32
      %scan3A_213 = arith.addi %scan3A_163, %scan3A_212 : i32
      %mul3A_214 = arith.constant 16 : i32
      %mul3A_215 = arith.muli %scan3A_213, %mul3A_214 : i32
      %swap3A_216 = arith.index_cast %mul3A_215 : i32 to index
      %swap3A_217 = tpu.vector_load %arg8[%swap3A_216] {strides = array<i32>} : memref<100000xf32, #tpu.memory_space<vmem>>, vector<16xf32>,
      tpu.vector_store %arg8[%swap3A_216], %broadcast_in_dim3A_28 {strides = array<i32>} : memref<100000xf32, #tpu.memory_space<vmem>>, vector<16xf32>,
      %scan3A_218 = arith.constant 0 : i32
      scf.yield %scan3A_218 : i32
    }
    %scan3A_34 = arith.constant 6248 : i32
    %scan3A_35 = arith.addi %scan3A_29, %scan3A_34 : i32
    %mul3A_36 = arith.constant 16 : i32
    %mul3A_37 = arith.muli %scan3A_35, %mul3A_36 : i32
    %swap3A = arith.index_cast %mul3A_37 : i32 to index
    %swap3A_38 = tpu.vector_load %arg8[%swap3A] {strides = array<i32>} : memref<100000xf32, #tpu.memory_space<vmem>>, vector<16xf32>,
    tpu.vector_store %arg8[%swap3A], %broadcast_in_dim3A_28 {strides = array<i32>} : memref<100000xf32, #tpu.memory_space<vmem>>, vector<16xf32>,
    %scan3A_39 = arith.constant 0 : i32
    %scan3A_40 = arith.constant 6249 : i32
    %scan3A_41 = arith.addi %scan3A_29, %scan3A_40 : i32
    %mul3A_42 = arith.constant 16 : i32
    %mul3A_43 = arith.muli %scan3A_41, %mul3A_42 : i32
    %swap3A_44 = arith.index_cast %mul3A_43 : i32 to index
    %swap3A_45 = tpu.vector_load %arg8[%swap3A_44] {strides = array<i32>} : memref<100000xf32, #tpu.memory_space<vmem>>, vector<16xf32>,
    tpu.vector_store %arg8[%swap3A_44], %broadcast_in_dim3A_28 {strides = array<i32>} : memref<100000xf32, #tpu.memory_space<vmem>>, vector<16xf32>,
    %scan3A_46 = arith.constant 0 : i32
    %scan3A_47 = arith.constant 6250 : i32
    %scan3A_48 = arith.constant 0 : i32
    %scan3A_49 = arith.constant 0 : i32
    %scan3A_50 = arith.constant 100 : i32
    %scan3A_51 = arith.addi %scan3A_49, %scan3A_50 : i32
    %scan3A_52 = arith.constant 1 : i32
    %scan3A_53 = scf.for %scan3A_163 = %scan3A_49 to %scan3A_51 step %scan3A_52 iter_args(%scan3A_164 = %scan3A_48) -> (i32)  : i32 {
      %mul3A_165 = arith.constant 200000 : i32
      %mul3A_166 = arith.muli %add3A, %mul3A_165 : i32
      %mul3A_167 = arith.constant 2000 : i32
      %mul3A_168 = arith.muli %scan3A_163, %mul3A_167 : i32
      %add3A_169 = arith.addi %mul3A_166, %mul3A_168 : i32
      "tpu.region"() ({
        %run_scoped3A = tpu.sem_alloc : memref<!tpu.dma_semaphore, #tpu.memory_space<semaphore_mem>>
        %dma_start3A = tpu.memref_slice %arg2[%add3A_169] : memref<6400000xi32, #tpu.memory_space<hbm>> -> memref<2000xi32, #tpu.memory_space<hbm>>
        %dma_start3A_298 = tpu.memref_slice %arg2[%add3A_169] : memref<6400000xi32, #tpu.memory_space<hbm>> -> memref<2000xi32, #tpu.memory_space<hbm>>
        tpu.enqueue_dma source(%dma_start3A_298 : memref<2000xi32, #tpu.memory_space<hbm>>) target(%arg9 : memref<2000xi32, #tpu.memory_space<vmem>>) target_semaphore(%run_scoped3A : memref<!tpu.dma_semaphore, #tpu.memory_space<semaphore_mem>>)
        %dma_wait3A = tpu.memref_slice %arg2[%add3A_169] : memref<6400000xi32, #tpu.memory_space<hbm>> -> memref<2000xi32, #tpu.memory_space<hbm>>
        %dma_wait3A_299 = tpu.memref_slice %arg2[%add3A_169] : memref<6400000xi32, #tpu.memory_space<hbm>> -> memref<2000xi32, #tpu.memory_space<hbm>>
        tpu.wait_dma2 semaphore(%run_scoped3A : memref<!tpu.dma_semaphore, #tpu.memory_space<semaphore_mem>>) src(%dma_wait3A_299 : memref<2000xi32, #tpu.memory_space<hbm>>) dst(%arg9 : memref<2000xi32, #tpu.memory_space<vmem>>)
        tpu.yield
      }) : () -> ()
      "tpu.region"() ({
        %run_scoped3A = tpu.sem_alloc : memref<!tpu.dma_semaphore, #tpu.memory_space<semaphore_mem>>
        %dma_start3A = tpu.memref_slice %arg3[%add3A_169] : memref<6400000xf32, #tpu.memory_space<hbm>> -> memref<2000xf32, #tpu.memory_space<hbm>>
        %dma_start3A_298 = tpu.memref_slice %arg3[%add3A_169] : memref<6400000xf32, #tpu.memory_space<hbm>> -> memref<2000xf32, #tpu.memory_space<hbm>>
        tpu.enqueue_dma source(%dma_start3A_298 : memref<2000xf32, #tpu.memory_space<hbm>>) target(%arg10 : memref<2000xf32, #tpu.memory_space<vmem>>) target_semaphore(%run_scoped3A : memref<!tpu.dma_semaphore, #tpu.memory_space<semaphore_mem>>)
        %dma_wait3A = tpu.memref_slice %arg3[%add3A_169] : memref<6400000xf32, #tpu.memory_space<hbm>> -> memref<2000xf32, #tpu.memory_space<hbm>>
        %dma_wait3A_299 = tpu.memref_slice %arg3[%add3A_169] : memref<6400000xf32, #tpu.memory_space<hbm>> -> memref<2000xf32, #tpu.memory_space<hbm>>
        tpu.wait_dma2 semaphore(%run_scoped3A : memref<!tpu.dma_semaphore, #tpu.memory_space<semaphore_mem>>) src(%dma_wait3A_299 : memref<2000xf32, #tpu.memory_space<hbm>>) dst(%arg10 : memref<2000xf32, #tpu.memory_space<vmem>>)
        tpu.yield
      }) : () -> ()
      %scan3A_170 = arith.constant 0 : i32
      %scan3A_171 = arith.constant 0 : i32
      %scan3A_172 = arith.constant 124 : i32
      %scan3A_173 = arith.addi %scan3A_171, %scan3A_172 : i32
      %scan3A_174 = arith.constant 2 : i32
      %scan3A_175 = scf.for %scan3A_298 = %scan3A_171 to %scan3A_173 step %scan3A_174 iter_args(%scan3A_299 = %scan3A_170) -> (i32)  : i32 {
        %mul3A_300 = arith.constant 16 : i32
        %mul3A_301 = arith.muli %scan3A_298, %mul3A_300 : i32
        %get3A_302 = arith.index_cast %mul3A_301 : i32 to index
        %get3A_303 = tpu.vector_load %arg9[%get3A_302] {strides = array<i32>} : memref<2000xi32, #tpu.memory_space<vmem>>, vector<16xi32>,
        %mul3A_304 = arith.constant 16 : i32
        %mul3A_305 = arith.muli %scan3A_298, %mul3A_304 : i32
        %get3A_306 = arith.index_cast %mul3A_305 : i32 to index
        %get3A_307 = tpu.vector_load %arg10[%get3A_306] {strides = array<i32>} : memref<2000xf32, #tpu.memory_space<vmem>>, vector<16xf32>,
        %masked_sort3A_308 = arith.constant dense<true> : vector<16xi1>
        %masked_sort3A_309 = arith.constant -2147483648 : i32
        %masked_sort3A_310 = vector.broadcast %masked_sort3A_309 : i32 to vector<16xi32>
        %masked_sort3A_311 = arith.xori %get3A_303, %masked_sort3A_310 : vector<16xi32>
        %masked_sort3A_312, %masked_sort3A_313, %masked_sort3A_314 = tpu.sort %masked_sort3A_311, %get3A_307 masked %masked_sort3A_308 : (vector<16xi32>, vector<16xf32>, vector<16xi1>) -> (vector<16xi1>, vector<16xi32>, vector<16xf32>)
        %masked_sort3A_315 = arith.xori %masked_sort3A_313, %masked_sort3A_310 : vector<16xi32>
        %lt3A_316 = arith.constant 0 : i32
        %lt3A_317 = vector.broadcast %lt3A_316 : i32 to vector<16xi32>
        %lt3A_318 = arith.cmpi slt, %max3A_9, %lt3A_317 : vector<16xi32>
        %add3A_319 = arith.constant 16 : i32
        %add3A_320 = vector.broadcast %add3A_319 : i32 to vector<16xi32>
        %add3A_321 = arith.addi %max3A_9, %add3A_320 : vector<16xi32>
        %select_n3A_322 = arith.select %lt3A_318, %add3A_321, %max3A_9 : vector<16xi1>, vector<16xi32>
        %broadcast_in_dim3A_323 = vector.shape_cast %select_n3A_322 : vector<16xi32> to vector<16x1xi32>
        %gather3A_324 = vector.shape_cast %broadcast_in_dim3A_323 : vector<16x1xi32> to vector<16xi32>
        %gather3A_325 = tpu.dynamic_gather %masked_sort3A_315[%gather3A_324] in [0] : vector<16xi32>, vector<16xi32> -> vector<16xi32>
        %lt3A_326 = arith.constant 0 : i32
        %lt3A_327 = vector.broadcast %lt3A_326 : i32 to vector<16xi32>
        %lt3A_328 = arith.cmpi slt, %max3A_9, %lt3A_327 : vector<16xi32>
        %add3A_329 = arith.constant 16 : i32
        %add3A_330 = vector.broadcast %add3A_329 : i32 to vector<16xi32>
        %add3A_331 = arith.addi %max3A_9, %add3A_330 : vector<16xi32>
        %select_n3A_332 = arith.select %lt3A_328, %add3A_331, %max3A_9 : vector<16xi1>, vector<16xi32>
        %broadcast_in_dim3A_333 = vector.shape_cast %select_n3A_332 : vector<16xi32> to vector<16x1xi32>
        %gather3A_334 = vector.shape_cast %broadcast_in_dim3A_333 : vector<16x1xi32> to vector<16xi32>
        %gather3A_335 = tpu.dynamic_gather %masked_sort3A_314[%gather3A_334] in [0] : vector<16xf32>, vector<16xi32> -> vector<16xf32>
        %eq3A_336 = arith.cmpi eq, %masked_sort3A_315, %gather3A_325 : vector<16xi32>
        %max3A_337 = arith.maximumf %masked_sort3A_314, %gather3A_335 : vector<16xf32>
        %select_n3A_338 = arith.select %eq3A_336, %max3A_337, %masked_sort3A_314 : vector<16xi1>, vector<16xf32>
        %lt3A_339 = arith.constant 0 : i32
        %lt3A_340 = vector.broadcast %lt3A_339 : i32 to vector<16xi32>
        %lt3A_341 = arith.cmpi slt, %max3A_15, %lt3A_340 : vector<16xi32>
        %add3A_342 = arith.constant 16 : i32
        %add3A_343 = vector.broadcast %add3A_342 : i32 to vector<16xi32>
        %add3A_344 = arith.addi %max3A_15, %add3A_343 : vector<16xi32>
        %select_n3A_345 = arith.select %lt3A_341, %add3A_344, %max3A_15 : vector<16xi1>, vector<16xi32>
        %broadcast_in_dim3A_346 = vector.shape_cast %select_n3A_345 : vector<16xi32> to vector<16x1xi32>
        %gather3A_347 = vector.shape_cast %broadcast_in_dim3A_346 : vector<16x1xi32> to vector<16xi32>
        %gather3A_348 = tpu.dynamic_gather %masked_sort3A_315[%gather3A_347] in [0] : vector<16xi32>, vector<16xi32> -> vector<16xi32>
        %lt3A_349 = arith.constant 0 : i32
        %lt3A_350 = vector.broadcast %lt3A_349 : i32 to vector<16xi32>
        %lt3A_351 = arith.cmpi slt, %max3A_15, %lt3A_350 : vector<16xi32>
        %add3A_352 = arith.constant 16 : i32
        %add3A_353 = vector.broadcast %add3A_352 : i32 to vector<16xi32>
        %add3A_354 = arith.addi %max3A_15, %add3A_353 : vector<16xi32>
        %select_n3A_355 = arith.select %lt3A_351, %add3A_354, %max3A_15 : vector<16xi1>, vector<16xi32>
        %broadcast_in_dim3A_356 = vector.shape_cast %select_n3A_355 : vector<16xi32> to vector<16x1xi32>
        %gather3A_357 = vector.shape_cast %broadcast_in_dim3A_356 : vector<16x1xi32> to vector<16xi32>
        %gather3A_358 = tpu.dynamic_gather %select_n3A_338[%gather3A_357] in [0] : vector<16xf32>, vector<16xi32> -> vector<16xf32>
        %eq3A_359 = arith.cmpi eq, %masked_sort3A_315, %gather3A_348 : vector<16xi32>
        %max3A_360 = arith.maximumf %select_n3A_338, %gather3A_358 : vector<16xf32>
        %select_n3A_361 = arith.select %eq3A_359, %max3A_360, %select_n3A_338 : vector<16xi1>, vector<16xf32>
        %lt3A_362 = arith.constant 0 : i32
        %lt3A_363 = vector.broadcast %lt3A_362 : i32 to vector<16xi32>
        %lt3A_364 = arith.cmpi slt, %max3A_21, %lt3A_363 : vector<16xi32>
        %add3A_365 = arith.constant 16 : i32
        %add3A_366 = vector.broadcast %add3A_365 : i32 to vector<16xi32>
        %add3A_367 = arith.addi %max3A_21, %add3A_366 : vector<16xi32>
        %select_n3A_368 = arith.select %lt3A_364, %add3A_367, %max3A_21 : vector<16xi1>, vector<16xi32>
        %broadcast_in_dim3A_369 = vector.shape_cast %select_n3A_368 : vector<16xi32> to vector<16x1xi32>
        %gather3A_370 = vector.shape_cast %broadcast_in_dim3A_369 : vector<16x1xi32> to vector<16xi32>
        %gather3A_371 = tpu.dynamic_gather %masked_sort3A_315[%gather3A_370] in [0] : vector<16xi32>, vector<16xi32> -> vector<16xi32>
        %lt3A_372 = arith.constant 0 : i32
        %lt3A_373 = vector.broadcast %lt3A_372 : i32 to vector<16xi32>
        %lt3A_374 = arith.cmpi slt, %max3A_21, %lt3A_373 : vector<16xi32>
        %add3A_375 = arith.constant 16 : i32
        %add3A_376 = vector.broadcast %add3A_375 : i32 to vector<16xi32>
        %add3A_377 = arith.addi %max3A_21, %add3A_376 : vector<16xi32>
        %select_n3A_378 = arith.select %lt3A_374, %add3A_377, %max3A_21 : vector<16xi1>, vector<16xi32>
        %broadcast_in_dim3A_379 = vector.shape_cast %select_n3A_378 : vector<16xi32> to vector<16x1xi32>
        %gather3A_380 = vector.shape_cast %broadcast_in_dim3A_379 : vector<16x1xi32> to vector<16xi32>
        %gather3A_381 = tpu.dynamic_gather %select_n3A_361[%gather3A_380] in [0] : vector<16xf32>, vector<16xi32> -> vector<16xf32>
        %eq3A_382 = arith.cmpi eq, %masked_sort3A_315, %gather3A_371 : vector<16xi32>
        %max3A_383 = arith.maximumf %select_n3A_361, %gather3A_381 : vector<16xf32>
        %select_n3A_384 = arith.select %eq3A_382, %max3A_383, %select_n3A_361 : vector<16xi1>, vector<16xf32>
        %lt3A_385 = arith.constant 0 : i32
        %lt3A_386 = vector.broadcast %lt3A_385 : i32 to vector<16xi32>
        %lt3A_387 = arith.cmpi slt, %max3A_27, %lt3A_386 : vector<16xi32>
        %add3A_388 = arith.constant 16 : i32
        %add3A_389 = vector.broadcast %add3A_388 : i32 to vector<16xi32>
        %add3A_390 = arith.addi %max3A_27, %add3A_389 : vector<16xi32>
        %select_n3A_391 = arith.select %lt3A_387, %add3A_390, %max3A_27 : vector<16xi1>, vector<16xi32>
        %broadcast_in_dim3A_392 = vector.shape_cast %select_n3A_391 : vector<16xi32> to vector<16x1xi32>
        %gather3A_393 = vector.shape_cast %broadcast_in_dim3A_392 : vector<16x1xi32> to vector<16xi32>
        %gather3A_394 = tpu.dynamic_gather %masked_sort3A_315[%gather3A_393] in [0] : vector<16xi32>, vector<16xi32> -> vector<16xi32>
        %lt3A_395 = arith.constant 0 : i32
        %lt3A_396 = vector.broadcast %lt3A_395 : i32 to vector<16xi32>
        %lt3A_397 = arith.cmpi slt, %max3A_27, %lt3A_396 : vector<16xi32>
        %add3A_398 = arith.constant 16 : i32
        %add3A_399 = vector.broadcast %add3A_398 : i32 to vector<16xi32>
        %add3A_400 = arith.addi %max3A_27, %add3A_399 : vector<16xi32>
        %select_n3A_401 = arith.select %lt3A_397, %add3A_400, %max3A_27 : vector<16xi1>, vector<16xi32>
        %broadcast_in_dim3A_402 = vector.shape_cast %select_n3A_401 : vector<16xi32> to vector<16x1xi32>
        %gather3A_403 = vector.shape_cast %broadcast_in_dim3A_402 : vector<16x1xi32> to vector<16xi32>
        %gather3A_404 = tpu.dynamic_gather %select_n3A_384[%gather3A_403] in [0] : vector<16xf32>, vector<16xi32> -> vector<16xf32>
        %eq3A_405 = arith.cmpi eq, %masked_sort3A_315, %gather3A_394 : vector<16xi32>
        %max3A_406 = arith.maximumf %select_n3A_384, %gather3A_404 : vector<16xf32>
        %select_n3A_407 = arith.select %eq3A_405, %max3A_406, %select_n3A_384 : vector<16xi1>, vector<16xf32>
        %lt3A_408 = arith.constant 0 : i32
        %lt3A_409 = vector.broadcast %lt3A_408 : i32 to vector<16xi32>
        %lt3A_410 = arith.cmpi slt, %min3A_5, %lt3A_409 : vector<16xi32>
        %add3A_411 = arith.constant 16 : i32
        %add3A_412 = vector.broadcast %add3A_411 : i32 to vector<16xi32>
        %add3A_413 = arith.addi %min3A_5, %add3A_412 : vector<16xi32>
        %select_n3A_414 = arith.select %lt3A_410, %add3A_413, %min3A_5 : vector<16xi1>, vector<16xi32>
        %broadcast_in_dim3A_415 = vector.shape_cast %select_n3A_414 : vector<16xi32> to vector<16x1xi32>
        %gather3A_416 = vector.shape_cast %broadcast_in_dim3A_415 : vector<16x1xi32> to vector<16xi32>
        %gather3A_417 = tpu.dynamic_gather %masked_sort3A_315[%gather3A_416] in [0] : vector<16xi32>, vector<16xi32> -> vector<16xi32>
        %ne3A_418 = arith.cmpi ne, %masked_sort3A_315, %gather3A_417 : vector<16xi32>
        %eq3A_419 = arith.constant 15 : i32
        %eq3A_420 = vector.broadcast %eq3A_419 : i32 to vector<16xi32>
        %eq3A_421 = arith.cmpi eq, %iota3A, %eq3A_420 : vector<16xi32>
        %or3A_422 = arith.ori %ne3A_418, %eq3A_421 : vector<16xi1>
        %gather3A_423 = tpu.vector_load_idx %arg8[%masked_sort3A_315] masked %or3A_422 : memref<100000xf32, #tpu.memory_space<vmem>>[vector<16xi32>], vector<16xf32>, vector<16xi1>
        %max3A_424 = arith.maximumf %gather3A_423, %select_n3A_407 : vector<16xf32>
        tpu.vector_store_idx %arg8[%masked_sort3A_315], %max3A_424 masked %or3A_422 : memref<100000xf32, #tpu.memory_space<vmem>>[vector<16xi32>], vector<16xf32>, vector<16xi1>
        %scan3A_425 = arith.constant 0 : i32
        %scan3A_426 = arith.constant 1 : i32
        %scan3A_427 = arith.addi %scan3A_298, %scan3A_426 : i32
        %mul3A_428 = arith.constant 16 : i32
        %mul3A_429 = arith.muli %scan3A_427, %mul3A_428 : i32
        %get3A_430 = arith.index_cast %mul3A_429 : i32 to index
        %get3A_431 = tpu.vector_load %arg9[%get3A_430] {strides = array<i32>} : memref<2000xi32, #tpu.memory_space<vmem>>, vector<16xi32>,
        %mul3A_432 = arith.constant 16 : i32
        %mul3A_433 = arith.muli %scan3A_427, %mul3A_432 : i32
        %get3A_434 = arith.index_cast %mul3A_433 : i32 to index
        %get3A_435 = tpu.vector_load %arg10[%get3A_434] {strides = array<i32>} : memref<2000xf32, #tpu.memory_space<vmem>>, vector<16xf32>,
        %masked_sort3A_436 = arith.constant dense<true> : vector<16xi1>
        %masked_sort3A_437 = arith.constant -2147483648 : i32
        %masked_sort3A_438 = vector.broadcast %masked_sort3A_437 : i32 to vector<16xi32>
        %masked_sort3A_439 = arith.xori %get3A_431, %masked_sort3A_438 : vector<16xi32>
        %masked_sort3A_440, %masked_sort3A_441, %masked_sort3A_442 = tpu.sort %masked_sort3A_439, %get3A_435 masked %masked_sort3A_436 : (vector<16xi32>, vector<16xf32>, vector<16xi1>) -> (vector<16xi1>, vector<16xi32>, vector<16xf32>)
        %masked_sort3A_443 = arith.xori %masked_sort3A_441, %masked_sort3A_438 : vector<16xi32>
        %lt3A_444 = arith.constant 0 : i32
        %lt3A_445 = vector.broadcast %lt3A_444 : i32 to vector<16xi32>
        %lt3A_446 = arith.cmpi slt, %max3A_9, %lt3A_445 : vector<16xi32>
        %add3A_447 = arith.constant 16 : i32
        %add3A_448 = vector.broadcast %add3A_447 : i32 to vector<16xi32>
        %add3A_449 = arith.addi %max3A_9, %add3A_448 : vector<16xi32>
        %select_n3A_450 = arith.select %lt3A_446, %add3A_449, %max3A_9 : vector<16xi1>, vector<16xi32>
        %broadcast_in_dim3A_451 = vector.shape_cast %select_n3A_450 : vector<16xi32> to vector<16x1xi32>
        %gather3A_452 = vector.shape_cast %broadcast_in_dim3A_451 : vector<16x1xi32> to vector<16xi32>
        %gather3A_453 = tpu.dynamic_gather %masked_sort3A_443[%gather3A_452] in [0] : vector<16xi32>, vector<16xi32> -> vector<16xi32>
        %lt3A_454 = arith.constant 0 : i32
        %lt3A_455 = vector.broadcast %lt3A_454 : i32 to vector<16xi32>
        %lt3A_456 = arith.cmpi slt, %max3A_9, %lt3A_455 : vector<16xi32>
        %add3A_457 = arith.constant 16 : i32
        %add3A_458 = vector.broadcast %add3A_457 : i32 to vector<16xi32>
        %add3A_459 = arith.addi %max3A_9, %add3A_458 : vector<16xi32>
        %select_n3A_460 = arith.select %lt3A_456, %add3A_459, %max3A_9 : vector<16xi1>, vector<16xi32>
        %broadcast_in_dim3A_461 = vector.shape_cast %select_n3A_460 : vector<16xi32> to vector<16x1xi32>
        %gather3A_462 = vector.shape_cast %broadcast_in_dim3A_461 : vector<16x1xi32> to vector<16xi32>
        %gather3A_463 = tpu.dynamic_gather %masked_sort3A_442[%gather3A_462] in [0] : vector<16xf32>, vector<16xi32> -> vector<16xf32>
        %eq3A_464 = arith.cmpi eq, %masked_sort3A_443, %gather3A_453 : vector<16xi32>
        %max3A_465 = arith.maximumf %masked_sort3A_442, %gather3A_463 : vector<16xf32>
        %select_n3A_466 = arith.select %eq3A_464, %max3A_465, %masked_sort3A_442 : vector<16xi1>, vector<16xf32>
        %lt3A_467 = arith.constant 0 : i32
        %lt3A_468 = vector.broadcast %lt3A_467 : i32 to vector<16xi32>
        %lt3A_469 = arith.cmpi slt, %max3A_15, %lt3A_468 : vector<16xi32>
        %add3A_470 = arith.constant 16 : i32
        %add3A_471 = vector.broadcast %add3A_470 : i32 to vector<16xi32>
        %add3A_472 = arith.addi %max3A_15, %add3A_471 : vector<16xi32>
        %select_n3A_473 = arith.select %lt3A_469, %add3A_472, %max3A_15 : vector<16xi1>, vector<16xi32>
        %broadcast_in_dim3A_474 = vector.shape_cast %select_n3A_473 : vector<16xi32> to vector<16x1xi32>
        %gather3A_475 = vector.shape_cast %broadcast_in_dim3A_474 : vector<16x1xi32> to vector<16xi32>
        %gather3A_476 = tpu.dynamic_gather %masked_sort3A_443[%gather3A_475] in [0] : vector<16xi32>, vector<16xi32> -> vector<16xi32>
        %lt3A_477 = arith.constant 0 : i32
        %lt3A_478 = vector.broadcast %lt3A_477 : i32 to vector<16xi32>
        %lt3A_479 = arith.cmpi slt, %max3A_15, %lt3A_478 : vector<16xi32>
        %add3A_480 = arith.constant 16 : i32
        %add3A_481 = vector.broadcast %add3A_480 : i32 to vector<16xi32>
        %add3A_482 = arith.addi %max3A_15, %add3A_481 : vector<16xi32>
        %select_n3A_483 = arith.select %lt3A_479, %add3A_482, %max3A_15 : vector<16xi1>, vector<16xi32>
        %broadcast_in_dim3A_484 = vector.shape_cast %select_n3A_483 : vector<16xi32> to vector<16x1xi32>
        %gather3A_485 = vector.shape_cast %broadcast_in_dim3A_484 : vector<16x1xi32> to vector<16xi32>
        %gather3A_486 = tpu.dynamic_gather %select_n3A_466[%gather3A_485] in [0] : vector<16xf32>, vector<16xi32> -> vector<16xf32>
        %eq3A_487 = arith.cmpi eq, %masked_sort3A_443, %gather3A_476 : vector<16xi32>
        %max3A_488 = arith.maximumf %select_n3A_466, %gather3A_486 : vector<16xf32>
        %select_n3A_489 = arith.select %eq3A_487, %max3A_488, %select_n3A_466 : vector<16xi1>, vector<16xf32>
        %lt3A_490 = arith.constant 0 : i32
        %lt3A_491 = vector.broadcast %lt3A_490 : i32 to vector<16xi32>
        %lt3A_492 = arith.cmpi slt, %max3A_21, %lt3A_491 : vector<16xi32>
        %add3A_493 = arith.constant 16 : i32
        %add3A_494 = vector.broadcast %add3A_493 : i32 to vector<16xi32>
        %add3A_495 = arith.addi %max3A_21, %add3A_494 : vector<16xi32>
        %select_n3A_496 = arith.select %lt3A_492, %add3A_495, %max3A_21 : vector<16xi1>, vector<16xi32>
        %broadcast_in_dim3A_497 = vector.shape_cast %select_n3A_496 : vector<16xi32> to vector<16x1xi32>
        %gather3A_498 = vector.shape_cast %broadcast_in_dim3A_497 : vector<16x1xi32> to vector<16xi32>
        %gather3A_499 = tpu.dynamic_gather %masked_sort3A_443[%gather3A_498] in [0] : vector<16xi32>, vector<16xi32> -> vector<16xi32>
        %lt3A_500 = arith.constant 0 : i32
        %lt3A_501 = vector.broadcast %lt3A_500 : i32 to vector<16xi32>
        %lt3A_502 = arith.cmpi slt, %max3A_21, %lt3A_501 : vector<16xi32>
        %add3A_503 = arith.constant 16 : i32
        %add3A_504 = vector.broadcast %add3A_503 : i32 to vector<16xi32>
        %add3A_505 = arith.addi %max3A_21, %add3A_504 : vector<16xi32>
        %select_n3A_506 = arith.select %lt3A_502, %add3A_505, %max3A_21 : vector<16xi1>, vector<16xi32>
        %broadcast_in_dim3A_507 = vector.shape_cast %select_n3A_506 : vector<16xi32> to vector<16x1xi32>
        %gather3A_508 = vector.shape_cast %broadcast_in_dim3A_507 : vector<16x1xi32> to vector<16xi32>
        %gather3A_509 = tpu.dynamic_gather %select_n3A_489[%gather3A_508] in [0] : vector<16xf32>, vector<16xi32> -> vector<16xf32>
        %eq3A_510 = arith.cmpi eq, %masked_sort3A_443, %gather3A_499 : vector<16xi32>
        %max3A_511 = arith.maximumf %select_n3A_489, %gather3A_509 : vector<16xf32>
        %select_n3A_512 = arith.select %eq3A_510, %max3A_511, %select_n3A_489 : vector<16xi1>, vector<16xf32>
        %lt3A_513 = arith.constant 0 : i32
        %lt3A_514 = vector.broadcast %lt3A_513 : i32 to vector<16xi32>
        %lt3A_515 = arith.cmpi slt, %max3A_27, %lt3A_514 : vector<16xi32>
        %add3A_516 = arith.constant 16 : i32
        %add3A_517 = vector.broadcast %add3A_516 : i32 to vector<16xi32>
        %add3A_518 = arith.addi %max3A_27, %add3A_517 : vector<16xi32>
        %select_n3A_519 = arith.select %lt3A_515, %add3A_518, %max3A_27 : vector<16xi1>, vector<16xi32>
        %broadcast_in_dim3A_520 = vector.shape_cast %select_n3A_519 : vector<16xi32> to vector<16x1xi32>
        %gather3A_521 = vector.shape_cast %broadcast_in_dim3A_520 : vector<16x1xi32> to vector<16xi32>
        %gather3A_522 = tpu.dynamic_gather %masked_sort3A_443[%gather3A_521] in [0] : vector<16xi32>, vector<16xi32> -> vector<16xi32>
        %lt3A_523 = arith.constant 0 : i32
        %lt3A_524 = vector.broadcast %lt3A_523 : i32 to vector<16xi32>
        %lt3A_525 = arith.cmpi slt, %max3A_27, %lt3A_524 : vector<16xi32>
        %add3A_526 = arith.constant 16 : i32
        %add3A_527 = vector.broadcast %add3A_526 : i32 to vector<16xi32>
        %add3A_528 = arith.addi %max3A_27, %add3A_527 : vector<16xi32>
        %select_n3A_529 = arith.select %lt3A_525, %add3A_528, %max3A_27 : vector<16xi1>, vector<16xi32>
        %broadcast_in_dim3A_530 = vector.shape_cast %select_n3A_529 : vector<16xi32> to vector<16x1xi32>
        %gather3A_531 = vector.shape_cast %broadcast_in_dim3A_530 : vector<16x1xi32> to vector<16xi32>
        %gather3A_532 = tpu.dynamic_gather %select_n3A_512[%gather3A_531] in [0] : vector<16xf32>, vector<16xi32> -> vector<16xf32>
        %eq3A_533 = arith.cmpi eq, %masked_sort3A_443, %gather3A_522 : vector<16xi32>
        %max3A_534 = arith.maximumf %select_n3A_512, %gather3A_532 : vector<16xf32>
        %select_n3A_535 = arith.select %eq3A_533, %max3A_534, %select_n3A_512 : vector<16xi1>, vector<16xf32>
        %lt3A_536 = arith.constant 0 : i32
        %lt3A_537 = vector.broadcast %lt3A_536 : i32 to vector<16xi32>
        %lt3A_538 = arith.cmpi slt, %min3A_5, %lt3A_537 : vector<16xi32>
        %add3A_539 = arith.constant 16 : i32
        %add3A_540 = vector.broadcast %add3A_539 : i32 to vector<16xi32>
        %add3A_541 = arith.addi %min3A_5, %add3A_540 : vector<16xi32>
        %select_n3A_542 = arith.select %lt3A_538, %add3A_541, %min3A_5 : vector<16xi1>, vector<16xi32>
        %broadcast_in_dim3A_543 = vector.shape_cast %select_n3A_542 : vector<16xi32> to vector<16x1xi32>
        %gather3A_544 = vector.shape_cast %broadcast_in_dim3A_543 : vector<16x1xi32> to vector<16xi32>
        %gather3A_545 = tpu.dynamic_gather %masked_sort3A_443[%gather3A_544] in [0] : vector<16xi32>, vector<16xi32> -> vector<16xi32>
        %ne3A_546 = arith.cmpi ne, %masked_sort3A_443, %gather3A_545 : vector<16xi32>
        %eq3A_547 = arith.constant 15 : i32
        %eq3A_548 = vector.broadcast %eq3A_547 : i32 to vector<16xi32>
        %eq3A_549 = arith.cmpi eq, %iota3A, %eq3A_548 : vector<16xi32>
        %or3A_550 = arith.ori %ne3A_546, %eq3A_549 : vector<16xi1>
        %gather3A_551 = tpu.vector_load_idx %arg8[%masked_sort3A_443] masked %or3A_550 : memref<100000xf32, #tpu.memory_space<vmem>>[vector<16xi32>], vector<16xf32>, vector<16xi1>
        %max3A_552 = arith.maximumf %gather3A_551, %select_n3A_535 : vector<16xf32>
        tpu.vector_store_idx %arg8[%masked_sort3A_443], %max3A_552 masked %or3A_550 : memref<100000xf32, #tpu.memory_space<vmem>>[vector<16xi32>], vector<16xf32>, vector<16xi1>
        %scan3A_553 = arith.constant 0 : i32
        scf.yield %scan3A_553 : i32
      }
      %scan3A_176 = arith.constant 124 : i32
      %scan3A_177 = arith.addi %scan3A_171, %scan3A_176 : i32
      %mul3A_178 = arith.constant 16 : i32
      %mul3A_179 = arith.muli %scan3A_177, %mul3A_178 : i32
      %get3A = arith.index_cast %mul3A_179 : i32 to index
      %get3A_180 = tpu.vector_load %arg9[%get3A] {strides = array<i32>} : memref<2000xi32, #tpu.memory_space<vmem>>, vector<16xi32>,
      %mul3A_181 = arith.constant 16 : i32
      %mul3A_182 = arith.muli %scan3A_177, %mul3A_181 : i32
      %get3A_183 = arith.index_cast %mul3A_182 : i32 to index
      %get3A_184 = tpu.vector_load %arg10[%get3A_183] {strides = array<i32>} : memref<2000xf32, #tpu.memory_space<vmem>>, vector<16xf32>,
      %masked_sort3A = arith.constant dense<true> : vector<16xi1>
      %masked_sort3A_185 = arith.constant -2147483648 : i32
      %masked_sort3A_186 = vector.broadcast %masked_sort3A_185 : i32 to vector<16xi32>
      %masked_sort3A_187 = arith.xori %get3A_180, %masked_sort3A_186 : vector<16xi32>
      %masked_sort3A_188, %masked_sort3A_189, %masked_sort3A_190 = tpu.sort %masked_sort3A_187, %get3A_184 masked %masked_sort3A : (vector<16xi32>, vector<16xf32>, vector<16xi1>) -> (vector<16xi1>, vector<16xi32>, vector<16xf32>)
      %masked_sort3A_191 = arith.xori %masked_sort3A_189, %masked_sort3A_186 : vector<16xi32>
      %lt3A = arith.constant 0 : i32
      %lt3A_192 = vector.broadcast %lt3A : i32 to vector<16xi32>
      %lt3A_193 = arith.cmpi slt, %max3A_9, %lt3A_192 : vector<16xi32>
      %add3A_194 = arith.constant 16 : i32
      %add3A_195 = vector.broadcast %add3A_194 : i32 to vector<16xi32>
      %add3A_196 = arith.addi %max3A_9, %add3A_195 : vector<16xi32>
      %select_n3A = arith.select %lt3A_193, %add3A_196, %max3A_9 : vector<16xi1>, vector<16xi32>
      %broadcast_in_dim3A_197 = vector.shape_cast %select_n3A : vector<16xi32> to vector<16x1xi32>
      %gather3A = vector.shape_cast %broadcast_in_dim3A_197 : vector<16x1xi32> to vector<16xi32>
      %gather3A_198 = tpu.dynamic_gather %masked_sort3A_191[%gather3A] in [0] : vector<16xi32>, vector<16xi32> -> vector<16xi32>
      %lt3A_199 = arith.constant 0 : i32
      %lt3A_200 = vector.broadcast %lt3A_199 : i32 to vector<16xi32>
      %lt3A_201 = arith.cmpi slt, %max3A_9, %lt3A_200 : vector<16xi32>
      %add3A_202 = arith.constant 16 : i32
      %add3A_203 = vector.broadcast %add3A_202 : i32 to vector<16xi32>
      %add3A_204 = arith.addi %max3A_9, %add3A_203 : vector<16xi32>
      %select_n3A_205 = arith.select %lt3A_201, %add3A_204, %max3A_9 : vector<16xi1>, vector<16xi32>
      %broadcast_in_dim3A_206 = vector.shape_cast %select_n3A_205 : vector<16xi32> to vector<16x1xi32>
      %gather3A_207 = vector.shape_cast %broadcast_in_dim3A_206 : vector<16x1xi32> to vector<16xi32>
      %gather3A_208 = tpu.dynamic_gather %masked_sort3A_190[%gather3A_207] in [0] : vector<16xf32>, vector<16xi32> -> vector<16xf32>
      %eq3A = arith.cmpi eq, %masked_sort3A_191, %gather3A_198 : vector<16xi32>
      %max3A_209 = arith.maximumf %masked_sort3A_190, %gather3A_208 : vector<16xf32>
      %select_n3A_210 = arith.select %eq3A, %max3A_209, %masked_sort3A_190 : vector<16xi1>, vector<16xf32>
      %lt3A_211 = arith.constant 0 : i32
      %lt3A_212 = vector.broadcast %lt3A_211 : i32 to vector<16xi32>
      %lt3A_213 = arith.cmpi slt, %max3A_15, %lt3A_212 : vector<16xi32>
      %add3A_214 = arith.constant 16 : i32
      %add3A_215 = vector.broadcast %add3A_214 : i32 to vector<16xi32>
      %add3A_216 = arith.addi %max3A_15, %add3A_215 : vector<16xi32>
      %select_n3A_217 = arith.select %lt3A_213, %add3A_216, %max3A_15 : vector<16xi1>, vector<16xi32>
      %broadcast_in_dim3A_218 = vector.shape_cast %select_n3A_217 : vector<16xi32> to vector<16x1xi32>
      %gather3A_219 = vector.shape_cast %broadcast_in_dim3A_218 : vector<16x1xi32> to vector<16xi32>
      %gather3A_220 = tpu.dynamic_gather %masked_sort3A_191[%gather3A_219] in [0] : vector<16xi32>, vector<16xi32> -> vector<16xi32>
      %lt3A_221 = arith.constant 0 : i32
      %lt3A_222 = vector.broadcast %lt3A_221 : i32 to vector<16xi32>
      %lt3A_223 = arith.cmpi slt, %max3A_15, %lt3A_222 : vector<16xi32>
      %add3A_224 = arith.constant 16 : i32
      %add3A_225 = vector.broadcast %add3A_224 : i32 to vector<16xi32>
      %add3A_226 = arith.addi %max3A_15, %add3A_225 : vector<16xi32>
      %select_n3A_227 = arith.select %lt3A_223, %add3A_226, %max3A_15 : vector<16xi1>, vector<16xi32>
      %broadcast_in_dim3A_228 = vector.shape_cast %select_n3A_227 : vector<16xi32> to vector<16x1xi32>
      %gather3A_229 = vector.shape_cast %broadcast_in_dim3A_228 : vector<16x1xi32> to vector<16xi32>
      %gather3A_230 = tpu.dynamic_gather %select_n3A_210[%gather3A_229] in [0] : vector<16xf32>, vector<16xi32> -> vector<16xf32>
      %eq3A_231 = arith.cmpi eq, %masked_sort3A_191, %gather3A_220 : vector<16xi32>
      %max3A_232 = arith.maximumf %select_n3A_210, %gather3A_230 : vector<16xf32>
      %select_n3A_233 = arith.select %eq3A_231, %max3A_232, %select_n3A_210 : vector<16xi1>, vector<16xf32>
      %lt3A_234 = arith.constant 0 : i32
      %lt3A_235 = vector.broadcast %lt3A_234 : i32 to vector<16xi32>
      %lt3A_236 = arith.cmpi slt, %max3A_21, %lt3A_235 : vector<16xi32>
      %add3A_237 = arith.constant 16 : i32
      %add3A_238 = vector.broadcast %add3A_237 : i32 to vector<16xi32>
      %add3A_239 = arith.addi %max3A_21, %add3A_238 : vector<16xi32>
      %select_n3A_240 = arith.select %lt3A_236, %add3A_239, %max3A_21 : vector<16xi1>, vector<16xi32>
      %broadcast_in_dim3A_241 = vector.shape_cast %select_n3A_240 : vector<16xi32> to vector<16x1xi32>
      %gather3A_242 = vector.shape_cast %broadcast_in_dim3A_241 : vector<16x1xi32> to vector<16xi32>
      %gather3A_243 = tpu.dynamic_gather %masked_sort3A_191[%gather3A_242] in [0] : vector<16xi32>, vector<16xi32> -> vector<16xi32>
      %lt3A_244 = arith.constant 0 : i32
      %lt3A_245 = vector.broadcast %lt3A_244 : i32 to vector<16xi32>
      %lt3A_246 = arith.cmpi slt, %max3A_21, %lt3A_245 : vector<16xi32>
      %add3A_247 = arith.constant 16 : i32
      %add3A_248 = vector.broadcast %add3A_247 : i32 to vector<16xi32>
      %add3A_249 = arith.addi %max3A_21, %add3A_248 : vector<16xi32>
      %select_n3A_250 = arith.select %lt3A_246, %add3A_249, %max3A_21 : vector<16xi1>, vector<16xi32>
      %broadcast_in_dim3A_251 = vector.shape_cast %select_n3A_250 : vector<16xi32> to vector<16x1xi32>
      %gather3A_252 = vector.shape_cast %broadcast_in_dim3A_251 : vector<16x1xi32> to vector<16xi32>
      %gather3A_253 = tpu.dynamic_gather %select_n3A_233[%gather3A_252] in [0] : vector<16xf32>, vector<16xi32> -> vector<16xf32>
      %eq3A_254 = arith.cmpi eq, %masked_sort3A_191, %gather3A_243 : vector<16xi32>
      %max3A_255 = arith.maximumf %select_n3A_233, %gather3A_253 : vector<16xf32>
      %select_n3A_256 = arith.select %eq3A_254, %max3A_255, %select_n3A_233 : vector<16xi1>, vector<16xf32>
      %lt3A_257 = arith.constant 0 : i32
      %lt3A_258 = vector.broadcast %lt3A_257 : i32 to vector<16xi32>
      %lt3A_259 = arith.cmpi slt, %max3A_27, %lt3A_258 : vector<16xi32>
      %add3A_260 = arith.constant 16 : i32
      %add3A_261 = vector.broadcast %add3A_260 : i32 to vector<16xi32>
      %add3A_262 = arith.addi %max3A_27, %add3A_261 : vector<16xi32>
      %select_n3A_263 = arith.select %lt3A_259, %add3A_262, %max3A_27 : vector<16xi1>, vector<16xi32>
      %broadcast_in_dim3A_264 = vector.shape_cast %select_n3A_263 : vector<16xi32> to vector<16x1xi32>
      %gather3A_265 = vector.shape_cast %broadcast_in_dim3A_264 : vector<16x1xi32> to vector<16xi32>
      %gather3A_266 = tpu.dynamic_gather %masked_sort3A_191[%gather3A_265] in [0] : vector<16xi32>, vector<16xi32> -> vector<16xi32>
      %lt3A_267 = arith.constant 0 : i32
      %lt3A_268 = vector.broadcast %lt3A_267 : i32 to vector<16xi32>
      %lt3A_269 = arith.cmpi slt, %max3A_27, %lt3A_268 : vector<16xi32>
      %add3A_270 = arith.constant 16 : i32
      %add3A_271 = vector.broadcast %add3A_270 : i32 to vector<16xi32>
      %add3A_272 = arith.addi %max3A_27, %add3A_271 : vector<16xi32>
      %select_n3A_273 = arith.select %lt3A_269, %add3A_272, %max3A_27 : vector<16xi1>, vector<16xi32>
      %broadcast_in_dim3A_274 = vector.shape_cast %select_n3A_273 : vector<16xi32> to vector<16x1xi32>
      %gather3A_275 = vector.shape_cast %broadcast_in_dim3A_274 : vector<16x1xi32> to vector<16xi32>
      %gather3A_276 = tpu.dynamic_gather %select_n3A_256[%gather3A_275] in [0] : vector<16xf32>, vector<16xi32> -> vector<16xf32>
      %eq3A_277 = arith.cmpi eq, %masked_sort3A_191, %gather3A_266 : vector<16xi32>
      %max3A_278 = arith.maximumf %select_n3A_256, %gather3A_276 : vector<16xf32>
      %select_n3A_279 = arith.select %eq3A_277, %max3A_278, %select_n3A_256 : vector<16xi1>, vector<16xf32>
      %lt3A_280 = arith.constant 0 : i32
      %lt3A_281 = vector.broadcast %lt3A_280 : i32 to vector<16xi32>
      %lt3A_282 = arith.cmpi slt, %min3A_5, %lt3A_281 : vector<16xi32>
      %add3A_283 = arith.constant 16 : i32
      %add3A_284 = vector.broadcast %add3A_283 : i32 to vector<16xi32>
      %add3A_285 = arith.addi %min3A_5, %add3A_284 : vector<16xi32>
      %select_n3A_286 = arith.select %lt3A_282, %add3A_285, %min3A_5 : vector<16xi1>, vector<16xi32>
      %broadcast_in_dim3A_287 = vector.shape_cast %select_n3A_286 : vector<16xi32> to vector<16x1xi32>
      %gather3A_288 = vector.shape_cast %broadcast_in_dim3A_287 : vector<16x1xi32> to vector<16xi32>
      %gather3A_289 = tpu.dynamic_gather %masked_sort3A_191[%gather3A_288] in [0] : vector<16xi32>, vector<16xi32> -> vector<16xi32>
      %ne3A = arith.cmpi ne, %masked_sort3A_191, %gather3A_289 : vector<16xi32>
      %eq3A_290 = arith.constant 15 : i32
      %eq3A_291 = vector.broadcast %eq3A_290 : i32 to vector<16xi32>
      %eq3A_292 = arith.cmpi eq, %iota3A, %eq3A_291 : vector<16xi32>
      %or3A = arith.ori %ne3A, %eq3A_292 : vector<16xi1>
      %gather3A_293 = tpu.vector_load_idx %arg8[%masked_sort3A_191] masked %or3A : memref<100000xf32, #tpu.memory_space<vmem>>[vector<16xi32>], vector<16xf32>, vector<16xi1>
      %max3A_294 = arith.maximumf %gather3A_293, %select_n3A_279 : vector<16xf32>
      tpu.vector_store_idx %arg8[%masked_sort3A_191], %max3A_294 masked %or3A : memref<100000xf32, #tpu.memory_space<vmem>>[vector<16xi32>], vector<16xf32>, vector<16xi1>
      %scan3A_295 = arith.constant 0 : i32
      %scan3A_296 = arith.constant 125 : i32
      %scan3A_297 = arith.constant 0 : i32
      scf.yield %scan3A_297 : i32
    }
    %scan3A_54 = arith.constant 100 : i32
    %mul3A_55 = arith.constant 4 : i32
    %mul3A_56 = arith.muli %add3A, %mul3A_55 : i32
    %add3A_57 = arith.constant 0 : i32
    %add3A_58 = arith.addi %mul3A_56, %add3A_57 : i32
    %mul3A_59 = arith.constant 100000 : i32
    %mul3A_60 = arith.muli %add3A_58, %mul3A_59 : i32
    "tpu.region"() ({
      %run_scoped3A = tpu.sem_alloc : memref<!tpu.dma_semaphore, #tpu.memory_space<semaphore_mem>>
      %dma_start3A = tpu.memref_slice %arg7[%mul3A_60] : memref<12800000xf32, #tpu.memory_space<hbm>> -> memref<100000xf32, #tpu.memory_space<hbm>>
      %dma_start3A_163 = tpu.memref_slice %arg7[%mul3A_60] : memref<12800000xf32, #tpu.memory_space<hbm>> -> memref<100000xf32, #tpu.memory_space<hbm>>
      tpu.enqueue_dma source(%arg8 : memref<100000xf32, #tpu.memory_space<vmem>>) target(%dma_start3A_163 : memref<100000xf32, #tpu.memory_space<hbm>>) target_semaphore(%run_scoped3A : memref<!tpu.dma_semaphore, #tpu.memory_space<semaphore_mem>>)
      %dma_wait3A = tpu.memref_slice %arg7[%mul3A_60] : memref<12800000xf32, #tpu.memory_space<hbm>> -> memref<100000xf32, #tpu.memory_space<hbm>>
      %dma_wait3A_164 = tpu.memref_slice %arg7[%mul3A_60] : memref<12800000xf32, #tpu.memory_space<hbm>> -> memref<100000xf32, #tpu.memory_space<hbm>>
      tpu.wait_dma2 semaphore(%run_scoped3A : memref<!tpu.dma_semaphore, #tpu.memory_space<semaphore_mem>>) src(%arg8 : memref<100000xf32, #tpu.memory_space<vmem>>) dst(%dma_wait3A_164 : memref<100000xf32, #tpu.memory_space<hbm>>)
      tpu.yield
    }) : () -> ()
    %scan3A_61 = arith.constant 0 : i32
    %scan3A_62 = arith.constant 0 : i32
    %scan3A_63 = arith.constant 6248 : i32
    %scan3A_64 = arith.addi %scan3A_62, %scan3A_63 : i32
    %scan3A_65 = arith.constant 8 : i32
    %scan3A_66 = scf.for %scan3A_163 = %scan3A_62 to %scan3A_64 step %scan3A_65 iter_args(%scan3A_164 = %scan3A_61) -> (i32)  : i32 {
      %mul3A_165 = arith.constant 16 : i32
      %mul3A_166 = arith.muli %scan3A_163, %mul3A_165 : i32
      %swap3A_167 = arith.index_cast %mul3A_166 : i32 to index
      %swap3A_168 = tpu.vector_load %arg8[%swap3A_167] {strides = array<i32>} : memref<100000xf32, #tpu.memory_space<vmem>>, vector<16xf32>,
      tpu.vector_store %arg8[%swap3A_167], %broadcast_in_dim3A_28 {strides = array<i32>} : memref<100000xf32, #tpu.memory_space<vmem>>, vector<16xf32>,
      %scan3A_169 = arith.constant 0 : i32
      %scan3A_170 = arith.constant 1 : i32
      %scan3A_171 = arith.addi %scan3A_163, %scan3A_170 : i32
      %mul3A_172 = arith.constant 16 : i32
      %mul3A_173 = arith.muli %scan3A_171, %mul3A_172 : i32
      %swap3A_174 = arith.index_cast %mul3A_173 : i32 to index
      %swap3A_175 = tpu.vector_load %arg8[%swap3A_174] {strides = array<i32>} : memref<100000xf32, #tpu.memory_space<vmem>>, vector<16xf32>,
      tpu.vector_store %arg8[%swap3A_174], %broadcast_in_dim3A_28 {strides = array<i32>} : memref<100000xf32, #tpu.memory_space<vmem>>, vector<16xf32>,
      %scan3A_176 = arith.constant 0 : i32
      %scan3A_177 = arith.constant 2 : i32
      %scan3A_178 = arith.addi %scan3A_163, %scan3A_177 : i32
      %mul3A_179 = arith.constant 16 : i32
      %mul3A_180 = arith.muli %scan3A_178, %mul3A_179 : i32
      %swap3A_181 = arith.index_cast %mul3A_180 : i32 to index
      %swap3A_182 = tpu.vector_load %arg8[%swap3A_181] {strides = array<i32>} : memref<100000xf32, #tpu.memory_space<vmem>>, vector<16xf32>,
      tpu.vector_store %arg8[%swap3A_181], %broadcast_in_dim3A_28 {strides = array<i32>} : memref<100000xf32, #tpu.memory_space<vmem>>, vector<16xf32>,
      %scan3A_183 = arith.constant 0 : i32
      %scan3A_184 = arith.constant 3 : i32
      %scan3A_185 = arith.addi %scan3A_163, %scan3A_184 : i32
      %mul3A_186 = arith.constant 16 : i32
      %mul3A_187 = arith.muli %scan3A_185, %mul3A_186 : i32
      %swap3A_188 = arith.index_cast %mul3A_187 : i32 to index
      %swap3A_189 = tpu.vector_load %arg8[%swap3A_188] {strides = array<i32>} : memref<100000xf32, #tpu.memory_space<vmem>>, vector<16xf32>,
      tpu.vector_store %arg8[%swap3A_188], %broadcast_in_dim3A_28 {strides = array<i32>} : memref<100000xf32, #tpu.memory_space<vmem>>, vector<16xf32>,
      %scan3A_190 = arith.constant 0 : i32
      %scan3A_191 = arith.constant 4 : i32
      %scan3A_192 = arith.addi %scan3A_163, %scan3A_191 : i32
      %mul3A_193 = arith.constant 16 : i32
      %mul3A_194 = arith.muli %scan3A_192, %mul3A_193 : i32
      %swap3A_195 = arith.index_cast %mul3A_194 : i32 to index
      %swap3A_196 = tpu.vector_load %arg8[%swap3A_195] {strides = array<i32>} : memref<100000xf32, #tpu.memory_space<vmem>>, vector<16xf32>,
      tpu.vector_store %arg8[%swap3A_195], %broadcast_in_dim3A_28 {strides = array<i32>} : memref<100000xf32, #tpu.memory_space<vmem>>, vector<16xf32>,
      %scan3A_197 = arith.constant 0 : i32
      %scan3A_198 = arith.constant 5 : i32
      %scan3A_199 = arith.addi %scan3A_163, %scan3A_198 : i32
      %mul3A_200 = arith.constant 16 : i32
      %mul3A_201 = arith.muli %scan3A_199, %mul3A_200 : i32
      %swap3A_202 = arith.index_cast %mul3A_201 : i32 to index
      %swap3A_203 = tpu.vector_load %arg8[%swap3A_202] {strides = array<i32>} : memref<100000xf32, #tpu.memory_space<vmem>>, vector<16xf32>,
      tpu.vector_store %arg8[%swap3A_202], %broadcast_in_dim3A_28 {strides = array<i32>} : memref<100000xf32, #tpu.memory_space<vmem>>, vector<16xf32>,
      %scan3A_204 = arith.constant 0 : i32
      %scan3A_205 = arith.constant 6 : i32
      %scan3A_206 = arith.addi %scan3A_163, %scan3A_205 : i32
      %mul3A_207 = arith.constant 16 : i32
      %mul3A_208 = arith.muli %scan3A_206, %mul3A_207 : i32
      %swap3A_209 = arith.index_cast %mul3A_208 : i32 to index
      %swap3A_210 = tpu.vector_load %arg8[%swap3A_209] {strides = array<i32>} : memref<100000xf32, #tpu.memory_space<vmem>>, vector<16xf32>,
      tpu.vector_store %arg8[%swap3A_209], %broadcast_in_dim3A_28 {strides = array<i32>} : memref<100000xf32, #tpu.memory_space<vmem>>, vector<16xf32>,
      %scan3A_211 = arith.constant 0 : i32
      %scan3A_212 = arith.constant 7 : i32
      %scan3A_213 = arith.addi %scan3A_163, %scan3A_212 : i32
      %mul3A_214 = arith.constant 16 : i32
      %mul3A_215 = arith.muli %scan3A_213, %mul3A_214 : i32
      %swap3A_216 = arith.index_cast %mul3A_215 : i32 to index
      %swap3A_217 = tpu.vector_load %arg8[%swap3A_216] {strides = array<i32>} : memref<100000xf32, #tpu.memory_space<vmem>>, vector<16xf32>,
      tpu.vector_store %arg8[%swap3A_216], %broadcast_in_dim3A_28 {strides = array<i32>} : memref<100000xf32, #tpu.memory_space<vmem>>, vector<16xf32>,
      %scan3A_218 = arith.constant 0 : i32
      scf.yield %scan3A_218 : i32
    }
    %scan3A_67 = arith.constant 6248 : i32
    %scan3A_68 = arith.addi %scan3A_62, %scan3A_67 : i32
    %mul3A_69 = arith.constant 16 : i32
    %mul3A_70 = arith.muli %scan3A_68, %mul3A_69 : i32
    %swap3A_71 = arith.index_cast %mul3A_70 : i32 to index
    %swap3A_72 = tpu.vector_load %arg8[%swap3A_71] {strides = array<i32>} : memref<100000xf32, #tpu.memory_space<vmem>>, vector<16xf32>,
    tpu.vector_store %arg8[%swap3A_71], %broadcast_in_dim3A_28 {strides = array<i32>} : memref<100000xf32, #tpu.memory_space<vmem>>, vector<16xf32>,
    %scan3A_73 = arith.constant 0 : i32
    %scan3A_74 = arith.constant 6249 : i32
    %scan3A_75 = arith.addi %scan3A_62, %scan3A_74 : i32
    %mul3A_76 = arith.constant 16 : i32
    %mul3A_77 = arith.muli %scan3A_75, %mul3A_76 : i32
    %swap3A_78 = arith.index_cast %mul3A_77 : i32 to index
    %swap3A_79 = tpu.vector_load %arg8[%swap3A_78] {strides = array<i32>} : memref<100000xf32, #tpu.memory_space<vmem>>, vector<16xf32>,
    tpu.vector_store %arg8[%swap3A_78], %broadcast_in_dim3A_28 {strides = array<i32>} : memref<100000xf32, #tpu.memory_space<vmem>>, vector<16xf32>,
    %scan3A_80 = arith.constant 0 : i32
    %scan3A_81 = arith.constant 6250 : i32
    %scan3A_82 = arith.constant 0 : i32
    %scan3A_83 = arith.constant 0 : i32
    %scan3A_84 = arith.constant 100 : i32
    %scan3A_85 = arith.addi %scan3A_83, %scan3A_84 : i32
    %scan3A_86 = arith.constant 1 : i32
    %scan3A_87 = scf.for %scan3A_163 = %scan3A_83 to %scan3A_85 step %scan3A_86 iter_args(%scan3A_164 = %scan3A_82) -> (i32)  : i32 {
      %mul3A_165 = arith.constant 200000 : i32
      %mul3A_166 = arith.muli %add3A, %mul3A_165 : i32
      %mul3A_167 = arith.constant 2000 : i32
      %mul3A_168 = arith.muli %scan3A_163, %mul3A_167 : i32
      %add3A_169 = arith.addi %mul3A_166, %mul3A_168 : i32
      "tpu.region"() ({
        %run_scoped3A = tpu.sem_alloc : memref<!tpu.dma_semaphore, #tpu.memory_space<semaphore_mem>>
        %dma_start3A = tpu.memref_slice %arg2[%add3A_169] : memref<6400000xi32, #tpu.memory_space<hbm>> -> memref<2000xi32, #tpu.memory_space<hbm>>
        %dma_start3A_298 = tpu.memref_slice %arg2[%add3A_169] : memref<6400000xi32, #tpu.memory_space<hbm>> -> memref<2000xi32, #tpu.memory_space<hbm>>
        tpu.enqueue_dma source(%dma_start3A_298 : memref<2000xi32, #tpu.memory_space<hbm>>) target(%arg9 : memref<2000xi32, #tpu.memory_space<vmem>>) target_semaphore(%run_scoped3A : memref<!tpu.dma_semaphore, #tpu.memory_space<semaphore_mem>>)
        %dma_wait3A = tpu.memref_slice %arg2[%add3A_169] : memref<6400000xi32, #tpu.memory_space<hbm>> -> memref<2000xi32, #tpu.memory_space<hbm>>
        %dma_wait3A_299 = tpu.memref_slice %arg2[%add3A_169] : memref<6400000xi32, #tpu.memory_space<hbm>> -> memref<2000xi32, #tpu.memory_space<hbm>>
        tpu.wait_dma2 semaphore(%run_scoped3A : memref<!tpu.dma_semaphore, #tpu.memory_space<semaphore_mem>>) src(%dma_wait3A_299 : memref<2000xi32, #tpu.memory_space<hbm>>) dst(%arg9 : memref<2000xi32, #tpu.memory_space<vmem>>)
        tpu.yield
      }) : () -> ()
      "tpu.region"() ({
        %run_scoped3A = tpu.sem_alloc : memref<!tpu.dma_semaphore, #tpu.memory_space<semaphore_mem>>
        %dma_start3A = tpu.memref_slice %arg4[%add3A_169] : memref<6400000xf32, #tpu.memory_space<hbm>> -> memref<2000xf32, #tpu.memory_space<hbm>>
        %dma_start3A_298 = tpu.memref_slice %arg4[%add3A_169] : memref<6400000xf32, #tpu.memory_space<hbm>> -> memref<2000xf32, #tpu.memory_space<hbm>>
        tpu.enqueue_dma source(%dma_start3A_298 : memref<2000xf32, #tpu.memory_space<hbm>>) target(%arg10 : memref<2000xf32, #tpu.memory_space<vmem>>) target_semaphore(%run_scoped3A : memref<!tpu.dma_semaphore, #tpu.memory_space<semaphore_mem>>)
        %dma_wait3A = tpu.memref_slice %arg4[%add3A_169] : memref<6400000xf32, #tpu.memory_space<hbm>> -> memref<2000xf32, #tpu.memory_space<hbm>>
        %dma_wait3A_299 = tpu.memref_slice %arg4[%add3A_169] : memref<6400000xf32, #tpu.memory_space<hbm>> -> memref<2000xf32, #tpu.memory_space<hbm>>
        tpu.wait_dma2 semaphore(%run_scoped3A : memref<!tpu.dma_semaphore, #tpu.memory_space<semaphore_mem>>) src(%dma_wait3A_299 : memref<2000xf32, #tpu.memory_space<hbm>>) dst(%arg10 : memref<2000xf32, #tpu.memory_space<vmem>>)
        tpu.yield
      }) : () -> ()
      %scan3A_170 = arith.constant 0 : i32
      %scan3A_171 = arith.constant 0 : i32
      %scan3A_172 = arith.constant 124 : i32
      %scan3A_173 = arith.addi %scan3A_171, %scan3A_172 : i32
      %scan3A_174 = arith.constant 2 : i32
      %scan3A_175 = scf.for %scan3A_298 = %scan3A_171 to %scan3A_173 step %scan3A_174 iter_args(%scan3A_299 = %scan3A_170) -> (i32)  : i32 {
        %mul3A_300 = arith.constant 16 : i32
        %mul3A_301 = arith.muli %scan3A_298, %mul3A_300 : i32
        %get3A_302 = arith.index_cast %mul3A_301 : i32 to index
        %get3A_303 = tpu.vector_load %arg9[%get3A_302] {strides = array<i32>} : memref<2000xi32, #tpu.memory_space<vmem>>, vector<16xi32>,
        %mul3A_304 = arith.constant 16 : i32
        %mul3A_305 = arith.muli %scan3A_298, %mul3A_304 : i32
        %get3A_306 = arith.index_cast %mul3A_305 : i32 to index
        %get3A_307 = tpu.vector_load %arg10[%get3A_306] {strides = array<i32>} : memref<2000xf32, #tpu.memory_space<vmem>>, vector<16xf32>,
        %masked_sort3A_308 = arith.constant dense<true> : vector<16xi1>
        %masked_sort3A_309 = arith.constant -2147483648 : i32
        %masked_sort3A_310 = vector.broadcast %masked_sort3A_309 : i32 to vector<16xi32>
        %masked_sort3A_311 = arith.xori %get3A_303, %masked_sort3A_310 : vector<16xi32>
        %masked_sort3A_312, %masked_sort3A_313, %masked_sort3A_314 = tpu.sort %masked_sort3A_311, %get3A_307 masked %masked_sort3A_308 : (vector<16xi32>, vector<16xf32>, vector<16xi1>) -> (vector<16xi1>, vector<16xi32>, vector<16xf32>)
        %masked_sort3A_315 = arith.xori %masked_sort3A_313, %masked_sort3A_310 : vector<16xi32>
        %lt3A_316 = arith.constant 0 : i32
        %lt3A_317 = vector.broadcast %lt3A_316 : i32 to vector<16xi32>
        %lt3A_318 = arith.cmpi slt, %max3A_9, %lt3A_317 : vector<16xi32>
        %add3A_319 = arith.constant 16 : i32
        %add3A_320 = vector.broadcast %add3A_319 : i32 to vector<16xi32>
        %add3A_321 = arith.addi %max3A_9, %add3A_320 : vector<16xi32>
        %select_n3A_322 = arith.select %lt3A_318, %add3A_321, %max3A_9 : vector<16xi1>, vector<16xi32>
        %broadcast_in_dim3A_323 = vector.shape_cast %select_n3A_322 : vector<16xi32> to vector<16x1xi32>
        %gather3A_324 = vector.shape_cast %broadcast_in_dim3A_323 : vector<16x1xi32> to vector<16xi32>
        %gather3A_325 = tpu.dynamic_gather %masked_sort3A_315[%gather3A_324] in [0] : vector<16xi32>, vector<16xi32> -> vector<16xi32>
        %lt3A_326 = arith.constant 0 : i32
        %lt3A_327 = vector.broadcast %lt3A_326 : i32 to vector<16xi32>
        %lt3A_328 = arith.cmpi slt, %max3A_9, %lt3A_327 : vector<16xi32>
        %add3A_329 = arith.constant 16 : i32
        %add3A_330 = vector.broadcast %add3A_329 : i32 to vector<16xi32>
        %add3A_331 = arith.addi %max3A_9, %add3A_330 : vector<16xi32>
        %select_n3A_332 = arith.select %lt3A_328, %add3A_331, %max3A_9 : vector<16xi1>, vector<16xi32>
        %broadcast_in_dim3A_333 = vector.shape_cast %select_n3A_332 : vector<16xi32> to vector<16x1xi32>
        %gather3A_334 = vector.shape_cast %broadcast_in_dim3A_333 : vector<16x1xi32> to vector<16xi32>
        %gather3A_335 = tpu.dynamic_gather %masked_sort3A_314[%gather3A_334] in [0] : vector<16xf32>, vector<16xi32> -> vector<16xf32>
        %eq3A_336 = arith.cmpi eq, %masked_sort3A_315, %gather3A_325 : vector<16xi32>
        %max3A_337 = arith.maximumf %masked_sort3A_314, %gather3A_335 : vector<16xf32>
        %select_n3A_338 = arith.select %eq3A_336, %max3A_337, %masked_sort3A_314 : vector<16xi1>, vector<16xf32>
        %lt3A_339 = arith.constant 0 : i32
        %lt3A_340 = vector.broadcast %lt3A_339 : i32 to vector<16xi32>
        %lt3A_341 = arith.cmpi slt, %max3A_15, %lt3A_340 : vector<16xi32>
        %add3A_342 = arith.constant 16 : i32
        %add3A_343 = vector.broadcast %add3A_342 : i32 to vector<16xi32>
        %add3A_344 = arith.addi %max3A_15, %add3A_343 : vector<16xi32>
        %select_n3A_345 = arith.select %lt3A_341, %add3A_344, %max3A_15 : vector<16xi1>, vector<16xi32>
        %broadcast_in_dim3A_346 = vector.shape_cast %select_n3A_345 : vector<16xi32> to vector<16x1xi32>
        %gather3A_347 = vector.shape_cast %broadcast_in_dim3A_346 : vector<16x1xi32> to vector<16xi32>
        %gather3A_348 = tpu.dynamic_gather %masked_sort3A_315[%gather3A_347] in [0] : vector<16xi32>, vector<16xi32> -> vector<16xi32>
        %lt3A_349 = arith.constant 0 : i32
        %lt3A_350 = vector.broadcast %lt3A_349 : i32 to vector<16xi32>
        %lt3A_351 = arith.cmpi slt, %max3A_15, %lt3A_350 : vector<16xi32>
        %add3A_352 = arith.constant 16 : i32
        %add3A_353 = vector.broadcast %add3A_352 : i32 to vector<16xi32>
        %add3A_354 = arith.addi %max3A_15, %add3A_353 : vector<16xi32>
        %select_n3A_355 = arith.select %lt3A_351, %add3A_354, %max3A_15 : vector<16xi1>, vector<16xi32>
        %broadcast_in_dim3A_356 = vector.shape_cast %select_n3A_355 : vector<16xi32> to vector<16x1xi32>
        %gather3A_357 = vector.shape_cast %broadcast_in_dim3A_356 : vector<16x1xi32> to vector<16xi32>
        %gather3A_358 = tpu.dynamic_gather %select_n3A_338[%gather3A_357] in [0] : vector<16xf32>, vector<16xi32> -> vector<16xf32>
        %eq3A_359 = arith.cmpi eq, %masked_sort3A_315, %gather3A_348 : vector<16xi32>
        %max3A_360 = arith.maximumf %select_n3A_338, %gather3A_358 : vector<16xf32>
        %select_n3A_361 = arith.select %eq3A_359, %max3A_360, %select_n3A_338 : vector<16xi1>, vector<16xf32>
        %lt3A_362 = arith.constant 0 : i32
        %lt3A_363 = vector.broadcast %lt3A_362 : i32 to vector<16xi32>
        %lt3A_364 = arith.cmpi slt, %max3A_21, %lt3A_363 : vector<16xi32>
        %add3A_365 = arith.constant 16 : i32
        %add3A_366 = vector.broadcast %add3A_365 : i32 to vector<16xi32>
        %add3A_367 = arith.addi %max3A_21, %add3A_366 : vector<16xi32>
        %select_n3A_368 = arith.select %lt3A_364, %add3A_367, %max3A_21 : vector<16xi1>, vector<16xi32>
        %broadcast_in_dim3A_369 = vector.shape_cast %select_n3A_368 : vector<16xi32> to vector<16x1xi32>
        %gather3A_370 = vector.shape_cast %broadcast_in_dim3A_369 : vector<16x1xi32> to vector<16xi32>
        %gather3A_371 = tpu.dynamic_gather %masked_sort3A_315[%gather3A_370] in [0] : vector<16xi32>, vector<16xi32> -> vector<16xi32>
        %lt3A_372 = arith.constant 0 : i32
        %lt3A_373 = vector.broadcast %lt3A_372 : i32 to vector<16xi32>
        %lt3A_374 = arith.cmpi slt, %max3A_21, %lt3A_373 : vector<16xi32>
        %add3A_375 = arith.constant 16 : i32
        %add3A_376 = vector.broadcast %add3A_375 : i32 to vector<16xi32>
        %add3A_377 = arith.addi %max3A_21, %add3A_376 : vector<16xi32>
        %select_n3A_378 = arith.select %lt3A_374, %add3A_377, %max3A_21 : vector<16xi1>, vector<16xi32>
        %broadcast_in_dim3A_379 = vector.shape_cast %select_n3A_378 : vector<16xi32> to vector<16x1xi32>
        %gather3A_380 = vector.shape_cast %broadcast_in_dim3A_379 : vector<16x1xi32> to vector<16xi32>
        %gather3A_381 = tpu.dynamic_gather %select_n3A_361[%gather3A_380] in [0] : vector<16xf32>, vector<16xi32> -> vector<16xf32>
        %eq3A_382 = arith.cmpi eq, %masked_sort3A_315, %gather3A_371 : vector<16xi32>
        %max3A_383 = arith.maximumf %select_n3A_361, %gather3A_381 : vector<16xf32>
        %select_n3A_384 = arith.select %eq3A_382, %max3A_383, %select_n3A_361 : vector<16xi1>, vector<16xf32>
        %lt3A_385 = arith.constant 0 : i32
        %lt3A_386 = vector.broadcast %lt3A_385 : i32 to vector<16xi32>
        %lt3A_387 = arith.cmpi slt, %max3A_27, %lt3A_386 : vector<16xi32>
        %add3A_388 = arith.constant 16 : i32
        %add3A_389 = vector.broadcast %add3A_388 : i32 to vector<16xi32>
        %add3A_390 = arith.addi %max3A_27, %add3A_389 : vector<16xi32>
        %select_n3A_391 = arith.select %lt3A_387, %add3A_390, %max3A_27 : vector<16xi1>, vector<16xi32>
        %broadcast_in_dim3A_392 = vector.shape_cast %select_n3A_391 : vector<16xi32> to vector<16x1xi32>
        %gather3A_393 = vector.shape_cast %broadcast_in_dim3A_392 : vector<16x1xi32> to vector<16xi32>
        %gather3A_394 = tpu.dynamic_gather %masked_sort3A_315[%gather3A_393] in [0] : vector<16xi32>, vector<16xi32> -> vector<16xi32>
        %lt3A_395 = arith.constant 0 : i32
        %lt3A_396 = vector.broadcast %lt3A_395 : i32 to vector<16xi32>
        %lt3A_397 = arith.cmpi slt, %max3A_27, %lt3A_396 : vector<16xi32>
        %add3A_398 = arith.constant 16 : i32
        %add3A_399 = vector.broadcast %add3A_398 : i32 to vector<16xi32>
        %add3A_400 = arith.addi %max3A_27, %add3A_399 : vector<16xi32>
        %select_n3A_401 = arith.select %lt3A_397, %add3A_400, %max3A_27 : vector<16xi1>, vector<16xi32>
        %broadcast_in_dim3A_402 = vector.shape_cast %select_n3A_401 : vector<16xi32> to vector<16x1xi32>
        %gather3A_403 = vector.shape_cast %broadcast_in_dim3A_402 : vector<16x1xi32> to vector<16xi32>
        %gather3A_404 = tpu.dynamic_gather %select_n3A_384[%gather3A_403] in [0] : vector<16xf32>, vector<16xi32> -> vector<16xf32>
        %eq3A_405 = arith.cmpi eq, %masked_sort3A_315, %gather3A_394 : vector<16xi32>
        %max3A_406 = arith.maximumf %select_n3A_384, %gather3A_404 : vector<16xf32>
        %select_n3A_407 = arith.select %eq3A_405, %max3A_406, %select_n3A_384 : vector<16xi1>, vector<16xf32>
        %lt3A_408 = arith.constant 0 : i32
        %lt3A_409 = vector.broadcast %lt3A_408 : i32 to vector<16xi32>
        %lt3A_410 = arith.cmpi slt, %min3A_5, %lt3A_409 : vector<16xi32>
        %add3A_411 = arith.constant 16 : i32
        %add3A_412 = vector.broadcast %add3A_411 : i32 to vector<16xi32>
        %add3A_413 = arith.addi %min3A_5, %add3A_412 : vector<16xi32>
        %select_n3A_414 = arith.select %lt3A_410, %add3A_413, %min3A_5 : vector<16xi1>, vector<16xi32>
        %broadcast_in_dim3A_415 = vector.shape_cast %select_n3A_414 : vector<16xi32> to vector<16x1xi32>
        %gather3A_416 = vector.shape_cast %broadcast_in_dim3A_415 : vector<16x1xi32> to vector<16xi32>
        %gather3A_417 = tpu.dynamic_gather %masked_sort3A_315[%gather3A_416] in [0] : vector<16xi32>, vector<16xi32> -> vector<16xi32>
        %ne3A_418 = arith.cmpi ne, %masked_sort3A_315, %gather3A_417 : vector<16xi32>
        %eq3A_419 = arith.constant 15 : i32
        %eq3A_420 = vector.broadcast %eq3A_419 : i32 to vector<16xi32>
        %eq3A_421 = arith.cmpi eq, %iota3A, %eq3A_420 : vector<16xi32>
        %or3A_422 = arith.ori %ne3A_418, %eq3A_421 : vector<16xi1>
        %gather3A_423 = tpu.vector_load_idx %arg8[%masked_sort3A_315] masked %or3A_422 : memref<100000xf32, #tpu.memory_space<vmem>>[vector<16xi32>], vector<16xf32>, vector<16xi1>
        %max3A_424 = arith.maximumf %gather3A_423, %select_n3A_407 : vector<16xf32>
        tpu.vector_store_idx %arg8[%masked_sort3A_315], %max3A_424 masked %or3A_422 : memref<100000xf32, #tpu.memory_space<vmem>>[vector<16xi32>], vector<16xf32>, vector<16xi1>
        %scan3A_425 = arith.constant 0 : i32
        %scan3A_426 = arith.constant 1 : i32
        %scan3A_427 = arith.addi %scan3A_298, %scan3A_426 : i32
        %mul3A_428 = arith.constant 16 : i32
        %mul3A_429 = arith.muli %scan3A_427, %mul3A_428 : i32
        %get3A_430 = arith.index_cast %mul3A_429 : i32 to index
        %get3A_431 = tpu.vector_load %arg9[%get3A_430] {strides = array<i32>} : memref<2000xi32, #tpu.memory_space<vmem>>, vector<16xi32>,
        %mul3A_432 = arith.constant 16 : i32
        %mul3A_433 = arith.muli %scan3A_427, %mul3A_432 : i32
        %get3A_434 = arith.index_cast %mul3A_433 : i32 to index
        %get3A_435 = tpu.vector_load %arg10[%get3A_434] {strides = array<i32>} : memref<2000xf32, #tpu.memory_space<vmem>>, vector<16xf32>,
        %masked_sort3A_436 = arith.constant dense<true> : vector<16xi1>
        %masked_sort3A_437 = arith.constant -2147483648 : i32
        %masked_sort3A_438 = vector.broadcast %masked_sort3A_437 : i32 to vector<16xi32>
        %masked_sort3A_439 = arith.xori %get3A_431, %masked_sort3A_438 : vector<16xi32>
        %masked_sort3A_440, %masked_sort3A_441, %masked_sort3A_442 = tpu.sort %masked_sort3A_439, %get3A_435 masked %masked_sort3A_436 : (vector<16xi32>, vector<16xf32>, vector<16xi1>) -> (vector<16xi1>, vector<16xi32>, vector<16xf32>)
        %masked_sort3A_443 = arith.xori %masked_sort3A_441, %masked_sort3A_438 : vector<16xi32>
        %lt3A_444 = arith.constant 0 : i32
        %lt3A_445 = vector.broadcast %lt3A_444 : i32 to vector<16xi32>
        %lt3A_446 = arith.cmpi slt, %max3A_9, %lt3A_445 : vector<16xi32>
        %add3A_447 = arith.constant 16 : i32
        %add3A_448 = vector.broadcast %add3A_447 : i32 to vector<16xi32>
        %add3A_449 = arith.addi %max3A_9, %add3A_448 : vector<16xi32>
        %select_n3A_450 = arith.select %lt3A_446, %add3A_449, %max3A_9 : vector<16xi1>, vector<16xi32>
        %broadcast_in_dim3A_451 = vector.shape_cast %select_n3A_450 : vector<16xi32> to vector<16x1xi32>
        %gather3A_452 = vector.shape_cast %broadcast_in_dim3A_451 : vector<16x1xi32> to vector<16xi32>
        %gather3A_453 = tpu.dynamic_gather %masked_sort3A_443[%gather3A_452] in [0] : vector<16xi32>, vector<16xi32> -> vector<16xi32>
        %lt3A_454 = arith.constant 0 : i32
        %lt3A_455 = vector.broadcast %lt3A_454 : i32 to vector<16xi32>
        %lt3A_456 = arith.cmpi slt, %max3A_9, %lt3A_455 : vector<16xi32>
        %add3A_457 = arith.constant 16 : i32
        %add3A_458 = vector.broadcast %add3A_457 : i32 to vector<16xi32>
        %add3A_459 = arith.addi %max3A_9, %add3A_458 : vector<16xi32>
        %select_n3A_460 = arith.select %lt3A_456, %add3A_459, %max3A_9 : vector<16xi1>, vector<16xi32>
        %broadcast_in_dim3A_461 = vector.shape_cast %select_n3A_460 : vector<16xi32> to vector<16x1xi32>
        %gather3A_462 = vector.shape_cast %broadcast_in_dim3A_461 : vector<16x1xi32> to vector<16xi32>
        %gather3A_463 = tpu.dynamic_gather %masked_sort3A_442[%gather3A_462] in [0] : vector<16xf32>, vector<16xi32> -> vector<16xf32>
        %eq3A_464 = arith.cmpi eq, %masked_sort3A_443, %gather3A_453 : vector<16xi32>
        %max3A_465 = arith.maximumf %masked_sort3A_442, %gather3A_463 : vector<16xf32>
        %select_n3A_466 = arith.select %eq3A_464, %max3A_465, %masked_sort3A_442 : vector<16xi1>, vector<16xf32>
        %lt3A_467 = arith.constant 0 : i32
        %lt3A_468 = vector.broadcast %lt3A_467 : i32 to vector<16xi32>
        %lt3A_469 = arith.cmpi slt, %max3A_15, %lt3A_468 : vector<16xi32>
        %add3A_470 = arith.constant 16 : i32
        %add3A_471 = vector.broadcast %add3A_470 : i32 to vector<16xi32>
        %add3A_472 = arith.addi %max3A_15, %add3A_471 : vector<16xi32>
        %select_n3A_473 = arith.select %lt3A_469, %add3A_472, %max3A_15 : vector<16xi1>, vector<16xi32>
        %broadcast_in_dim3A_474 = vector.shape_cast %select_n3A_473 : vector<16xi32> to vector<16x1xi32>
        %gather3A_475 = vector.shape_cast %broadcast_in_dim3A_474 : vector<16x1xi32> to vector<16xi32>
        %gather3A_476 = tpu.dynamic_gather %masked_sort3A_443[%gather3A_475] in [0] : vector<16xi32>, vector<16xi32> -> vector<16xi32>
        %lt3A_477 = arith.constant 0 : i32
        %lt3A_478 = vector.broadcast %lt3A_477 : i32 to vector<16xi32>
        %lt3A_479 = arith.cmpi slt, %max3A_15, %lt3A_478 : vector<16xi32>
        %add3A_480 = arith.constant 16 : i32
        %add3A_481 = vector.broadcast %add3A_480 : i32 to vector<16xi32>
        %add3A_482 = arith.addi %max3A_15, %add3A_481 : vector<16xi32>
        %select_n3A_483 = arith.select %lt3A_479, %add3A_482, %max3A_15 : vector<16xi1>, vector<16xi32>
        %broadcast_in_dim3A_484 = vector.shape_cast %select_n3A_483 : vector<16xi32> to vector<16x1xi32>
        %gather3A_485 = vector.shape_cast %broadcast_in_dim3A_484 : vector<16x1xi32> to vector<16xi32>
        %gather3A_486 = tpu.dynamic_gather %select_n3A_466[%gather3A_485] in [0] : vector<16xf32>, vector<16xi32> -> vector<16xf32>
        %eq3A_487 = arith.cmpi eq, %masked_sort3A_443, %gather3A_476 : vector<16xi32>
        %max3A_488 = arith.maximumf %select_n3A_466, %gather3A_486 : vector<16xf32>
        %select_n3A_489 = arith.select %eq3A_487, %max3A_488, %select_n3A_466 : vector<16xi1>, vector<16xf32>
        %lt3A_490 = arith.constant 0 : i32
        %lt3A_491 = vector.broadcast %lt3A_490 : i32 to vector<16xi32>
        %lt3A_492 = arith.cmpi slt, %max3A_21, %lt3A_491 : vector<16xi32>
        %add3A_493 = arith.constant 16 : i32
        %add3A_494 = vector.broadcast %add3A_493 : i32 to vector<16xi32>
        %add3A_495 = arith.addi %max3A_21, %add3A_494 : vector<16xi32>
        %select_n3A_496 = arith.select %lt3A_492, %add3A_495, %max3A_21 : vector<16xi1>, vector<16xi32>
        %broadcast_in_dim3A_497 = vector.shape_cast %select_n3A_496 : vector<16xi32> to vector<16x1xi32>
        %gather3A_498 = vector.shape_cast %broadcast_in_dim3A_497 : vector<16x1xi32> to vector<16xi32>
        %gather3A_499 = tpu.dynamic_gather %masked_sort3A_443[%gather3A_498] in [0] : vector<16xi32>, vector<16xi32> -> vector<16xi32>
        %lt3A_500 = arith.constant 0 : i32
        %lt3A_501 = vector.broadcast %lt3A_500 : i32 to vector<16xi32>
        %lt3A_502 = arith.cmpi slt, %max3A_21, %lt3A_501 : vector<16xi32>
        %add3A_503 = arith.constant 16 : i32
        %add3A_504 = vector.broadcast %add3A_503 : i32 to vector<16xi32>
        %add3A_505 = arith.addi %max3A_21, %add3A_504 : vector<16xi32>
        %select_n3A_506 = arith.select %lt3A_502, %add3A_505, %max3A_21 : vector<16xi1>, vector<16xi32>
        %broadcast_in_dim3A_507 = vector.shape_cast %select_n3A_506 : vector<16xi32> to vector<16x1xi32>
        %gather3A_508 = vector.shape_cast %broadcast_in_dim3A_507 : vector<16x1xi32> to vector<16xi32>
        %gather3A_509 = tpu.dynamic_gather %select_n3A_489[%gather3A_508] in [0] : vector<16xf32>, vector<16xi32> -> vector<16xf32>
        %eq3A_510 = arith.cmpi eq, %masked_sort3A_443, %gather3A_499 : vector<16xi32>
        %max3A_511 = arith.maximumf %select_n3A_489, %gather3A_509 : vector<16xf32>
        %select_n3A_512 = arith.select %eq3A_510, %max3A_511, %select_n3A_489 : vector<16xi1>, vector<16xf32>
        %lt3A_513 = arith.constant 0 : i32
        %lt3A_514 = vector.broadcast %lt3A_513 : i32 to vector<16xi32>
        %lt3A_515 = arith.cmpi slt, %max3A_27, %lt3A_514 : vector<16xi32>
        %add3A_516 = arith.constant 16 : i32
        %add3A_517 = vector.broadcast %add3A_516 : i32 to vector<16xi32>
        %add3A_518 = arith.addi %max3A_27, %add3A_517 : vector<16xi32>
        %select_n3A_519 = arith.select %lt3A_515, %add3A_518, %max3A_27 : vector<16xi1>, vector<16xi32>
        %broadcast_in_dim3A_520 = vector.shape_cast %select_n3A_519 : vector<16xi32> to vector<16x1xi32>
        %gather3A_521 = vector.shape_cast %broadcast_in_dim3A_520 : vector<16x1xi32> to vector<16xi32>
        %gather3A_522 = tpu.dynamic_gather %masked_sort3A_443[%gather3A_521] in [0] : vector<16xi32>, vector<16xi32> -> vector<16xi32>
        %lt3A_523 = arith.constant 0 : i32
        %lt3A_524 = vector.broadcast %lt3A_523 : i32 to vector<16xi32>
        %lt3A_525 = arith.cmpi slt, %max3A_27, %lt3A_524 : vector<16xi32>
        %add3A_526 = arith.constant 16 : i32
        %add3A_527 = vector.broadcast %add3A_526 : i32 to vector<16xi32>
        %add3A_528 = arith.addi %max3A_27, %add3A_527 : vector<16xi32>
        %select_n3A_529 = arith.select %lt3A_525, %add3A_528, %max3A_27 : vector<16xi1>, vector<16xi32>
        %broadcast_in_dim3A_530 = vector.shape_cast %select_n3A_529 : vector<16xi32> to vector<16x1xi32>
        %gather3A_531 = vector.shape_cast %broadcast_in_dim3A_530 : vector<16x1xi32> to vector<16xi32>
        %gather3A_532 = tpu.dynamic_gather %select_n3A_512[%gather3A_531] in [0] : vector<16xf32>, vector<16xi32> -> vector<16xf32>
        %eq3A_533 = arith.cmpi eq, %masked_sort3A_443, %gather3A_522 : vector<16xi32>
        %max3A_534 = arith.maximumf %select_n3A_512, %gather3A_532 : vector<16xf32>
        %select_n3A_535 = arith.select %eq3A_533, %max3A_534, %select_n3A_512 : vector<16xi1>, vector<16xf32>
        %lt3A_536 = arith.constant 0 : i32
        %lt3A_537 = vector.broadcast %lt3A_536 : i32 to vector<16xi32>
        %lt3A_538 = arith.cmpi slt, %min3A_5, %lt3A_537 : vector<16xi32>
        %add3A_539 = arith.constant 16 : i32
        %add3A_540 = vector.broadcast %add3A_539 : i32 to vector<16xi32>
        %add3A_541 = arith.addi %min3A_5, %add3A_540 : vector<16xi32>
        %select_n3A_542 = arith.select %lt3A_538, %add3A_541, %min3A_5 : vector<16xi1>, vector<16xi32>
        %broadcast_in_dim3A_543 = vector.shape_cast %select_n3A_542 : vector<16xi32> to vector<16x1xi32>
        %gather3A_544 = vector.shape_cast %broadcast_in_dim3A_543 : vector<16x1xi32> to vector<16xi32>
        %gather3A_545 = tpu.dynamic_gather %masked_sort3A_443[%gather3A_544] in [0] : vector<16xi32>, vector<16xi32> -> vector<16xi32>
        %ne3A_546 = arith.cmpi ne, %masked_sort3A_443, %gather3A_545 : vector<16xi32>
        %eq3A_547 = arith.constant 15 : i32
        %eq3A_548 = vector.broadcast %eq3A_547 : i32 to vector<16xi32>
        %eq3A_549 = arith.cmpi eq, %iota3A, %eq3A_548 : vector<16xi32>
        %or3A_550 = arith.ori %ne3A_546, %eq3A_549 : vector<16xi1>
        %gather3A_551 = tpu.vector_load_idx %arg8[%masked_sort3A_443] masked %or3A_550 : memref<100000xf32, #tpu.memory_space<vmem>>[vector<16xi32>], vector<16xf32>, vector<16xi1>
        %max3A_552 = arith.maximumf %gather3A_551, %select_n3A_535 : vector<16xf32>
        tpu.vector_store_idx %arg8[%masked_sort3A_443], %max3A_552 masked %or3A_550 : memref<100000xf32, #tpu.memory_space<vmem>>[vector<16xi32>], vector<16xf32>, vector<16xi1>
        %scan3A_553 = arith.constant 0 : i32
        scf.yield %scan3A_553 : i32
      }
      %scan3A_176 = arith.constant 124 : i32
      %scan3A_177 = arith.addi %scan3A_171, %scan3A_176 : i32
      %mul3A_178 = arith.constant 16 : i32
      %mul3A_179 = arith.muli %scan3A_177, %mul3A_178 : i32
      %get3A = arith.index_cast %mul3A_179 : i32 to index
      %get3A_180 = tpu.vector_load %arg9[%get3A] {strides = array<i32>} : memref<2000xi32, #tpu.memory_space<vmem>>, vector<16xi32>,
      %mul3A_181 = arith.constant 16 : i32
      %mul3A_182 = arith.muli %scan3A_177, %mul3A_181 : i32
      %get3A_183 = arith.index_cast %mul3A_182 : i32 to index
      %get3A_184 = tpu.vector_load %arg10[%get3A_183] {strides = array<i32>} : memref<2000xf32, #tpu.memory_space<vmem>>, vector<16xf32>,
      %masked_sort3A = arith.constant dense<true> : vector<16xi1>
      %masked_sort3A_185 = arith.constant -2147483648 : i32
      %masked_sort3A_186 = vector.broadcast %masked_sort3A_185 : i32 to vector<16xi32>
      %masked_sort3A_187 = arith.xori %get3A_180, %masked_sort3A_186 : vector<16xi32>
      %masked_sort3A_188, %masked_sort3A_189, %masked_sort3A_190 = tpu.sort %masked_sort3A_187, %get3A_184 masked %masked_sort3A : (vector<16xi32>, vector<16xf32>, vector<16xi1>) -> (vector<16xi1>, vector<16xi32>, vector<16xf32>)
      %masked_sort3A_191 = arith.xori %masked_sort3A_189, %masked_sort3A_186 : vector<16xi32>
      %lt3A = arith.constant 0 : i32
      %lt3A_192 = vector.broadcast %lt3A : i32 to vector<16xi32>
      %lt3A_193 = arith.cmpi slt, %max3A_9, %lt3A_192 : vector<16xi32>
      %add3A_194 = arith.constant 16 : i32
      %add3A_195 = vector.broadcast %add3A_194 : i32 to vector<16xi32>
      %add3A_196 = arith.addi %max3A_9, %add3A_195 : vector<16xi32>
      %select_n3A = arith.select %lt3A_193, %add3A_196, %max3A_9 : vector<16xi1>, vector<16xi32>
      %broadcast_in_dim3A_197 = vector.shape_cast %select_n3A : vector<16xi32> to vector<16x1xi32>
      %gather3A = vector.shape_cast %broadcast_in_dim3A_197 : vector<16x1xi32> to vector<16xi32>
      %gather3A_198 = tpu.dynamic_gather %masked_sort3A_191[%gather3A] in [0] : vector<16xi32>, vector<16xi32> -> vector<16xi32>
      %lt3A_199 = arith.constant 0 : i32
      %lt3A_200 = vector.broadcast %lt3A_199 : i32 to vector<16xi32>
      %lt3A_201 = arith.cmpi slt, %max3A_9, %lt3A_200 : vector<16xi32>
      %add3A_202 = arith.constant 16 : i32
      %add3A_203 = vector.broadcast %add3A_202 : i32 to vector<16xi32>
      %add3A_204 = arith.addi %max3A_9, %add3A_203 : vector<16xi32>
      %select_n3A_205 = arith.select %lt3A_201, %add3A_204, %max3A_9 : vector<16xi1>, vector<16xi32>
      %broadcast_in_dim3A_206 = vector.shape_cast %select_n3A_205 : vector<16xi32> to vector<16x1xi32>
      %gather3A_207 = vector.shape_cast %broadcast_in_dim3A_206 : vector<16x1xi32> to vector<16xi32>
      %gather3A_208 = tpu.dynamic_gather %masked_sort3A_190[%gather3A_207] in [0] : vector<16xf32>, vector<16xi32> -> vector<16xf32>
      %eq3A = arith.cmpi eq, %masked_sort3A_191, %gather3A_198 : vector<16xi32>
      %max3A_209 = arith.maximumf %masked_sort3A_190, %gather3A_208 : vector<16xf32>
      %select_n3A_210 = arith.select %eq3A, %max3A_209, %masked_sort3A_190 : vector<16xi1>, vector<16xf32>
      %lt3A_211 = arith.constant 0 : i32
      %lt3A_212 = vector.broadcast %lt3A_211 : i32 to vector<16xi32>
      %lt3A_213 = arith.cmpi slt, %max3A_15, %lt3A_212 : vector<16xi32>
      %add3A_214 = arith.constant 16 : i32
      %add3A_215 = vector.broadcast %add3A_214 : i32 to vector<16xi32>
      %add3A_216 = arith.addi %max3A_15, %add3A_215 : vector<16xi32>
      %select_n3A_217 = arith.select %lt3A_213, %add3A_216, %max3A_15 : vector<16xi1>, vector<16xi32>
      %broadcast_in_dim3A_218 = vector.shape_cast %select_n3A_217 : vector<16xi32> to vector<16x1xi32>
      %gather3A_219 = vector.shape_cast %broadcast_in_dim3A_218 : vector<16x1xi32> to vector<16xi32>
      %gather3A_220 = tpu.dynamic_gather %masked_sort3A_191[%gather3A_219] in [0] : vector<16xi32>, vector<16xi32> -> vector<16xi32>
      %lt3A_221 = arith.constant 0 : i32
      %lt3A_222 = vector.broadcast %lt3A_221 : i32 to vector<16xi32>
      %lt3A_223 = arith.cmpi slt, %max3A_15, %lt3A_222 : vector<16xi32>
      %add3A_224 = arith.constant 16 : i32
      %add3A_225 = vector.broadcast %add3A_224 : i32 to vector<16xi32>
      %add3A_226 = arith.addi %max3A_15, %add3A_225 : vector<16xi32>
      %select_n3A_227 = arith.select %lt3A_223, %add3A_226, %max3A_15 : vector<16xi1>, vector<16xi32>
      %broadcast_in_dim3A_228 = vector.shape_cast %select_n3A_227 : vector<16xi32> to vector<16x1xi32>
      %gather3A_229 = vector.shape_cast %broadcast_in_dim3A_228 : vector<16x1xi32> to vector<16xi32>
      %gather3A_230 = tpu.dynamic_gather %select_n3A_210[%gather3A_229] in [0] : vector<16xf32>, vector<16xi32> -> vector<16xf32>
      %eq3A_231 = arith.cmpi eq, %masked_sort3A_191, %gather3A_220 : vector<16xi32>
      %max3A_232 = arith.maximumf %select_n3A_210, %gather3A_230 : vector<16xf32>
      %select_n3A_233 = arith.select %eq3A_231, %max3A_232, %select_n3A_210 : vector<16xi1>, vector<16xf32>
      %lt3A_234 = arith.constant 0 : i32
      %lt3A_235 = vector.broadcast %lt3A_234 : i32 to vector<16xi32>
      %lt3A_236 = arith.cmpi slt, %max3A_21, %lt3A_235 : vector<16xi32>
      %add3A_237 = arith.constant 16 : i32
      %add3A_238 = vector.broadcast %add3A_237 : i32 to vector<16xi32>
      %add3A_239 = arith.addi %max3A_21, %add3A_238 : vector<16xi32>
      %select_n3A_240 = arith.select %lt3A_236, %add3A_239, %max3A_21 : vector<16xi1>, vector<16xi32>
      %broadcast_in_dim3A_241 = vector.shape_cast %select_n3A_240 : vector<16xi32> to vector<16x1xi32>
      %gather3A_242 = vector.shape_cast %broadcast_in_dim3A_241 : vector<16x1xi32> to vector<16xi32>
      %gather3A_243 = tpu.dynamic_gather %masked_sort3A_191[%gather3A_242] in [0] : vector<16xi32>, vector<16xi32> -> vector<16xi32>
      %lt3A_244 = arith.constant 0 : i32
      %lt3A_245 = vector.broadcast %lt3A_244 : i32 to vector<16xi32>
      %lt3A_246 = arith.cmpi slt, %max3A_21, %lt3A_245 : vector<16xi32>
      %add3A_247 = arith.constant 16 : i32
      %add3A_248 = vector.broadcast %add3A_247 : i32 to vector<16xi32>
      %add3A_249 = arith.addi %max3A_21, %add3A_248 : vector<16xi32>
      %select_n3A_250 = arith.select %lt3A_246, %add3A_249, %max3A_21 : vector<16xi1>, vector<16xi32>
      %broadcast_in_dim3A_251 = vector.shape_cast %select_n3A_250 : vector<16xi32> to vector<16x1xi32>
      %gather3A_252 = vector.shape_cast %broadcast_in_dim3A_251 : vector<16x1xi32> to vector<16xi32>
      %gather3A_253 = tpu.dynamic_gather %select_n3A_233[%gather3A_252] in [0] : vector<16xf32>, vector<16xi32> -> vector<16xf32>
      %eq3A_254 = arith.cmpi eq, %masked_sort3A_191, %gather3A_243 : vector<16xi32>
      %max3A_255 = arith.maximumf %select_n3A_233, %gather3A_253 : vector<16xf32>
      %select_n3A_256 = arith.select %eq3A_254, %max3A_255, %select_n3A_233 : vector<16xi1>, vector<16xf32>
      %lt3A_257 = arith.constant 0 : i32
      %lt3A_258 = vector.broadcast %lt3A_257 : i32 to vector<16xi32>
      %lt3A_259 = arith.cmpi slt, %max3A_27, %lt3A_258 : vector<16xi32>
      %add3A_260 = arith.constant 16 : i32
      %add3A_261 = vector.broadcast %add3A_260 : i32 to vector<16xi32>
      %add3A_262 = arith.addi %max3A_27, %add3A_261 : vector<16xi32>
      %select_n3A_263 = arith.select %lt3A_259, %add3A_262, %max3A_27 : vector<16xi1>, vector<16xi32>
      %broadcast_in_dim3A_264 = vector.shape_cast %select_n3A_263 : vector<16xi32> to vector<16x1xi32>
      %gather3A_265 = vector.shape_cast %broadcast_in_dim3A_264 : vector<16x1xi32> to vector<16xi32>
      %gather3A_266 = tpu.dynamic_gather %masked_sort3A_191[%gather3A_265] in [0] : vector<16xi32>, vector<16xi32> -> vector<16xi32>
      %lt3A_267 = arith.constant 0 : i32
      %lt3A_268 = vector.broadcast %lt3A_267 : i32 to vector<16xi32>
      %lt3A_269 = arith.cmpi slt, %max3A_27, %lt3A_268 : vector<16xi32>
      %add3A_270 = arith.constant 16 : i32
      %add3A_271 = vector.broadcast %add3A_270 : i32 to vector<16xi32>
      %add3A_272 = arith.addi %max3A_27, %add3A_271 : vector<16xi32>
      %select_n3A_273 = arith.select %lt3A_269, %add3A_272, %max3A_27 : vector<16xi1>, vector<16xi32>
      %broadcast_in_dim3A_274 = vector.shape_cast %select_n3A_273 : vector<16xi32> to vector<16x1xi32>
      %gather3A_275 = vector.shape_cast %broadcast_in_dim3A_274 : vector<16x1xi32> to vector<16xi32>
      %gather3A_276 = tpu.dynamic_gather %select_n3A_256[%gather3A_275] in [0] : vector<16xf32>, vector<16xi32> -> vector<16xf32>
      %eq3A_277 = arith.cmpi eq, %masked_sort3A_191, %gather3A_266 : vector<16xi32>
      %max3A_278 = arith.maximumf %select_n3A_256, %gather3A_276 : vector<16xf32>
      %select_n3A_279 = arith.select %eq3A_277, %max3A_278, %select_n3A_256 : vector<16xi1>, vector<16xf32>
      %lt3A_280 = arith.constant 0 : i32
      %lt3A_281 = vector.broadcast %lt3A_280 : i32 to vector<16xi32>
      %lt3A_282 = arith.cmpi slt, %min3A_5, %lt3A_281 : vector<16xi32>
      %add3A_283 = arith.constant 16 : i32
      %add3A_284 = vector.broadcast %add3A_283 : i32 to vector<16xi32>
      %add3A_285 = arith.addi %min3A_5, %add3A_284 : vector<16xi32>
      %select_n3A_286 = arith.select %lt3A_282, %add3A_285, %min3A_5 : vector<16xi1>, vector<16xi32>
      %broadcast_in_dim3A_287 = vector.shape_cast %select_n3A_286 : vector<16xi32> to vector<16x1xi32>
      %gather3A_288 = vector.shape_cast %broadcast_in_dim3A_287 : vector<16x1xi32> to vector<16xi32>
      %gather3A_289 = tpu.dynamic_gather %masked_sort3A_191[%gather3A_288] in [0] : vector<16xi32>, vector<16xi32> -> vector<16xi32>
      %ne3A = arith.cmpi ne, %masked_sort3A_191, %gather3A_289 : vector<16xi32>
      %eq3A_290 = arith.constant 15 : i32
      %eq3A_291 = vector.broadcast %eq3A_290 : i32 to vector<16xi32>
      %eq3A_292 = arith.cmpi eq, %iota3A, %eq3A_291 : vector<16xi32>
      %or3A = arith.ori %ne3A, %eq3A_292 : vector<16xi1>
      %gather3A_293 = tpu.vector_load_idx %arg8[%masked_sort3A_191] masked %or3A : memref<100000xf32, #tpu.memory_space<vmem>>[vector<16xi32>], vector<16xf32>, vector<16xi1>
      %max3A_294 = arith.maximumf %gather3A_293, %select_n3A_279 : vector<16xf32>
      tpu.vector_store_idx %arg8[%masked_sort3A_191], %max3A_294 masked %or3A : memref<100000xf32, #tpu.memory_space<vmem>>[vector<16xi32>], vector<16xf32>, vector<16xi1>
      %scan3A_295 = arith.constant 0 : i32
      %scan3A_296 = arith.constant 125 : i32
      %scan3A_297 = arith.constant 0 : i32
      scf.yield %scan3A_297 : i32
    }
    %scan3A_88 = arith.constant 100 : i32
    %mul3A_89 = arith.constant 4 : i32
    %mul3A_90 = arith.muli %add3A, %mul3A_89 : i32
    %add3A_91 = arith.constant 1 : i32
    %add3A_92 = arith.addi %mul3A_90, %add3A_91 : i32
    %mul3A_93 = arith.constant 100000 : i32
    %mul3A_94 = arith.muli %add3A_92, %mul3A_93 : i32
    "tpu.region"() ({
      %run_scoped3A = tpu.sem_alloc : memref<!tpu.dma_semaphore, #tpu.memory_space<semaphore_mem>>
      %dma_start3A = tpu.memref_slice %arg7[%mul3A_94] : memref<12800000xf32, #tpu.memory_space<hbm>> -> memref<100000xf32, #tpu.memory_space<hbm>>
      %dma_start3A_163 = tpu.memref_slice %arg7[%mul3A_94] : memref<12800000xf32, #tpu.memory_space<hbm>> -> memref<100000xf32, #tpu.memory_space<hbm>>
      tpu.enqueue_dma source(%arg8 : memref<100000xf32, #tpu.memory_space<vmem>>) target(%dma_start3A_163 : memref<100000xf32, #tpu.memory_space<hbm>>) target_semaphore(%run_scoped3A : memref<!tpu.dma_semaphore, #tpu.memory_space<semaphore_mem>>)
      %dma_wait3A = tpu.memref_slice %arg7[%mul3A_94] : memref<12800000xf32, #tpu.memory_space<hbm>> -> memref<100000xf32, #tpu.memory_space<hbm>>
      %dma_wait3A_164 = tpu.memref_slice %arg7[%mul3A_94] : memref<12800000xf32, #tpu.memory_space<hbm>> -> memref<100000xf32, #tpu.memory_space<hbm>>
      tpu.wait_dma2 semaphore(%run_scoped3A : memref<!tpu.dma_semaphore, #tpu.memory_space<semaphore_mem>>) src(%arg8 : memref<100000xf32, #tpu.memory_space<vmem>>) dst(%dma_wait3A_164 : memref<100000xf32, #tpu.memory_space<hbm>>)
      tpu.yield
    }) : () -> ()
    %scan3A_95 = arith.constant 0 : i32
    %scan3A_96 = arith.constant 0 : i32
    %scan3A_97 = arith.constant 6248 : i32
    %scan3A_98 = arith.addi %scan3A_96, %scan3A_97 : i32
    %scan3A_99 = arith.constant 8 : i32
    %scan3A_100 = scf.for %scan3A_163 = %scan3A_96 to %scan3A_98 step %scan3A_99 iter_args(%scan3A_164 = %scan3A_95) -> (i32)  : i32 {
      %mul3A_165 = arith.constant 16 : i32
      %mul3A_166 = arith.muli %scan3A_163, %mul3A_165 : i32
      %swap3A_167 = arith.index_cast %mul3A_166 : i32 to index
      %swap3A_168 = tpu.vector_load %arg8[%swap3A_167] {strides = array<i32>} : memref<100000xf32, #tpu.memory_space<vmem>>, vector<16xf32>,
      tpu.vector_store %arg8[%swap3A_167], %broadcast_in_dim3A_28 {strides = array<i32>} : memref<100000xf32, #tpu.memory_space<vmem>>, vector<16xf32>,
      %scan3A_169 = arith.constant 0 : i32
      %scan3A_170 = arith.constant 1 : i32
      %scan3A_171 = arith.addi %scan3A_163, %scan3A_170 : i32
      %mul3A_172 = arith.constant 16 : i32
      %mul3A_173 = arith.muli %scan3A_171, %mul3A_172 : i32
      %swap3A_174 = arith.index_cast %mul3A_173 : i32 to index
      %swap3A_175 = tpu.vector_load %arg8[%swap3A_174] {strides = array<i32>} : memref<100000xf32, #tpu.memory_space<vmem>>, vector<16xf32>,
      tpu.vector_store %arg8[%swap3A_174], %broadcast_in_dim3A_28 {strides = array<i32>} : memref<100000xf32, #tpu.memory_space<vmem>>, vector<16xf32>,
      %scan3A_176 = arith.constant 0 : i32
      %scan3A_177 = arith.constant 2 : i32
      %scan3A_178 = arith.addi %scan3A_163, %scan3A_177 : i32
      %mul3A_179 = arith.constant 16 : i32
      %mul3A_180 = arith.muli %scan3A_178, %mul3A_179 : i32
      %swap3A_181 = arith.index_cast %mul3A_180 : i32 to index
      %swap3A_182 = tpu.vector_load %arg8[%swap3A_181] {strides = array<i32>} : memref<100000xf32, #tpu.memory_space<vmem>>, vector<16xf32>,
      tpu.vector_store %arg8[%swap3A_181], %broadcast_in_dim3A_28 {strides = array<i32>} : memref<100000xf32, #tpu.memory_space<vmem>>, vector<16xf32>,
      %scan3A_183 = arith.constant 0 : i32
      %scan3A_184 = arith.constant 3 : i32
      %scan3A_185 = arith.addi %scan3A_163, %scan3A_184 : i32
      %mul3A_186 = arith.constant 16 : i32
      %mul3A_187 = arith.muli %scan3A_185, %mul3A_186 : i32
      %swap3A_188 = arith.index_cast %mul3A_187 : i32 to index
      %swap3A_189 = tpu.vector_load %arg8[%swap3A_188] {strides = array<i32>} : memref<100000xf32, #tpu.memory_space<vmem>>, vector<16xf32>,
      tpu.vector_store %arg8[%swap3A_188], %broadcast_in_dim3A_28 {strides = array<i32>} : memref<100000xf32, #tpu.memory_space<vmem>>, vector<16xf32>,
      %scan3A_190 = arith.constant 0 : i32
      %scan3A_191 = arith.constant 4 : i32
      %scan3A_192 = arith.addi %scan3A_163, %scan3A_191 : i32
      %mul3A_193 = arith.constant 16 : i32
      %mul3A_194 = arith.muli %scan3A_192, %mul3A_193 : i32
      %swap3A_195 = arith.index_cast %mul3A_194 : i32 to index
      %swap3A_196 = tpu.vector_load %arg8[%swap3A_195] {strides = array<i32>} : memref<100000xf32, #tpu.memory_space<vmem>>, vector<16xf32>,
      tpu.vector_store %arg8[%swap3A_195], %broadcast_in_dim3A_28 {strides = array<i32>} : memref<100000xf32, #tpu.memory_space<vmem>>, vector<16xf32>,
      %scan3A_197 = arith.constant 0 : i32
      %scan3A_198 = arith.constant 5 : i32
      %scan3A_199 = arith.addi %scan3A_163, %scan3A_198 : i32
      %mul3A_200 = arith.constant 16 : i32
      %mul3A_201 = arith.muli %scan3A_199, %mul3A_200 : i32
      %swap3A_202 = arith.index_cast %mul3A_201 : i32 to index
      %swap3A_203 = tpu.vector_load %arg8[%swap3A_202] {strides = array<i32>} : memref<100000xf32, #tpu.memory_space<vmem>>, vector<16xf32>,
      tpu.vector_store %arg8[%swap3A_202], %broadcast_in_dim3A_28 {strides = array<i32>} : memref<100000xf32, #tpu.memory_space<vmem>>, vector<16xf32>,
      %scan3A_204 = arith.constant 0 : i32
      %scan3A_205 = arith.constant 6 : i32
      %scan3A_206 = arith.addi %scan3A_163, %scan3A_205 : i32
      %mul3A_207 = arith.constant 16 : i32
      %mul3A_208 = arith.muli %scan3A_206, %mul3A_207 : i32
      %swap3A_209 = arith.index_cast %mul3A_208 : i32 to index
      %swap3A_210 = tpu.vector_load %arg8[%swap3A_209] {strides = array<i32>} : memref<100000xf32, #tpu.memory_space<vmem>>, vector<16xf32>,
      tpu.vector_store %arg8[%swap3A_209], %broadcast_in_dim3A_28 {strides = array<i32>} : memref<100000xf32, #tpu.memory_space<vmem>>, vector<16xf32>,
      %scan3A_211 = arith.constant 0 : i32
      %scan3A_212 = arith.constant 7 : i32
      %scan3A_213 = arith.addi %scan3A_163, %scan3A_212 : i32
      %mul3A_214 = arith.constant 16 : i32
      %mul3A_215 = arith.muli %scan3A_213, %mul3A_214 : i32
      %swap3A_216 = arith.index_cast %mul3A_215 : i32 to index
      %swap3A_217 = tpu.vector_load %arg8[%swap3A_216] {strides = array<i32>} : memref<100000xf32, #tpu.memory_space<vmem>>, vector<16xf32>,
      tpu.vector_store %arg8[%swap3A_216], %broadcast_in_dim3A_28 {strides = array<i32>} : memref<100000xf32, #tpu.memory_space<vmem>>, vector<16xf32>,
      %scan3A_218 = arith.constant 0 : i32
      scf.yield %scan3A_218 : i32
    }
    %scan3A_101 = arith.constant 6248 : i32
    %scan3A_102 = arith.addi %scan3A_96, %scan3A_101 : i32
    %mul3A_103 = arith.constant 16 : i32
    %mul3A_104 = arith.muli %scan3A_102, %mul3A_103 : i32
    %swap3A_105 = arith.index_cast %mul3A_104 : i32 to index
    %swap3A_106 = tpu.vector_load %arg8[%swap3A_105] {strides = array<i32>} : memref<100000xf32, #tpu.memory_space<vmem>>, vector<16xf32>,
    tpu.vector_store %arg8[%swap3A_105], %broadcast_in_dim3A_28 {strides = array<i32>} : memref<100000xf32, #tpu.memory_space<vmem>>, vector<16xf32>,
    %scan3A_107 = arith.constant 0 : i32
    %scan3A_108 = arith.constant 6249 : i32
    %scan3A_109 = arith.addi %scan3A_96, %scan3A_108 : i32
    %mul3A_110 = arith.constant 16 : i32
    %mul3A_111 = arith.muli %scan3A_109, %mul3A_110 : i32
    %swap3A_112 = arith.index_cast %mul3A_111 : i32 to index
    %swap3A_113 = tpu.vector_load %arg8[%swap3A_112] {strides = array<i32>} : memref<100000xf32, #tpu.memory_space<vmem>>, vector<16xf32>,
    tpu.vector_store %arg8[%swap3A_112], %broadcast_in_dim3A_28 {strides = array<i32>} : memref<100000xf32, #tpu.memory_space<vmem>>, vector<16xf32>,
    %scan3A_114 = arith.constant 0 : i32
    %scan3A_115 = arith.constant 6250 : i32
    %scan3A_116 = arith.constant 0 : i32
    %scan3A_117 = arith.constant 0 : i32
    %scan3A_118 = arith.constant 100 : i32
    %scan3A_119 = arith.addi %scan3A_117, %scan3A_118 : i32
    %scan3A_120 = arith.constant 1 : i32
    %scan3A_121 = scf.for %scan3A_163 = %scan3A_117 to %scan3A_119 step %scan3A_120 iter_args(%scan3A_164 = %scan3A_116) -> (i32)  : i32 {
      %mul3A_165 = arith.constant 200000 : i32
      %mul3A_166 = arith.muli %add3A, %mul3A_165 : i32
      %mul3A_167 = arith.constant 2000 : i32
      %mul3A_168 = arith.muli %scan3A_163, %mul3A_167 : i32
      %add3A_169 = arith.addi %mul3A_166, %mul3A_168 : i32
      "tpu.region"() ({
        %run_scoped3A = tpu.sem_alloc : memref<!tpu.dma_semaphore, #tpu.memory_space<semaphore_mem>>
        %dma_start3A = tpu.memref_slice %arg2[%add3A_169] : memref<6400000xi32, #tpu.memory_space<hbm>> -> memref<2000xi32, #tpu.memory_space<hbm>>
        %dma_start3A_298 = tpu.memref_slice %arg2[%add3A_169] : memref<6400000xi32, #tpu.memory_space<hbm>> -> memref<2000xi32, #tpu.memory_space<hbm>>
        tpu.enqueue_dma source(%dma_start3A_298 : memref<2000xi32, #tpu.memory_space<hbm>>) target(%arg9 : memref<2000xi32, #tpu.memory_space<vmem>>) target_semaphore(%run_scoped3A : memref<!tpu.dma_semaphore, #tpu.memory_space<semaphore_mem>>)
        %dma_wait3A = tpu.memref_slice %arg2[%add3A_169] : memref<6400000xi32, #tpu.memory_space<hbm>> -> memref<2000xi32, #tpu.memory_space<hbm>>
        %dma_wait3A_299 = tpu.memref_slice %arg2[%add3A_169] : memref<6400000xi32, #tpu.memory_space<hbm>> -> memref<2000xi32, #tpu.memory_space<hbm>>
        tpu.wait_dma2 semaphore(%run_scoped3A : memref<!tpu.dma_semaphore, #tpu.memory_space<semaphore_mem>>) src(%dma_wait3A_299 : memref<2000xi32, #tpu.memory_space<hbm>>) dst(%arg9 : memref<2000xi32, #tpu.memory_space<vmem>>)
        tpu.yield
      }) : () -> ()
      "tpu.region"() ({
        %run_scoped3A = tpu.sem_alloc : memref<!tpu.dma_semaphore, #tpu.memory_space<semaphore_mem>>
        %dma_start3A = tpu.memref_slice %arg5[%add3A_169] : memref<6400000xf32, #tpu.memory_space<hbm>> -> memref<2000xf32, #tpu.memory_space<hbm>>
        %dma_start3A_298 = tpu.memref_slice %arg5[%add3A_169] : memref<6400000xf32, #tpu.memory_space<hbm>> -> memref<2000xf32, #tpu.memory_space<hbm>>
        tpu.enqueue_dma source(%dma_start3A_298 : memref<2000xf32, #tpu.memory_space<hbm>>) target(%arg10 : memref<2000xf32, #tpu.memory_space<vmem>>) target_semaphore(%run_scoped3A : memref<!tpu.dma_semaphore, #tpu.memory_space<semaphore_mem>>)
        %dma_wait3A = tpu.memref_slice %arg5[%add3A_169] : memref<6400000xf32, #tpu.memory_space<hbm>> -> memref<2000xf32, #tpu.memory_space<hbm>>
        %dma_wait3A_299 = tpu.memref_slice %arg5[%add3A_169] : memref<6400000xf32, #tpu.memory_space<hbm>> -> memref<2000xf32, #tpu.memory_space<hbm>>
        tpu.wait_dma2 semaphore(%run_scoped3A : memref<!tpu.dma_semaphore, #tpu.memory_space<semaphore_mem>>) src(%dma_wait3A_299 : memref<2000xf32, #tpu.memory_space<hbm>>) dst(%arg10 : memref<2000xf32, #tpu.memory_space<vmem>>)
        tpu.yield
      }) : () -> ()
      %scan3A_170 = arith.constant 0 : i32
      %scan3A_171 = arith.constant 0 : i32
      %scan3A_172 = arith.constant 124 : i32
      %scan3A_173 = arith.addi %scan3A_171, %scan3A_172 : i32
      %scan3A_174 = arith.constant 2 : i32
      %scan3A_175 = scf.for %scan3A_298 = %scan3A_171 to %scan3A_173 step %scan3A_174 iter_args(%scan3A_299 = %scan3A_170) -> (i32)  : i32 {
        %mul3A_300 = arith.constant 16 : i32
        %mul3A_301 = arith.muli %scan3A_298, %mul3A_300 : i32
        %get3A_302 = arith.index_cast %mul3A_301 : i32 to index
        %get3A_303 = tpu.vector_load %arg9[%get3A_302] {strides = array<i32>} : memref<2000xi32, #tpu.memory_space<vmem>>, vector<16xi32>,
        %mul3A_304 = arith.constant 16 : i32
        %mul3A_305 = arith.muli %scan3A_298, %mul3A_304 : i32
        %get3A_306 = arith.index_cast %mul3A_305 : i32 to index
        %get3A_307 = tpu.vector_load %arg10[%get3A_306] {strides = array<i32>} : memref<2000xf32, #tpu.memory_space<vmem>>, vector<16xf32>,
        %masked_sort3A_308 = arith.constant dense<true> : vector<16xi1>
        %masked_sort3A_309 = arith.constant -2147483648 : i32
        %masked_sort3A_310 = vector.broadcast %masked_sort3A_309 : i32 to vector<16xi32>
        %masked_sort3A_311 = arith.xori %get3A_303, %masked_sort3A_310 : vector<16xi32>
        %masked_sort3A_312, %masked_sort3A_313, %masked_sort3A_314 = tpu.sort %masked_sort3A_311, %get3A_307 masked %masked_sort3A_308 : (vector<16xi32>, vector<16xf32>, vector<16xi1>) -> (vector<16xi1>, vector<16xi32>, vector<16xf32>)
        %masked_sort3A_315 = arith.xori %masked_sort3A_313, %masked_sort3A_310 : vector<16xi32>
        %lt3A_316 = arith.constant 0 : i32
        %lt3A_317 = vector.broadcast %lt3A_316 : i32 to vector<16xi32>
        %lt3A_318 = arith.cmpi slt, %max3A_9, %lt3A_317 : vector<16xi32>
        %add3A_319 = arith.constant 16 : i32
        %add3A_320 = vector.broadcast %add3A_319 : i32 to vector<16xi32>
        %add3A_321 = arith.addi %max3A_9, %add3A_320 : vector<16xi32>
        %select_n3A_322 = arith.select %lt3A_318, %add3A_321, %max3A_9 : vector<16xi1>, vector<16xi32>
        %broadcast_in_dim3A_323 = vector.shape_cast %select_n3A_322 : vector<16xi32> to vector<16x1xi32>
        %gather3A_324 = vector.shape_cast %broadcast_in_dim3A_323 : vector<16x1xi32> to vector<16xi32>
        %gather3A_325 = tpu.dynamic_gather %masked_sort3A_315[%gather3A_324] in [0] : vector<16xi32>, vector<16xi32> -> vector<16xi32>
        %lt3A_326 = arith.constant 0 : i32
        %lt3A_327 = vector.broadcast %lt3A_326 : i32 to vector<16xi32>
        %lt3A_328 = arith.cmpi slt, %max3A_9, %lt3A_327 : vector<16xi32>
        %add3A_329 = arith.constant 16 : i32
        %add3A_330 = vector.broadcast %add3A_329 : i32 to vector<16xi32>
        %add3A_331 = arith.addi %max3A_9, %add3A_330 : vector<16xi32>
        %select_n3A_332 = arith.select %lt3A_328, %add3A_331, %max3A_9 : vector<16xi1>, vector<16xi32>
        %broadcast_in_dim3A_333 = vector.shape_cast %select_n3A_332 : vector<16xi32> to vector<16x1xi32>
        %gather3A_334 = vector.shape_cast %broadcast_in_dim3A_333 : vector<16x1xi32> to vector<16xi32>
        %gather3A_335 = tpu.dynamic_gather %masked_sort3A_314[%gather3A_334] in [0] : vector<16xf32>, vector<16xi32> -> vector<16xf32>
        %eq3A_336 = arith.cmpi eq, %masked_sort3A_315, %gather3A_325 : vector<16xi32>
        %max3A_337 = arith.maximumf %masked_sort3A_314, %gather3A_335 : vector<16xf32>
        %select_n3A_338 = arith.select %eq3A_336, %max3A_337, %masked_sort3A_314 : vector<16xi1>, vector<16xf32>
        %lt3A_339 = arith.constant 0 : i32
        %lt3A_340 = vector.broadcast %lt3A_339 : i32 to vector<16xi32>
        %lt3A_341 = arith.cmpi slt, %max3A_15, %lt3A_340 : vector<16xi32>
        %add3A_342 = arith.constant 16 : i32
        %add3A_343 = vector.broadcast %add3A_342 : i32 to vector<16xi32>
        %add3A_344 = arith.addi %max3A_15, %add3A_343 : vector<16xi32>
        %select_n3A_345 = arith.select %lt3A_341, %add3A_344, %max3A_15 : vector<16xi1>, vector<16xi32>
        %broadcast_in_dim3A_346 = vector.shape_cast %select_n3A_345 : vector<16xi32> to vector<16x1xi32>
        %gather3A_347 = vector.shape_cast %broadcast_in_dim3A_346 : vector<16x1xi32> to vector<16xi32>
        %gather3A_348 = tpu.dynamic_gather %masked_sort3A_315[%gather3A_347] in [0] : vector<16xi32>, vector<16xi32> -> vector<16xi32>
        %lt3A_349 = arith.constant 0 : i32
        %lt3A_350 = vector.broadcast %lt3A_349 : i32 to vector<16xi32>
        %lt3A_351 = arith.cmpi slt, %max3A_15, %lt3A_350 : vector<16xi32>
        %add3A_352 = arith.constant 16 : i32
        %add3A_353 = vector.broadcast %add3A_352 : i32 to vector<16xi32>
        %add3A_354 = arith.addi %max3A_15, %add3A_353 : vector<16xi32>
        %select_n3A_355 = arith.select %lt3A_351, %add3A_354, %max3A_15 : vector<16xi1>, vector<16xi32>
        %broadcast_in_dim3A_356 = vector.shape_cast %select_n3A_355 : vector<16xi32> to vector<16x1xi32>
        %gather3A_357 = vector.shape_cast %broadcast_in_dim3A_356 : vector<16x1xi32> to vector<16xi32>
        %gather3A_358 = tpu.dynamic_gather %select_n3A_338[%gather3A_357] in [0] : vector<16xf32>, vector<16xi32> -> vector<16xf32>
        %eq3A_359 = arith.cmpi eq, %masked_sort3A_315, %gather3A_348 : vector<16xi32>
        %max3A_360 = arith.maximumf %select_n3A_338, %gather3A_358 : vector<16xf32>
        %select_n3A_361 = arith.select %eq3A_359, %max3A_360, %select_n3A_338 : vector<16xi1>, vector<16xf32>
        %lt3A_362 = arith.constant 0 : i32
        %lt3A_363 = vector.broadcast %lt3A_362 : i32 to vector<16xi32>
        %lt3A_364 = arith.cmpi slt, %max3A_21, %lt3A_363 : vector<16xi32>
        %add3A_365 = arith.constant 16 : i32
        %add3A_366 = vector.broadcast %add3A_365 : i32 to vector<16xi32>
        %add3A_367 = arith.addi %max3A_21, %add3A_366 : vector<16xi32>
        %select_n3A_368 = arith.select %lt3A_364, %add3A_367, %max3A_21 : vector<16xi1>, vector<16xi32>
        %broadcast_in_dim3A_369 = vector.shape_cast %select_n3A_368 : vector<16xi32> to vector<16x1xi32>
        %gather3A_370 = vector.shape_cast %broadcast_in_dim3A_369 : vector<16x1xi32> to vector<16xi32>
        %gather3A_371 = tpu.dynamic_gather %masked_sort3A_315[%gather3A_370] in [0] : vector<16xi32>, vector<16xi32> -> vector<16xi32>
        %lt3A_372 = arith.constant 0 : i32
        %lt3A_373 = vector.broadcast %lt3A_372 : i32 to vector<16xi32>
        %lt3A_374 = arith.cmpi slt, %max3A_21, %lt3A_373 : vector<16xi32>
        %add3A_375 = arith.constant 16 : i32
        %add3A_376 = vector.broadcast %add3A_375 : i32 to vector<16xi32>
        %add3A_377 = arith.addi %max3A_21, %add3A_376 : vector<16xi32>
        %select_n3A_378 = arith.select %lt3A_374, %add3A_377, %max3A_21 : vector<16xi1>, vector<16xi32>
        %broadcast_in_dim3A_379 = vector.shape_cast %select_n3A_378 : vector<16xi32> to vector<16x1xi32>
        %gather3A_380 = vector.shape_cast %broadcast_in_dim3A_379 : vector<16x1xi32> to vector<16xi32>
        %gather3A_381 = tpu.dynamic_gather %select_n3A_361[%gather3A_380] in [0] : vector<16xf32>, vector<16xi32> -> vector<16xf32>
        %eq3A_382 = arith.cmpi eq, %masked_sort3A_315, %gather3A_371 : vector<16xi32>
        %max3A_383 = arith.maximumf %select_n3A_361, %gather3A_381 : vector<16xf32>
        %select_n3A_384 = arith.select %eq3A_382, %max3A_383, %select_n3A_361 : vector<16xi1>, vector<16xf32>
        %lt3A_385 = arith.constant 0 : i32
        %lt3A_386 = vector.broadcast %lt3A_385 : i32 to vector<16xi32>
        %lt3A_387 = arith.cmpi slt, %max3A_27, %lt3A_386 : vector<16xi32>
        %add3A_388 = arith.constant 16 : i32
        %add3A_389 = vector.broadcast %add3A_388 : i32 to vector<16xi32>
        %add3A_390 = arith.addi %max3A_27, %add3A_389 : vector<16xi32>
        %select_n3A_391 = arith.select %lt3A_387, %add3A_390, %max3A_27 : vector<16xi1>, vector<16xi32>
        %broadcast_in_dim3A_392 = vector.shape_cast %select_n3A_391 : vector<16xi32> to vector<16x1xi32>
        %gather3A_393 = vector.shape_cast %broadcast_in_dim3A_392 : vector<16x1xi32> to vector<16xi32>
        %gather3A_394 = tpu.dynamic_gather %masked_sort3A_315[%gather3A_393] in [0] : vector<16xi32>, vector<16xi32> -> vector<16xi32>
        %lt3A_395 = arith.constant 0 : i32
        %lt3A_396 = vector.broadcast %lt3A_395 : i32 to vector<16xi32>
        %lt3A_397 = arith.cmpi slt, %max3A_27, %lt3A_396 : vector<16xi32>
        %add3A_398 = arith.constant 16 : i32
        %add3A_399 = vector.broadcast %add3A_398 : i32 to vector<16xi32>
        %add3A_400 = arith.addi %max3A_27, %add3A_399 : vector<16xi32>
        %select_n3A_401 = arith.select %lt3A_397, %add3A_400, %max3A_27 : vector<16xi1>, vector<16xi32>
        %broadcast_in_dim3A_402 = vector.shape_cast %select_n3A_401 : vector<16xi32> to vector<16x1xi32>
        %gather3A_403 = vector.shape_cast %broadcast_in_dim3A_402 : vector<16x1xi32> to vector<16xi32>
        %gather3A_404 = tpu.dynamic_gather %select_n3A_384[%gather3A_403] in [0] : vector<16xf32>, vector<16xi32> -> vector<16xf32>
        %eq3A_405 = arith.cmpi eq, %masked_sort3A_315, %gather3A_394 : vector<16xi32>
        %max3A_406 = arith.maximumf %select_n3A_384, %gather3A_404 : vector<16xf32>
        %select_n3A_407 = arith.select %eq3A_405, %max3A_406, %select_n3A_384 : vector<16xi1>, vector<16xf32>
        %lt3A_408 = arith.constant 0 : i32
        %lt3A_409 = vector.broadcast %lt3A_408 : i32 to vector<16xi32>
        %lt3A_410 = arith.cmpi slt, %min3A_5, %lt3A_409 : vector<16xi32>
        %add3A_411 = arith.constant 16 : i32
        %add3A_412 = vector.broadcast %add3A_411 : i32 to vector<16xi32>
        %add3A_413 = arith.addi %min3A_5, %add3A_412 : vector<16xi32>
        %select_n3A_414 = arith.select %lt3A_410, %add3A_413, %min3A_5 : vector<16xi1>, vector<16xi32>
        %broadcast_in_dim3A_415 = vector.shape_cast %select_n3A_414 : vector<16xi32> to vector<16x1xi32>
        %gather3A_416 = vector.shape_cast %broadcast_in_dim3A_415 : vector<16x1xi32> to vector<16xi32>
        %gather3A_417 = tpu.dynamic_gather %masked_sort3A_315[%gather3A_416] in [0] : vector<16xi32>, vector<16xi32> -> vector<16xi32>
        %ne3A_418 = arith.cmpi ne, %masked_sort3A_315, %gather3A_417 : vector<16xi32>
        %eq3A_419 = arith.constant 15 : i32
        %eq3A_420 = vector.broadcast %eq3A_419 : i32 to vector<16xi32>
        %eq3A_421 = arith.cmpi eq, %iota3A, %eq3A_420 : vector<16xi32>
        %or3A_422 = arith.ori %ne3A_418, %eq3A_421 : vector<16xi1>
        %gather3A_423 = tpu.vector_load_idx %arg8[%masked_sort3A_315] masked %or3A_422 : memref<100000xf32, #tpu.memory_space<vmem>>[vector<16xi32>], vector<16xf32>, vector<16xi1>
        %max3A_424 = arith.maximumf %gather3A_423, %select_n3A_407 : vector<16xf32>
        tpu.vector_store_idx %arg8[%masked_sort3A_315], %max3A_424 masked %or3A_422 : memref<100000xf32, #tpu.memory_space<vmem>>[vector<16xi32>], vector<16xf32>, vector<16xi1>
        %scan3A_425 = arith.constant 0 : i32
        %scan3A_426 = arith.constant 1 : i32
        %scan3A_427 = arith.addi %scan3A_298, %scan3A_426 : i32
        %mul3A_428 = arith.constant 16 : i32
        %mul3A_429 = arith.muli %scan3A_427, %mul3A_428 : i32
        %get3A_430 = arith.index_cast %mul3A_429 : i32 to index
        %get3A_431 = tpu.vector_load %arg9[%get3A_430] {strides = array<i32>} : memref<2000xi32, #tpu.memory_space<vmem>>, vector<16xi32>,
        %mul3A_432 = arith.constant 16 : i32
        %mul3A_433 = arith.muli %scan3A_427, %mul3A_432 : i32
        %get3A_434 = arith.index_cast %mul3A_433 : i32 to index
        %get3A_435 = tpu.vector_load %arg10[%get3A_434] {strides = array<i32>} : memref<2000xf32, #tpu.memory_space<vmem>>, vector<16xf32>,
        %masked_sort3A_436 = arith.constant dense<true> : vector<16xi1>
        %masked_sort3A_437 = arith.constant -2147483648 : i32
        %masked_sort3A_438 = vector.broadcast %masked_sort3A_437 : i32 to vector<16xi32>
        %masked_sort3A_439 = arith.xori %get3A_431, %masked_sort3A_438 : vector<16xi32>
        %masked_sort3A_440, %masked_sort3A_441, %masked_sort3A_442 = tpu.sort %masked_sort3A_439, %get3A_435 masked %masked_sort3A_436 : (vector<16xi32>, vector<16xf32>, vector<16xi1>) -> (vector<16xi1>, vector<16xi32>, vector<16xf32>)
        %masked_sort3A_443 = arith.xori %masked_sort3A_441, %masked_sort3A_438 : vector<16xi32>
        %lt3A_444 = arith.constant 0 : i32
        %lt3A_445 = vector.broadcast %lt3A_444 : i32 to vector<16xi32>
        %lt3A_446 = arith.cmpi slt, %max3A_9, %lt3A_445 : vector<16xi32>
        %add3A_447 = arith.constant 16 : i32
        %add3A_448 = vector.broadcast %add3A_447 : i32 to vector<16xi32>
        %add3A_449 = arith.addi %max3A_9, %add3A_448 : vector<16xi32>
        %select_n3A_450 = arith.select %lt3A_446, %add3A_449, %max3A_9 : vector<16xi1>, vector<16xi32>
        %broadcast_in_dim3A_451 = vector.shape_cast %select_n3A_450 : vector<16xi32> to vector<16x1xi32>
        %gather3A_452 = vector.shape_cast %broadcast_in_dim3A_451 : vector<16x1xi32> to vector<16xi32>
        %gather3A_453 = tpu.dynamic_gather %masked_sort3A_443[%gather3A_452] in [0] : vector<16xi32>, vector<16xi32> -> vector<16xi32>
        %lt3A_454 = arith.constant 0 : i32
        %lt3A_455 = vector.broadcast %lt3A_454 : i32 to vector<16xi32>
        %lt3A_456 = arith.cmpi slt, %max3A_9, %lt3A_455 : vector<16xi32>
        %add3A_457 = arith.constant 16 : i32
        %add3A_458 = vector.broadcast %add3A_457 : i32 to vector<16xi32>
        %add3A_459 = arith.addi %max3A_9, %add3A_458 : vector<16xi32>
        %select_n3A_460 = arith.select %lt3A_456, %add3A_459, %max3A_9 : vector<16xi1>, vector<16xi32>
        %broadcast_in_dim3A_461 = vector.shape_cast %select_n3A_460 : vector<16xi32> to vector<16x1xi32>
        %gather3A_462 = vector.shape_cast %broadcast_in_dim3A_461 : vector<16x1xi32> to vector<16xi32>
        %gather3A_463 = tpu.dynamic_gather %masked_sort3A_442[%gather3A_462] in [0] : vector<16xf32>, vector<16xi32> -> vector<16xf32>
        %eq3A_464 = arith.cmpi eq, %masked_sort3A_443, %gather3A_453 : vector<16xi32>
        %max3A_465 = arith.maximumf %masked_sort3A_442, %gather3A_463 : vector<16xf32>
        %select_n3A_466 = arith.select %eq3A_464, %max3A_465, %masked_sort3A_442 : vector<16xi1>, vector<16xf32>
        %lt3A_467 = arith.constant 0 : i32
        %lt3A_468 = vector.broadcast %lt3A_467 : i32 to vector<16xi32>
        %lt3A_469 = arith.cmpi slt, %max3A_15, %lt3A_468 : vector<16xi32>
        %add3A_470 = arith.constant 16 : i32
        %add3A_471 = vector.broadcast %add3A_470 : i32 to vector<16xi32>
        %add3A_472 = arith.addi %max3A_15, %add3A_471 : vector<16xi32>
        %select_n3A_473 = arith.select %lt3A_469, %add3A_472, %max3A_15 : vector<16xi1>, vector<16xi32>
        %broadcast_in_dim3A_474 = vector.shape_cast %select_n3A_473 : vector<16xi32> to vector<16x1xi32>
        %gather3A_475 = vector.shape_cast %broadcast_in_dim3A_474 : vector<16x1xi32> to vector<16xi32>
        %gather3A_476 = tpu.dynamic_gather %masked_sort3A_443[%gather3A_475] in [0] : vector<16xi32>, vector<16xi32> -> vector<16xi32>
        %lt3A_477 = arith.constant 0 : i32
        %lt3A_478 = vector.broadcast %lt3A_477 : i32 to vector<16xi32>
        %lt3A_479 = arith.cmpi slt, %max3A_15, %lt3A_478 : vector<16xi32>
        %add3A_480 = arith.constant 16 : i32
        %add3A_481 = vector.broadcast %add3A_480 : i32 to vector<16xi32>
        %add3A_482 = arith.addi %max3A_15, %add3A_481 : vector<16xi32>
        %select_n3A_483 = arith.select %lt3A_479, %add3A_482, %max3A_15 : vector<16xi1>, vector<16xi32>
        %broadcast_in_dim3A_484 = vector.shape_cast %select_n3A_483 : vector<16xi32> to vector<16x1xi32>
        %gather3A_485 = vector.shape_cast %broadcast_in_dim3A_484 : vector<16x1xi32> to vector<16xi32>
        %gather3A_486 = tpu.dynamic_gather %select_n3A_466[%gather3A_485] in [0] : vector<16xf32>, vector<16xi32> -> vector<16xf32>
        %eq3A_487 = arith.cmpi eq, %masked_sort3A_443, %gather3A_476 : vector<16xi32>
        %max3A_488 = arith.maximumf %select_n3A_466, %gather3A_486 : vector<16xf32>
        %select_n3A_489 = arith.select %eq3A_487, %max3A_488, %select_n3A_466 : vector<16xi1>, vector<16xf32>
        %lt3A_490 = arith.constant 0 : i32
        %lt3A_491 = vector.broadcast %lt3A_490 : i32 to vector<16xi32>
        %lt3A_492 = arith.cmpi slt, %max3A_21, %lt3A_491 : vector<16xi32>
        %add3A_493 = arith.constant 16 : i32
        %add3A_494 = vector.broadcast %add3A_493 : i32 to vector<16xi32>
        %add3A_495 = arith.addi %max3A_21, %add3A_494 : vector<16xi32>
        %select_n3A_496 = arith.select %lt3A_492, %add3A_495, %max3A_21 : vector<16xi1>, vector<16xi32>
        %broadcast_in_dim3A_497 = vector.shape_cast %select_n3A_496 : vector<16xi32> to vector<16x1xi32>
        %gather3A_498 = vector.shape_cast %broadcast_in_dim3A_497 : vector<16x1xi32> to vector<16xi32>
        %gather3A_499 = tpu.dynamic_gather %masked_sort3A_443[%gather3A_498] in [0] : vector<16xi32>, vector<16xi32> -> vector<16xi32>
        %lt3A_500 = arith.constant 0 : i32
        %lt3A_501 = vector.broadcast %lt3A_500 : i32 to vector<16xi32>
        %lt3A_502 = arith.cmpi slt, %max3A_21, %lt3A_501 : vector<16xi32>
        %add3A_503 = arith.constant 16 : i32
        %add3A_504 = vector.broadcast %add3A_503 : i32 to vector<16xi32>
        %add3A_505 = arith.addi %max3A_21, %add3A_504 : vector<16xi32>
        %select_n3A_506 = arith.select %lt3A_502, %add3A_505, %max3A_21 : vector<16xi1>, vector<16xi32>
        %broadcast_in_dim3A_507 = vector.shape_cast %select_n3A_506 : vector<16xi32> to vector<16x1xi32>
        %gather3A_508 = vector.shape_cast %broadcast_in_dim3A_507 : vector<16x1xi32> to vector<16xi32>
        %gather3A_509 = tpu.dynamic_gather %select_n3A_489[%gather3A_508] in [0] : vector<16xf32>, vector<16xi32> -> vector<16xf32>
        %eq3A_510 = arith.cmpi eq, %masked_sort3A_443, %gather3A_499 : vector<16xi32>
        %max3A_511 = arith.maximumf %select_n3A_489, %gather3A_509 : vector<16xf32>
        %select_n3A_512 = arith.select %eq3A_510, %max3A_511, %select_n3A_489 : vector<16xi1>, vector<16xf32>
        %lt3A_513 = arith.constant 0 : i32
        %lt3A_514 = vector.broadcast %lt3A_513 : i32 to vector<16xi32>
        %lt3A_515 = arith.cmpi slt, %max3A_27, %lt3A_514 : vector<16xi32>
        %add3A_516 = arith.constant 16 : i32
        %add3A_517 = vector.broadcast %add3A_516 : i32 to vector<16xi32>
        %add3A_518 = arith.addi %max3A_27, %add3A_517 : vector<16xi32>
        %select_n3A_519 = arith.select %lt3A_515, %add3A_518, %max3A_27 : vector<16xi1>, vector<16xi32>
        %broadcast_in_dim3A_520 = vector.shape_cast %select_n3A_519 : vector<16xi32> to vector<16x1xi32>
        %gather3A_521 = vector.shape_cast %broadcast_in_dim3A_520 : vector<16x1xi32> to vector<16xi32>
        %gather3A_522 = tpu.dynamic_gather %masked_sort3A_443[%gather3A_521] in [0] : vector<16xi32>, vector<16xi32> -> vector<16xi32>
        %lt3A_523 = arith.constant 0 : i32
        %lt3A_524 = vector.broadcast %lt3A_523 : i32 to vector<16xi32>
        %lt3A_525 = arith.cmpi slt, %max3A_27, %lt3A_524 : vector<16xi32>
        %add3A_526 = arith.constant 16 : i32
        %add3A_527 = vector.broadcast %add3A_526 : i32 to vector<16xi32>
        %add3A_528 = arith.addi %max3A_27, %add3A_527 : vector<16xi32>
        %select_n3A_529 = arith.select %lt3A_525, %add3A_528, %max3A_27 : vector<16xi1>, vector<16xi32>
        %broadcast_in_dim3A_530 = vector.shape_cast %select_n3A_529 : vector<16xi32> to vector<16x1xi32>
        %gather3A_531 = vector.shape_cast %broadcast_in_dim3A_530 : vector<16x1xi32> to vector<16xi32>
        %gather3A_532 = tpu.dynamic_gather %select_n3A_512[%gather3A_531] in [0] : vector<16xf32>, vector<16xi32> -> vector<16xf32>
        %eq3A_533 = arith.cmpi eq, %masked_sort3A_443, %gather3A_522 : vector<16xi32>
        %max3A_534 = arith.maximumf %select_n3A_512, %gather3A_532 : vector<16xf32>
        %select_n3A_535 = arith.select %eq3A_533, %max3A_534, %select_n3A_512 : vector<16xi1>, vector<16xf32>
        %lt3A_536 = arith.constant 0 : i32
        %lt3A_537 = vector.broadcast %lt3A_536 : i32 to vector<16xi32>
        %lt3A_538 = arith.cmpi slt, %min3A_5, %lt3A_537 : vector<16xi32>
        %add3A_539 = arith.constant 16 : i32
        %add3A_540 = vector.broadcast %add3A_539 : i32 to vector<16xi32>
        %add3A_541 = arith.addi %min3A_5, %add3A_540 : vector<16xi32>
        %select_n3A_542 = arith.select %lt3A_538, %add3A_541, %min3A_5 : vector<16xi1>, vector<16xi32>
        %broadcast_in_dim3A_543 = vector.shape_cast %select_n3A_542 : vector<16xi32> to vector<16x1xi32>
        %gather3A_544 = vector.shape_cast %broadcast_in_dim3A_543 : vector<16x1xi32> to vector<16xi32>
        %gather3A_545 = tpu.dynamic_gather %masked_sort3A_443[%gather3A_544] in [0] : vector<16xi32>, vector<16xi32> -> vector<16xi32>
        %ne3A_546 = arith.cmpi ne, %masked_sort3A_443, %gather3A_545 : vector<16xi32>
        %eq3A_547 = arith.constant 15 : i32
        %eq3A_548 = vector.broadcast %eq3A_547 : i32 to vector<16xi32>
        %eq3A_549 = arith.cmpi eq, %iota3A, %eq3A_548 : vector<16xi32>
        %or3A_550 = arith.ori %ne3A_546, %eq3A_549 : vector<16xi1>
        %gather3A_551 = tpu.vector_load_idx %arg8[%masked_sort3A_443] masked %or3A_550 : memref<100000xf32, #tpu.memory_space<vmem>>[vector<16xi32>], vector<16xf32>, vector<16xi1>
        %max3A_552 = arith.maximumf %gather3A_551, %select_n3A_535 : vector<16xf32>
        tpu.vector_store_idx %arg8[%masked_sort3A_443], %max3A_552 masked %or3A_550 : memref<100000xf32, #tpu.memory_space<vmem>>[vector<16xi32>], vector<16xf32>, vector<16xi1>
        %scan3A_553 = arith.constant 0 : i32
        scf.yield %scan3A_553 : i32
      }
      %scan3A_176 = arith.constant 124 : i32
      %scan3A_177 = arith.addi %scan3A_171, %scan3A_176 : i32
      %mul3A_178 = arith.constant 16 : i32
      %mul3A_179 = arith.muli %scan3A_177, %mul3A_178 : i32
      %get3A = arith.index_cast %mul3A_179 : i32 to index
      %get3A_180 = tpu.vector_load %arg9[%get3A] {strides = array<i32>} : memref<2000xi32, #tpu.memory_space<vmem>>, vector<16xi32>,
      %mul3A_181 = arith.constant 16 : i32
      %mul3A_182 = arith.muli %scan3A_177, %mul3A_181 : i32
      %get3A_183 = arith.index_cast %mul3A_182 : i32 to index
      %get3A_184 = tpu.vector_load %arg10[%get3A_183] {strides = array<i32>} : memref<2000xf32, #tpu.memory_space<vmem>>, vector<16xf32>,
      %masked_sort3A = arith.constant dense<true> : vector<16xi1>
      %masked_sort3A_185 = arith.constant -2147483648 : i32
      %masked_sort3A_186 = vector.broadcast %masked_sort3A_185 : i32 to vector<16xi32>
      %masked_sort3A_187 = arith.xori %get3A_180, %masked_sort3A_186 : vector<16xi32>
      %masked_sort3A_188, %masked_sort3A_189, %masked_sort3A_190 = tpu.sort %masked_sort3A_187, %get3A_184 masked %masked_sort3A : (vector<16xi32>, vector<16xf32>, vector<16xi1>) -> (vector<16xi1>, vector<16xi32>, vector<16xf32>)
      %masked_sort3A_191 = arith.xori %masked_sort3A_189, %masked_sort3A_186 : vector<16xi32>
      %lt3A = arith.constant 0 : i32
      %lt3A_192 = vector.broadcast %lt3A : i32 to vector<16xi32>
      %lt3A_193 = arith.cmpi slt, %max3A_9, %lt3A_192 : vector<16xi32>
      %add3A_194 = arith.constant 16 : i32
      %add3A_195 = vector.broadcast %add3A_194 : i32 to vector<16xi32>
      %add3A_196 = arith.addi %max3A_9, %add3A_195 : vector<16xi32>
      %select_n3A = arith.select %lt3A_193, %add3A_196, %max3A_9 : vector<16xi1>, vector<16xi32>
      %broadcast_in_dim3A_197 = vector.shape_cast %select_n3A : vector<16xi32> to vector<16x1xi32>
      %gather3A = vector.shape_cast %broadcast_in_dim3A_197 : vector<16x1xi32> to vector<16xi32>
      %gather3A_198 = tpu.dynamic_gather %masked_sort3A_191[%gather3A] in [0] : vector<16xi32>, vector<16xi32> -> vector<16xi32>
      %lt3A_199 = arith.constant 0 : i32
      %lt3A_200 = vector.broadcast %lt3A_199 : i32 to vector<16xi32>
      %lt3A_201 = arith.cmpi slt, %max3A_9, %lt3A_200 : vector<16xi32>
      %add3A_202 = arith.constant 16 : i32
      %add3A_203 = vector.broadcast %add3A_202 : i32 to vector<16xi32>
      %add3A_204 = arith.addi %max3A_9, %add3A_203 : vector<16xi32>
      %select_n3A_205 = arith.select %lt3A_201, %add3A_204, %max3A_9 : vector<16xi1>, vector<16xi32>
      %broadcast_in_dim3A_206 = vector.shape_cast %select_n3A_205 : vector<16xi32> to vector<16x1xi32>
      %gather3A_207 = vector.shape_cast %broadcast_in_dim3A_206 : vector<16x1xi32> to vector<16xi32>
      %gather3A_208 = tpu.dynamic_gather %masked_sort3A_190[%gather3A_207] in [0] : vector<16xf32>, vector<16xi32> -> vector<16xf32>
      %eq3A = arith.cmpi eq, %masked_sort3A_191, %gather3A_198 : vector<16xi32>
      %max3A_209 = arith.maximumf %masked_sort3A_190, %gather3A_208 : vector<16xf32>
      %select_n3A_210 = arith.select %eq3A, %max3A_209, %masked_sort3A_190 : vector<16xi1>, vector<16xf32>
      %lt3A_211 = arith.constant 0 : i32
      %lt3A_212 = vector.broadcast %lt3A_211 : i32 to vector<16xi32>
      %lt3A_213 = arith.cmpi slt, %max3A_15, %lt3A_212 : vector<16xi32>
      %add3A_214 = arith.constant 16 : i32
      %add3A_215 = vector.broadcast %add3A_214 : i32 to vector<16xi32>
      %add3A_216 = arith.addi %max3A_15, %add3A_215 : vector<16xi32>
      %select_n3A_217 = arith.select %lt3A_213, %add3A_216, %max3A_15 : vector<16xi1>, vector<16xi32>
      %broadcast_in_dim3A_218 = vector.shape_cast %select_n3A_217 : vector<16xi32> to vector<16x1xi32>
      %gather3A_219 = vector.shape_cast %broadcast_in_dim3A_218 : vector<16x1xi32> to vector<16xi32>
      %gather3A_220 = tpu.dynamic_gather %masked_sort3A_191[%gather3A_219] in [0] : vector<16xi32>, vector<16xi32> -> vector<16xi32>
      %lt3A_221 = arith.constant 0 : i32
      %lt3A_222 = vector.broadcast %lt3A_221 : i32 to vector<16xi32>
      %lt3A_223 = arith.cmpi slt, %max3A_15, %lt3A_222 : vector<16xi32>
      %add3A_224 = arith.constant 16 : i32
      %add3A_225 = vector.broadcast %add3A_224 : i32 to vector<16xi32>
      %add3A_226 = arith.addi %max3A_15, %add3A_225 : vector<16xi32>
      %select_n3A_227 = arith.select %lt3A_223, %add3A_226, %max3A_15 : vector<16xi1>, vector<16xi32>
      %broadcast_in_dim3A_228 = vector.shape_cast %select_n3A_227 : vector<16xi32> to vector<16x1xi32>
      %gather3A_229 = vector.shape_cast %broadcast_in_dim3A_228 : vector<16x1xi32> to vector<16xi32>
      %gather3A_230 = tpu.dynamic_gather %select_n3A_210[%gather3A_229] in [0] : vector<16xf32>, vector<16xi32> -> vector<16xf32>
      %eq3A_231 = arith.cmpi eq, %masked_sort3A_191, %gather3A_220 : vector<16xi32>
      %max3A_232 = arith.maximumf %select_n3A_210, %gather3A_230 : vector<16xf32>
      %select_n3A_233 = arith.select %eq3A_231, %max3A_232, %select_n3A_210 : vector<16xi1>, vector<16xf32>
      %lt3A_234 = arith.constant 0 : i32
      %lt3A_235 = vector.broadcast %lt3A_234 : i32 to vector<16xi32>
      %lt3A_236 = arith.cmpi slt, %max3A_21, %lt3A_235 : vector<16xi32>
      %add3A_237 = arith.constant 16 : i32
      %add3A_238 = vector.broadcast %add3A_237 : i32 to vector<16xi32>
      %add3A_239 = arith.addi %max3A_21, %add3A_238 : vector<16xi32>
      %select_n3A_240 = arith.select %lt3A_236, %add3A_239, %max3A_21 : vector<16xi1>, vector<16xi32>
      %broadcast_in_dim3A_241 = vector.shape_cast %select_n3A_240 : vector<16xi32> to vector<16x1xi32>
      %gather3A_242 = vector.shape_cast %broadcast_in_dim3A_241 : vector<16x1xi32> to vector<16xi32>
      %gather3A_243 = tpu.dynamic_gather %masked_sort3A_191[%gather3A_242] in [0] : vector<16xi32>, vector<16xi32> -> vector<16xi32>
      %lt3A_244 = arith.constant 0 : i32
      %lt3A_245 = vector.broadcast %lt3A_244 : i32 to vector<16xi32>
      %lt3A_246 = arith.cmpi slt, %max3A_21, %lt3A_245 : vector<16xi32>
      %add3A_247 = arith.constant 16 : i32
      %add3A_248 = vector.broadcast %add3A_247 : i32 to vector<16xi32>
      %add3A_249 = arith.addi %max3A_21, %add3A_248 : vector<16xi32>
      %select_n3A_250 = arith.select %lt3A_246, %add3A_249, %max3A_21 : vector<16xi1>, vector<16xi32>
      %broadcast_in_dim3A_251 = vector.shape_cast %select_n3A_250 : vector<16xi32> to vector<16x1xi32>
      %gather3A_252 = vector.shape_cast %broadcast_in_dim3A_251 : vector<16x1xi32> to vector<16xi32>
      %gather3A_253 = tpu.dynamic_gather %select_n3A_233[%gather3A_252] in [0] : vector<16xf32>, vector<16xi32> -> vector<16xf32>
      %eq3A_254 = arith.cmpi eq, %masked_sort3A_191, %gather3A_243 : vector<16xi32>
      %max3A_255 = arith.maximumf %select_n3A_233, %gather3A_253 : vector<16xf32>
      %select_n3A_256 = arith.select %eq3A_254, %max3A_255, %select_n3A_233 : vector<16xi1>, vector<16xf32>
      %lt3A_257 = arith.constant 0 : i32
      %lt3A_258 = vector.broadcast %lt3A_257 : i32 to vector<16xi32>
      %lt3A_259 = arith.cmpi slt, %max3A_27, %lt3A_258 : vector<16xi32>
      %add3A_260 = arith.constant 16 : i32
      %add3A_261 = vector.broadcast %add3A_260 : i32 to vector<16xi32>
      %add3A_262 = arith.addi %max3A_27, %add3A_261 : vector<16xi32>
      %select_n3A_263 = arith.select %lt3A_259, %add3A_262, %max3A_27 : vector<16xi1>, vector<16xi32>
      %broadcast_in_dim3A_264 = vector.shape_cast %select_n3A_263 : vector<16xi32> to vector<16x1xi32>
      %gather3A_265 = vector.shape_cast %broadcast_in_dim3A_264 : vector<16x1xi32> to vector<16xi32>
      %gather3A_266 = tpu.dynamic_gather %masked_sort3A_191[%gather3A_265] in [0] : vector<16xi32>, vector<16xi32> -> vector<16xi32>
      %lt3A_267 = arith.constant 0 : i32
      %lt3A_268 = vector.broadcast %lt3A_267 : i32 to vector<16xi32>
      %lt3A_269 = arith.cmpi slt, %max3A_27, %lt3A_268 : vector<16xi32>
      %add3A_270 = arith.constant 16 : i32
      %add3A_271 = vector.broadcast %add3A_270 : i32 to vector<16xi32>
      %add3A_272 = arith.addi %max3A_27, %add3A_271 : vector<16xi32>
      %select_n3A_273 = arith.select %lt3A_269, %add3A_272, %max3A_27 : vector<16xi1>, vector<16xi32>
      %broadcast_in_dim3A_274 = vector.shape_cast %select_n3A_273 : vector<16xi32> to vector<16x1xi32>
      %gather3A_275 = vector.shape_cast %broadcast_in_dim3A_274 : vector<16x1xi32> to vector<16xi32>
      %gather3A_276 = tpu.dynamic_gather %select_n3A_256[%gather3A_275] in [0] : vector<16xf32>, vector<16xi32> -> vector<16xf32>
      %eq3A_277 = arith.cmpi eq, %masked_sort3A_191, %gather3A_266 : vector<16xi32>
      %max3A_278 = arith.maximumf %select_n3A_256, %gather3A_276 : vector<16xf32>
      %select_n3A_279 = arith.select %eq3A_277, %max3A_278, %select_n3A_256 : vector<16xi1>, vector<16xf32>
      %lt3A_280 = arith.constant 0 : i32
      %lt3A_281 = vector.broadcast %lt3A_280 : i32 to vector<16xi32>
      %lt3A_282 = arith.cmpi slt, %min3A_5, %lt3A_281 : vector<16xi32>
      %add3A_283 = arith.constant 16 : i32
      %add3A_284 = vector.broadcast %add3A_283 : i32 to vector<16xi32>
      %add3A_285 = arith.addi %min3A_5, %add3A_284 : vector<16xi32>
      %select_n3A_286 = arith.select %lt3A_282, %add3A_285, %min3A_5 : vector<16xi1>, vector<16xi32>
      %broadcast_in_dim3A_287 = vector.shape_cast %select_n3A_286 : vector<16xi32> to vector<16x1xi32>
      %gather3A_288 = vector.shape_cast %broadcast_in_dim3A_287 : vector<16x1xi32> to vector<16xi32>
      %gather3A_289 = tpu.dynamic_gather %masked_sort3A_191[%gather3A_288] in [0] : vector<16xi32>, vector<16xi32> -> vector<16xi32>
      %ne3A = arith.cmpi ne, %masked_sort3A_191, %gather3A_289 : vector<16xi32>
      %eq3A_290 = arith.constant 15 : i32
      %eq3A_291 = vector.broadcast %eq3A_290 : i32 to vector<16xi32>
      %eq3A_292 = arith.cmpi eq, %iota3A, %eq3A_291 : vector<16xi32>
      %or3A = arith.ori %ne3A, %eq3A_292 : vector<16xi1>
      %gather3A_293 = tpu.vector_load_idx %arg8[%masked_sort3A_191] masked %or3A : memref<100000xf32, #tpu.memory_space<vmem>>[vector<16xi32>], vector<16xf32>, vector<16xi1>
      %max3A_294 = arith.maximumf %gather3A_293, %select_n3A_279 : vector<16xf32>
      tpu.vector_store_idx %arg8[%masked_sort3A_191], %max3A_294 masked %or3A : memref<100000xf32, #tpu.memory_space<vmem>>[vector<16xi32>], vector<16xf32>, vector<16xi1>
      %scan3A_295 = arith.constant 0 : i32
      %scan3A_296 = arith.constant 125 : i32
      %scan3A_297 = arith.constant 0 : i32
      scf.yield %scan3A_297 : i32
    }
    %scan3A_122 = arith.constant 100 : i32
    %mul3A_123 = arith.constant 4 : i32
    %mul3A_124 = arith.muli %add3A, %mul3A_123 : i32
    %add3A_125 = arith.constant 2 : i32
    %add3A_126 = arith.addi %mul3A_124, %add3A_125 : i32
    %mul3A_127 = arith.constant 100000 : i32
    %mul3A_128 = arith.muli %add3A_126, %mul3A_127 : i32
    "tpu.region"() ({
      %run_scoped3A = tpu.sem_alloc : memref<!tpu.dma_semaphore, #tpu.memory_space<semaphore_mem>>
      %dma_start3A = tpu.memref_slice %arg7[%mul3A_128] : memref<12800000xf32, #tpu.memory_space<hbm>> -> memref<100000xf32, #tpu.memory_space<hbm>>
      %dma_start3A_163 = tpu.memref_slice %arg7[%mul3A_128] : memref<12800000xf32, #tpu.memory_space<hbm>> -> memref<100000xf32, #tpu.memory_space<hbm>>
      tpu.enqueue_dma source(%arg8 : memref<100000xf32, #tpu.memory_space<vmem>>) target(%dma_start3A_163 : memref<100000xf32, #tpu.memory_space<hbm>>) target_semaphore(%run_scoped3A : memref<!tpu.dma_semaphore, #tpu.memory_space<semaphore_mem>>)
      %dma_wait3A = tpu.memref_slice %arg7[%mul3A_128] : memref<12800000xf32, #tpu.memory_space<hbm>> -> memref<100000xf32, #tpu.memory_space<hbm>>
      %dma_wait3A_164 = tpu.memref_slice %arg7[%mul3A_128] : memref<12800000xf32, #tpu.memory_space<hbm>> -> memref<100000xf32, #tpu.memory_space<hbm>>
      tpu.wait_dma2 semaphore(%run_scoped3A : memref<!tpu.dma_semaphore, #tpu.memory_space<semaphore_mem>>) src(%arg8 : memref<100000xf32, #tpu.memory_space<vmem>>) dst(%dma_wait3A_164 : memref<100000xf32, #tpu.memory_space<hbm>>)
      tpu.yield
    }) : () -> ()
    %scan3A_129 = arith.constant 0 : i32
    %scan3A_130 = arith.constant 0 : i32
    %scan3A_131 = arith.constant 6248 : i32
    %scan3A_132 = arith.addi %scan3A_130, %scan3A_131 : i32
    %scan3A_133 = arith.constant 8 : i32
    %scan3A_134 = scf.for %scan3A_163 = %scan3A_130 to %scan3A_132 step %scan3A_133 iter_args(%scan3A_164 = %scan3A_129) -> (i32)  : i32 {
      %mul3A_165 = arith.constant 16 : i32
      %mul3A_166 = arith.muli %scan3A_163, %mul3A_165 : i32
      %swap3A_167 = arith.index_cast %mul3A_166 : i32 to index
      %swap3A_168 = tpu.vector_load %arg8[%swap3A_167] {strides = array<i32>} : memref<100000xf32, #tpu.memory_space<vmem>>, vector<16xf32>,
      tpu.vector_store %arg8[%swap3A_167], %broadcast_in_dim3A_28 {strides = array<i32>} : memref<100000xf32, #tpu.memory_space<vmem>>, vector<16xf32>,
      %scan3A_169 = arith.constant 0 : i32
      %scan3A_170 = arith.constant 1 : i32
      %scan3A_171 = arith.addi %scan3A_163, %scan3A_170 : i32
      %mul3A_172 = arith.constant 16 : i32
      %mul3A_173 = arith.muli %scan3A_171, %mul3A_172 : i32
      %swap3A_174 = arith.index_cast %mul3A_173 : i32 to index
      %swap3A_175 = tpu.vector_load %arg8[%swap3A_174] {strides = array<i32>} : memref<100000xf32, #tpu.memory_space<vmem>>, vector<16xf32>,
      tpu.vector_store %arg8[%swap3A_174], %broadcast_in_dim3A_28 {strides = array<i32>} : memref<100000xf32, #tpu.memory_space<vmem>>, vector<16xf32>,
      %scan3A_176 = arith.constant 0 : i32
      %scan3A_177 = arith.constant 2 : i32
      %scan3A_178 = arith.addi %scan3A_163, %scan3A_177 : i32
      %mul3A_179 = arith.constant 16 : i32
      %mul3A_180 = arith.muli %scan3A_178, %mul3A_179 : i32
      %swap3A_181 = arith.index_cast %mul3A_180 : i32 to index
      %swap3A_182 = tpu.vector_load %arg8[%swap3A_181] {strides = array<i32>} : memref<100000xf32, #tpu.memory_space<vmem>>, vector<16xf32>,
      tpu.vector_store %arg8[%swap3A_181], %broadcast_in_dim3A_28 {strides = array<i32>} : memref<100000xf32, #tpu.memory_space<vmem>>, vector<16xf32>,
      %scan3A_183 = arith.constant 0 : i32
      %scan3A_184 = arith.constant 3 : i32
      %scan3A_185 = arith.addi %scan3A_163, %scan3A_184 : i32
      %mul3A_186 = arith.constant 16 : i32
      %mul3A_187 = arith.muli %scan3A_185, %mul3A_186 : i32
      %swap3A_188 = arith.index_cast %mul3A_187 : i32 to index
      %swap3A_189 = tpu.vector_load %arg8[%swap3A_188] {strides = array<i32>} : memref<100000xf32, #tpu.memory_space<vmem>>, vector<16xf32>,
      tpu.vector_store %arg8[%swap3A_188], %broadcast_in_dim3A_28 {strides = array<i32>} : memref<100000xf32, #tpu.memory_space<vmem>>, vector<16xf32>,
      %scan3A_190 = arith.constant 0 : i32
      %scan3A_191 = arith.constant 4 : i32
      %scan3A_192 = arith.addi %scan3A_163, %scan3A_191 : i32
      %mul3A_193 = arith.constant 16 : i32
      %mul3A_194 = arith.muli %scan3A_192, %mul3A_193 : i32
      %swap3A_195 = arith.index_cast %mul3A_194 : i32 to index
      %swap3A_196 = tpu.vector_load %arg8[%swap3A_195] {strides = array<i32>} : memref<100000xf32, #tpu.memory_space<vmem>>, vector<16xf32>,
      tpu.vector_store %arg8[%swap3A_195], %broadcast_in_dim3A_28 {strides = array<i32>} : memref<100000xf32, #tpu.memory_space<vmem>>, vector<16xf32>,
      %scan3A_197 = arith.constant 0 : i32
      %scan3A_198 = arith.constant 5 : i32
      %scan3A_199 = arith.addi %scan3A_163, %scan3A_198 : i32
      %mul3A_200 = arith.constant 16 : i32
      %mul3A_201 = arith.muli %scan3A_199, %mul3A_200 : i32
      %swap3A_202 = arith.index_cast %mul3A_201 : i32 to index
      %swap3A_203 = tpu.vector_load %arg8[%swap3A_202] {strides = array<i32>} : memref<100000xf32, #tpu.memory_space<vmem>>, vector<16xf32>,
      tpu.vector_store %arg8[%swap3A_202], %broadcast_in_dim3A_28 {strides = array<i32>} : memref<100000xf32, #tpu.memory_space<vmem>>, vector<16xf32>,
      %scan3A_204 = arith.constant 0 : i32
      %scan3A_205 = arith.constant 6 : i32
      %scan3A_206 = arith.addi %scan3A_163, %scan3A_205 : i32
      %mul3A_207 = arith.constant 16 : i32
      %mul3A_208 = arith.muli %scan3A_206, %mul3A_207 : i32
      %swap3A_209 = arith.index_cast %mul3A_208 : i32 to index
      %swap3A_210 = tpu.vector_load %arg8[%swap3A_209] {strides = array<i32>} : memref<100000xf32, #tpu.memory_space<vmem>>, vector<16xf32>,
      tpu.vector_store %arg8[%swap3A_209], %broadcast_in_dim3A_28 {strides = array<i32>} : memref<100000xf32, #tpu.memory_space<vmem>>, vector<16xf32>,
      %scan3A_211 = arith.constant 0 : i32
      %scan3A_212 = arith.constant 7 : i32
      %scan3A_213 = arith.addi %scan3A_163, %scan3A_212 : i32
      %mul3A_214 = arith.constant 16 : i32
      %mul3A_215 = arith.muli %scan3A_213, %mul3A_214 : i32
      %swap3A_216 = arith.index_cast %mul3A_215 : i32 to index
      %swap3A_217 = tpu.vector_load %arg8[%swap3A_216] {strides = array<i32>} : memref<100000xf32, #tpu.memory_space<vmem>>, vector<16xf32>,
      tpu.vector_store %arg8[%swap3A_216], %broadcast_in_dim3A_28 {strides = array<i32>} : memref<100000xf32, #tpu.memory_space<vmem>>, vector<16xf32>,
      %scan3A_218 = arith.constant 0 : i32
      scf.yield %scan3A_218 : i32
    }
    %scan3A_135 = arith.constant 6248 : i32
    %scan3A_136 = arith.addi %scan3A_130, %scan3A_135 : i32
    %mul3A_137 = arith.constant 16 : i32
    %mul3A_138 = arith.muli %scan3A_136, %mul3A_137 : i32
    %swap3A_139 = arith.index_cast %mul3A_138 : i32 to index
    %swap3A_140 = tpu.vector_load %arg8[%swap3A_139] {strides = array<i32>} : memref<100000xf32, #tpu.memory_space<vmem>>, vector<16xf32>,
    tpu.vector_store %arg8[%swap3A_139], %broadcast_in_dim3A_28 {strides = array<i32>} : memref<100000xf32, #tpu.memory_space<vmem>>, vector<16xf32>,
    %scan3A_141 = arith.constant 0 : i32
    %scan3A_142 = arith.constant 6249 : i32
    %scan3A_143 = arith.addi %scan3A_130, %scan3A_142 : i32
    %mul3A_144 = arith.constant 16 : i32
    %mul3A_145 = arith.muli %scan3A_143, %mul3A_144 : i32
    %swap3A_146 = arith.index_cast %mul3A_145 : i32 to index
    %swap3A_147 = tpu.vector_load %arg8[%swap3A_146] {strides = array<i32>} : memref<100000xf32, #tpu.memory_space<vmem>>, vector<16xf32>,
    tpu.vector_store %arg8[%swap3A_146], %broadcast_in_dim3A_28 {strides = array<i32>} : memref<100000xf32, #tpu.memory_space<vmem>>, vector<16xf32>,
    %scan3A_148 = arith.constant 0 : i32
    %scan3A_149 = arith.constant 6250 : i32
    %scan3A_150 = arith.constant 0 : i32
    %scan3A_151 = arith.constant 0 : i32
    %scan3A_152 = arith.constant 100 : i32
    %scan3A_153 = arith.addi %scan3A_151, %scan3A_152 : i32
    %scan3A_154 = arith.constant 1 : i32
    %scan3A_155 = scf.for %scan3A_163 = %scan3A_151 to %scan3A_153 step %scan3A_154 iter_args(%scan3A_164 = %scan3A_150) -> (i32)  : i32 {
      %mul3A_165 = arith.constant 200000 : i32
      %mul3A_166 = arith.muli %add3A, %mul3A_165 : i32
      %mul3A_167 = arith.constant 2000 : i32
      %mul3A_168 = arith.muli %scan3A_163, %mul3A_167 : i32
      %add3A_169 = arith.addi %mul3A_166, %mul3A_168 : i32
      "tpu.region"() ({
        %run_scoped3A = tpu.sem_alloc : memref<!tpu.dma_semaphore, #tpu.memory_space<semaphore_mem>>
        %dma_start3A = tpu.memref_slice %arg2[%add3A_169] : memref<6400000xi32, #tpu.memory_space<hbm>> -> memref<2000xi32, #tpu.memory_space<hbm>>
        %dma_start3A_298 = tpu.memref_slice %arg2[%add3A_169] : memref<6400000xi32, #tpu.memory_space<hbm>> -> memref<2000xi32, #tpu.memory_space<hbm>>
        tpu.enqueue_dma source(%dma_start3A_298 : memref<2000xi32, #tpu.memory_space<hbm>>) target(%arg9 : memref<2000xi32, #tpu.memory_space<vmem>>) target_semaphore(%run_scoped3A : memref<!tpu.dma_semaphore, #tpu.memory_space<semaphore_mem>>)
        %dma_wait3A = tpu.memref_slice %arg2[%add3A_169] : memref<6400000xi32, #tpu.memory_space<hbm>> -> memref<2000xi32, #tpu.memory_space<hbm>>
        %dma_wait3A_299 = tpu.memref_slice %arg2[%add3A_169] : memref<6400000xi32, #tpu.memory_space<hbm>> -> memref<2000xi32, #tpu.memory_space<hbm>>
        tpu.wait_dma2 semaphore(%run_scoped3A : memref<!tpu.dma_semaphore, #tpu.memory_space<semaphore_mem>>) src(%dma_wait3A_299 : memref<2000xi32, #tpu.memory_space<hbm>>) dst(%arg9 : memref<2000xi32, #tpu.memory_space<vmem>>)
        tpu.yield
      }) : () -> ()
      "tpu.region"() ({
        %run_scoped3A = tpu.sem_alloc : memref<!tpu.dma_semaphore, #tpu.memory_space<semaphore_mem>>
        %dma_start3A = tpu.memref_slice %arg6[%add3A_169] : memref<6400000xf32, #tpu.memory_space<hbm>> -> memref<2000xf32, #tpu.memory_space<hbm>>
        %dma_start3A_298 = tpu.memref_slice %arg6[%add3A_169] : memref<6400000xf32, #tpu.memory_space<hbm>> -> memref<2000xf32, #tpu.memory_space<hbm>>
        tpu.enqueue_dma source(%dma_start3A_298 : memref<2000xf32, #tpu.memory_space<hbm>>) target(%arg10 : memref<2000xf32, #tpu.memory_space<vmem>>) target_semaphore(%run_scoped3A : memref<!tpu.dma_semaphore, #tpu.memory_space<semaphore_mem>>)
        %dma_wait3A = tpu.memref_slice %arg6[%add3A_169] : memref<6400000xf32, #tpu.memory_space<hbm>> -> memref<2000xf32, #tpu.memory_space<hbm>>
        %dma_wait3A_299 = tpu.memref_slice %arg6[%add3A_169] : memref<6400000xf32, #tpu.memory_space<hbm>> -> memref<2000xf32, #tpu.memory_space<hbm>>
        tpu.wait_dma2 semaphore(%run_scoped3A : memref<!tpu.dma_semaphore, #tpu.memory_space<semaphore_mem>>) src(%dma_wait3A_299 : memref<2000xf32, #tpu.memory_space<hbm>>) dst(%arg10 : memref<2000xf32, #tpu.memory_space<vmem>>)
        tpu.yield
      }) : () -> ()
      %scan3A_170 = arith.constant 0 : i32
      %scan3A_171 = arith.constant 0 : i32
      %scan3A_172 = arith.constant 124 : i32
      %scan3A_173 = arith.addi %scan3A_171, %scan3A_172 : i32
      %scan3A_174 = arith.constant 2 : i32
      %scan3A_175 = scf.for %scan3A_298 = %scan3A_171 to %scan3A_173 step %scan3A_174 iter_args(%scan3A_299 = %scan3A_170) -> (i32)  : i32 {
        %mul3A_300 = arith.constant 16 : i32
        %mul3A_301 = arith.muli %scan3A_298, %mul3A_300 : i32
        %get3A_302 = arith.index_cast %mul3A_301 : i32 to index
        %get3A_303 = tpu.vector_load %arg9[%get3A_302] {strides = array<i32>} : memref<2000xi32, #tpu.memory_space<vmem>>, vector<16xi32>,
        %mul3A_304 = arith.constant 16 : i32
        %mul3A_305 = arith.muli %scan3A_298, %mul3A_304 : i32
        %get3A_306 = arith.index_cast %mul3A_305 : i32 to index
        %get3A_307 = tpu.vector_load %arg10[%get3A_306] {strides = array<i32>} : memref<2000xf32, #tpu.memory_space<vmem>>, vector<16xf32>,
        %masked_sort3A_308 = arith.constant dense<true> : vector<16xi1>
        %masked_sort3A_309 = arith.constant -2147483648 : i32
        %masked_sort3A_310 = vector.broadcast %masked_sort3A_309 : i32 to vector<16xi32>
        %masked_sort3A_311 = arith.xori %get3A_303, %masked_sort3A_310 : vector<16xi32>
        %masked_sort3A_312, %masked_sort3A_313, %masked_sort3A_314 = tpu.sort %masked_sort3A_311, %get3A_307 masked %masked_sort3A_308 : (vector<16xi32>, vector<16xf32>, vector<16xi1>) -> (vector<16xi1>, vector<16xi32>, vector<16xf32>)
        %masked_sort3A_315 = arith.xori %masked_sort3A_313, %masked_sort3A_310 : vector<16xi32>
        %lt3A_316 = arith.constant 0 : i32
        %lt3A_317 = vector.broadcast %lt3A_316 : i32 to vector<16xi32>
        %lt3A_318 = arith.cmpi slt, %max3A_9, %lt3A_317 : vector<16xi32>
        %add3A_319 = arith.constant 16 : i32
        %add3A_320 = vector.broadcast %add3A_319 : i32 to vector<16xi32>
        %add3A_321 = arith.addi %max3A_9, %add3A_320 : vector<16xi32>
        %select_n3A_322 = arith.select %lt3A_318, %add3A_321, %max3A_9 : vector<16xi1>, vector<16xi32>
        %broadcast_in_dim3A_323 = vector.shape_cast %select_n3A_322 : vector<16xi32> to vector<16x1xi32>
        %gather3A_324 = vector.shape_cast %broadcast_in_dim3A_323 : vector<16x1xi32> to vector<16xi32>
        %gather3A_325 = tpu.dynamic_gather %masked_sort3A_315[%gather3A_324] in [0] : vector<16xi32>, vector<16xi32> -> vector<16xi32>
        %lt3A_326 = arith.constant 0 : i32
        %lt3A_327 = vector.broadcast %lt3A_326 : i32 to vector<16xi32>
        %lt3A_328 = arith.cmpi slt, %max3A_9, %lt3A_327 : vector<16xi32>
        %add3A_329 = arith.constant 16 : i32
        %add3A_330 = vector.broadcast %add3A_329 : i32 to vector<16xi32>
        %add3A_331 = arith.addi %max3A_9, %add3A_330 : vector<16xi32>
        %select_n3A_332 = arith.select %lt3A_328, %add3A_331, %max3A_9 : vector<16xi1>, vector<16xi32>
        %broadcast_in_dim3A_333 = vector.shape_cast %select_n3A_332 : vector<16xi32> to vector<16x1xi32>
        %gather3A_334 = vector.shape_cast %broadcast_in_dim3A_333 : vector<16x1xi32> to vector<16xi32>
        %gather3A_335 = tpu.dynamic_gather %masked_sort3A_314[%gather3A_334] in [0] : vector<16xf32>, vector<16xi32> -> vector<16xf32>
        %eq3A_336 = arith.cmpi eq, %masked_sort3A_315, %gather3A_325 : vector<16xi32>
        %max3A_337 = arith.maximumf %masked_sort3A_314, %gather3A_335 : vector<16xf32>
        %select_n3A_338 = arith.select %eq3A_336, %max3A_337, %masked_sort3A_314 : vector<16xi1>, vector<16xf32>
        %lt3A_339 = arith.constant 0 : i32
        %lt3A_340 = vector.broadcast %lt3A_339 : i32 to vector<16xi32>
        %lt3A_341 = arith.cmpi slt, %max3A_15, %lt3A_340 : vector<16xi32>
        %add3A_342 = arith.constant 16 : i32
        %add3A_343 = vector.broadcast %add3A_342 : i32 to vector<16xi32>
        %add3A_344 = arith.addi %max3A_15, %add3A_343 : vector<16xi32>
        %select_n3A_345 = arith.select %lt3A_341, %add3A_344, %max3A_15 : vector<16xi1>, vector<16xi32>
        %broadcast_in_dim3A_346 = vector.shape_cast %select_n3A_345 : vector<16xi32> to vector<16x1xi32>
        %gather3A_347 = vector.shape_cast %broadcast_in_dim3A_346 : vector<16x1xi32> to vector<16xi32>
        %gather3A_348 = tpu.dynamic_gather %masked_sort3A_315[%gather3A_347] in [0] : vector<16xi32>, vector<16xi32> -> vector<16xi32>
        %lt3A_349 = arith.constant 0 : i32
        %lt3A_350 = vector.broadcast %lt3A_349 : i32 to vector<16xi32>
        %lt3A_351 = arith.cmpi slt, %max3A_15, %lt3A_350 : vector<16xi32>
        %add3A_352 = arith.constant 16 : i32
        %add3A_353 = vector.broadcast %add3A_352 : i32 to vector<16xi32>
        %add3A_354 = arith.addi %max3A_15, %add3A_353 : vector<16xi32>
        %select_n3A_355 = arith.select %lt3A_351, %add3A_354, %max3A_15 : vector<16xi1>, vector<16xi32>
        %broadcast_in_dim3A_356 = vector.shape_cast %select_n3A_355 : vector<16xi32> to vector<16x1xi32>
        %gather3A_357 = vector.shape_cast %broadcast_in_dim3A_356 : vector<16x1xi32> to vector<16xi32>
        %gather3A_358 = tpu.dynamic_gather %select_n3A_338[%gather3A_357] in [0] : vector<16xf32>, vector<16xi32> -> vector<16xf32>
        %eq3A_359 = arith.cmpi eq, %masked_sort3A_315, %gather3A_348 : vector<16xi32>
        %max3A_360 = arith.maximumf %select_n3A_338, %gather3A_358 : vector<16xf32>
        %select_n3A_361 = arith.select %eq3A_359, %max3A_360, %select_n3A_338 : vector<16xi1>, vector<16xf32>
        %lt3A_362 = arith.constant 0 : i32
        %lt3A_363 = vector.broadcast %lt3A_362 : i32 to vector<16xi32>
        %lt3A_364 = arith.cmpi slt, %max3A_21, %lt3A_363 : vector<16xi32>
        %add3A_365 = arith.constant 16 : i32
        %add3A_366 = vector.broadcast %add3A_365 : i32 to vector<16xi32>
        %add3A_367 = arith.addi %max3A_21, %add3A_366 : vector<16xi32>
        %select_n3A_368 = arith.select %lt3A_364, %add3A_367, %max3A_21 : vector<16xi1>, vector<16xi32>
        %broadcast_in_dim3A_369 = vector.shape_cast %select_n3A_368 : vector<16xi32> to vector<16x1xi32>
        %gather3A_370 = vector.shape_cast %broadcast_in_dim3A_369 : vector<16x1xi32> to vector<16xi32>
        %gather3A_371 = tpu.dynamic_gather %masked_sort3A_315[%gather3A_370] in [0] : vector<16xi32>, vector<16xi32> -> vector<16xi32>
        %lt3A_372 = arith.constant 0 : i32
        %lt3A_373 = vector.broadcast %lt3A_372 : i32 to vector<16xi32>
        %lt3A_374 = arith.cmpi slt, %max3A_21, %lt3A_373 : vector<16xi32>
        %add3A_375 = arith.constant 16 : i32
        %add3A_376 = vector.broadcast %add3A_375 : i32 to vector<16xi32>
        %add3A_377 = arith.addi %max3A_21, %add3A_376 : vector<16xi32>
        %select_n3A_378 = arith.select %lt3A_374, %add3A_377, %max3A_21 : vector<16xi1>, vector<16xi32>
        %broadcast_in_dim3A_379 = vector.shape_cast %select_n3A_378 : vector<16xi32> to vector<16x1xi32>
        %gather3A_380 = vector.shape_cast %broadcast_in_dim3A_379 : vector<16x1xi32> to vector<16xi32>
        %gather3A_381 = tpu.dynamic_gather %select_n3A_361[%gather3A_380] in [0] : vector<16xf32>, vector<16xi32> -> vector<16xf32>
        %eq3A_382 = arith.cmpi eq, %masked_sort3A_315, %gather3A_371 : vector<16xi32>
        %max3A_383 = arith.maximumf %select_n3A_361, %gather3A_381 : vector<16xf32>
        %select_n3A_384 = arith.select %eq3A_382, %max3A_383, %select_n3A_361 : vector<16xi1>, vector<16xf32>
        %lt3A_385 = arith.constant 0 : i32
        %lt3A_386 = vector.broadcast %lt3A_385 : i32 to vector<16xi32>
        %lt3A_387 = arith.cmpi slt, %max3A_27, %lt3A_386 : vector<16xi32>
        %add3A_388 = arith.constant 16 : i32
        %add3A_389 = vector.broadcast %add3A_388 : i32 to vector<16xi32>
        %add3A_390 = arith.addi %max3A_27, %add3A_389 : vector<16xi32>
        %select_n3A_391 = arith.select %lt3A_387, %add3A_390, %max3A_27 : vector<16xi1>, vector<16xi32>
        %broadcast_in_dim3A_392 = vector.shape_cast %select_n3A_391 : vector<16xi32> to vector<16x1xi32>
        %gather3A_393 = vector.shape_cast %broadcast_in_dim3A_392 : vector<16x1xi32> to vector<16xi32>
        %gather3A_394 = tpu.dynamic_gather %masked_sort3A_315[%gather3A_393] in [0] : vector<16xi32>, vector<16xi32> -> vector<16xi32>
        %lt3A_395 = arith.constant 0 : i32
        %lt3A_396 = vector.broadcast %lt3A_395 : i32 to vector<16xi32>
        %lt3A_397 = arith.cmpi slt, %max3A_27, %lt3A_396 : vector<16xi32>
        %add3A_398 = arith.constant 16 : i32
        %add3A_399 = vector.broadcast %add3A_398 : i32 to vector<16xi32>
        %add3A_400 = arith.addi %max3A_27, %add3A_399 : vector<16xi32>
        %select_n3A_401 = arith.select %lt3A_397, %add3A_400, %max3A_27 : vector<16xi1>, vector<16xi32>
        %broadcast_in_dim3A_402 = vector.shape_cast %select_n3A_401 : vector<16xi32> to vector<16x1xi32>
        %gather3A_403 = vector.shape_cast %broadcast_in_dim3A_402 : vector<16x1xi32> to vector<16xi32>
        %gather3A_404 = tpu.dynamic_gather %select_n3A_384[%gather3A_403] in [0] : vector<16xf32>, vector<16xi32> -> vector<16xf32>
        %eq3A_405 = arith.cmpi eq, %masked_sort3A_315, %gather3A_394 : vector<16xi32>
        %max3A_406 = arith.maximumf %select_n3A_384, %gather3A_404 : vector<16xf32>
        %select_n3A_407 = arith.select %eq3A_405, %max3A_406, %select_n3A_384 : vector<16xi1>, vector<16xf32>
        %lt3A_408 = arith.constant 0 : i32
        %lt3A_409 = vector.broadcast %lt3A_408 : i32 to vector<16xi32>
        %lt3A_410 = arith.cmpi slt, %min3A_5, %lt3A_409 : vector<16xi32>
        %add3A_411 = arith.constant 16 : i32
        %add3A_412 = vector.broadcast %add3A_411 : i32 to vector<16xi32>
        %add3A_413 = arith.addi %min3A_5, %add3A_412 : vector<16xi32>
        %select_n3A_414 = arith.select %lt3A_410, %add3A_413, %min3A_5 : vector<16xi1>, vector<16xi32>
        %broadcast_in_dim3A_415 = vector.shape_cast %select_n3A_414 : vector<16xi32> to vector<16x1xi32>
        %gather3A_416 = vector.shape_cast %broadcast_in_dim3A_415 : vector<16x1xi32> to vector<16xi32>
        %gather3A_417 = tpu.dynamic_gather %masked_sort3A_315[%gather3A_416] in [0] : vector<16xi32>, vector<16xi32> -> vector<16xi32>
        %ne3A_418 = arith.cmpi ne, %masked_sort3A_315, %gather3A_417 : vector<16xi32>
        %eq3A_419 = arith.constant 15 : i32
        %eq3A_420 = vector.broadcast %eq3A_419 : i32 to vector<16xi32>
        %eq3A_421 = arith.cmpi eq, %iota3A, %eq3A_420 : vector<16xi32>
        %or3A_422 = arith.ori %ne3A_418, %eq3A_421 : vector<16xi1>
        %gather3A_423 = tpu.vector_load_idx %arg8[%masked_sort3A_315] masked %or3A_422 : memref<100000xf32, #tpu.memory_space<vmem>>[vector<16xi32>], vector<16xf32>, vector<16xi1>
        %max3A_424 = arith.maximumf %gather3A_423, %select_n3A_407 : vector<16xf32>
        tpu.vector_store_idx %arg8[%masked_sort3A_315], %max3A_424 masked %or3A_422 : memref<100000xf32, #tpu.memory_space<vmem>>[vector<16xi32>], vector<16xf32>, vector<16xi1>
        %scan3A_425 = arith.constant 0 : i32
        %scan3A_426 = arith.constant 1 : i32
        %scan3A_427 = arith.addi %scan3A_298, %scan3A_426 : i32
        %mul3A_428 = arith.constant 16 : i32
        %mul3A_429 = arith.muli %scan3A_427, %mul3A_428 : i32
        %get3A_430 = arith.index_cast %mul3A_429 : i32 to index
        %get3A_431 = tpu.vector_load %arg9[%get3A_430] {strides = array<i32>} : memref<2000xi32, #tpu.memory_space<vmem>>, vector<16xi32>,
        %mul3A_432 = arith.constant 16 : i32
        %mul3A_433 = arith.muli %scan3A_427, %mul3A_432 : i32
        %get3A_434 = arith.index_cast %mul3A_433 : i32 to index
        %get3A_435 = tpu.vector_load %arg10[%get3A_434] {strides = array<i32>} : memref<2000xf32, #tpu.memory_space<vmem>>, vector<16xf32>,
        %masked_sort3A_436 = arith.constant dense<true> : vector<16xi1>
        %masked_sort3A_437 = arith.constant -2147483648 : i32
        %masked_sort3A_438 = vector.broadcast %masked_sort3A_437 : i32 to vector<16xi32>
        %masked_sort3A_439 = arith.xori %get3A_431, %masked_sort3A_438 : vector<16xi32>
        %masked_sort3A_440, %masked_sort3A_441, %masked_sort3A_442 = tpu.sort %masked_sort3A_439, %get3A_435 masked %masked_sort3A_436 : (vector<16xi32>, vector<16xf32>, vector<16xi1>) -> (vector<16xi1>, vector<16xi32>, vector<16xf32>)
        %masked_sort3A_443 = arith.xori %masked_sort3A_441, %masked_sort3A_438 : vector<16xi32>
        %lt3A_444 = arith.constant 0 : i32
        %lt3A_445 = vector.broadcast %lt3A_444 : i32 to vector<16xi32>
        %lt3A_446 = arith.cmpi slt, %max3A_9, %lt3A_445 : vector<16xi32>
        %add3A_447 = arith.constant 16 : i32
        %add3A_448 = vector.broadcast %add3A_447 : i32 to vector<16xi32>
        %add3A_449 = arith.addi %max3A_9, %add3A_448 : vector<16xi32>
        %select_n3A_450 = arith.select %lt3A_446, %add3A_449, %max3A_9 : vector<16xi1>, vector<16xi32>
        %broadcast_in_dim3A_451 = vector.shape_cast %select_n3A_450 : vector<16xi32> to vector<16x1xi32>
        %gather3A_452 = vector.shape_cast %broadcast_in_dim3A_451 : vector<16x1xi32> to vector<16xi32>
        %gather3A_453 = tpu.dynamic_gather %masked_sort3A_443[%gather3A_452] in [0] : vector<16xi32>, vector<16xi32> -> vector<16xi32>
        %lt3A_454 = arith.constant 0 : i32
        %lt3A_455 = vector.broadcast %lt3A_454 : i32 to vector<16xi32>
        %lt3A_456 = arith.cmpi slt, %max3A_9, %lt3A_455 : vector<16xi32>
        %add3A_457 = arith.constant 16 : i32
        %add3A_458 = vector.broadcast %add3A_457 : i32 to vector<16xi32>
        %add3A_459 = arith.addi %max3A_9, %add3A_458 : vector<16xi32>
        %select_n3A_460 = arith.select %lt3A_456, %add3A_459, %max3A_9 : vector<16xi1>, vector<16xi32>
        %broadcast_in_dim3A_461 = vector.shape_cast %select_n3A_460 : vector<16xi32> to vector<16x1xi32>
        %gather3A_462 = vector.shape_cast %broadcast_in_dim3A_461 : vector<16x1xi32> to vector<16xi32>
        %gather3A_463 = tpu.dynamic_gather %masked_sort3A_442[%gather3A_462] in [0] : vector<16xf32>, vector<16xi32> -> vector<16xf32>
        %eq3A_464 = arith.cmpi eq, %masked_sort3A_443, %gather3A_453 : vector<16xi32>
        %max3A_465 = arith.maximumf %masked_sort3A_442, %gather3A_463 : vector<16xf32>
        %select_n3A_466 = arith.select %eq3A_464, %max3A_465, %masked_sort3A_442 : vector<16xi1>, vector<16xf32>
        %lt3A_467 = arith.constant 0 : i32
        %lt3A_468 = vector.broadcast %lt3A_467 : i32 to vector<16xi32>
        %lt3A_469 = arith.cmpi slt, %max3A_15, %lt3A_468 : vector<16xi32>
        %add3A_470 = arith.constant 16 : i32
        %add3A_471 = vector.broadcast %add3A_470 : i32 to vector<16xi32>
        %add3A_472 = arith.addi %max3A_15, %add3A_471 : vector<16xi32>
        %select_n3A_473 = arith.select %lt3A_469, %add3A_472, %max3A_15 : vector<16xi1>, vector<16xi32>
        %broadcast_in_dim3A_474 = vector.shape_cast %select_n3A_473 : vector<16xi32> to vector<16x1xi32>
        %gather3A_475 = vector.shape_cast %broadcast_in_dim3A_474 : vector<16x1xi32> to vector<16xi32>
        %gather3A_476 = tpu.dynamic_gather %masked_sort3A_443[%gather3A_475] in [0] : vector<16xi32>, vector<16xi32> -> vector<16xi32>
        %lt3A_477 = arith.constant 0 : i32
        %lt3A_478 = vector.broadcast %lt3A_477 : i32 to vector<16xi32>
        %lt3A_479 = arith.cmpi slt, %max3A_15, %lt3A_478 : vector<16xi32>
        %add3A_480 = arith.constant 16 : i32
        %add3A_481 = vector.broadcast %add3A_480 : i32 to vector<16xi32>
        %add3A_482 = arith.addi %max3A_15, %add3A_481 : vector<16xi32>
        %select_n3A_483 = arith.select %lt3A_479, %add3A_482, %max3A_15 : vector<16xi1>, vector<16xi32>
        %broadcast_in_dim3A_484 = vector.shape_cast %select_n3A_483 : vector<16xi32> to vector<16x1xi32>
        %gather3A_485 = vector.shape_cast %broadcast_in_dim3A_484 : vector<16x1xi32> to vector<16xi32>
        %gather3A_486 = tpu.dynamic_gather %select_n3A_466[%gather3A_485] in [0] : vector<16xf32>, vector<16xi32> -> vector<16xf32>
        %eq3A_487 = arith.cmpi eq, %masked_sort3A_443, %gather3A_476 : vector<16xi32>
        %max3A_488 = arith.maximumf %select_n3A_466, %gather3A_486 : vector<16xf32>
        %select_n3A_489 = arith.select %eq3A_487, %max3A_488, %select_n3A_466 : vector<16xi1>, vector<16xf32>
        %lt3A_490 = arith.constant 0 : i32
        %lt3A_491 = vector.broadcast %lt3A_490 : i32 to vector<16xi32>
        %lt3A_492 = arith.cmpi slt, %max3A_21, %lt3A_491 : vector<16xi32>
        %add3A_493 = arith.constant 16 : i32
        %add3A_494 = vector.broadcast %add3A_493 : i32 to vector<16xi32>
        %add3A_495 = arith.addi %max3A_21, %add3A_494 : vector<16xi32>
        %select_n3A_496 = arith.select %lt3A_492, %add3A_495, %max3A_21 : vector<16xi1>, vector<16xi32>
        %broadcast_in_dim3A_497 = vector.shape_cast %select_n3A_496 : vector<16xi32> to vector<16x1xi32>
        %gather3A_498 = vector.shape_cast %broadcast_in_dim3A_497 : vector<16x1xi32> to vector<16xi32>
        %gather3A_499 = tpu.dynamic_gather %masked_sort3A_443[%gather3A_498] in [0] : vector<16xi32>, vector<16xi32> -> vector<16xi32>
        %lt3A_500 = arith.constant 0 : i32
        %lt3A_501 = vector.broadcast %lt3A_500 : i32 to vector<16xi32>
        %lt3A_502 = arith.cmpi slt, %max3A_21, %lt3A_501 : vector<16xi32>
        %add3A_503 = arith.constant 16 : i32
        %add3A_504 = vector.broadcast %add3A_503 : i32 to vector<16xi32>
        %add3A_505 = arith.addi %max3A_21, %add3A_504 : vector<16xi32>
        %select_n3A_506 = arith.select %lt3A_502, %add3A_505, %max3A_21 : vector<16xi1>, vector<16xi32>
        %broadcast_in_dim3A_507 = vector.shape_cast %select_n3A_506 : vector<16xi32> to vector<16x1xi32>
        %gather3A_508 = vector.shape_cast %broadcast_in_dim3A_507 : vector<16x1xi32> to vector<16xi32>
        %gather3A_509 = tpu.dynamic_gather %select_n3A_489[%gather3A_508] in [0] : vector<16xf32>, vector<16xi32> -> vector<16xf32>
        %eq3A_510 = arith.cmpi eq, %masked_sort3A_443, %gather3A_499 : vector<16xi32>
        %max3A_511 = arith.maximumf %select_n3A_489, %gather3A_509 : vector<16xf32>
        %select_n3A_512 = arith.select %eq3A_510, %max3A_511, %select_n3A_489 : vector<16xi1>, vector<16xf32>
        %lt3A_513 = arith.constant 0 : i32
        %lt3A_514 = vector.broadcast %lt3A_513 : i32 to vector<16xi32>
        %lt3A_515 = arith.cmpi slt, %max3A_27, %lt3A_514 : vector<16xi32>
        %add3A_516 = arith.constant 16 : i32
        %add3A_517 = vector.broadcast %add3A_516 : i32 to vector<16xi32>
        %add3A_518 = arith.addi %max3A_27, %add3A_517 : vector<16xi32>
        %select_n3A_519 = arith.select %lt3A_515, %add3A_518, %max3A_27 : vector<16xi1>, vector<16xi32>
        %broadcast_in_dim3A_520 = vector.shape_cast %select_n3A_519 : vector<16xi32> to vector<16x1xi32>
        %gather3A_521 = vector.shape_cast %broadcast_in_dim3A_520 : vector<16x1xi32> to vector<16xi32>
        %gather3A_522 = tpu.dynamic_gather %masked_sort3A_443[%gather3A_521] in [0] : vector<16xi32>, vector<16xi32> -> vector<16xi32>
        %lt3A_523 = arith.constant 0 : i32
        %lt3A_524 = vector.broadcast %lt3A_523 : i32 to vector<16xi32>
        %lt3A_525 = arith.cmpi slt, %max3A_27, %lt3A_524 : vector<16xi32>
        %add3A_526 = arith.constant 16 : i32
        %add3A_527 = vector.broadcast %add3A_526 : i32 to vector<16xi32>
        %add3A_528 = arith.addi %max3A_27, %add3A_527 : vector<16xi32>
        %select_n3A_529 = arith.select %lt3A_525, %add3A_528, %max3A_27 : vector<16xi1>, vector<16xi32>
        %broadcast_in_dim3A_530 = vector.shape_cast %select_n3A_529 : vector<16xi32> to vector<16x1xi32>
        %gather3A_531 = vector.shape_cast %broadcast_in_dim3A_530 : vector<16x1xi32> to vector<16xi32>
        %gather3A_532 = tpu.dynamic_gather %select_n3A_512[%gather3A_531] in [0] : vector<16xf32>, vector<16xi32> -> vector<16xf32>
        %eq3A_533 = arith.cmpi eq, %masked_sort3A_443, %gather3A_522 : vector<16xi32>
        %max3A_534 = arith.maximumf %select_n3A_512, %gather3A_532 : vector<16xf32>
        %select_n3A_535 = arith.select %eq3A_533, %max3A_534, %select_n3A_512 : vector<16xi1>, vector<16xf32>
        %lt3A_536 = arith.constant 0 : i32
        %lt3A_537 = vector.broadcast %lt3A_536 : i32 to vector<16xi32>
        %lt3A_538 = arith.cmpi slt, %min3A_5, %lt3A_537 : vector<16xi32>
        %add3A_539 = arith.constant 16 : i32
        %add3A_540 = vector.broadcast %add3A_539 : i32 to vector<16xi32>
        %add3A_541 = arith.addi %min3A_5, %add3A_540 : vector<16xi32>
        %select_n3A_542 = arith.select %lt3A_538, %add3A_541, %min3A_5 : vector<16xi1>, vector<16xi32>
        %broadcast_in_dim3A_543 = vector.shape_cast %select_n3A_542 : vector<16xi32> to vector<16x1xi32>
        %gather3A_544 = vector.shape_cast %broadcast_in_dim3A_543 : vector<16x1xi32> to vector<16xi32>
        %gather3A_545 = tpu.dynamic_gather %masked_sort3A_443[%gather3A_544] in [0] : vector<16xi32>, vector<16xi32> -> vector<16xi32>
        %ne3A_546 = arith.cmpi ne, %masked_sort3A_443, %gather3A_545 : vector<16xi32>
        %eq3A_547 = arith.constant 15 : i32
        %eq3A_548 = vector.broadcast %eq3A_547 : i32 to vector<16xi32>
        %eq3A_549 = arith.cmpi eq, %iota3A, %eq3A_548 : vector<16xi32>
        %or3A_550 = arith.ori %ne3A_546, %eq3A_549 : vector<16xi1>
        %gather3A_551 = tpu.vector_load_idx %arg8[%masked_sort3A_443] masked %or3A_550 : memref<100000xf32, #tpu.memory_space<vmem>>[vector<16xi32>], vector<16xf32>, vector<16xi1>
        %max3A_552 = arith.maximumf %gather3A_551, %select_n3A_535 : vector<16xf32>
        tpu.vector_store_idx %arg8[%masked_sort3A_443], %max3A_552 masked %or3A_550 : memref<100000xf32, #tpu.memory_space<vmem>>[vector<16xi32>], vector<16xf32>, vector<16xi1>
        %scan3A_553 = arith.constant 0 : i32
        scf.yield %scan3A_553 : i32
      }
      %scan3A_176 = arith.constant 124 : i32
      %scan3A_177 = arith.addi %scan3A_171, %scan3A_176 : i32
      %mul3A_178 = arith.constant 16 : i32
      %mul3A_179 = arith.muli %scan3A_177, %mul3A_178 : i32
      %get3A = arith.index_cast %mul3A_179 : i32 to index
      %get3A_180 = tpu.vector_load %arg9[%get3A] {strides = array<i32>} : memref<2000xi32, #tpu.memory_space<vmem>>, vector<16xi32>,
      %mul3A_181 = arith.constant 16 : i32
      %mul3A_182 = arith.muli %scan3A_177, %mul3A_181 : i32
      %get3A_183 = arith.index_cast %mul3A_182 : i32 to index
      %get3A_184 = tpu.vector_load %arg10[%get3A_183] {strides = array<i32>} : memref<2000xf32, #tpu.memory_space<vmem>>, vector<16xf32>,
      %masked_sort3A = arith.constant dense<true> : vector<16xi1>
      %masked_sort3A_185 = arith.constant -2147483648 : i32
      %masked_sort3A_186 = vector.broadcast %masked_sort3A_185 : i32 to vector<16xi32>
      %masked_sort3A_187 = arith.xori %get3A_180, %masked_sort3A_186 : vector<16xi32>
      %masked_sort3A_188, %masked_sort3A_189, %masked_sort3A_190 = tpu.sort %masked_sort3A_187, %get3A_184 masked %masked_sort3A : (vector<16xi32>, vector<16xf32>, vector<16xi1>) -> (vector<16xi1>, vector<16xi32>, vector<16xf32>)
      %masked_sort3A_191 = arith.xori %masked_sort3A_189, %masked_sort3A_186 : vector<16xi32>
      %lt3A = arith.constant 0 : i32
      %lt3A_192 = vector.broadcast %lt3A : i32 to vector<16xi32>
      %lt3A_193 = arith.cmpi slt, %max3A_9, %lt3A_192 : vector<16xi32>
      %add3A_194 = arith.constant 16 : i32
      %add3A_195 = vector.broadcast %add3A_194 : i32 to vector<16xi32>
      %add3A_196 = arith.addi %max3A_9, %add3A_195 : vector<16xi32>
      %select_n3A = arith.select %lt3A_193, %add3A_196, %max3A_9 : vector<16xi1>, vector<16xi32>
      %broadcast_in_dim3A_197 = vector.shape_cast %select_n3A : vector<16xi32> to vector<16x1xi32>
      %gather3A = vector.shape_cast %broadcast_in_dim3A_197 : vector<16x1xi32> to vector<16xi32>
      %gather3A_198 = tpu.dynamic_gather %masked_sort3A_191[%gather3A] in [0] : vector<16xi32>, vector<16xi32> -> vector<16xi32>
      %lt3A_199 = arith.constant 0 : i32
      %lt3A_200 = vector.broadcast %lt3A_199 : i32 to vector<16xi32>
      %lt3A_201 = arith.cmpi slt, %max3A_9, %lt3A_200 : vector<16xi32>
      %add3A_202 = arith.constant 16 : i32
      %add3A_203 = vector.broadcast %add3A_202 : i32 to vector<16xi32>
      %add3A_204 = arith.addi %max3A_9, %add3A_203 : vector<16xi32>
      %select_n3A_205 = arith.select %lt3A_201, %add3A_204, %max3A_9 : vector<16xi1>, vector<16xi32>
      %broadcast_in_dim3A_206 = vector.shape_cast %select_n3A_205 : vector<16xi32> to vector<16x1xi32>
      %gather3A_207 = vector.shape_cast %broadcast_in_dim3A_206 : vector<16x1xi32> to vector<16xi32>
      %gather3A_208 = tpu.dynamic_gather %masked_sort3A_190[%gather3A_207] in [0] : vector<16xf32>, vector<16xi32> -> vector<16xf32>
      %eq3A = arith.cmpi eq, %masked_sort3A_191, %gather3A_198 : vector<16xi32>
      %max3A_209 = arith.maximumf %masked_sort3A_190, %gather3A_208 : vector<16xf32>
      %select_n3A_210 = arith.select %eq3A, %max3A_209, %masked_sort3A_190 : vector<16xi1>, vector<16xf32>
      %lt3A_211 = arith.constant 0 : i32
      %lt3A_212 = vector.broadcast %lt3A_211 : i32 to vector<16xi32>
      %lt3A_213 = arith.cmpi slt, %max3A_15, %lt3A_212 : vector<16xi32>
      %add3A_214 = arith.constant 16 : i32
      %add3A_215 = vector.broadcast %add3A_214 : i32 to vector<16xi32>
      %add3A_216 = arith.addi %max3A_15, %add3A_215 : vector<16xi32>
      %select_n3A_217 = arith.select %lt3A_213, %add3A_216, %max3A_15 : vector<16xi1>, vector<16xi32>
      %broadcast_in_dim3A_218 = vector.shape_cast %select_n3A_217 : vector<16xi32> to vector<16x1xi32>
      %gather3A_219 = vector.shape_cast %broadcast_in_dim3A_218 : vector<16x1xi32> to vector<16xi32>
      %gather3A_220 = tpu.dynamic_gather %masked_sort3A_191[%gather3A_219] in [0] : vector<16xi32>, vector<16xi32> -> vector<16xi32>
      %lt3A_221 = arith.constant 0 : i32
      %lt3A_222 = vector.broadcast %lt3A_221 : i32 to vector<16xi32>
      %lt3A_223 = arith.cmpi slt, %max3A_15, %lt3A_222 : vector<16xi32>
      %add3A_224 = arith.constant 16 : i32
      %add3A_225 = vector.broadcast %add3A_224 : i32 to vector<16xi32>
      %add3A_226 = arith.addi %max3A_15, %add3A_225 : vector<16xi32>
      %select_n3A_227 = arith.select %lt3A_223, %add3A_226, %max3A_15 : vector<16xi1>, vector<16xi32>
      %broadcast_in_dim3A_228 = vector.shape_cast %select_n3A_227 : vector<16xi32> to vector<16x1xi32>
      %gather3A_229 = vector.shape_cast %broadcast_in_dim3A_228 : vector<16x1xi32> to vector<16xi32>
      %gather3A_230 = tpu.dynamic_gather %select_n3A_210[%gather3A_229] in [0] : vector<16xf32>, vector<16xi32> -> vector<16xf32>
      %eq3A_231 = arith.cmpi eq, %masked_sort3A_191, %gather3A_220 : vector<16xi32>
      %max3A_232 = arith.maximumf %select_n3A_210, %gather3A_230 : vector<16xf32>
      %select_n3A_233 = arith.select %eq3A_231, %max3A_232, %select_n3A_210 : vector<16xi1>, vector<16xf32>
      %lt3A_234 = arith.constant 0 : i32
      %lt3A_235 = vector.broadcast %lt3A_234 : i32 to vector<16xi32>
      %lt3A_236 = arith.cmpi slt, %max3A_21, %lt3A_235 : vector<16xi32>
      %add3A_237 = arith.constant 16 : i32
      %add3A_238 = vector.broadcast %add3A_237 : i32 to vector<16xi32>
      %add3A_239 = arith.addi %max3A_21, %add3A_238 : vector<16xi32>
      %select_n3A_240 = arith.select %lt3A_236, %add3A_239, %max3A_21 : vector<16xi1>, vector<16xi32>
      %broadcast_in_dim3A_241 = vector.shape_cast %select_n3A_240 : vector<16xi32> to vector<16x1xi32>
      %gather3A_242 = vector.shape_cast %broadcast_in_dim3A_241 : vector<16x1xi32> to vector<16xi32>
      %gather3A_243 = tpu.dynamic_gather %masked_sort3A_191[%gather3A_242] in [0] : vector<16xi32>, vector<16xi32> -> vector<16xi32>
      %lt3A_244 = arith.constant 0 : i32
      %lt3A_245 = vector.broadcast %lt3A_244 : i32 to vector<16xi32>
      %lt3A_246 = arith.cmpi slt, %max3A_21, %lt3A_245 : vector<16xi32>
      %add3A_247 = arith.constant 16 : i32
      %add3A_248 = vector.broadcast %add3A_247 : i32 to vector<16xi32>
      %add3A_249 = arith.addi %max3A_21, %add3A_248 : vector<16xi32>
      %select_n3A_250 = arith.select %lt3A_246, %add3A_249, %max3A_21 : vector<16xi1>, vector<16xi32>
      %broadcast_in_dim3A_251 = vector.shape_cast %select_n3A_250 : vector<16xi32> to vector<16x1xi32>
      %gather3A_252 = vector.shape_cast %broadcast_in_dim3A_251 : vector<16x1xi32> to vector<16xi32>
      %gather3A_253 = tpu.dynamic_gather %select_n3A_233[%gather3A_252] in [0] : vector<16xf32>, vector<16xi32> -> vector<16xf32>
      %eq3A_254 = arith.cmpi eq, %masked_sort3A_191, %gather3A_243 : vector<16xi32>
      %max3A_255 = arith.maximumf %select_n3A_233, %gather3A_253 : vector<16xf32>
      %select_n3A_256 = arith.select %eq3A_254, %max3A_255, %select_n3A_233 : vector<16xi1>, vector<16xf32>
      %lt3A_257 = arith.constant 0 : i32
      %lt3A_258 = vector.broadcast %lt3A_257 : i32 to vector<16xi32>
      %lt3A_259 = arith.cmpi slt, %max3A_27, %lt3A_258 : vector<16xi32>
      %add3A_260 = arith.constant 16 : i32
      %add3A_261 = vector.broadcast %add3A_260 : i32 to vector<16xi32>
      %add3A_262 = arith.addi %max3A_27, %add3A_261 : vector<16xi32>
      %select_n3A_263 = arith.select %lt3A_259, %add3A_262, %max3A_27 : vector<16xi1>, vector<16xi32>
      %broadcast_in_dim3A_264 = vector.shape_cast %select_n3A_263 : vector<16xi32> to vector<16x1xi32>
      %gather3A_265 = vector.shape_cast %broadcast_in_dim3A_264 : vector<16x1xi32> to vector<16xi32>
      %gather3A_266 = tpu.dynamic_gather %masked_sort3A_191[%gather3A_265] in [0] : vector<16xi32>, vector<16xi32> -> vector<16xi32>
      %lt3A_267 = arith.constant 0 : i32
      %lt3A_268 = vector.broadcast %lt3A_267 : i32 to vector<16xi32>
      %lt3A_269 = arith.cmpi slt, %max3A_27, %lt3A_268 : vector<16xi32>
      %add3A_270 = arith.constant 16 : i32
      %add3A_271 = vector.broadcast %add3A_270 : i32 to vector<16xi32>
      %add3A_272 = arith.addi %max3A_27, %add3A_271 : vector<16xi32>
      %select_n3A_273 = arith.select %lt3A_269, %add3A_272, %max3A_27 : vector<16xi1>, vector<16xi32>
      %broadcast_in_dim3A_274 = vector.shape_cast %select_n3A_273 : vector<16xi32> to vector<16x1xi32>
      %gather3A_275 = vector.shape_cast %broadcast_in_dim3A_274 : vector<16x1xi32> to vector<16xi32>
      %gather3A_276 = tpu.dynamic_gather %select_n3A_256[%gather3A_275] in [0] : vector<16xf32>, vector<16xi32> -> vector<16xf32>
      %eq3A_277 = arith.cmpi eq, %masked_sort3A_191, %gather3A_266 : vector<16xi32>
      %max3A_278 = arith.maximumf %select_n3A_256, %gather3A_276 : vector<16xf32>
      %select_n3A_279 = arith.select %eq3A_277, %max3A_278, %select_n3A_256 : vector<16xi1>, vector<16xf32>
      %lt3A_280 = arith.constant 0 : i32
      %lt3A_281 = vector.broadcast %lt3A_280 : i32 to vector<16xi32>
      %lt3A_282 = arith.cmpi slt, %min3A_5, %lt3A_281 : vector<16xi32>
      %add3A_283 = arith.constant 16 : i32
      %add3A_284 = vector.broadcast %add3A_283 : i32 to vector<16xi32>
      %add3A_285 = arith.addi %min3A_5, %add3A_284 : vector<16xi32>
      %select_n3A_286 = arith.select %lt3A_282, %add3A_285, %min3A_5 : vector<16xi1>, vector<16xi32>
      %broadcast_in_dim3A_287 = vector.shape_cast %select_n3A_286 : vector<16xi32> to vector<16x1xi32>
      %gather3A_288 = vector.shape_cast %broadcast_in_dim3A_287 : vector<16x1xi32> to vector<16xi32>
      %gather3A_289 = tpu.dynamic_gather %masked_sort3A_191[%gather3A_288] in [0] : vector<16xi32>, vector<16xi32> -> vector<16xi32>
      %ne3A = arith.cmpi ne, %masked_sort3A_191, %gather3A_289 : vector<16xi32>
      %eq3A_290 = arith.constant 15 : i32
      %eq3A_291 = vector.broadcast %eq3A_290 : i32 to vector<16xi32>
      %eq3A_292 = arith.cmpi eq, %iota3A, %eq3A_291 : vector<16xi32>
      %or3A = arith.ori %ne3A, %eq3A_292 : vector<16xi1>
      %gather3A_293 = tpu.vector_load_idx %arg8[%masked_sort3A_191] masked %or3A : memref<100000xf32, #tpu.memory_space<vmem>>[vector<16xi32>], vector<16xf32>, vector<16xi1>
      %max3A_294 = arith.maximumf %gather3A_293, %select_n3A_279 : vector<16xf32>
      tpu.vector_store_idx %arg8[%masked_sort3A_191], %max3A_294 masked %or3A : memref<100000xf32, #tpu.memory_space<vmem>>[vector<16xi32>], vector<16xf32>, vector<16xi1>
      %scan3A_295 = arith.constant 0 : i32
      %scan3A_296 = arith.constant 125 : i32
      %scan3A_297 = arith.constant 0 : i32
      scf.yield %scan3A_297 : i32
    }
    %scan3A_156 = arith.constant 100 : i32
    %mul3A_157 = arith.constant 4 : i32
    %mul3A_158 = arith.muli %add3A, %mul3A_157 : i32
    %add3A_159 = arith.constant 3 : i32
    %add3A_160 = arith.addi %mul3A_158, %add3A_159 : i32
    %mul3A_161 = arith.constant 100000 : i32
    %mul3A_162 = arith.muli %add3A_160, %mul3A_161 : i32
    "tpu.region"() ({
      %run_scoped3A = tpu.sem_alloc : memref<!tpu.dma_semaphore, #tpu.memory_space<semaphore_mem>>
      %dma_start3A = tpu.memref_slice %arg7[%mul3A_162] : memref<12800000xf32, #tpu.memory_space<hbm>> -> memref<100000xf32, #tpu.memory_space<hbm>>
      %dma_start3A_163 = tpu.memref_slice %arg7[%mul3A_162] : memref<12800000xf32, #tpu.memory_space<hbm>> -> memref<100000xf32, #tpu.memory_space<hbm>>
      tpu.enqueue_dma source(%arg8 : memref<100000xf32, #tpu.memory_space<vmem>>) target(%dma_start3A_163 : memref<100000xf32, #tpu.memory_space<hbm>>) target_semaphore(%run_scoped3A : memref<!tpu.dma_semaphore, #tpu.memory_space<semaphore_mem>>)
      %dma_wait3A = tpu.memref_slice %arg7[%mul3A_162] : memref<12800000xf32, #tpu.memory_space<hbm>> -> memref<100000xf32, #tpu.memory_space<hbm>>
      %dma_wait3A_164 = tpu.memref_slice %arg7[%mul3A_162] : memref<12800000xf32, #tpu.memory_space<hbm>> -> memref<100000xf32, #tpu.memory_space<hbm>>
      tpu.wait_dma2 semaphore(%run_scoped3A : memref<!tpu.dma_semaphore, #tpu.memory_space<semaphore_mem>>) src(%arg8 : memref<100000xf32, #tpu.memory_space<vmem>>) dst(%dma_wait3A_164 : memref<100000xf32, #tpu.memory_space<hbm>>)
      tpu.yield
    }) : () -> ()
    return
  }
}

module attributes {stable_mosaic.version = 14 : i64} {
  func.func @_mlp_body(%arg0: i32, %arg1: memref<4x2048xf32, #tpu.memory_space<vmem>>, %arg2: memref<1x2048xf32, #tpu.memory_space<vmem>>, %arg3: memref<128x2048xf32, #tpu.memory_space<vmem>>, %arg4: memref<2048x128xf32, #tpu.memory_space<vmem>>, %arg5: memref<16x128xf32, #tpu.memory_space<vmem>>, %arg6: memref<128x128xf32, #tpu.memory_space<vmem>>, %arg7: memref<1x128xf32, #tpu.memory_space<vmem>>, %arg8: memref<1x128xf32, #tpu.memory_space<vmem>>, %arg9: memref<1x128xf32, #tpu.memory_space<vmem>>, %arg10: memref<128x128xf32, #tpu.memory_space<vmem>>, %arg11: memref<1x128xf32, #tpu.memory_space<vmem>>, %arg12: memref<1x128xf32, #tpu.memory_space<vmem>>, %arg13: memref<1x128xf32, #tpu.memory_space<vmem>>, %arg14: memref<128x128xf32, #tpu.memory_space<vmem>>, %arg15: memref<1x128xf32, #tpu.memory_space<vmem>>, %arg16: memref<2048x128xf32, #tpu.memory_space<vmem>>) attributes {dimension_semantics = [#tpu.dimension_semantics<arbitrary>], iteration_bounds = array<i64: 49>, scalar_prefetch = 0 : i64, scratch_operands = 0 : i64, tpu.core_type = #tpu.core_type<tc>, window_params = [{transform_indices = @transform_0, window_bounds = array<i64: 4, 2048>}, {transform_indices = @transform_1, window_bounds = array<i64: 1, 2048>}, {transform_indices = @transform_2, window_bounds = array<i64: 128, 2048>}, {transform_indices = @transform_3, window_bounds = array<i64: 2048, 128>}, {pipeline_mode = #tpu.pipeline_mode<synchronous>, transform_indices = @transform_4, window_bounds = array<i64: 16, 128>}, {pipeline_mode = #tpu.pipeline_mode<synchronous>, transform_indices = @transform_5, window_bounds = array<i64: 128, 128>}, {pipeline_mode = #tpu.pipeline_mode<synchronous>, transform_indices = @transform_6, window_bounds = array<i64: 1, 128>}, {pipeline_mode = #tpu.pipeline_mode<synchronous>, transform_indices = @transform_7, window_bounds = array<i64: 1, 128>}, {pipeline_mode = #tpu.pipeline_mode<synchronous>, transform_indices = @transform_8, window_bounds = array<i64: 1, 128>}, {pipeline_mode = #tpu.pipeline_mode<synchronous>, transform_indices = @transform_9, window_bounds = array<i64: 128, 128>}, {pipeline_mode = #tpu.pipeline_mode<synchronous>, transform_indices = @transform_10, window_bounds = array<i64: 1, 128>}, {pipeline_mode = #tpu.pipeline_mode<synchronous>, transform_indices = @transform_11, window_bounds = array<i64: 1, 128>}, {pipeline_mode = #tpu.pipeline_mode<synchronous>, transform_indices = @transform_12, window_bounds = array<i64: 1, 128>}, {pipeline_mode = #tpu.pipeline_mode<synchronous>, transform_indices = @transform_13, window_bounds = array<i64: 128, 128>}, {pipeline_mode = #tpu.pipeline_mode<synchronous>, transform_indices = @transform_14, window_bounds = array<i64: 1, 128>}, {transform_indices = @transform_15, window_bounds = array<i64: 2048, 128>}]} {
    %get3A = arith.constant 0 : index
    %get3A_0 = arith.constant 0 : index
    %get3A_1 = vector.load %arg1[%get3A, %get3A_0] : memref<4x2048xf32, #tpu.memory_space<vmem>>, vector<4x2048xf32>
    %get3A_2 = arith.constant 0 : index
    %get3A_3 = arith.constant 0 : index
    %get3A_4 = vector.load %arg2[%get3A_2, %get3A_3] : memref<1x2048xf32, #tpu.memory_space<vmem>>, vector<1x2048xf32>
    %jit3A = arith.constant 1.000000e+00 : f32
    %max3A = vector.broadcast %jit3A : f32 to vector<1x2048xf32>
    %max3A_5 = arith.maximumf %max3A, %get3A_4 : vector<1x2048xf32>
    %div3A = vector.broadcast %max3A_5 : vector<1x2048xf32> to vector<4x2048xf32>
    %div3A_6 = arith.divf %get3A_1, %div3A : vector<4x2048xf32>
    %get3A_7 = arith.constant 0 : index
    %get3A_8 = arith.constant 0 : index
    %get3A_9 = vector.load %arg3[%get3A_7, %get3A_8] : memref<128x2048xf32, #tpu.memory_space<vmem>>, vector<128x2048xf32>
    %slice3A = vector.extract_strided_slice %get3A_9 {offsets = [0, 0], sizes = [4, 2048], strides = [1, 1]} : vector<128x2048xf32> to vector<4x2048xf32>
    %slice3A_10 = vector.extract_strided_slice %get3A_9 {offsets = [4, 0], sizes = [4, 2048], strides = [1, 1]} : vector<128x2048xf32> to vector<4x2048xf32>
    %max3A_11 = arith.maximumf %slice3A, %slice3A_10 : vector<4x2048xf32>
    %slice3A_12 = vector.extract_strided_slice %get3A_9 {offsets = [8, 0], sizes = [4, 2048], strides = [1, 1]} : vector<128x2048xf32> to vector<4x2048xf32>
    %max3A_13 = arith.maximumf %max3A_11, %slice3A_12 : vector<4x2048xf32>
    %slice3A_14 = vector.extract_strided_slice %get3A_9 {offsets = [12, 0], sizes = [4, 2048], strides = [1, 1]} : vector<128x2048xf32> to vector<4x2048xf32>
    %max3A_15 = arith.maximumf %max3A_13, %slice3A_14 : vector<4x2048xf32>
    %slice3A_16 = vector.extract_strided_slice %get3A_9 {offsets = [16, 0], sizes = [4, 2048], strides = [1, 1]} : vector<128x2048xf32> to vector<4x2048xf32>
    %max3A_17 = arith.maximumf %max3A_15, %slice3A_16 : vector<4x2048xf32>
    %slice3A_18 = vector.extract_strided_slice %get3A_9 {offsets = [20, 0], sizes = [4, 2048], strides = [1, 1]} : vector<128x2048xf32> to vector<4x2048xf32>
    %max3A_19 = arith.maximumf %max3A_17, %slice3A_18 : vector<4x2048xf32>
    %slice3A_20 = vector.extract_strided_slice %get3A_9 {offsets = [24, 0], sizes = [4, 2048], strides = [1, 1]} : vector<128x2048xf32> to vector<4x2048xf32>
    %max3A_21 = arith.maximumf %max3A_19, %slice3A_20 : vector<4x2048xf32>
    %slice3A_22 = vector.extract_strided_slice %get3A_9 {offsets = [28, 0], sizes = [4, 2048], strides = [1, 1]} : vector<128x2048xf32> to vector<4x2048xf32>
    %max3A_23 = arith.maximumf %max3A_21, %slice3A_22 : vector<4x2048xf32>
    %slice3A_24 = vector.extract_strided_slice %get3A_9 {offsets = [32, 0], sizes = [4, 2048], strides = [1, 1]} : vector<128x2048xf32> to vector<4x2048xf32>
    %max3A_25 = arith.maximumf %max3A_23, %slice3A_24 : vector<4x2048xf32>
    %slice3A_26 = vector.extract_strided_slice %get3A_9 {offsets = [36, 0], sizes = [4, 2048], strides = [1, 1]} : vector<128x2048xf32> to vector<4x2048xf32>
    %max3A_27 = arith.maximumf %max3A_25, %slice3A_26 : vector<4x2048xf32>
    %slice3A_28 = vector.extract_strided_slice %get3A_9 {offsets = [40, 0], sizes = [4, 2048], strides = [1, 1]} : vector<128x2048xf32> to vector<4x2048xf32>
    %max3A_29 = arith.maximumf %max3A_27, %slice3A_28 : vector<4x2048xf32>
    %slice3A_30 = vector.extract_strided_slice %get3A_9 {offsets = [44, 0], sizes = [4, 2048], strides = [1, 1]} : vector<128x2048xf32> to vector<4x2048xf32>
    %max3A_31 = arith.maximumf %max3A_29, %slice3A_30 : vector<4x2048xf32>
    %slice3A_32 = vector.extract_strided_slice %get3A_9 {offsets = [48, 0], sizes = [4, 2048], strides = [1, 1]} : vector<128x2048xf32> to vector<4x2048xf32>
    %max3A_33 = arith.maximumf %max3A_31, %slice3A_32 : vector<4x2048xf32>
    %slice3A_34 = vector.extract_strided_slice %get3A_9 {offsets = [52, 0], sizes = [4, 2048], strides = [1, 1]} : vector<128x2048xf32> to vector<4x2048xf32>
    %max3A_35 = arith.maximumf %max3A_33, %slice3A_34 : vector<4x2048xf32>
    %slice3A_36 = vector.extract_strided_slice %get3A_9 {offsets = [56, 0], sizes = [4, 2048], strides = [1, 1]} : vector<128x2048xf32> to vector<4x2048xf32>
    %max3A_37 = arith.maximumf %max3A_35, %slice3A_36 : vector<4x2048xf32>
    %slice3A_38 = vector.extract_strided_slice %get3A_9 {offsets = [60, 0], sizes = [4, 2048], strides = [1, 1]} : vector<128x2048xf32> to vector<4x2048xf32>
    %max3A_39 = arith.maximumf %max3A_37, %slice3A_38 : vector<4x2048xf32>
    %slice3A_40 = vector.extract_strided_slice %get3A_9 {offsets = [64, 0], sizes = [4, 2048], strides = [1, 1]} : vector<128x2048xf32> to vector<4x2048xf32>
    %max3A_41 = arith.maximumf %max3A_39, %slice3A_40 : vector<4x2048xf32>
    %slice3A_42 = vector.extract_strided_slice %get3A_9 {offsets = [68, 0], sizes = [4, 2048], strides = [1, 1]} : vector<128x2048xf32> to vector<4x2048xf32>
    %max3A_43 = arith.maximumf %max3A_41, %slice3A_42 : vector<4x2048xf32>
    %slice3A_44 = vector.extract_strided_slice %get3A_9 {offsets = [72, 0], sizes = [4, 2048], strides = [1, 1]} : vector<128x2048xf32> to vector<4x2048xf32>
    %max3A_45 = arith.maximumf %max3A_43, %slice3A_44 : vector<4x2048xf32>
    %slice3A_46 = vector.extract_strided_slice %get3A_9 {offsets = [76, 0], sizes = [4, 2048], strides = [1, 1]} : vector<128x2048xf32> to vector<4x2048xf32>
    %max3A_47 = arith.maximumf %max3A_45, %slice3A_46 : vector<4x2048xf32>
    %slice3A_48 = vector.extract_strided_slice %get3A_9 {offsets = [80, 0], sizes = [4, 2048], strides = [1, 1]} : vector<128x2048xf32> to vector<4x2048xf32>
    %max3A_49 = arith.maximumf %max3A_47, %slice3A_48 : vector<4x2048xf32>
    %slice3A_50 = vector.extract_strided_slice %get3A_9 {offsets = [84, 0], sizes = [4, 2048], strides = [1, 1]} : vector<128x2048xf32> to vector<4x2048xf32>
    %max3A_51 = arith.maximumf %max3A_49, %slice3A_50 : vector<4x2048xf32>
    %slice3A_52 = vector.extract_strided_slice %get3A_9 {offsets = [88, 0], sizes = [4, 2048], strides = [1, 1]} : vector<128x2048xf32> to vector<4x2048xf32>
    %max3A_53 = arith.maximumf %max3A_51, %slice3A_52 : vector<4x2048xf32>
    %slice3A_54 = vector.extract_strided_slice %get3A_9 {offsets = [92, 0], sizes = [4, 2048], strides = [1, 1]} : vector<128x2048xf32> to vector<4x2048xf32>
    %max3A_55 = arith.maximumf %max3A_53, %slice3A_54 : vector<4x2048xf32>
    %slice3A_56 = vector.extract_strided_slice %get3A_9 {offsets = [96, 0], sizes = [4, 2048], strides = [1, 1]} : vector<128x2048xf32> to vector<4x2048xf32>
    %max3A_57 = arith.maximumf %max3A_55, %slice3A_56 : vector<4x2048xf32>
    %slice3A_58 = vector.extract_strided_slice %get3A_9 {offsets = [100, 0], sizes = [4, 2048], strides = [1, 1]} : vector<128x2048xf32> to vector<4x2048xf32>
    %max3A_59 = arith.maximumf %max3A_57, %slice3A_58 : vector<4x2048xf32>
    %slice3A_60 = vector.extract_strided_slice %get3A_9 {offsets = [104, 0], sizes = [4, 2048], strides = [1, 1]} : vector<128x2048xf32> to vector<4x2048xf32>
    %max3A_61 = arith.maximumf %max3A_59, %slice3A_60 : vector<4x2048xf32>
    %slice3A_62 = vector.extract_strided_slice %get3A_9 {offsets = [108, 0], sizes = [4, 2048], strides = [1, 1]} : vector<128x2048xf32> to vector<4x2048xf32>
    %max3A_63 = arith.maximumf %max3A_61, %slice3A_62 : vector<4x2048xf32>
    %slice3A_64 = vector.extract_strided_slice %get3A_9 {offsets = [112, 0], sizes = [4, 2048], strides = [1, 1]} : vector<128x2048xf32> to vector<4x2048xf32>
    %max3A_65 = arith.maximumf %max3A_63, %slice3A_64 : vector<4x2048xf32>
    %slice3A_66 = vector.extract_strided_slice %get3A_9 {offsets = [116, 0], sizes = [4, 2048], strides = [1, 1]} : vector<128x2048xf32> to vector<4x2048xf32>
    %max3A_67 = arith.maximumf %max3A_65, %slice3A_66 : vector<4x2048xf32>
    %slice3A_68 = vector.extract_strided_slice %get3A_9 {offsets = [120, 0], sizes = [4, 2048], strides = [1, 1]} : vector<128x2048xf32> to vector<4x2048xf32>
    %max3A_69 = arith.maximumf %max3A_67, %slice3A_68 : vector<4x2048xf32>
    %slice3A_70 = vector.extract_strided_slice %get3A_9 {offsets = [124, 0], sizes = [4, 2048], strides = [1, 1]} : vector<128x2048xf32> to vector<4x2048xf32>
    %max3A_71 = arith.maximumf %max3A_69, %slice3A_70 : vector<4x2048xf32>
    %gt3A = arith.constant 0.000000e+00 : f32
    %gt3A_72 = vector.broadcast %gt3A : f32 to vector<1x2048xf32>
    %gt3A_73 = arith.cmpf ogt, %get3A_4, %gt3A_72 : vector<1x2048xf32>
    %jit3A_74 = arith.constant 0.000000e+00 : f32
    %broadcast_in_dim3A = vector.shape_cast %gt3A_73 : vector<1x2048xi1> to vector<1x2048xi1>
    %broadcast_in_dim3A_75 = vector.broadcast %broadcast_in_dim3A : vector<1x2048xi1> to vector<4x2048xi1>
    %broadcast_in_dim3A_76 = vector.broadcast %jit3A_74 : f32 to vector<4x2048xf32>
    %select_n3A = arith.select %broadcast_in_dim3A_75, %max3A_71, %broadcast_in_dim3A_76 : vector<4x2048xi1>, vector<4x2048xf32>
    %broadcast_in_dim3A_77 = arith.constant 0.000000e+00 : f32
    %broadcast_in_dim3A_78 = vector.broadcast %broadcast_in_dim3A_77 : f32 to vector<4x2048xf32>
    %concatenate3A = tpu.concatenate %get3A_1, %select_n3A, %div3A_6, %broadcast_in_dim3A_78 in 0 : vector<4x2048xf32>, vector<4x2048xf32>, vector<4x2048xf32>, vector<4x2048xf32> -> vector<16x2048xf32>
    %get3A_79 = arith.constant 0 : index
    %get3A_80 = arith.constant 0 : index
    %get3A_81 = vector.load %arg4[%get3A_79, %get3A_80] : memref<2048x128xf32, #tpu.memory_space<vmem>>, vector<2048x128xf32>
    %get3A_82 = arith.constant 0 : index
    %get3A_83 = arith.constant 0 : index
    %get3A_84 = vector.load %arg5[%get3A_82, %get3A_83] : memref<16x128xf32, #tpu.memory_space<vmem>>, vector<16x128xf32>
    %dot_general3A = arith.constant dense<0.000000e+00> : vector<2048x128xf32>
    %dot_general3A_85 = tpu.matmul %concatenate3A, %get3A_84, %dot_general3A {dimension_numbers = #tpu.dot_dimension_numbers<[0], [0], [1], [1], [0, 1, 1, 1], [], []>, transpose_lhs_hint = false} : vector<16x2048xf32>, vector<16x128xf32>, vector<2048x128xf32> -> vector<2048x128xf32>
    %get3A_86 = arith.constant 0 : index
    %get3A_87 = arith.constant 0 : index
    %get3A_88 = vector.load %arg6[%get3A_86, %get3A_87] : memref<128x128xf32, #tpu.memory_space<vmem>>, vector<128x128xf32>
    %dot_general3A_89 = arith.constant dense<0.000000e+00> : vector<2048x128xf32>
    %dot_general3A_90 = tpu.matmul %get3A_81, %get3A_88, %dot_general3A_89 {dimension_numbers = #tpu.dot_dimension_numbers<[1], [0], [0], [1], [0, 0, 1, 1], [], []>, transpose_lhs_hint = false} : vector<2048x128xf32>, vector<128x128xf32>, vector<2048x128xf32> -> vector<2048x128xf32>
    %add3A = arith.addf %dot_general3A_85, %dot_general3A_90 : vector<2048x128xf32>
    %get3A_91 = arith.constant 0 : index
    %get3A_92 = arith.constant 0 : index
    %get3A_93 = vector.load %arg7[%get3A_91, %get3A_92] : memref<1x128xf32, #tpu.memory_space<vmem>>, vector<1x128xf32>
    %add3A_94 = vector.broadcast %get3A_93 : vector<1x128xf32> to vector<2048x128xf32>
    %add3A_95 = arith.addf %add3A, %add3A_94 : vector<2048x128xf32>
    %reduce_sum3A = arith.constant dense<0.000000e+00> : vector<2048xf32>
    %reduce_sum3A_96 = vector.multi_reduction <add>, %add3A_95, %reduce_sum3A [1] : vector<2048x128xf32> to vector<2048xf32>
    %broadcast_in_dim3A_97 = vector.shape_cast %reduce_sum3A_96 : vector<2048xf32> to vector<2048x1xf32>
    %div3A_98 = arith.constant 1.280000e+02 : f32
    %div3A_99 = vector.broadcast %div3A_98 : f32 to vector<2048x1xf32>
    %div3A_100 = arith.divf %broadcast_in_dim3A_97, %div3A_99 : vector<2048x1xf32>
    %sub3A = vector.broadcast %div3A_100 : vector<2048x1xf32> to vector<2048x128xf32>
    %sub3A_101 = arith.subf %add3A_95, %sub3A : vector<2048x128xf32>
    %integer_pow3A = arith.mulf %sub3A_101, %sub3A_101 : vector<2048x128xf32>
    %reduce_sum3A_102 = arith.constant dense<0.000000e+00> : vector<2048xf32>
    %reduce_sum3A_103 = vector.multi_reduction <add>, %integer_pow3A, %reduce_sum3A_102 [1] : vector<2048x128xf32> to vector<2048xf32>
    %broadcast_in_dim3A_104 = vector.shape_cast %reduce_sum3A_103 : vector<2048xf32> to vector<2048x1xf32>
    %div3A_105 = arith.constant 1.280000e+02 : f32
    %div3A_106 = vector.broadcast %div3A_105 : f32 to vector<2048x1xf32>
    %div3A_107 = arith.divf %broadcast_in_dim3A_104, %div3A_106 : vector<2048x1xf32>
    %sub3A_108 = vector.broadcast %div3A_100 : vector<2048x1xf32> to vector<2048x128xf32>
    %sub3A_109 = arith.subf %add3A_95, %sub3A_108 : vector<2048x128xf32>
    %add3A_110 = arith.constant 9.99999974E-6 : f32
    %add3A_111 = vector.broadcast %add3A_110 : f32 to vector<2048x1xf32>
    %add3A_112 = arith.addf %div3A_107, %add3A_111 : vector<2048x1xf32>
    %rsqrt3A = math.rsqrt %add3A_112 : vector<2048x1xf32>
    %mul3A = vector.broadcast %rsqrt3A : vector<2048x1xf32> to vector<2048x128xf32>
    %mul3A_113 = arith.mulf %sub3A_109, %mul3A : vector<2048x128xf32>
    %get3A_114 = arith.constant 0 : index
    %get3A_115 = arith.constant 0 : index
    %get3A_116 = vector.load %arg8[%get3A_114, %get3A_115] : memref<1x128xf32, #tpu.memory_space<vmem>>, vector<1x128xf32>
    %mul3A_117 = vector.broadcast %get3A_116 : vector<1x128xf32> to vector<2048x128xf32>
    %mul3A_118 = arith.mulf %mul3A_113, %mul3A_117 : vector<2048x128xf32>
    %get3A_119 = arith.constant 0 : index
    %get3A_120 = arith.constant 0 : index
    %get3A_121 = vector.load %arg9[%get3A_119, %get3A_120] : memref<1x128xf32, #tpu.memory_space<vmem>>, vector<1x128xf32>
    %add3A_122 = vector.broadcast %get3A_121 : vector<1x128xf32> to vector<2048x128xf32>
    %add3A_123 = arith.addf %mul3A_118, %add3A_122 : vector<2048x128xf32>
    %logistic3A = arith.negf %add3A_123 : vector<2048x128xf32>
    %logistic3A_124 = math.exp %logistic3A : vector<2048x128xf32>
    %logistic3A_125 = arith.constant 1.000000e+00 : f32
    %logistic3A_126 = vector.broadcast %logistic3A_125 : f32 to vector<2048x128xf32>
    %logistic3A_127 = arith.addf %logistic3A_126, %logistic3A_124 : vector<2048x128xf32>
    %logistic3A_128 = arith.divf %logistic3A_126, %logistic3A_127 : vector<2048x128xf32>
    %mul3A_129 = arith.mulf %add3A_123, %logistic3A_128 : vector<2048x128xf32>
    %get3A_130 = arith.constant 0 : index
    %get3A_131 = arith.constant 0 : index
    %get3A_132 = vector.load %arg10[%get3A_130, %get3A_131] : memref<128x128xf32, #tpu.memory_space<vmem>>, vector<128x128xf32>
    %dot_general3A_133 = arith.constant dense<0.000000e+00> : vector<2048x128xf32>
    %dot_general3A_134 = tpu.matmul %mul3A_129, %get3A_132, %dot_general3A_133 {dimension_numbers = #tpu.dot_dimension_numbers<[1], [0], [0], [1], [0, 0, 1, 1], [], []>, transpose_lhs_hint = false} : vector<2048x128xf32>, vector<128x128xf32>, vector<2048x128xf32> -> vector<2048x128xf32>
    %get3A_135 = arith.constant 0 : index
    %get3A_136 = arith.constant 0 : index
    %get3A_137 = vector.load %arg11[%get3A_135, %get3A_136] : memref<1x128xf32, #tpu.memory_space<vmem>>, vector<1x128xf32>
    %add3A_138 = vector.broadcast %get3A_137 : vector<1x128xf32> to vector<2048x128xf32>
    %add3A_139 = arith.addf %dot_general3A_134, %add3A_138 : vector<2048x128xf32>
    %reduce_sum3A_140 = arith.constant dense<0.000000e+00> : vector<2048xf32>
    %reduce_sum3A_141 = vector.multi_reduction <add>, %add3A_139, %reduce_sum3A_140 [1] : vector<2048x128xf32> to vector<2048xf32>
    %broadcast_in_dim3A_142 = vector.shape_cast %reduce_sum3A_141 : vector<2048xf32> to vector<2048x1xf32>
    %div3A_143 = arith.constant 1.280000e+02 : f32
    %div3A_144 = vector.broadcast %div3A_143 : f32 to vector<2048x1xf32>
    %div3A_145 = arith.divf %broadcast_in_dim3A_142, %div3A_144 : vector<2048x1xf32>
    %sub3A_146 = vector.broadcast %div3A_145 : vector<2048x1xf32> to vector<2048x128xf32>
    %sub3A_147 = arith.subf %add3A_139, %sub3A_146 : vector<2048x128xf32>
    %integer_pow3A_148 = arith.mulf %sub3A_147, %sub3A_147 : vector<2048x128xf32>
    %reduce_sum3A_149 = arith.constant dense<0.000000e+00> : vector<2048xf32>
    %reduce_sum3A_150 = vector.multi_reduction <add>, %integer_pow3A_148, %reduce_sum3A_149 [1] : vector<2048x128xf32> to vector<2048xf32>
    %broadcast_in_dim3A_151 = vector.shape_cast %reduce_sum3A_150 : vector<2048xf32> to vector<2048x1xf32>
    %div3A_152 = arith.constant 1.280000e+02 : f32
    %div3A_153 = vector.broadcast %div3A_152 : f32 to vector<2048x1xf32>
    %div3A_154 = arith.divf %broadcast_in_dim3A_151, %div3A_153 : vector<2048x1xf32>
    %sub3A_155 = vector.broadcast %div3A_145 : vector<2048x1xf32> to vector<2048x128xf32>
    %sub3A_156 = arith.subf %add3A_139, %sub3A_155 : vector<2048x128xf32>
    %add3A_157 = arith.constant 9.99999974E-6 : f32
    %add3A_158 = vector.broadcast %add3A_157 : f32 to vector<2048x1xf32>
    %add3A_159 = arith.addf %div3A_154, %add3A_158 : vector<2048x1xf32>
    %rsqrt3A_160 = math.rsqrt %add3A_159 : vector<2048x1xf32>
    %mul3A_161 = vector.broadcast %rsqrt3A_160 : vector<2048x1xf32> to vector<2048x128xf32>
    %mul3A_162 = arith.mulf %sub3A_156, %mul3A_161 : vector<2048x128xf32>
    %get3A_163 = arith.constant 0 : index
    %get3A_164 = arith.constant 0 : index
    %get3A_165 = vector.load %arg12[%get3A_163, %get3A_164] : memref<1x128xf32, #tpu.memory_space<vmem>>, vector<1x128xf32>
    %mul3A_166 = vector.broadcast %get3A_165 : vector<1x128xf32> to vector<2048x128xf32>
    %mul3A_167 = arith.mulf %mul3A_162, %mul3A_166 : vector<2048x128xf32>
    %get3A_168 = arith.constant 0 : index
    %get3A_169 = arith.constant 0 : index
    %get3A_170 = vector.load %arg13[%get3A_168, %get3A_169] : memref<1x128xf32, #tpu.memory_space<vmem>>, vector<1x128xf32>
    %add3A_171 = vector.broadcast %get3A_170 : vector<1x128xf32> to vector<2048x128xf32>
    %add3A_172 = arith.addf %mul3A_167, %add3A_171 : vector<2048x128xf32>
    %logistic3A_173 = arith.negf %add3A_172 : vector<2048x128xf32>
    %logistic3A_174 = math.exp %logistic3A_173 : vector<2048x128xf32>
    %logistic3A_175 = arith.constant 1.000000e+00 : f32
    %logistic3A_176 = vector.broadcast %logistic3A_175 : f32 to vector<2048x128xf32>
    %logistic3A_177 = arith.addf %logistic3A_176, %logistic3A_174 : vector<2048x128xf32>
    %logistic3A_178 = arith.divf %logistic3A_176, %logistic3A_177 : vector<2048x128xf32>
    %mul3A_179 = arith.mulf %add3A_172, %logistic3A_178 : vector<2048x128xf32>
    %get3A_180 = arith.constant 0 : index
    %get3A_181 = arith.constant 0 : index
    %get3A_182 = vector.load %arg14[%get3A_180, %get3A_181] : memref<128x128xf32, #tpu.memory_space<vmem>>, vector<128x128xf32>
    %dot_general3A_183 = arith.constant dense<0.000000e+00> : vector<2048x128xf32>
    %dot_general3A_184 = tpu.matmul %mul3A_179, %get3A_182, %dot_general3A_183 {dimension_numbers = #tpu.dot_dimension_numbers<[1], [0], [0], [1], [0, 0, 1, 1], [], []>, transpose_lhs_hint = false} : vector<2048x128xf32>, vector<128x128xf32>, vector<2048x128xf32> -> vector<2048x128xf32>
    %get3A_185 = arith.constant 0 : index
    %get3A_186 = arith.constant 0 : index
    %get3A_187 = vector.load %arg15[%get3A_185, %get3A_186] : memref<1x128xf32, #tpu.memory_space<vmem>>, vector<1x128xf32>
    %add3A_188 = vector.broadcast %get3A_187 : vector<1x128xf32> to vector<2048x128xf32>
    %add3A_189 = arith.addf %dot_general3A_184, %add3A_188 : vector<2048x128xf32>
    %swap3A = arith.constant 0 : index
    %swap3A_190 = arith.constant 0 : index
    %swap3A_191 = vector.load %arg16[%swap3A, %swap3A_190] : memref<2048x128xf32, #tpu.memory_space<vmem>>, vector<2048x128xf32>
    tpu.vector_store %arg16[%swap3A, %swap3A_190], %add3A_189 {strides = array<i32>} : memref<2048x128xf32, #tpu.memory_space<vmem>>, vector<2048x128xf32>,
    return
  }
  func.func @transform_0(%arg0: i32) -> (i32, i32) {
    %c0_i32 = arith.constant 0 : i32
    %c0_i32_0 = arith.constant 0 : i32
    return %c0_i32, %arg0 : i32, i32
  }
  func.func @transform_1(%arg0: i32) -> (i32, i32) {
    %c0_i32 = arith.constant 0 : i32
    %c0_i32_0 = arith.constant 0 : i32
    return %c0_i32, %arg0 : i32, i32
  }
  func.func @transform_2(%arg0: i32) -> (i32, i32) {
    %c0_i32 = arith.constant 0 : i32
    %c0_i32_0 = arith.constant 0 : i32
    return %c0_i32, %arg0 : i32, i32
  }
  func.func @transform_3(%arg0: i32) -> (i32, i32) {
    %c0_i32 = arith.constant 0 : i32
    %c0_i32_0 = arith.constant 0 : i32
    return %arg0, %c0_i32 : i32, i32
  }
  func.func @transform_4(%arg0: i32) -> (i32, i32) {
    %c0_i32 = arith.constant 0 : i32
    %c0_i32_0 = arith.constant 0 : i32
    %c0_i32_1 = arith.constant 0 : i32
    return %c0_i32, %c0_i32_0 : i32, i32
  }
  func.func @transform_5(%arg0: i32) -> (i32, i32) {
    %c0_i32 = arith.constant 0 : i32
    %c0_i32_0 = arith.constant 0 : i32
    %c0_i32_1 = arith.constant 0 : i32
    return %c0_i32, %c0_i32_0 : i32, i32
  }
  func.func @transform_6(%arg0: i32) -> (i32, i32) {
    %c0_i32 = arith.constant 0 : i32
    %c0_i32_0 = arith.constant 0 : i32
    %c0_i32_1 = arith.constant 0 : i32
    return %c0_i32, %c0_i32_0 : i32, i32
  }
  func.func @transform_7(%arg0: i32) -> (i32, i32) {
    %c0_i32 = arith.constant 0 : i32
    %c0_i32_0 = arith.constant 0 : i32
    %c0_i32_1 = arith.constant 0 : i32
    return %c0_i32, %c0_i32_0 : i32, i32
  }
  func.func @transform_8(%arg0: i32) -> (i32, i32) {
    %c0_i32 = arith.constant 0 : i32
    %c0_i32_0 = arith.constant 0 : i32
    %c0_i32_1 = arith.constant 0 : i32
    return %c0_i32, %c0_i32_0 : i32, i32
  }
  func.func @transform_9(%arg0: i32) -> (i32, i32) {
    %c0_i32 = arith.constant 0 : i32
    %c0_i32_0 = arith.constant 0 : i32
    %c0_i32_1 = arith.constant 0 : i32
    return %c0_i32, %c0_i32_0 : i32, i32
  }
  func.func @transform_10(%arg0: i32) -> (i32, i32) {
    %c0_i32 = arith.constant 0 : i32
    %c0_i32_0 = arith.constant 0 : i32
    %c0_i32_1 = arith.constant 0 : i32
    return %c0_i32, %c0_i32_0 : i32, i32
  }
  func.func @transform_11(%arg0: i32) -> (i32, i32) {
    %c0_i32 = arith.constant 0 : i32
    %c0_i32_0 = arith.constant 0 : i32
    %c0_i32_1 = arith.constant 0 : i32
    return %c0_i32, %c0_i32_0 : i32, i32
  }
  func.func @transform_12(%arg0: i32) -> (i32, i32) {
    %c0_i32 = arith.constant 0 : i32
    %c0_i32_0 = arith.constant 0 : i32
    %c0_i32_1 = arith.constant 0 : i32
    return %c0_i32, %c0_i32_0 : i32, i32
  }
  func.func @transform_13(%arg0: i32) -> (i32, i32) {
    %c0_i32 = arith.constant 0 : i32
    %c0_i32_0 = arith.constant 0 : i32
    %c0_i32_1 = arith.constant 0 : i32
    return %c0_i32, %c0_i32_0 : i32, i32
  }
  func.func @transform_14(%arg0: i32) -> (i32, i32) {
    %c0_i32 = arith.constant 0 : i32
    %c0_i32_0 = arith.constant 0 : i32
    %c0_i32_1 = arith.constant 0 : i32
    return %c0_i32, %c0_i32_0 : i32, i32
  }
  func.func @transform_15(%arg0: i32) -> (i32, i32) {
    %c0_i32 = arith.constant 0 : i32
    %c0_i32_0 = arith.constant 0 : i32
    return %arg0, %c0_i32 : i32, i32
  }
}

</mosaic_0001>

<sc_bundles>
// kernel: kernel.5.cloned.1.call-start
scs
__scs_entry_jumppad:
0x0: {  	(pc) =	sbr.rel $0x88, $3  }
0x1: {  	(tag) =	ssettag $0x0;
	lr =	simm.s32 $0x1  }
0x2: {  	[smem:$0x3F94] =	sst lr;
	_ =	strace $0xD0000000  }
0x3: {  	_ = 	snop  }
0x4: {  	_ = 	snop  }
0x5: {  	_ = 	snop  }
0x6: {  	_ = 	snop  }
0x7: {  	_ = 	snop  }
__scs_overlays_trampoline_lowered:
0x8: {  	[smem:$0x3FA3] =	sst s0  }
0x9: {  	[smem:$0x3FA4] =	sst s1  }
0xa: {  	[smem:$0x3FA5] =	sst s2  }
0xb: {  	[smem:$0x3FA6] =	sst s3  }
0xc: {  	[smem:$0x3FA7] =	sst s4  }
0xd: {  	[smem:$0x3FA8] =	sst s5  }
0xe: {  	[smem:$0x3FA9] =	sst s6  }
0xf: {  	[smem:$0x3FAA] =	sst s7  }
0x10: {  	[smem:$0x3FAB] =	sst s8  }
0x11: {  	[smem:$0x3FAC] =	sst s9;
	s0 =	simm.s32 @!p0 $0x0  }
0x12: {  	s1 =	sld [smem:$0x3F92];
	s0 =	simm.s32 @p0 $0x1  }
0x13: {  	[smem:$0x3FAD] =	sst s0;
	s0 =	simm.s32 @!p1 $0x0  }
0x14: {  	s2 =	sld [smem:$0x3F91];
	s0 =	simm.s32 @p1 $0x1  }
0x15: {  	[smem:$0x3FAE] =	sst s0;
	s0 =	simm.s32 @!p2 $0x0  }
0x16: {  	s3 =	sld [smem:$0x3FDB];
	s0 =	simm.s32 @p2 $0x1  }
0x17: {  	s4 =	simm.s32 $0x1BF5;
	[smem:$0x3FB0] =	sst s0  }
0x18: {  	s0 =	sld [smem:$0x3F93];
	_ =	swait.ge [sflag:s4], $0x0  }
0x19: {  	s7 =	sld [smem:$0x3F94]  }
0x1a: {  	s8 =	sadd.s32 $0xFFFFE003, lr  }
0x1b: {  	s9 =	sadd.s32 $0xFFFFFEF7, lr;
	s5 =	simm.s32 $0xFFFFFFFF;
	p2 =	slt.u32 s8, $0xFFFFF086  }
0x1c: {  	p1 =	slt.u32 s9, $0xF7A;
	s5 =	simm.s32 @!p2 $0x0  }
0x1d: {  	s5 =	simm.s32 @p1 $0x1;
	p0 =	seq.s32 s7, s2  }
0x1e: {  	s7 =	smul.u32 @!p0 $0xF7A, s2;
	p2 =	seq.s32 @!p0 s5, $0x0  }
0x1f: {  	s9 =	smul.u32 $0xF7A, s1;
	s8 =	simm.s32 @!p0 $0x1BF5;
	p2 =	por !p2, p0  }
0x20: {  	[sflag:s8] =	ssyncset.s32 @!p0 $0xFFFFF086;
	s6 =	sadd.s32 @!p0 s3, s7;
	s7 =	simm.s32 @!p0 $0x108  }
0x21: {  	s3 =	sadd.s32 s3, s9;
	s6 =	sadd.s32 @!p0 $0x88, s6;
	s7 =	simm.s32 @p2 $0x1082  }
0x22: {  	[simem:s7], [sflag:s8] =	dma.local @!p0 [hbm:s6], $0xF7A  }
0x23: {  	s9 =	sor.u32 $0xD0000000, s2;
	s6 =	simm.s32 $0x108;
	_ =	swait.ge @!p0 [sflag:s8], $0x0  }
0x24: {  	s3 =	sadd.s32 $0x88, s3;
	s6 =	simm.s32 @!p1 $0x1082;
	[sflag:s4] =	ssyncset.s32 $0xFFFFF086  }
0x25: {  	[simem:s6], [sflag:s4] =	dma.local [hbm:s3], $0xF7A  }
0x26: {  	[smem:$0x3F94] =	sst s1;
	(tag) =	ssettag s2;
	_ =	strace s9  }
0x27: {  	s1 =	sld [smem:$0x3FA4]  }
0x28: {  	s2 =	sld [smem:$0x3FA5]  }
0x29: {  	s4 =	sld [smem:$0x3FA7]  }
0x2a: {  	p0 =	seq.s32 s5, $0x0;
	s5 =	sld [smem:$0x3FA8]  }
0x2b: {  	s6 =	sld [smem:$0x3FA9]  }
0x2c: {  	s7 =	sld [smem:$0x3FAA]  }
0x2d: {  	s3 =	simm.s32 $0x108;
	s8 =	sld [smem:$0x3FAB]  }
0x2e: {  	s3 =	simm.s32 @!p0 $0x1082;
	s9 =	sld [smem:$0x3FAC]  }
0x2f: {  	lr =	sadd.s32 s0, s3;
	s0 =	sld [smem:$0x3FA3]  }
0x30: {  	s3 =	sld [smem:$0x3FA6]  }
0x31: {  	[smem:$0x3FAF] =	sst s10  }
0x32: {  	s10 =	sld [smem:$0x3FAD];
	_ =	sdelay $0x3  }
0x33: {  	p0 =	seq.s32 s10, $0x1;
	s10 =	sld [smem:$0x3FAF];
	_ =	sdelay $0x3  }
0x34: {  	[smem:$0x3FAF] =	sst s10  }
0x35: {  	s10 =	sld [smem:$0x3FAE];
	_ =	sdelay $0x3  }
0x36: {  	p1 =	seq.s32 s10, $0x1;
	s10 =	sld [smem:$0x3FAF];
	_ =	sdelay $0x3  }
0x37: {  	[smem:$0x3FAF] =	sst s10  }
0x38: {  	s10 =	sld [smem:$0x3FB0]  }
0x39: {  	_ = 	snop;
	(pc) =	sbr.ind lr, $3  }
0x3a: {  	_ = 	snop  }
0x3b: {  	_ = 	snop  }
0x3c: {  	p2 =	seq.s32 s10, $0x1;
	s10 =	sld [smem:$0x3FAF]  }
0x3d: {  	_ =	shalt  }
0x3e: {  	_ =	shalt  }
0x3f: {  	_ =	shalt  }
0x40: {  	_ =	shalt  }
0x41: {  	_ =	shalt  }
0x42: {  	_ =	shalt  }
0x43: {  	_ =	shalt  }
0x44: {  	_ =	shalt  }
0x45: {  	_ =	shalt  }
0x46: {  	_ =	shalt  }
0x47: {  	_ =	shalt  }
0x48: {  	_ =	shalt  }
0x49: {  	_ =	shalt  }
0x4a: {  	_ =	shalt  }
0x4b: {  	_ =	shalt  }
0x4c: {  	_ =	shalt  }
0x4d: {  	_ =	shalt  }
0x4e: {  	_ =	shalt  }
0x4f: {  	_ =	shalt  }
0x50: {  	_ =	shalt  }
0x51: {  	_ =	shalt  }
0x52: {  	_ =	shalt  }
0x53: {  	_ =	shalt  }
0x54: {  	_ =	shalt  }
0x55: {  	_ =	shalt  }
0x56: {  	_ =	shalt  }
0x57: {  	_ =	shalt  }
0x58: {  	_ =	shalt  }
0x59: {  	_ =	shalt  }
0x5a: {  	_ =	shalt  }
0x5b: {  	_ =	shalt  }
0x5c: {  	_ =	shalt  }
0x5d: {  	_ =	shalt  }
0x5e: {  	_ =	shalt  }
0x5f: {  	_ =	shalt  }
0x60: {  	_ =	shalt  }
0x61: {  	_ =	shalt  }
0x62: {  	_ =	shalt  }
0x63: {  	_ =	shalt  }
0x64: {  	_ =	shalt  }
0x65: {  	_ =	shalt  }
0x66: {  	_ =	shalt  }
0x67: {  	_ =	shalt  }
0x68: {  	_ =	shalt  }
0x69: {  	_ =	shalt  }
0x6a: {  	_ =	shalt  }
0x6b: {  	_ =	shalt  }
0x6c: {  	_ =	shalt  }
0x6d: {  	_ =	shalt  }
0x6e: {  	_ =	shalt  }
0x6f: {  	_ =	shalt  }
0x70: {  	_ =	shalt  }
0x71: {  	_ =	shalt  }
0x72: {  	_ =	shalt  }
0x73: {  	_ =	shalt  }
0x74: {  	_ =	shalt  }
0x75: {  	_ =	shalt  }
0x76: {  	_ =	shalt  }
0x77: {  	_ =	shalt  }
0x78: {  	_ =	shalt  }
0x79: {  	_ =	shalt  }
0x7a: {  	_ =	shalt  }
0x7b: {  	_ =	shalt  }
0x7c: {  	_ =	shalt  }
0x7d: {  	_ =	shalt  }
0x7e: {  	_ =	shalt  }
0x7f: {  	_ =	shalt  }
0x80: {  	_ =	shalt  }
0x81: {  	_ =	shalt  }
0x82: {  	_ =	shalt  }
0x83: {  	_ =	shalt  }
0x84: {  	_ =	shalt  }
0x85: {  	_ =	shalt  }
0x86: {  	_ =	shalt  }
0x87: {  	_ =	shalt  }
.Lfunc_end0:
.L_simem_size_0:
called_computation_lowered:
.L_overlay_start_0:
0x88: {  	s2 =	sld [smem:$0x3FD9]  }
0x89: {  	s3 =	sld [smem:$0x3FFE];
	_ =	sdelay $0x1  }
0x8a: {  	s1 =	srdreg.scid  }
0x8b: {  	s0 =	sand.u32 $0x1, s1  }
0x8c: {  	s17 =	sshll.u32 s0, $0xA;
	s2 =	sadd.s32 s3, s2  }
0x8d: {  	s2 =	sadd.s32 s2, s17  }
0x8e: {  	[smem:$0x3FBB] =	sst s2  }
0x8f: {  	_ = 	snop  }
0x90: {  	s2 =	sld [smem:$0x3FD0];
	(tm) =	ssettm $0x1  }
0x91: {  	s18 =	sld [smem:$0x3FFB];
	_ =	sdelay $0x3  }
0x92: {  	_ =	strace s18  }
0x93: {  	s3 =	sld [smem:$0x3FFC];
	_ =	sdelay $0x3  }
0x94: {  	_ =	strace s3  }
0x95: {  	s3 =	sld [smem:$0x3FFD];
	_ =	sdelay $0x3  }
0x96: {  	_ =	strace s3  }
0x97: {  	_ =	strace $0x8FFFFFFF  }
0x98: {  	s19 =	sld [smem:$0x3FDB];
	_ =	sdelay $0x1  }
0x99: {  	s4 =	simm.s32 $_scs_section_size  }
0x9a: {  	s5 =	simm.s32 $_size__tile_overlayer_lowered;
	s6 =	simm.s32 $_tile_overlayer_lowered  }
0x9b: {  	s22 =	simm.s32 $0x1BFF;
	s21 =	sshll.u32 s6, $0x1;
	s3 =	sadd.s32 s4, s19  }
0x9c: {  	s7 =	simm.s32 $0x0;
	s20 =	sshll.u32 s5, $0x1;
	s5 =	sadd.s32 s21, s3  }
0x9d: {  	[timem:s7], [sflag:s22] =	dma.local [hbm:s5], s20  }
0x9e: {  	_ =	swait.ge [sflag:s22], s20  }
0x9f: {  	s4 =	ssub.s32 $0x0, s20;
	[sflag:s22] =	ssyncset.done $0x0  }
0xa0: {  	[sflag:s22] =	ssyncadd.s32 s4;
	_ =	sdelay $0x1  }
0xa1: {  	s23 =	simm.s32 $0x1B8B  }
0xa2: {  	_ =	swait.ge [sflag:s23], $0x1  }
0xa3: {  	[sflag:s23] =	ssyncset.done $0x0  }
0xa4: {  	s25 =	simm.s32 $0x1B8E;
	s24 =	sld [smem:$0x3FFE];
	[sflag:s23] =	ssyncadd.s32 $0xFFFFFFFF  }
0xa5: {  	s26 =	simm.s32 $execute0_lowered;
	[smem:$0x3FD2] =	sst s25  }
0xa6: {  	s5 =	sshll.u32 s26, $0x1;
	_ =	strace $0x80000046;
	[dreg:$0x1] =	wrdreg $0xFFFFFFFF  }
0xa7: {  	s28 =	simm.s32 $_size_execute0_lowered;
	s3 =	sadd.s32 s3, s5;
	[dreg:$0x0] =	wrdreg $0x0  }
0xa8: {  	s5 =	sshll.u32 s28, $0x1;
	[dreg:$0x2] =	wrdreg s3  }
0xa9: {  	[dreg:$0x3] =	wrdreg s5  }
0xaa: {  	[dreg:$0x4] =	wrdreg $0xC0  }
0xab: {  	_ =	task [dreg:s7], $0x5FFFF  }
0xac: {  	[dreg:$0x1] =	wrdreg $0xFFFFFFFF  }
0xad: {  	[dreg:$0x0] =	wrdreg $0x60  }
0xae: {  	[dreg:$0x2] =	wrdreg s24  }
0xaf: {  	[dreg:$0x3] =	wrdreg s2  }
0xb0: {  	[dreg:$0x4] =	wrdreg $0x0  }
0xb1: {  	[dreg:$0x5] =	wrdreg $0x61A80  }
0xb2: {  	[dreg:$0x6] =	wrdreg $0x9  }
0xb3: {  	_ =	task.clear_ibuf [dreg:s7], $0x7FFFF;
	_ =	strace $0x90000046  }
0xb4: {  	s29 =	simm.s32 $0x9;
	_ =	strace $0x80000048  }
0xb5: {  	_ =	swait.ge [sflag:s29], $0x1  }
0xb6: {  	[sflag:s29] =	ssyncadd.s32 $0xFFFFFFFF  }
0xb7: {  	_ =	strace $0x90000048  }
0xb8: {  	_ =	sfence  }
0xb9: {  	s30 =	sld [smem:$0x0];
	_ =	sdelay $0x2  }
0xba: {  	s31 =	sshll.u32 s1, $0xD;
	s1 =	sshrl.u32 s1, $0x2  }
0xbb: {  	s3 =	sand.u32 $0x4000, s31;
	s1 =	sadd.s32 s1, s30  }
0xbc: {  	s0 =	sor.u32 s3, s0;
	s1 =	sshll.u32 s1, $0x11  }
0xbd: {  	s0 =	sor.u32 s1, s0  }
0xbe: {  	s0 =	sadd.s32 $0x8F2B, s0  }
0xbf: {  	[sflag:s0] =	ssyncadd.remote.s32 $0x1  }
0xc0: {  	_ =	sfence.sel $0xFFFF  }
0xc1: {  	[dreg:$0x0] =	wrdreg $0xFFFFFFFF;
	(pc) =	sbr.abs _section_cstart, $3  }
0xc2: {  	[dreg:$0x1] =	wrdreg $0xFFFFFFFF  }
0xc3: {  	_ =	task.clear_ibuf [dreg:s7], $0x2FFFF;
	_ =	strace $0x9FFFFFFF  }
0xc4: {  	(tm) =	ssettm $0x7FFFFFFF  }
0xc5: {  	_ =	shalt  }
tec
execute0_lowered:
.L_overlay_start_1:
0x0: {  	(tag) =	ssettag $0x1  }
0x1: {  	s0 =	rddreg [dreg:$0x0]  }
0x2: {  	s10 =	rddreg [dreg:$0x1];
	s1 =	srdreg.scid  }
0x3: {  	s2 =	rddreg [dreg:$0x2];
	s17 =	stileid.u32  }
0x4: {  	s3 =	rddreg [dreg:$0x3];
	s4 =	simm.s32 $0x0;
	s25 =	simm.s32 $0x8618  }
0x5: {  	s26 =	simm.s32 $0x8A18;
	s28 =	simm.s32 $0x7F98;
	s6 =	smul.u32 $0xC35, s17  }
0x6: {  	s29 =	simm.s32 $0x8018;
	s30 =	simm.s32 $0x8098;
	s7 =	smul.u32 $0x30E, s17  }
0x7: {  	s31 =	simm.s32 $0x8118;
	s8 =	sand.u32 $0x1, s1;
	s5 =	smul.u32 $0x1870, s17  }
0x8: {  	[smem:$0x7FF] =	sst s4;
	s14 =	sadd.s32 $0x6E3E00, s0;
	s1 =	smul.u32 $0xC350, s8  }
0x9: {  	p2 =	seq.s32 s17, $0xF;
	s9 =	smul.u32 $0x30E0, s8;
	_ =	strace $0x80000047  }
0xa: {  	s15 =	ssub.s32 $0x2, s8;
	s11 =	smul.u32 $0x186A0, s8;
	[dreg:$0x5] =	wrdreg s25  }
0xb: {  	[dreg:$0x6] =	wrdreg s26;
	s26 =	simm.s32 $0xAA18;
	s8 =	sshll.u32 s8, $0x4  }
0xc: {  	s16 =	sshrl.u32 s15, $0x1;
	[dreg:$0xe] =	wrdreg s26;
	s8 =	sor.u32 s17, s8  }
0xd: {  	s26 =	sadd.s32 s5, s3;
	s1 =	sadd.s32 s6, s1;
	s13 =	sadd.s32 s7, s9  }
0xe: {  	s18 =	sadd.s32 s5, s11;
	s6 =	sadd.s32 $0x800, s5;
	[smem:$0x7EF] =	sst s26  }
0xf: {  	s26 =	sadd.s32 $0x18690, s3;
	s12 =	sshrl.u32 s1, $0x5;
	s1 =	ssub.s32 s15, s16  }
0x10: {  	s19 =	sadd.s32 s10, s18;
	s20 =	sshrl.u32 s18, $0x3;
	[smem:$0x7FD] =	sst s26  }
0x11: {  	s21 =	sadd.s32 s11, s6;
	[dreg:$0x13] =	wrdreg s19;
	s7 =	sadd.s32 s14, s20  }
0x12: {  	s13 =	sshrl.u32 s13, $0x1;
	s15 =	sadd.s32 s10, s21;
	[dreg:$0x14] =	wrdreg s7  }
0x13: {  	s26 =	simm.s32 $0x7F18;
	s19 =	simm.s32 $0x9218;
	[dreg:$0x15] =	wrdreg s15  }
0x14: {  	s9 =	sshrl.u32 s21, $0x3;
	s20 =	simm.s32 $0x9618;
	[dreg:$0x8] =	wrdreg s19  }
0x15: {  	s21 =	simm.s32 $0x9A18;
	s25 =	sshll.u32 s12, $0x8;
	[dreg:$0x9] =	wrdreg s20  }
0x16: {  	s12 =	sshll.u32 s12, $0xB;
	s9 =	sadd.s32 s14, s9;
	[dreg:$0xa] =	wrdreg s21  }
0x17: {  	s13 =	sand.u32 $0x3FF0, s13;
	s15 =	simm.s32 $0xB218;
	[dreg:$0x16] =	wrdreg s9  }
0x18: {  	s7 =	sadd.s32 $0x1000, s5;
	s20 =	sadd.s32 $0x6E3800, s0;
	[dreg:$0x10] =	wrdreg s15  }
0x19: {  	s19 =	smul.u32 $0x30E, s8;
	s21 =	sadd.s32 $0x6E3A00, s0;
	[dreg:$0x1d] =	wrdreg s20  }
0x1a: {  	s12 =	sadd.s32 s12, s0;
	[dreg:$0x1e] =	wrdreg s21;
	s15 =	sadd.s32 s7, s3  }
0x1b: {  	s22 =	sadd.s32 s11, s7;
	s20 =	smax.u32 s1, $0x1;
	[smem:$0x7F3] =	sst s15  }
0x1c: {  	s8 =	smul.u32 $0xC35, s8;
	s23 =	sadd.s32 s10, s22;
	[smem:$0x7F6] =	sst s20  }
0x1d: {  	s24 =	sshrl.u32 s22, $0x3;
	s22 =	simm.s32 $0x9E18;
	[dreg:$0x17] =	wrdreg s23  }
0x1e: {  	s13 =	sadd.s32 s13, s0;
	s9 =	sadd.s32 s14, s24;
	[dreg:$0xb] =	wrdreg s22  }
0x1f: {  	s15 =	simm.s32 $0x7B98;
	s23 =	simm.s32 $0xA218;
	[dreg:$0x18] =	wrdreg s9  }
0x20: {  	s20 =	simm.s32 $0xBE18;
	s24 =	simm.s32 $0xA618;
	[dreg:$0xc] =	wrdreg s23  }
0x21: {  	s22 =	sadd.s32 $0x30E, s19;
	s9 =	sadd.s32 $0x1800, s5;
	[dreg:$0xd] =	wrdreg s24  }
0x22: {  	s23 =	smul.u32 $0x30E00, s17;
	s24 =	sadd.s32 $0xC35, s8;
	s8 =	sshrl.u32 s8, $0x5  }
0x23: {  	s5 =	sshll.u32 s6, $0x3;
	s6 =	sadd.s32 s6, s3;
	s17 =	simm.s32 $0x7C98  }
0x24: {  	s16 =	sadd.s32 s11, s9;
	s11 =	sadd.s32 $0x18690, s11;
	[smem:$0x7F1] =	sst s6  }
0x25: {  	s21 =	sshrl.u32 s24, $0x5;
	[smem:$0x7FB] =	sst s8;
	s6 =	simm.s32 $0xC218  }
0x26: {  	s18 =	sadd.s32 s10, s16;
	s16 =	sshrl.u32 s16, $0x3;
	s10 =	sadd.s32 s10, s11  }
0x27: {  	s11 =	sshrl.u32 s11, $0x3;
	p1 =	sge.u32 s8, s21;
	[dreg:$0x19] =	wrdreg s18  }
0x28: {  	s8 =	simm.s32 $0x0;
	s18 =	simm.s32 $0x8E18;
	[dreg:$0x1b] =	wrdreg s10  }
0x29: {  	s16 =	sadd.s32 s14, s16;
	s11 =	sadd.s32 s14, s11;
	[dreg:$0x7] =	wrdreg s18  }
0x2a: {  	s14 =	simm.s32 $0xAE18;
	s10 =	sshrl.u32 s19, $0x5;
	[dreg:$0x1a] =	wrdreg s16  }
0x2b: {  	s19 =	sshrl.u32 s22, $0x5;
	s22 =	sadd.s32 $0x2800, s13;
	[dreg:$0x1c] =	wrdreg s11  }
0x2c: {  	s13 =	simm.s32 $0x7A98;
	s11 =	sadd.s32 s25, s0;
	[dreg:$0xf] =	wrdreg s14  }
0x2d: {  	s16 =	simm.s32 $0xB618;
	s18 =	simm.s32 $0xBA18;
	s0 =	sadd.s32 $0x6E3C00, s0  }
0x2e: {  	s25 =	sshrl.u32 s23, $0x2;
	s14 =	sshll.u32 s7, $0x3;
	[smem:$0x7F7] =	sst s22  }
0x2f: {  	s23 =	sadd.s32 $0xC9000, s12;
	[smem:$0x7FA] =	sst s10;
	p0 =	sge.u32 s10, s19  }
0x30: {  	s7 =	simm.s32 $0x1;
	s10 =	simm.s32 $0x7A18;
	[dreg:$0x11] =	wrdreg s16  }
0x31: {  	s12 =	simm.s32 $0x8218;
	s22 =	simm.s32 $0x7D18;
	[dreg:$0x12] =	wrdreg s18  }
0x32: {  	[dreg:$0x1f] =	wrdreg s0;
	s0 =	sadd.s32 s25, s2;
	s16 =	sshll.u32 s9, $0x3  }
0x33: {  	s18 =	sadd.s32 s9, s3;
	[smem:$0x7F8] =	sst s23;
	s24 =	sadd.s32 $0x5A00, s11  }
0x34: {  	s25 =	sadd.s32 $0xC3480, s2;
	s9 =	simm.s32 $0xC698;
	[smem:$0x7EE] =	sst s0  }
0x35: {  	s11 =	simm.s32 $0x80;
	s23 =	simm.s32 $0x7D98;
	[smem:$0x7F5] =	sst s18  }
.Ltmp0:
0x36: {  	s0 =	sadd.s32 s5, s2;
	[smem:$0x7F9] =	sst s24;
	(pc) =	sbr.rel .LBB2_1-.Ltmp0, $4  }
0x37: {  	[smem:$0x7FC] =	sst s25;
	s5 =	simm.s32 $0xC298;
	s24 =	simm.s32 $0x7E18  }
0x38: {  	s25 =	simm.s32 $0x7E98;
	[smem:$0x7F0] =	sst s0;
	s0 =	sadd.s32 s14, s2  }
0x39: {  	s18 =	simm.s32 $0x8198;
	[smem:$0x7F2] =	sst s0;
	s0 =	sadd.s32 s16, s2  }
0x3a: {  	s14 =	simm.s32 $0x7B18;
	s16 =	simm.s32 $0x7C18;
	[smem:$0x7F4] =	sst s0  }
.LBB2_8:
0x3b: {  	[sflag:s7] =	ssyncadd.s32 $0xFFFFFF80  }
.LBB2_9:
0x3c: {  	[bflag:$0x0] =	sbarrier.arrive $0xFFFF  }
0x3d: {  	s0 =	sld [smem:$0x7EE];
	_ =	sdelay $0x2  }
0x3e: {  	[tilespmem:s12], [sflag:$0x1] =	stream.linear.gather [spmem:s0], $0x4000, $0x38;
	[tilespmem:$0xCF18] =	vst v63  }
0x3f: {  	_ =	swait.ge [sflag:s7], $0x4000  }
0x40: {  	[sflag:s7] =	ssyncset.done $0x0  }
0x41: {  	s1 =	rddreg [dreg:$0x13];
	[sflag:s7] =	ssyncadd.s32 $0xFFFFC000  }
0x42: {  	[hbm4b:s1+s4] =	stream.linear.scatter [tilespmem:s12], [sflag:$0x1], $0x4000, $0x38;
	[tilespmem:$0xCF18] =	vst v63  }
0x43: {  	_ =	swait.ge [sflag:s7], $0x4000  }
0x44: {  	s5 =	sld [smem:$0x7EF]  }
0x45: {  	[sflag:s7] =	ssyncset.done $0x0  }
0x46: {  	s1 =	simm.s32 $0xC718;
	[sflag:s7] =	ssyncadd.s32 $0xFFFFC000  }
0x47: {  	[tilespmem:s1], [sflag:$0x1] =	stream.linear.gather [spmem:s5], $0x800, $0x38;
	[tilespmem:$0xCF18] =	vst v63  }
0x48: {  	_ =	swait.ge [sflag:s7], $0x800  }
0x49: {  	[sflag:s7] =	ssyncset.done $0x0  }
0x4a: {  	s8 =	rddreg [dreg:$0x14];
	[sflag:s7] =	ssyncadd.s32 $0xFFFFF800  }
0x4b: {  	[hbm4b:s8+s4] =	stream.linear.scatter [tilespmem:s1], [sflag:$0x1], $0x800, $0x38;
	[tilespmem:$0xCF18] =	vst v63  }
0x4c: {  	_ =	swait.ge [sflag:s7], $0x800  }
0x4d: {  	s5 =	sld [smem:$0x7F0]  }
0x4e: {  	[sflag:s7] =	ssyncset.done $0x0  }
0x4f: {  	[sflag:s7] =	ssyncadd.s32 $0xFFFFF800  }
0x50: {  	[tilespmem:s12], [sflag:$0x1] =	stream.linear.gather [spmem:s5], $0x4000, $0x38;
	[tilespmem:$0xCF18] =	vst v63  }
0x51: {  	_ =	swait.ge [sflag:s7], $0x4000  }
0x52: {  	[sflag:s7] =	ssyncset.done $0x0  }
0x53: {  	s8 =	rddreg [dreg:$0x15];
	[sflag:s7] =	ssyncadd.s32 $0xFFFFC000  }
0x54: {  	[hbm4b:s8+s4] =	stream.linear.scatter [tilespmem:s12], [sflag:$0x1], $0x4000, $0x38;
	[tilespmem:$0xCF18] =	vst v63  }
0x55: {  	_ =	swait.ge [sflag:s7], $0x4000  }
0x56: {  	s5 =	sld [smem:$0x7F1]  }
0x57: {  	[sflag:s7] =	ssyncset.done $0x0  }
0x58: {  	[sflag:s7] =	ssyncadd.s32 $0xFFFFC000  }
0x59: {  	[tilespmem:s1], [sflag:$0x1] =	stream.linear.gather [spmem:s5], $0x800, $0x38;
	[tilespmem:$0xCF18] =	vst v63  }
0x5a: {  	_ =	swait.ge [sflag:s7], $0x800  }
0x5b: {  	[sflag:s7] =	ssyncset.done $0x0  }
0x5c: {  	s8 =	rddreg [dreg:$0x16];
	[sflag:s7] =	ssyncadd.s32 $0xFFFFF800  }
0x5d: {  	[hbm4b:s8+s4] =	stream.linear.scatter [tilespmem:s1], [sflag:$0x1], $0x800, $0x38;
	[tilespmem:$0xCF18] =	vst v63  }
0x5e: {  	_ =	swait.ge [sflag:s7], $0x800  }
0x5f: {  	s5 =	sld [smem:$0x7F2]  }
0x60: {  	[sflag:s7] =	ssyncset.done $0x0  }
0x61: {  	[sflag:s7] =	ssyncadd.s32 $0xFFFFF800  }
0x62: {  	[tilespmem:s12], [sflag:$0x1] =	stream.linear.gather [spmem:s5], $0x4000, $0x38;
	[tilespmem:$0xCF18] =	vst v63  }
0x63: {  	_ =	swait.ge [sflag:s7], $0x4000  }
0x64: {  	[sflag:s7] =	ssyncset.done $0x0  }
0x65: {  	s8 =	rddreg [dreg:$0x17];
	[sflag:s7] =	ssyncadd.s32 $0xFFFFC000  }
0x66: {  	[hbm4b:s8+s4] =	stream.linear.scatter [tilespmem:s12], [sflag:$0x1], $0x4000, $0x38;
	[tilespmem:$0xCF18] =	vst v63  }
0x67: {  	_ =	swait.ge [sflag:s7], $0x4000  }
0x68: {  	s5 =	sld [smem:$0x7F3]  }
0x69: {  	[sflag:s7] =	ssyncset.done $0x0  }
0x6a: {  	[sflag:s7] =	ssyncadd.s32 $0xFFFFC000  }
0x6b: {  	[tilespmem:s1], [sflag:$0x1] =	stream.linear.gather [spmem:s5], $0x800, $0x38;
	[tilespmem:$0xCF18] =	vst v63  }
0x6c: {  	_ =	swait.ge [sflag:s7], $0x800  }
0x6d: {  	[sflag:s7] =	ssyncset.done $0x0  }
0x6e: {  	s8 =	rddreg [dreg:$0x18];
	[sflag:s7] =	ssyncadd.s32 $0xFFFFF800  }
0x6f: {  	[hbm4b:s8+s4] =	stream.linear.scatter [tilespmem:s1], [sflag:$0x1], $0x800, $0x38;
	[tilespmem:$0xCF18] =	vst v63  }
0x70: {  	_ =	swait.ge [sflag:s7], $0x800  }
0x71: {  	s1 =	sld [smem:$0x7FC]  }
0x72: {  	[sflag:s7] =	ssyncset.done $0x0  }
0x73: {  	s0 =	simm.s32 @p2 $0x8218;
	[sflag:s7] =	ssyncadd.s32 $0xFFFFF800  }
0x74: {  	[tilespmem:s0], [sflag:$0x1] =	stream.linear.gather @p2 [spmem:s1], $0x80, $0x38;
	[tilespmem:$0xCF18] =	vst v63  }
0x75: {  	s1 =	simm.s32 @p2 $0x1  }
0x76: {  	_ =	swait.ge @p2 [sflag:s1], $0x80  }
0x77: {  	[sflag:s1] =	ssyncset.done @p2 $0x0  }
0x78: {  	s5 =	simm.s32 @p2 $0x0;
	s8 =	rddreg [dreg:$0x1b];
	[sflag:s1] =	ssyncadd.s32 @p2 $0xFFFFFF80  }
0x79: {  	[hbm4b:s8+s5] =	stream.linear.scatter @p2 [tilespmem:s0], [sflag:$0x1], $0x80, $0x38;
	[tilespmem:$0xCF18] =	vst v63  }
0x7a: {  	_ =	swait.ge @p2 [sflag:s1], $0x80  }
0x7b: {  	s8 =	sld [smem:$0x7FD]  }
0x7c: {  	[sflag:s1] =	ssyncset.done @p2 $0x0  }
0x7d: {  	s0 =	simm.s32 @p2 $0xC718;
	[sflag:s1] =	ssyncadd.s32 @p2 $0xFFFFFF80  }
0x7e: {  	[tilespmem:s0], [sflag:$0x1] =	stream.linear.gather @p2 [spmem:s8], $0x10, $0x38;
	[tilespmem:$0xCF18] =	vst v63  }
0x7f: {  	_ =	swait.ge @p2 [sflag:s1], $0x10  }
0x80: {  	[sflag:s1] =	ssyncset.done @p2 $0x0  }
0x81: {  	s8 =	rddreg [dreg:$0x1c];
	[sflag:s1] =	ssyncadd.s32 @p2 $0xFFFFFFF0  }
0x82: {  	[hbm4b:s8+s5] =	stream.linear.scatter @p2 [tilespmem:s0], [sflag:$0x1], $0x10, $0x38;
	[tilespmem:$0xCF18] =	vst v63  }
0x83: {  	_ =	swait.ge @p2 [sflag:s1], $0x10  }
0x84: {  	[sflag:s1] =	ssyncset.done @p2 $0x0  }
0x85: {  	[sflag:s1] =	ssyncadd.s32 @p2 $0xFFFFFFF0;
	s1 =	sld [smem:$0x7F4];
	_ =	sdelay $0x1  }
0x86: {  	s0 =	simm.s32 @!p2 $0x8218  }
0x87: {  	[tilespmem:s0], [sflag:$0x1] =	stream.linear.gather @!p2 [spmem:s1], $0x380, $0x38;
	[tilespmem:$0xCF18] =	vst v63  }
0x88: {  	s1 =	simm.s32 @!p2 $0x1  }
0x89: {  	_ =	swait.ge @!p2 [sflag:s1], $0x380  }
0x8a: {  	[sflag:s1] =	ssyncset.done @!p2 $0x0  }
0x8b: {  	s5 =	simm.s32 @!p2 $0x0;
	s8 =	rddreg [dreg:$0x19];
	[sflag:s1] =	ssyncadd.s32 @!p2 $0xFFFFFC80  }
0x8c: {  	[hbm4b:s8+s5] =	stream.linear.scatter @!p2 [tilespmem:s0], [sflag:$0x1], $0x380, $0x38;
	[tilespmem:$0xCF18] =	vst v63  }
0x8d: {  	_ =	swait.ge @!p2 [sflag:s1], $0x380  }
0x8e: {  	s8 =	sld [smem:$0x7F5]  }
0x8f: {  	[sflag:s1] =	ssyncset.done @!p2 $0x0  }
0x90: {  	s0 =	simm.s32 @!p2 $0xC718;
	[sflag:s1] =	ssyncadd.s32 @!p2 $0xFFFFFC80  }
0x91: {  	[tilespmem:s0], [sflag:$0x1] =	stream.linear.gather @!p2 [spmem:s8], $0x70, $0x38;
	[tilespmem:$0xCF18] =	vst v63  }
0x92: {  	_ =	swait.ge @!p2 [sflag:s1], $0x70  }
0x93: {  	[sflag:s1] =	ssyncset.done @!p2 $0x0  }
0x94: {  	s8 =	rddreg [dreg:$0x1a];
	[sflag:s1] =	ssyncadd.s32 @!p2 $0xFFFFFF90  }
0x95: {  	[hbm4b:s8+s5] =	stream.linear.scatter @!p2 [tilespmem:s0], [sflag:$0x1], $0x70, $0x38;
	[tilespmem:$0xCF18] =	vst v63  }
0x96: {  	_ =	swait.ge @!p2 [sflag:s1], $0x70  }
0x97: {  	s0 =	sld [smem:$0x7ED]  }
0x98: {  	s5 =	sld [smem:$0x7F6];
	_ =	sdelay $0x1  }
0x99: {  	s8 =	sadd.s32 $0x1, s0  }
0x9a: {  	p3 =	sne.s32 s8, s5  }
.Ltmp1:
0x9b: {  	_ = 	snop;
	(pc) =	sbr.rel @!p3 .LBB2_10-.Ltmp1, $3  }
0x9c: {  	_ =	sdelay $0x1  }
0x9d: {  	[sflag:s1] =	ssyncset.done @!p2 $0x0  }
0x9e: {  	[sflag:s1] =	ssyncadd.s32 @!p2 $0xFFFFFF90;
	s5 =	simm.s32 $0xC298  }
.LBB2_1:
0x9f: {  	s0 =	rddreg [dreg:$0x1f]  }
0xa0: {  	[tilespmem:s6], [sflag:$0x1] =	stream.linear.gather [hbm4b:s0+s4], $0x80, $0x38;
	[tilespmem:$0xCF18] =	vst v63  }
0xa1: {  	_ =	swait.ge [sflag:s7], $0x80  }
0xa2: {  	[sflag:s7] =	ssyncset.done $0x0  }
0xa3: {  	s1 =	rddreg [dreg:$0x1d];
	[sflag:s7] =	ssyncadd.s32 $0xFFFFFF80  }
0xa4: {  	[tilespmem:s5], [sflag:$0x1] =	stream.linear.gather [hbm4b:s1+s4], $0x400, $0x38;
	[tilespmem:$0xCF18] =	vst v63  }
0xa5: {  	_ =	swait.ge [sflag:s7], $0x400  }
0xa6: {  	[sflag:s7] =	ssyncset.done $0x0  }
.Ltmp2:
0xa7: {  	s1 =	rddreg [dreg:$0x1e];
	[sflag:s7] =	ssyncadd.s32 $0xFFFFFC00;
	(pc) =	sbr.rel @p0 .LBB2_5-.Ltmp2, $4  }
0xa8: {  	[tilespmem:s9], [sflag:$0x1] =	stream.linear.gather [hbm4b:s1+s4], $0x80, $0x38;
	[tilespmem:$0xCF18] =	vst v63  }
0xa9: {  	_ =	swait.ge [sflag:s7], $0x80  }
0xaa: {  	[sflag:s7] =	ssyncset.done $0x0  }
0xab: {  	[sflag:s7] =	ssyncadd.s32 $0xFFFFFF80  }
0xac: {  	s1 =	sld [smem:$0x7F7];
	_ =	sdelay $0x2  }
0xad: {  	[tilespmem:s10], [sflag:$0x1] =	stream.linear.gather [hbm4b:s1+s4], $0x80, $0x38;
	[tilespmem:$0xCF18] =	vst v63  }
0xae: {  	_ =	swait.ge [sflag:s7], $0x80  }
0xaf: {  	[sflag:s7] =	ssyncset.done $0x0  }
0xb0: {  	[sflag:s7] =	ssyncadd.s32 $0xFFFFFF80  }
0xb1: {  	[spmem:s2] =	stream.indirect.scatter [tilespmem:s5], [sflag:$0x1], $0x4, s10, s11, $0xb8;
	[tilespmem:$0xCF18] =	vst v63  }
0xb2: {  	_ =	swait.ge [sflag:s7], $0x200  }
0xb3: {  	s0 =	sld [smem:$0x7FA];
	_ =	sdelay $0x2  }
0xb4: {  	s0 =	sadd.s32 $0x1, s0  }
0xb5: {  	p3 =	slt.u32 s0, s19  }
.Ltmp3:
0xb6: {  	[sflag:s7] =	ssyncset.done $0x0;
	(pc) =	sbr.rel @!p3 .LBB2_4-.Ltmp3, $4  }
0xb7: {  	[sflag:s7] =	ssyncadd.s32 $0xFFFFFE00  }
0xb8: {  	[spmem:s3] =	stream.indirect.scatter [tilespmem:s9], [sflag:$0x1], $0x1, s10, s11, $0xb8;
	[tilespmem:$0xCF18] =	vst v63  }
0xb9: {  	_ =	swait.ge [sflag:s7], $0x80  }
0xba: {  	[sflag:s7] =	ssyncset.done $0x0  }
.LBB2_3:
0xbb: {  	s0 =	sadd.s32 $0x1, s0;
	[sflag:s7] =	ssyncadd.s32 $0xFFFFFF80;
	s1 =	sadd.s32 $0x10, s1  }
0xbc: {  	[tilespmem:s10], [sflag:$0x1] =	stream.linear.gather [hbm4b:s1+s4], $0x80, $0x38;
	[tilespmem:$0xCF18] =	vst v63  }
0xbd: {  	p3 =	slt.u32 s0, s19;
	_ =	swait.ge [sflag:s7], $0x80  }
0xbe: {  	[sflag:s7] =	ssyncset.done $0x0  }
0xbf: {  	[sflag:s7] =	ssyncadd.s32 $0xFFFFFF80  }
0xc0: {  	[spmem:s2] =	stream.indirect.scatter [tilespmem:s5], [sflag:$0x1], $0x4, s10, s11, $0xb8;
	[tilespmem:$0xCF18] =	vst v63  }
0xc1: {  	_ =	swait.ge [sflag:s7], $0x200  }
.Ltmp4:
0xc2: {  	[sflag:s7] =	ssyncset.done $0x0;
	(pc) =	sbr.rel @p3 .LBB2_3-.Ltmp4, $4  }
0xc3: {  	[sflag:s7] =	ssyncadd.s32 $0xFFFFFE00  }
0xc4: {  	[spmem:s3] =	stream.indirect.scatter [tilespmem:s9], [sflag:$0x1], $0x1, s10, s11, $0xb8;
	[tilespmem:$0xCF18] =	vst v63  }
0xc5: {  	_ =	swait.ge [sflag:s7], $0x80  }
0xc6: {  	[sflag:s7] =	ssyncset.done $0x0  }
.LBB2_4:
0xc7: {  	[sflag:s7] =	ssyncadd.s32 $0xFFFFFF80  }
.LBB2_5:
.Ltmp5:
0xc8: {  	(pc) =	sbr.rel @p1 .LBB2_9-.Ltmp5, $3  }
0xc9: {  	_ =	sdelay $0x1  }
0xca: {  	[bflag:$0x0] =	sbarrier.arrive $0xFFFF  }
0xcb: {  	[smem:$0x7ED] =	sst s8  }
0xcc: {  	s1 =	sld [smem:$0x7F9];
	_ =	sdelay $0x2  }
0xcd: {  	[tilespmem:s10], [sflag:$0x1] =	stream.linear.gather [hbm4b:s1+s4], $0x800, $0x38;
	[tilespmem:$0xCF18] =	vst v63  }
0xce: {  	_ =	swait.ge [sflag:s7], $0x800  }
0xcf: {  	s5 =	sld [smem:$0x7F8]  }
0xd0: {  	[sflag:s7] =	ssyncset.done $0x0  }
0xd1: {  	[sflag:s7] =	ssyncadd.s32 $0xFFFFF800  }
0xd2: {  	[tilespmem:s12], [sflag:$0x1] =	stream.linear.gather [hbm4b:s5+s4], $0x4000, $0x38;
	[tilespmem:$0xCF18] =	vst v63  }
0xd3: {  	_ =	swait.ge [sflag:s7], $0x4000  }
0xd4: {  	[sflag:s7] =	ssyncset.done $0x0  }
0xd5: {  	[sflag:s7] =	ssyncadd.s32 $0xFFFFC000  }
0xd6: {  	[spmem:s2] =	stream.indirect.scatter.add.f32 [tilespmem:s12], [sflag:$0x1], $0x4, s10, s11, $0xb8;
	[tilespmem:$0xCF18] =	vst v63  }
0xd7: {  	_ =	swait.ge [sflag:s7], $0x200  }
0xd8: {  	[sflag:s7] =	ssyncset.done $0x0  }
0xd9: {  	[sflag:s7] =	ssyncadd.s32 $0xFFFFFE00  }
0xda: {  	[spmem:s3] =	stream.indirect.scatter.add.f32 [tilespmem:s6], [sflag:$0x1], $0x1, s10, s11, $0xb8;
	[tilespmem:$0xCF18] =	vst v63  }
0xdb: {  	_ =	swait.ge [sflag:s7], $0x80  }
0xdc: {  	[sflag:s7] =	ssyncset.done $0x0  }
0xdd: {  	s0 =	rddreg [dreg:$0x5];
	[sflag:s7] =	ssyncadd.s32 $0xFFFFFF80  }
0xde: {  	[spmem:s2] =	stream.indirect.scatter.add.f32 [tilespmem:s0], [sflag:$0x1], $0x4, s13, s11, $0xb8;
	[tilespmem:$0xCF18] =	vst v63  }
0xdf: {  	_ =	swait.ge [sflag:s7], $0x200  }
0xe0: {  	[sflag:s7] =	ssyncset.done $0x0  }
0xe1: {  	[sflag:s7] =	ssyncadd.s32 $0xFFFFFE00  }
0xe2: {  	[spmem:s3] =	stream.indirect.scatter.add.f32 [tilespmem:s6], [sflag:$0x1], $0x1, s13, s11, $0xb8;
	[tilespmem:$0xCF18] =	vst v63  }
0xe3: {  	_ =	swait.ge [sflag:s7], $0x80  }
0xe4: {  	[sflag:s7] =	ssyncset.done $0x0  }
0xe5: {  	s8 =	rddreg [dreg:$0x6];
	[sflag:s7] =	ssyncadd.s32 $0xFFFFFF80  }
0xe6: {  	[spmem:s2] =	stream.indirect.scatter.add.f32 [tilespmem:s8], [sflag:$0x1], $0x4, s14, s11, $0xb8;
	[tilespmem:$0xCF18] =	vst v63  }
0xe7: {  	_ =	swait.ge [sflag:s7], $0x200  }
0xe8: {  	[sflag:s7] =	ssyncset.done $0x0  }
0xe9: {  	[sflag:s7] =	ssyncadd.s32 $0xFFFFFE00  }
0xea: {  	[spmem:s3] =	stream.indirect.scatter.add.f32 [tilespmem:s6], [sflag:$0x1], $0x1, s14, s11, $0xb8;
	[tilespmem:$0xCF18] =	vst v63  }
0xeb: {  	_ =	swait.ge [sflag:s7], $0x80  }
0xec: {  	[sflag:s7] =	ssyncset.done $0x0  }
0xed: {  	s8 =	rddreg [dreg:$0x7];
	[sflag:s7] =	ssyncadd.s32 $0xFFFFFF80  }
0xee: {  	[spmem:s2] =	stream.indirect.scatter.add.f32 [tilespmem:s8], [sflag:$0x1], $0x4, s15, s11, $0xb8;
	[tilespmem:$0xCF18] =	vst v63  }
0xef: {  	_ =	swait.ge [sflag:s7], $0x200  }
0xf0: {  	[sflag:s7] =	ssyncset.done $0x0  }
0xf1: {  	[sflag:s7] =	ssyncadd.s32 $0xFFFFFE00  }
0xf2: {  	[spmem:s3] =	stream.indirect.scatter.add.f32 [tilespmem:s6], [sflag:$0x1], $0x1, s15, s11, $0xb8;
	[tilespmem:$0xCF18] =	vst v63  }
0xf3: {  	_ =	swait.ge [sflag:s7], $0x80  }
0xf4: {  	[sflag:s7] =	ssyncset.done $0x0  }
0xf5: {  	s8 =	rddreg [dreg:$0x8];
	[sflag:s7] =	ssyncadd.s32 $0xFFFFFF80  }
0xf6: {  	[spmem:s2] =	stream.indirect.scatter.add.f32 [tilespmem:s8], [sflag:$0x1], $0x4, s16, s11, $0xb8;
	[tilespmem:$0xCF18] =	vst v63  }
0xf7: {  	_ =	swait.ge [sflag:s7], $0x200  }
0xf8: {  	[sflag:s7] =	ssyncset.done $0x0  }
0xf9: {  	[sflag:s7] =	ssyncadd.s32 $0xFFFFFE00  }
0xfa: {  	[spmem:s3] =	stream.indirect.scatter.add.f32 [tilespmem:s6], [sflag:$0x1], $0x1, s16, s11, $0xb8;
	[tilespmem:$0xCF18] =	vst v63  }
0xfb: {  	_ =	swait.ge [sflag:s7], $0x80  }
0xfc: {  	[sflag:s7] =	ssyncset.done $0x0  }
0xfd: {  	s8 =	rddreg [dreg:$0x9];
	[sflag:s7] =	ssyncadd.s32 $0xFFFFFF80  }
0xfe: {  	[spmem:s2] =	stream.indirect.scatter.add.f32 [tilespmem:s8], [sflag:$0x1], $0x4, s17, s11, $0xb8;
	[tilespmem:$0xCF18] =	vst v63  }
0xff: {  	_ =	swait.ge [sflag:s7], $0x200  }
0x100: {  	[sflag:s7] =	ssyncset.done $0x0  }
0x101: {  	[sflag:s7] =	ssyncadd.s32 $0xFFFFFE00  }
0x102: {  	[spmem:s3] =	stream.indirect.scatter.add.f32 [tilespmem:s6], [sflag:$0x1], $0x1, s17, s11, $0xb8;
	[tilespmem:$0xCF18] =	vst v63  }
0x103: {  	_ =	swait.ge [sflag:s7], $0x80  }
0x104: {  	[sflag:s7] =	ssyncset.done $0x0  }
0x105: {  	s8 =	rddreg [dreg:$0xa];
	[sflag:s7] =	ssyncadd.s32 $0xFFFFFF80  }
0x106: {  	[spmem:s2] =	stream.indirect.scatter.add.f32 [tilespmem:s8], [sflag:$0x1], $0x4, s22, s11, $0xb8;
	[tilespmem:$0xCF18] =	vst v63  }
0x107: {  	_ =	swait.ge [sflag:s7], $0x200  }
0x108: {  	[sflag:s7] =	ssyncset.done $0x0  }
0x109: {  	[sflag:s7] =	ssyncadd.s32 $0xFFFFFE00  }
0x10a: {  	[spmem:s3] =	stream.indirect.scatter.add.f32 [tilespmem:s6], [sflag:$0x1], $0x1, s22, s11, $0xb8;
	[tilespmem:$0xCF18] =	vst v63  }
0x10b: {  	_ =	swait.ge [sflag:s7], $0x80  }
0x10c: {  	[sflag:s7] =	ssyncset.done $0x0  }
0x10d: {  	s8 =	rddreg [dreg:$0xb];
	[sflag:s7] =	ssyncadd.s32 $0xFFFFFF80  }
0x10e: {  	[spmem:s2] =	stream.indirect.scatter.add.f32 [tilespmem:s8], [sflag:$0x1], $0x4, s23, s11, $0xb8;
	[tilespmem:$0xCF18] =	vst v63  }
0x10f: {  	_ =	swait.ge [sflag:s7], $0x200  }
0x110: {  	[sflag:s7] =	ssyncset.done $0x0  }
0x111: {  	[sflag:s7] =	ssyncadd.s32 $0xFFFFFE00  }
0x112: {  	[spmem:s3] =	stream.indirect.scatter.add.f32 [tilespmem:s6], [sflag:$0x1], $0x1, s23, s11, $0xb8;
	[tilespmem:$0xCF18] =	vst v63  }
0x113: {  	_ =	swait.ge [sflag:s7], $0x80  }
0x114: {  	[sflag:s7] =	ssyncset.done $0x0  }
0x115: {  	s8 =	rddreg [dreg:$0xc];
	[sflag:s7] =	ssyncadd.s32 $0xFFFFFF80  }
0x116: {  	[spmem:s2] =	stream.indirect.scatter.add.f32 [tilespmem:s8], [sflag:$0x1], $0x4, s24, s11, $0xb8;
	[tilespmem:$0xCF18] =	vst v63  }
0x117: {  	_ =	swait.ge [sflag:s7], $0x200  }
0x118: {  	[sflag:s7] =	ssyncset.done $0x0  }
0x119: {  	[sflag:s7] =	ssyncadd.s32 $0xFFFFFE00  }
0x11a: {  	[spmem:s3] =	stream.indirect.scatter.add.f32 [tilespmem:s6], [sflag:$0x1], $0x1, s24, s11, $0xb8;
	[tilespmem:$0xCF18] =	vst v63  }
0x11b: {  	_ =	swait.ge [sflag:s7], $0x80  }
0x11c: {  	[sflag:s7] =	ssyncset.done $0x0  }
0x11d: {  	s8 =	rddreg [dreg:$0xd];
	[sflag:s7] =	ssyncadd.s32 $0xFFFFFF80  }
0x11e: {  	[spmem:s2] =	stream.indirect.scatter.add.f32 [tilespmem:s8], [sflag:$0x1], $0x4, s25, s11, $0xb8;
	[tilespmem:$0xCF18] =	vst v63  }
0x11f: {  	_ =	swait.ge [sflag:s7], $0x200  }
0x120: {  	[sflag:s7] =	ssyncset.done $0x0  }
0x121: {  	[sflag:s7] =	ssyncadd.s32 $0xFFFFFE00  }
0x122: {  	[spmem:s3] =	stream.indirect.scatter.add.f32 [tilespmem:s6], [sflag:$0x1], $0x1, s25, s11, $0xb8;
	[tilespmem:$0xCF18] =	vst v63  }
0x123: {  	_ =	swait.ge [sflag:s7], $0x80  }
0x124: {  	[sflag:s7] =	ssyncset.done $0x0  }
0x125: {  	s8 =	rddreg [dreg:$0xe];
	[sflag:s7] =	ssyncadd.s32 $0xFFFFFF80  }
0x126: {  	[spmem:s2] =	stream.indirect.scatter.add.f32 [tilespmem:s8], [sflag:$0x1], $0x4, s26, s11, $0xb8;
	[tilespmem:$0xCF18] =	vst v63  }
0x127: {  	_ =	swait.ge [sflag:s7], $0x200  }
0x128: {  	[sflag:s7] =	ssyncset.done $0x0  }
0x129: {  	[sflag:s7] =	ssyncadd.s32 $0xFFFFFE00  }
0x12a: {  	[spmem:s3] =	stream.indirect.scatter.add.f32 [tilespmem:s6], [sflag:$0x1], $0x1, s26, s11, $0xb8;
	[tilespmem:$0xCF18] =	vst v63  }
0x12b: {  	_ =	swait.ge [sflag:s7], $0x80  }
0x12c: {  	[sflag:s7] =	ssyncset.done $0x0  }
0x12d: {  	s8 =	rddreg [dreg:$0xf];
	[sflag:s7] =	ssyncadd.s32 $0xFFFFFF80  }
0x12e: {  	[spmem:s2] =	stream.indirect.scatter.add.f32 [tilespmem:s8], [sflag:$0x1], $0x4, s28, s11, $0xb8;
	[tilespmem:$0xCF18] =	vst v63  }
0x12f: {  	_ =	swait.ge [sflag:s7], $0x200  }
0x130: {  	[sflag:s7] =	ssyncset.done $0x0  }
0x131: {  	[sflag:s7] =	ssyncadd.s32 $0xFFFFFE00  }
0x132: {  	[spmem:s3] =	stream.indirect.scatter.add.f32 [tilespmem:s6], [sflag:$0x1], $0x1, s28, s11, $0xb8;
	[tilespmem:$0xCF18] =	vst v63  }
0x133: {  	_ =	swait.ge [sflag:s7], $0x80  }
0x134: {  	[sflag:s7] =	ssyncset.done $0x0  }
0x135: {  	s8 =	rddreg [dreg:$0x10];
	[sflag:s7] =	ssyncadd.s32 $0xFFFFFF80  }
0x136: {  	[spmem:s2] =	stream.indirect.scatter.add.f32 [tilespmem:s8], [sflag:$0x1], $0x4, s29, s11, $0xb8;
	[tilespmem:$0xCF18] =	vst v63  }
0x137: {  	_ =	swait.ge [sflag:s7], $0x200  }
0x138: {  	[sflag:s7] =	ssyncset.done $0x0  }
0x139: {  	[sflag:s7] =	ssyncadd.s32 $0xFFFFFE00  }
0x13a: {  	[spmem:s3] =	stream.indirect.scatter.add.f32 [tilespmem:s6], [sflag:$0x1], $0x1, s29, s11, $0xb8;
	[tilespmem:$0xCF18] =	vst v63  }
0x13b: {  	_ =	swait.ge [sflag:s7], $0x80  }
0x13c: {  	[sflag:s7] =	ssyncset.done $0x0  }
0x13d: {  	s8 =	rddreg [dreg:$0x11];
	[sflag:s7] =	ssyncadd.s32 $0xFFFFFF80  }
0x13e: {  	[spmem:s2] =	stream.indirect.scatter.add.f32 [tilespmem:s8], [sflag:$0x1], $0x4, s30, s11, $0xb8;
	[tilespmem:$0xCF18] =	vst v63  }
0x13f: {  	_ =	swait.ge [sflag:s7], $0x200  }
0x140: {  	[sflag:s7] =	ssyncset.done $0x0  }
0x141: {  	[sflag:s7] =	ssyncadd.s32 $0xFFFFFE00  }
0x142: {  	[spmem:s3] =	stream.indirect.scatter.add.f32 [tilespmem:s6], [sflag:$0x1], $0x1, s30, s11, $0xb8;
	[tilespmem:$0xCF18] =	vst v63  }
0x143: {  	_ =	swait.ge [sflag:s7], $0x80  }
0x144: {  	[sflag:s7] =	ssyncset.done $0x0  }
0x145: {  	s8 =	rddreg [dreg:$0x12];
	[sflag:s7] =	ssyncadd.s32 $0xFFFFFF80  }
0x146: {  	[spmem:s2] =	stream.indirect.scatter.add.f32 [tilespmem:s8], [sflag:$0x1], $0x4, s31, s11, $0xb8;
	[tilespmem:$0xCF18] =	vst v63  }
0x147: {  	_ =	swait.ge [sflag:s7], $0x200  }
0x148: {  	[sflag:s7] =	ssyncset.done $0x0  }
0x149: {  	[sflag:s7] =	ssyncadd.s32 $0xFFFFFE00  }
0x14a: {  	[spmem:s3] =	stream.indirect.scatter.add.f32 [tilespmem:s6], [sflag:$0x1], $0x1, s31, s11, $0xb8;
	[tilespmem:$0xCF18] =	vst v63  }
0x14b: {  	_ =	swait.ge [sflag:s7], $0x80  }
0x14c: {  	[sflag:s7] =	ssyncset.done $0x0  }
0x14d: {  	[sflag:s7] =	ssyncadd.s32 $0xFFFFFF80  }
0x14e: {  	[spmem:s2] =	stream.indirect.scatter.add.f32 [tilespmem:s20], [sflag:$0x1], $0x4, s18, s11, $0xb8;
	[tilespmem:$0xCF18] =	vst v63  }
0x14f: {  	_ =	swait.ge [sflag:s7], $0x200  }
0x150: {  	s8 =	sld [smem:$0x7FB];
	_ =	sdelay $0x2  }
0x151: {  	s0 =	sadd.s32 $0x1, s8  }
0x152: {  	p3 =	slt.u32 s0, s21  }
.Ltmp6:
0x153: {  	[sflag:s7] =	ssyncset.done $0x0;
	(pc) =	sbr.rel @!p3 .LBB2_8-.Ltmp6, $4  }
0x154: {  	[sflag:s7] =	ssyncadd.s32 $0xFFFFFE00  }
0x155: {  	[spmem:s3] =	stream.indirect.scatter.add.f32 [tilespmem:s6], [sflag:$0x1], $0x1, s18, s11, $0xb8;
	[tilespmem:$0xCF18] =	vst v63  }
0x156: {  	_ =	swait.ge [sflag:s7], $0x80  }
0x157: {  	s1 =	sadd.s32 $0x100, s1;
	[sflag:s7] =	ssyncset.done $0x0  }
.LBB2_7:
0x158: {  	[sflag:s7] =	ssyncadd.s32 $0xFFFFFF80  }
0x159: {  	[tilespmem:s10], [sflag:$0x1] =	stream.linear.gather [hbm4b:s1+s4], $0x800, $0x38;
	[tilespmem:$0xCF18] =	vst v63  }
0x15a: {  	_ =	swait.ge [sflag:s7], $0x800  }
0x15b: {  	[sflag:s7] =	ssyncset.done $0x0  }
0x15c: {  	s5 =	sadd.s32 $0x800, s5;
	[sflag:s7] =	ssyncadd.s32 $0xFFFFF800  }
0x15d: {  	[tilespmem:s12], [sflag:$0x1] =	stream.linear.gather [hbm4b:s5+s4], $0x4000, $0x38;
	[tilespmem:$0xCF18] =	vst v63  }
0x15e: {  	_ =	swait.ge [sflag:s7], $0x4000  }
0x15f: {  	[sflag:s7] =	ssyncset.done $0x0  }
0x160: {  	[sflag:s7] =	ssyncadd.s32 $0xFFFFC000  }
0x161: {  	[spmem:s2] =	stream.indirect.scatter.add.f32 [tilespmem:s12], [sflag:$0x1], $0x4, s10, s11, $0xb8;
	[tilespmem:$0xCF18] =	vst v63  }
0x162: {  	_ =	swait.ge [sflag:s7], $0x200  }
0x163: {  	[sflag:s7] =	ssyncset.done $0x0  }
0x164: {  	[sflag:s7] =	ssyncadd.s32 $0xFFFFFE00  }
0x165: {  	[spmem:s3] =	stream.indirect.scatter.add.f32 [tilespmem:s6], [sflag:$0x1], $0x1, s10, s11, $0xb8;
	[tilespmem:$0xCF18] =	vst v63  }
0x166: {  	_ =	swait.ge [sflag:s7], $0x80  }
0x167: {  	[sflag:s7] =	ssyncset.done $0x0  }
0x168: {  	s8 =	rddreg [dreg:$0x5];
	[sflag:s7] =	ssyncadd.s32 $0xFFFFFF80  }
0x169: {  	[spmem:s2] =	stream.indirect.scatter.add.f32 [tilespmem:s8], [sflag:$0x1], $0x4, s13, s11, $0xb8;
	[tilespmem:$0xCF18] =	vst v63  }
0x16a: {  	_ =	swait.ge [sflag:s7], $0x200  }
0x16b: {  	[sflag:s7] =	ssyncset.done $0x0  }
0x16c: {  	[sflag:s7] =	ssyncadd.s32 $0xFFFFFE00  }
0x16d: {  	[spmem:s3] =	stream.indirect.scatter.add.f32 [tilespmem:s6], [sflag:$0x1], $0x1, s13, s11, $0xb8;
	[tilespmem:$0xCF18] =	vst v63  }
0x16e: {  	_ =	swait.ge [sflag:s7], $0x80  }
0x16f: {  	[sflag:s7] =	ssyncset.done $0x0  }
0x170: {  	s8 =	rddreg [dreg:$0x6];
	[sflag:s7] =	ssyncadd.s32 $0xFFFFFF80  }
0x171: {  	[spmem:s2] =	stream.indirect.scatter.add.f32 [tilespmem:s8], [sflag:$0x1], $0x4, s14, s11, $0xb8;
	[tilespmem:$0xCF18] =	vst v63  }
0x172: {  	_ =	swait.ge [sflag:s7], $0x200  }
0x173: {  	[sflag:s7] =	ssyncset.done $0x0  }
0x174: {  	[sflag:s7] =	ssyncadd.s32 $0xFFFFFE00  }
0x175: {  	[spmem:s3] =	stream.indirect.scatter.add.f32 [tilespmem:s6], [sflag:$0x1], $0x1, s14, s11, $0xb8;
	[tilespmem:$0xCF18] =	vst v63  }
0x176: {  	_ =	swait.ge [sflag:s7], $0x80  }
0x177: {  	[sflag:s7] =	ssyncset.done $0x0  }
0x178: {  	s8 =	rddreg [dreg:$0x7];
	[sflag:s7] =	ssyncadd.s32 $0xFFFFFF80  }
0x179: {  	[spmem:s2] =	stream.indirect.scatter.add.f32 [tilespmem:s8], [sflag:$0x1], $0x4, s15, s11, $0xb8;
	[tilespmem:$0xCF18] =	vst v63  }
0x17a: {  	_ =	swait.ge [sflag:s7], $0x200  }
0x17b: {  	[sflag:s7] =	ssyncset.done $0x0  }
0x17c: {  	[sflag:s7] =	ssyncadd.s32 $0xFFFFFE00  }
0x17d: {  	[spmem:s3] =	stream.indirect.scatter.add.f32 [tilespmem:s6], [sflag:$0x1], $0x1, s15, s11, $0xb8;
	[tilespmem:$0xCF18] =	vst v63  }
0x17e: {  	_ =	swait.ge [sflag:s7], $0x80  }
0x17f: {  	[sflag:s7] =	ssyncset.done $0x0  }
0x180: {  	s8 =	rddreg [dreg:$0x8];
	[sflag:s7] =	ssyncadd.s32 $0xFFFFFF80  }
0x181: {  	[spmem:s2] =	stream.indirect.scatter.add.f32 [tilespmem:s8], [sflag:$0x1], $0x4, s16, s11, $0xb8;
	[tilespmem:$0xCF18] =	vst v63  }
0x182: {  	_ =	swait.ge [sflag:s7], $0x200  }
0x183: {  	[sflag:s7] =	ssyncset.done $0x0  }
0x184: {  	[sflag:s7] =	ssyncadd.s32 $0xFFFFFE00  }
0x185: {  	[spmem:s3] =	stream.indirect.scatter.add.f32 [tilespmem:s6], [sflag:$0x1], $0x1, s16, s11, $0xb8;
	[tilespmem:$0xCF18] =	vst v63  }
0x186: {  	_ =	swait.ge [sflag:s7], $0x80  }
0x187: {  	[sflag:s7] =	ssyncset.done $0x0  }
0x188: {  	s8 =	rddreg [dreg:$0x9];
	[sflag:s7] =	ssyncadd.s32 $0xFFFFFF80  }
0x189: {  	[spmem:s2] =	stream.indirect.scatter.add.f32 [tilespmem:s8], [sflag:$0x1], $0x4, s17, s11, $0xb8;
	[tilespmem:$0xCF18] =	vst v63  }
0x18a: {  	_ =	swait.ge [sflag:s7], $0x200  }
0x18b: {  	[sflag:s7] =	ssyncset.done $0x0  }
0x18c: {  	[sflag:s7] =	ssyncadd.s32 $0xFFFFFE00  }
0x18d: {  	[spmem:s3] =	stream.indirect.scatter.add.f32 [tilespmem:s6], [sflag:$0x1], $0x1, s17, s11, $0xb8;
	[tilespmem:$0xCF18] =	vst v63  }
0x18e: {  	_ =	swait.ge [sflag:s7], $0x80  }
0x18f: {  	[sflag:s7] =	ssyncset.done $0x0  }
0x190: {  	s8 =	rddreg [dreg:$0xa];
	[sflag:s7] =	ssyncadd.s32 $0xFFFFFF80  }
0x191: {  	[spmem:s2] =	stream.indirect.scatter.add.f32 [tilespmem:s8], [sflag:$0x1], $0x4, s22, s11, $0xb8;
	[tilespmem:$0xCF18] =	vst v63  }
0x192: {  	_ =	swait.ge [sflag:s7], $0x200  }
0x193: {  	[sflag:s7] =	ssyncset.done $0x0  }
0x194: {  	[sflag:s7] =	ssyncadd.s32 $0xFFFFFE00  }
0x195: {  	[spmem:s3] =	stream.indirect.scatter.add.f32 [tilespmem:s6], [sflag:$0x1], $0x1, s22, s11, $0xb8;
	[tilespmem:$0xCF18] =	vst v63  }
0x196: {  	_ =	swait.ge [sflag:s7], $0x80  }
0x197: {  	[sflag:s7] =	ssyncset.done $0x0  }
0x198: {  	s8 =	rddreg [dreg:$0xb];
	[sflag:s7] =	ssyncadd.s32 $0xFFFFFF80  }
0x199: {  	[spmem:s2] =	stream.indirect.scatter.add.f32 [tilespmem:s8], [sflag:$0x1], $0x4, s23, s11, $0xb8;
	[tilespmem:$0xCF18] =	vst v63  }
0x19a: {  	_ =	swait.ge [sflag:s7], $0x200  }
0x19b: {  	[sflag:s7] =	ssyncset.done $0x0  }
0x19c: {  	[sflag:s7] =	ssyncadd.s32 $0xFFFFFE00  }
0x19d: {  	[spmem:s3] =	stream.indirect.scatter.add.f32 [tilespmem:s6], [sflag:$0x1], $0x1, s23, s11, $0xb8;
	[tilespmem:$0xCF18] =	vst v63  }
0x19e: {  	_ =	swait.ge [sflag:s7], $0x80  }
0x19f: {  	[sflag:s7] =	ssyncset.done $0x0  }
0x1a0: {  	s8 =	rddreg [dreg:$0xc];
	[sflag:s7] =	ssyncadd.s32 $0xFFFFFF80  }
0x1a1: {  	[spmem:s2] =	stream.indirect.scatter.add.f32 [tilespmem:s8], [sflag:$0x1], $0x4, s24, s11, $0xb8;
	[tilespmem:$0xCF18] =	vst v63  }
0x1a2: {  	_ =	swait.ge [sflag:s7], $0x200  }
0x1a3: {  	[sflag:s7] =	ssyncset.done $0x0  }
0x1a4: {  	[sflag:s7] =	ssyncadd.s32 $0xFFFFFE00  }
0x1a5: {  	[spmem:s3] =	stream.indirect.scatter.add.f32 [tilespmem:s6], [sflag:$0x1], $0x1, s24, s11, $0xb8;
	[tilespmem:$0xCF18] =	vst v63  }
0x1a6: {  	_ =	swait.ge [sflag:s7], $0x80  }
0x1a7: {  	[sflag:s7] =	ssyncset.done $0x0  }
0x1a8: {  	s8 =	rddreg [dreg:$0xd];
	[sflag:s7] =	ssyncadd.s32 $0xFFFFFF80  }
0x1a9: {  	[spmem:s2] =	stream.indirect.scatter.add.f32 [tilespmem:s8], [sflag:$0x1], $0x4, s25, s11, $0xb8;
	[tilespmem:$0xCF18] =	vst v63  }
0x1aa: {  	_ =	swait.ge [sflag:s7], $0x200  }
0x1ab: {  	[sflag:s7] =	ssyncset.done $0x0  }
0x1ac: {  	[sflag:s7] =	ssyncadd.s32 $0xFFFFFE00  }
0x1ad: {  	[spmem:s3] =	stream.indirect.scatter.add.f32 [tilespmem:s6], [sflag:$0x1], $0x1, s25, s11, $0xb8;
	[tilespmem:$0xCF18] =	vst v63  }
0x1ae: {  	_ =	swait.ge [sflag:s7], $0x80  }
0x1af: {  	[sflag:s7] =	ssyncset.done $0x0  }
0x1b0: {  	s8 =	rddreg [dreg:$0xe];
	[sflag:s7] =	ssyncadd.s32 $0xFFFFFF80  }
0x1b1: {  	[spmem:s2] =	stream.indirect.scatter.add.f32 [tilespmem:s8], [sflag:$0x1], $0x4, s26, s11, $0xb8;
	[tilespmem:$0xCF18] =	vst v63  }
0x1b2: {  	_ =	swait.ge [sflag:s7], $0x200  }
0x1b3: {  	[sflag:s7] =	ssyncset.done $0x0  }
0x1b4: {  	[sflag:s7] =	ssyncadd.s32 $0xFFFFFE00  }
0x1b5: {  	[spmem:s3] =	stream.indirect.scatter.add.f32 [tilespmem:s6], [sflag:$0x1], $0x1, s26, s11, $0xb8;
	[tilespmem:$0xCF18] =	vst v63  }
0x1b6: {  	_ =	swait.ge [sflag:s7], $0x80  }
0x1b7: {  	[sflag:s7] =	ssyncset.done $0x0  }
0x1b8: {  	s8 =	rddreg [dreg:$0xf];
	[sflag:s7] =	ssyncadd.s32 $0xFFFFFF80  }
0x1b9: {  	[spmem:s2] =	stream.indirect.scatter.add.f32 [tilespmem:s8], [sflag:$0x1], $0x4, s28, s11, $0xb8;
	[tilespmem:$0xCF18] =	vst v63  }
0x1ba: {  	_ =	swait.ge [sflag:s7], $0x200  }
0x1bb: {  	[sflag:s7] =	ssyncset.done $0x0  }
0x1bc: {  	[sflag:s7] =	ssyncadd.s32 $0xFFFFFE00  }
0x1bd: {  	[spmem:s3] =	stream.indirect.scatter.add.f32 [tilespmem:s6], [sflag:$0x1], $0x1, s28, s11, $0xb8;
	[tilespmem:$0xCF18] =	vst v63  }
0x1be: {  	_ =	swait.ge [sflag:s7], $0x80  }
0x1bf: {  	[sflag:s7] =	ssyncset.done $0x0  }
0x1c0: {  	s8 =	rddreg [dreg:$0x10];
	[sflag:s7] =	ssyncadd.s32 $0xFFFFFF80  }
0x1c1: {  	[spmem:s2] =	stream.indirect.scatter.add.f32 [tilespmem:s8], [sflag:$0x1], $0x4, s29, s11, $0xb8;
	[tilespmem:$0xCF18] =	vst v63  }
0x1c2: {  	_ =	swait.ge [sflag:s7], $0x200  }
0x1c3: {  	[sflag:s7] =	ssyncset.done $0x0  }
0x1c4: {  	[sflag:s7] =	ssyncadd.s32 $0xFFFFFE00  }
0x1c5: {  	[spmem:s3] =	stream.indirect.scatter.add.f32 [tilespmem:s6], [sflag:$0x1], $0x1, s29, s11, $0xb8;
	[tilespmem:$0xCF18] =	vst v63  }
0x1c6: {  	_ =	swait.ge [sflag:s7], $0x80  }
0x1c7: {  	[sflag:s7] =	ssyncset.done $0x0  }
0x1c8: {  	s8 =	rddreg [dreg:$0x11];
	[sflag:s7] =	ssyncadd.s32 $0xFFFFFF80  }
0x1c9: {  	[spmem:s2] =	stream.indirect.scatter.add.f32 [tilespmem:s8], [sflag:$0x1], $0x4, s30, s11, $0xb8;
	[tilespmem:$0xCF18] =	vst v63  }
0x1ca: {  	_ =	swait.ge [sflag:s7], $0x200  }
0x1cb: {  	[sflag:s7] =	ssyncset.done $0x0  }
0x1cc: {  	[sflag:s7] =	ssyncadd.s32 $0xFFFFFE00  }
0x1cd: {  	[spmem:s3] =	stream.indirect.scatter.add.f32 [tilespmem:s6], [sflag:$0x1], $0x1, s30, s11, $0xb8;
	[tilespmem:$0xCF18] =	vst v63  }
0x1ce: {  	_ =	swait.ge [sflag:s7], $0x80  }
0x1cf: {  	[sflag:s7] =	ssyncset.done $0x0  }
0x1d0: {  	s8 =	rddreg [dreg:$0x12];
	[sflag:s7] =	ssyncadd.s32 $0xFFFFFF80  }
0x1d1: {  	[spmem:s2] =	stream.indirect.scatter.add.f32 [tilespmem:s8], [sflag:$0x1], $0x4, s31, s11, $0xb8;
	[tilespmem:$0xCF18] =	vst v63  }
0x1d2: {  	_ =	swait.ge [sflag:s7], $0x200  }
0x1d3: {  	[sflag:s7] =	ssyncset.done $0x0  }
0x1d4: {  	[sflag:s7] =	ssyncadd.s32 $0xFFFFFE00  }
0x1d5: {  	[spmem:s3] =	stream.indirect.scatter.add.f32 [tilespmem:s6], [sflag:$0x1], $0x1, s31, s11, $0xb8;
	[tilespmem:$0xCF18] =	vst v63  }
0x1d6: {  	_ =	swait.ge [sflag:s7], $0x80  }
0x1d7: {  	[sflag:s7] =	ssyncset.done $0x0  }
0x1d8: {  	s0 =	sadd.s32 $0x1, s0;
	[sflag:s7] =	ssyncadd.s32 $0xFFFFFF80  }
0x1d9: {  	[spmem:s2] =	stream.indirect.scatter.add.f32 [tilespmem:s20], [sflag:$0x1], $0x4, s18, s11, $0xb8;
	[tilespmem:$0xCF18] =	vst v63  }
0x1da: {  	p3 =	slt.u32 s0, s21;
	_ =	swait.ge [sflag:s7], $0x200  }
.Ltmp7:
0x1db: {  	[sflag:s7] =	ssyncset.done $0x0;
	(pc) =	sbr.rel @p3 .LBB2_7-.Ltmp7, $4  }
0x1dc: {  	[sflag:s7] =	ssyncadd.s32 $0xFFFFFE00  }
0x1dd: {  	[spmem:s3] =	stream.indirect.scatter.add.f32 [tilespmem:s6], [sflag:$0x1], $0x1, s18, s11, $0xb8;
	[tilespmem:$0xCF18] =	vst v63  }
0x1de: {  	_ =	swait.ge [sflag:s7], $0x80  }
0x1df: {  	s1 =	sadd.s32 $0x100, s1;
	[sflag:s7] =	ssyncset.done $0x0  }
.Ltmp8:
0x1e0: {  	_ = 	snop;
	(pc) =	sbr.rel .LBB2_8-.Ltmp8, $1  }
0x1e1: {  	_ =	sdelay $0x3  }
.LBB2_10:
0x1e2: {  	_ =	sfence.sel $0x180000  }
0x1e3: {  	[bflag:$0x0] =	sbarrier.arrive $0xFFFF  }
0x1e4: {  	_ =	strace $0x90000047  }
0x1e5: {  	s0 =	stileid.u32;
	[bflag:$0x2] =	sbarrier.arrive $0xFFFF  }
0x1e6: {  	p0 =	sne.s32 s0, $0x0;
	s0 =	rddreg [dreg:$0x4]  }
0x1e7: {  	s0 =	sadd.s32 @!p0 $0x100000, s0  }
0x1e8: {  	[sflag:s0] =	ssyncadd.tile.s32 @!p0 $0x1;
	_ =	shalt  }
.Lfunc_end2:
_tile_overlayer_lowered:
.L_overlay_start_2:
0x1e9: {  	(tag) =	ssettag $0x2  }
0x1ea: {  	s0 =	rddreg [dreg:$0x0];
	s2 =	stileid.u32  }
0x1eb: {  	s1 =	rddreg [dreg:$0x1];
	p0 =	sne.s32 s2, $0x0  }
0x1ec: {  	s3 =	rddreg [dreg:$0x2];
	[bflag:$0x3] =	sbarrier.arrive $0xFFFF;
	s2 =	simm.s32 @!p0 $0x1C01  }
0x1ed: {  	[timem:s3], [sflag:s2] =	dma.local @!p0 [hbm:s0], s1  }
0x1ee: {  	s0 =	simm.s32 @!p0 $0x1  }
0x1ef: {  	_ =	swait.ge @!p0 [sflag:s0], s1  }
0x1f0: {  	s1 =	ssub.s32 @!p0 $0x0, s1;
	[sflag:s0] =	ssyncset.done @!p0 $0x0  }
0x1f1: {  	[sflag:s0] =	ssyncadd.s32 @!p0 s1  }
0x1f2: {  	[bflag:$0x3] =	sbarrier.arrive $0xFFFF  }
0x1f3: {  	_ =	shalt  }

// kernel: kernel.8.cloned.1.call-start
scs
__scs_entry_jumppad:
0x0: {  	(pc) =	sbr.rel $0x88, $3  }
0x1: {  	(tag) =	ssettag $0x0;
	lr =	simm.s32 $0x1  }
0x2: {  	[smem:$0x3F94] =	sst lr;
	_ =	strace $0xD0000000  }
0x3: {  	_ = 	snop  }
0x4: {  	_ = 	snop  }
0x5: {  	_ = 	snop  }
0x6: {  	_ = 	snop  }
0x7: {  	_ = 	snop  }
__scs_overlays_trampoline_lowered:
0x8: {  	[smem:$0x3FA3] =	sst s0  }
0x9: {  	[smem:$0x3FA4] =	sst s1  }
0xa: {  	[smem:$0x3FA5] =	sst s2  }
0xb: {  	[smem:$0x3FA6] =	sst s3  }
0xc: {  	[smem:$0x3FA7] =	sst s4  }
0xd: {  	[smem:$0x3FA8] =	sst s5  }
0xe: {  	[smem:$0x3FA9] =	sst s6  }
0xf: {  	[smem:$0x3FAA] =	sst s7  }
0x10: {  	[smem:$0x3FAB] =	sst s8  }
0x11: {  	[smem:$0x3FAC] =	sst s9;
	s0 =	simm.s32 @!p0 $0x0  }
0x12: {  	s1 =	sld [smem:$0x3F92];
	s0 =	simm.s32 @p0 $0x1  }
0x13: {  	[smem:$0x3FAD] =	sst s0;
	s0 =	simm.s32 @!p1 $0x0  }
0x14: {  	s2 =	sld [smem:$0x3F91];
	s0 =	simm.s32 @p1 $0x1  }
0x15: {  	[smem:$0x3FAE] =	sst s0;
	s0 =	simm.s32 @!p2 $0x0  }
0x16: {  	s3 =	sld [smem:$0x3FDB];
	s0 =	simm.s32 @p2 $0x1  }
0x17: {  	s4 =	simm.s32 $0x1BF5;
	[smem:$0x3FB0] =	sst s0  }
0x18: {  	s0 =	sld [smem:$0x3F93];
	_ =	swait.ge [sflag:s4], $0x0  }
0x19: {  	s7 =	sld [smem:$0x3F94]  }
0x1a: {  	s8 =	sadd.s32 $0xFFFFE003, lr  }
0x1b: {  	s9 =	sadd.s32 $0xFFFFFEF7, lr;
	s5 =	simm.s32 $0xFFFFFFFF;
	p2 =	slt.u32 s8, $0xFFFFF086  }
0x1c: {  	p1 =	slt.u32 s9, $0xF7A;
	s5 =	simm.s32 @!p2 $0x0  }
0x1d: {  	s5 =	simm.s32 @p1 $0x1;
	p0 =	seq.s32 s7, s2  }
0x1e: {  	s7 =	smul.u32 @!p0 $0xF7A, s2;
	p2 =	seq.s32 @!p0 s5, $0x0  }
0x1f: {  	s9 =	smul.u32 $0xF7A, s1;
	s8 =	simm.s32 @!p0 $0x1BF5;
	p2 =	por !p2, p0  }
0x20: {  	[sflag:s8] =	ssyncset.s32 @!p0 $0xFFFFF086;
	s6 =	sadd.s32 @!p0 s3, s7;
	s7 =	simm.s32 @!p0 $0x108  }
0x21: {  	s3 =	sadd.s32 s3, s9;
	s6 =	sadd.s32 @!p0 $0x88, s6;
	s7 =	simm.s32 @p2 $0x1082  }
0x22: {  	[simem:s7], [sflag:s8] =	dma.local @!p0 [hbm:s6], $0xF7A  }
0x23: {  	s9 =	sor.u32 $0xD0000000, s2;
	s6 =	simm.s32 $0x108;
	_ =	swait.ge @!p0 [sflag:s8], $0x0  }
0x24: {  	s3 =	sadd.s32 $0x88, s3;
	s6 =	simm.s32 @!p1 $0x1082;
	[sflag:s4] =	ssyncset.s32 $0xFFFFF086  }
0x25: {  	[simem:s6], [sflag:s4] =	dma.local [hbm:s3], $0xF7A  }
0x26: {  	[smem:$0x3F94] =	sst s1;
	(tag) =	ssettag s2;
	_ =	strace s9  }
0x27: {  	s1 =	sld [smem:$0x3FA4]  }
0x28: {  	s2 =	sld [smem:$0x3FA5]  }
0x29: {  	s4 =	sld [smem:$0x3FA7]  }
0x2a: {  	p0 =	seq.s32 s5, $0x0;
	s5 =	sld [smem:$0x3FA8]  }
0x2b: {  	s6 =	sld [smem:$0x3FA9]  }
0x2c: {  	s7 =	sld [smem:$0x3FAA]  }
0x2d: {  	s3 =	simm.s32 $0x108;
	s8 =	sld [smem:$0x3FAB]  }
0x2e: {  	s3 =	simm.s32 @!p0 $0x1082;
	s9 =	sld [smem:$0x3FAC]  }
0x2f: {  	lr =	sadd.s32 s0, s3;
	s0 =	sld [smem:$0x3FA3]  }
0x30: {  	s3 =	sld [smem:$0x3FA6]  }
0x31: {  	[smem:$0x3FAF] =	sst s10  }
0x32: {  	s10 =	sld [smem:$0x3FAD];
	_ =	sdelay $0x3  }
0x33: {  	p0 =	seq.s32 s10, $0x1;
	s10 =	sld [smem:$0x3FAF];
	_ =	sdelay $0x3  }
0x34: {  	[smem:$0x3FAF] =	sst s10  }
0x35: {  	s10 =	sld [smem:$0x3FAE];
	_ =	sdelay $0x3  }
0x36: {  	p1 =	seq.s32 s10, $0x1;
	s10 =	sld [smem:$0x3FAF];
	_ =	sdelay $0x3  }
0x37: {  	[smem:$0x3FAF] =	sst s10  }
0x38: {  	s10 =	sld [smem:$0x3FB0]  }
0x39: {  	_ = 	snop;
	(pc) =	sbr.ind lr, $3  }
0x3a: {  	_ = 	snop  }
0x3b: {  	_ = 	snop  }
0x3c: {  	p2 =	seq.s32 s10, $0x1;
	s10 =	sld [smem:$0x3FAF]  }
0x3d: {  	_ =	shalt  }
0x3e: {  	_ =	shalt  }
0x3f: {  	_ =	shalt  }
0x40: {  	_ =	shalt  }
0x41: {  	_ =	shalt  }
0x42: {  	_ =	shalt  }
0x43: {  	_ =	shalt  }
0x44: {  	_ =	shalt  }
0x45: {  	_ =	shalt  }
0x46: {  	_ =	shalt  }
0x47: {  	_ =	shalt  }
0x48: {  	_ =	shalt  }
0x49: {  	_ =	shalt  }
0x4a: {  	_ =	shalt  }
0x4b: {  	_ =	shalt  }
0x4c: {  	_ =	shalt  }
0x4d: {  	_ =	shalt  }
0x4e: {  	_ =	shalt  }
0x4f: {  	_ =	shalt  }
0x50: {  	_ =	shalt  }
0x51: {  	_ =	shalt  }
0x52: {  	_ =	shalt  }
0x53: {  	_ =	shalt  }
0x54: {  	_ =	shalt  }
0x55: {  	_ =	shalt  }
0x56: {  	_ =	shalt  }
0x57: {  	_ =	shalt  }
0x58: {  	_ =	shalt  }
0x59: {  	_ =	shalt  }
0x5a: {  	_ =	shalt  }
0x5b: {  	_ =	shalt  }
0x5c: {  	_ =	shalt  }
0x5d: {  	_ =	shalt  }
0x5e: {  	_ =	shalt  }
0x5f: {  	_ =	shalt  }
0x60: {  	_ =	shalt  }
0x61: {  	_ =	shalt  }
0x62: {  	_ =	shalt  }
0x63: {  	_ =	shalt  }
0x64: {  	_ =	shalt  }
0x65: {  	_ =	shalt  }
0x66: {  	_ =	shalt  }
0x67: {  	_ =	shalt  }
0x68: {  	_ =	shalt  }
0x69: {  	_ =	shalt  }
0x6a: {  	_ =	shalt  }
0x6b: {  	_ =	shalt  }
0x6c: {  	_ =	shalt  }
0x6d: {  	_ =	shalt  }
0x6e: {  	_ =	shalt  }
0x6f: {  	_ =	shalt  }
0x70: {  	_ =	shalt  }
0x71: {  	_ =	shalt  }
0x72: {  	_ =	shalt  }
0x73: {  	_ =	shalt  }
0x74: {  	_ =	shalt  }
0x75: {  	_ =	shalt  }
0x76: {  	_ =	shalt  }
0x77: {  	_ =	shalt  }
0x78: {  	_ =	shalt  }
0x79: {  	_ =	shalt  }
0x7a: {  	_ =	shalt  }
0x7b: {  	_ =	shalt  }
0x7c: {  	_ =	shalt  }
0x7d: {  	_ =	shalt  }
0x7e: {  	_ =	shalt  }
0x7f: {  	_ =	shalt  }
0x80: {  	_ =	shalt  }
0x81: {  	_ =	shalt  }
0x82: {  	_ =	shalt  }
0x83: {  	_ =	shalt  }
0x84: {  	_ =	shalt  }
0x85: {  	_ =	shalt  }
0x86: {  	_ =	shalt  }
0x87: {  	_ =	shalt  }
.Lfunc_end0:
.L_simem_size_0:
called_computation.1_lowered:
.L_overlay_start_0:
0x88: {  	s2 =	sld [smem:$0x3FD9]  }
0x89: {  	s3 =	sld [smem:$0x3FFE];
	_ =	sdelay $0x1  }
0x8a: {  	s1 =	srdreg.scid  }
0x8b: {  	s0 =	sand.u32 $0x1, s1  }
0x8c: {  	s17 =	sshll.u32 s0, $0xA;
	s2 =	sadd.s32 s3, s2  }
0x8d: {  	s2 =	sadd.s32 s2, s17  }
0x8e: {  	[smem:$0x3FBB] =	sst s2  }
0x8f: {  	_ = 	snop  }
0x90: {  	(tm) =	ssettm $0x1  }
0x91: {  	s18 =	sld [smem:$0x3FFB];
	_ =	sdelay $0x3  }
0x92: {  	_ =	strace s18  }
0x93: {  	s2 =	sld [smem:$0x3FFC];
	_ =	sdelay $0x3  }
0x94: {  	_ =	strace s2  }
0x95: {  	s2 =	sld [smem:$0x3FFD];
	_ =	sdelay $0x3  }
0x96: {  	_ =	strace s2  }
0x97: {  	_ =	strace $0x8FFFFFFF  }
0x98: {  	s19 =	sld [smem:$0x3FDB];
	_ =	sdelay $0x1  }
0x99: {  	s20 =	simm.s32 $_scs_section_size  }
0x9a: {  	s4 =	simm.s32 $_size__tile_overlayer_lowered;
	s5 =	simm.s32 $_tile_overlayer_lowered  }
0x9b: {  	s6 =	simm.s32 $0x1BFF;
	s21 =	sshll.u32 s5, $0x1;
	s3 =	sadd.s32 s20, s19  }
0x9c: {  	s22 =	simm.s32 $0x0;
	s4 =	sshll.u32 s4, $0x1;
	s5 =	sadd.s32 s21, s3  }
0x9d: {  	[timem:s22], [sflag:s6] =	dma.local [hbm:s5], s4  }
0x9e: {  	_ =	swait.ge [sflag:s6], s4  }
0x9f: {  	s4 =	ssub.s32 $0x0, s4;
	[sflag:s6] =	ssyncset.done $0x0  }
0xa0: {  	[sflag:s6] =	ssyncadd.s32 s4;
	_ =	sdelay $0x1  }
0xa1: {  	s23 =	simm.s32 $0x1B8B  }
0xa2: {  	_ =	swait.ge [sflag:s23], $0x1  }
0xa3: {  	[sflag:s23] =	ssyncset.done $0x0  }
0xa4: {  	[sflag:s23] =	ssyncadd.s32 $0xFFFFFFFF  }
0xa5: {  	s4 =	sld [smem:$0x0]  }
0xa6: {  	s5 =	sand.u32 $0xFFFFFFFE, s1  }
0xa7: {  	p0 =	sne.s32 s1, s5  }
0xa8: {  	s5 =	sshll.u32 @p0 s5, $0xE  }
0xa9: {  	s5 =	sadd.s32 @p0 $0x11B8D, s5;
	s6 =	sshll.u32 @p0 s4, $0x11  }
0xaa: {  	s5 =	sor.u32 @p0 s6, s5  }
0xab: {  	[sflag:s5] =	ssyncadd.remote.s32 @p0 $0x1;
	_ =	sdelay $0x1  }
0xac: {  	s5 =	simm.s32 @p0 $0x1B8D  }
0xad: {  	_ =	swait.eq @p0 [sflag:s5], $0x1  }
0xae: {  	[sflag:s5] =	ssyncadd.s32 @p0 $0xFFFFFFFF  }
0xaf: {  	s6 =	sshll.u32 @!p0 s1, $0xE  }
0xb0: {  	s6 =	sor.u32 @!p0 $0x4000, s6;
	s5 =	simm.s32 @!p0 $0x1B8D  }
0xb1: {  	s4 =	sshll.u32 @!p0 s4, $0x11;
	s6 =	sadd.s32 @!p0 $0x11B8D, s6;
	_ =	swait.eq @!p0 [sflag:s5], $0x1  }
0xb2: {  	s4 =	sor.u32 @!p0 s4, s6;
	[sflag:s5] =	ssyncadd.s32 @!p0 $0xFFFFFFFF  }
0xb3: {  	s25 =	simm.s32 $0x1B8E;
	s24 =	sld [smem:$0x3FFE];
	[sflag:s4] =	ssyncadd.remote.s32 @!p0 $0x1  }
0xb4: {  	s26 =	simm.s32 $execute0_lowered;
	[smem:$0x3FD2] =	sst s25  }
0xb5: {  	s5 =	sshll.u32 s26, $0x1;
	_ =	strace $0x80000049;
	[dreg:$0x1] =	wrdreg $0xFFFFFFFF  }
0xb6: {  	s28 =	simm.s32 $_size_execute0_lowered;
	s3 =	sadd.s32 s3, s5;
	[dreg:$0x0] =	wrdreg $0x0  }
0xb7: {  	s5 =	sshll.u32 s28, $0x1;
	[dreg:$0x2] =	wrdreg s3  }
0xb8: {  	[dreg:$0x3] =	wrdreg s5  }
0xb9: {  	[dreg:$0x4] =	wrdreg $0xC0  }
0xba: {  	_ =	task [dreg:s22], $0x5FFFF  }
0xbb: {  	[dreg:$0x1] =	wrdreg $0xFFFFFFFF  }
0xbc: {  	[dreg:$0x0] =	wrdreg $0x60  }
0xbd: {  	[dreg:$0x2] =	wrdreg s24  }
0xbe: {  	[dreg:$0x3] =	wrdreg $0xA  }
0xbf: {  	_ =	task.clear_ibuf [dreg:s22], $0x4FFFF;
	_ =	strace $0x90000049  }
0xc0: {  	s29 =	simm.s32 $0xA;
	_ =	strace $0x8000004B  }
0xc1: {  	_ =	swait.ge [sflag:s29], $0x1  }
0xc2: {  	[sflag:s29] =	ssyncadd.s32 $0xFFFFFFFF  }
0xc3: {  	_ =	strace $0x9000004B  }
0xc4: {  	_ =	sfence  }
0xc5: {  	s30 =	sld [smem:$0x0];
	_ =	sdelay $0x2  }
0xc6: {  	s31 =	sshll.u32 s1, $0xD;
	s1 =	sshrl.u32 s1, $0x2  }
0xc7: {  	s4 =	sand.u32 $0x4000, s31;
	s1 =	sadd.s32 s1, s30  }
0xc8: {  	s0 =	sor.u32 s4, s0;
	s1 =	sshll.u32 s1, $0x11  }
0xc9: {  	s0 =	sor.u32 s1, s0  }
0xca: {  	s0 =	sadd.s32 $0x8F2B, s0  }
0xcb: {  	[sflag:s0] =	ssyncadd.remote.s32 $0x1  }
0xcc: {  	_ =	sfence.sel $0xFFFF  }
0xcd: {  	[dreg:$0x0] =	wrdreg $0xFFFFFFFF;
	(pc) =	sbr.abs _section_cstart, $3  }
0xce: {  	[dreg:$0x1] =	wrdreg $0xFFFFFFFF  }
0xcf: {  	_ =	task.clear_ibuf [dreg:s22], $0x2FFFF;
	_ =	strace $0x9FFFFFFF  }
0xd0: {  	(tm) =	ssettm $0x7FFFFFFF  }
0xd1: {  	_ =	shalt  }
tec
execute0_lowered:
.L_overlay_start_1:
0x0: {  	(tag) =	ssettag $0x1  }
0x1: {  	v0 =	vimm.s32 $0xEDCBA987  }
0x2: {  	v1 =	vimm.s32 $0x65432100;
	v2 =	vimm.s32 $0xDCBA9876;
	v0 =	vunpack.c.l.s4.s8 v0  }
0x3: {  	v3 =	vimm.s32 $0x54321000;
	v4 =	vimm.s32 $0x32100000;
	v1 =	vunpack.c.l.s4.s8 v1  }
0x4: {  	s8 =	rddreg [dreg:$0x0];
	v5 =	vimm.s32 $0xE40000;
	v2 =	vunpack.c.l.s4.s8 v2;
	v0 =	vunpack.c.0.s8.s32 v0  }
0x5: {  	s0 =	rddreg [dreg:$0x1];
	s1 =	simm.s32 $0x0;
	v6 =	vimm.s32 $0xFFEDCBA9;
	v3 =	vunpack.c.l.s4.s8 v3;
	v1 =	vunpack.c.0.s8.s32 v1  }
0x6: {  	s2 =	srdreg.scid;
	v7 =	vimm.s32 $0x87654321;
	s16 =	simm.s32 $0x18E70;
	s17 =	simm.s32 $0x0;
	v2 =	vunpack.c.0.s8.s32 v2;
	v0 =	vand.u32 $0xF, v0  }
0x7: {  	[smem:$0x7FF] =	sst s1;
	s9 =	sand.u32 $0x1, s2;
	s3 =	sadd.s32 $0x934200, s8;
	v0 =	vcombine.low v1, v0;
	v1 =	vunpack.c.0.s8.s32 v3;
	v3 =	vimm.s32 $0xBA987654  }
0x8: {  	s2 =	stileid.u32;
	s4 =	sadd.s32 $0x870C00, s8;
	v5 =	vunpack.c.l.s2.s4 v5;
	v4 =	vunpack.c.l.s4.s8 v4;
	s5 =	sshll.u32 s9, $0x4;
	v3 =	vunpack.c.l.s4.s8 v3  }
0x9: {  	s6 =	sadd.s32 $0x7AD600, s8;
	v6 =	vunpack.c.l.s4.s8 v6;
	v7 =	vunpack.c.l.s4.s8 v7;
	s7 =	sadd.s32 $0x6EA000, s8;
	s10 =	sor.u32 s2, s5;
	v2 =	vand.u32 $0xF, v2  }
0xa: {  	s12 =	sadd.s32 $0x9F7800, s8;
	s31 =	ssub.s32 $0x2, s9;
	s11 =	smul.u32 $0x61A80, s10;
	v1 =	vcombine.low v1, v2;
	v2 =	vunpack.c.0.s8.s32 v3;
	v3 =	vunpack.c.l.s4.s8 v5  }
0xb: {  	vm0 =	vcmask $0x3F30;
	_ =	strace $0x8000004A;
	s9 =	sshrl.u32 s31, $0x1;
	s13 =	smul.u32 $0xC350, s10;
	v5 =	vunpack.c.0.s8.s32 v6;
	v6 =	vunpack.c.0.s8.s32 v7  }
0xc: {  	s5 =	sadd.s32 $0x5A00, s8;
	v4 =	vunpack.c.0.s8.s32 v4;
	s14 =	ssub.s32 s31, s9;
	s11 =	sshrl.u32 s11, $0x3;
	v7 =	vimm.s32 $0x7060504;
	v8 =	vunpack.c.0.s8.s32 v3  }
0xd: {  	s8 =	smul.u32 $0x30D40, s10;
	s9 =	sadd.s32 s12, s13;
	s15 =	sadd.s32 s12, s11;
	v7 =	vunpack.c.0.s8.s32 v7;
	v2 =	vand.u32 $0xF, v2;
	v3 =	vcombine.low v6, v5  }
0xe: {  	s13 =	smax.u32 s14, $0x1;
	s14 =	simm.s32 $0x186A0;
	s10 =	sadd.s32 $0x30D4, s15;
	v2 =	vcombine.low v4, v2;
	v4 =	vimm.f32 $-3.399999950e+38;
	v5 =	vand.u32 $0x3, v8  }
0xf: {  	s11 =	sadd.s32 $0x61A8, s15;
	s12 =	sadd.s32 $0x927C, s15;
	s15 =	simm.s32 $0x1;
	v6 =	vand.u32 $0xF, v3;
	v5 =	vsel vm0, v7, v5;
	vm0 =	vcmask $0x3F3C  }
.LBB2_1:
0x10: {  	s18 =	simm.s32 $0x40  }
0x11: {  	[tilespmem:s18+$0xFFFFFFC0] =	vst v4  }
0x12: {  	[tilespmem:s18+$0x30] =	vst v4  }
0x13: {  	[tilespmem:s18+$0x20] =	vst v4  }
0x14: {  	[tilespmem:s18+$0x10] =	vst v4  }
0x15: {  	[tilespmem:s18+$0x0] =	vst v4  }
0x16: {  	[tilespmem:s18+$0xFFFFFFF0] =	vst v4  }
0x17: {  	s19 =	simm.s32 $0x0;
	[tilespmem:s18+$0xFFFFFFE0] =	vst v4  }
.LBB2_2:
0x18: {  	s19 =	sadd.s32 $0x8, s19;
	[tilespmem:s18+$0xFFFFFFD0] =	vst v4;
	s18 =	sadd.s32 $0x80, s18  }
0x19: {  	[tilespmem:s18+$0xFFFFFFC0] =	vst v4;
	p0 =	slt.u32 s19, $0x1860  }
0x1a: {  	[tilespmem:s18+$0x30] =	vst v4  }
.Ltmp0:
0x1b: {  	[tilespmem:s18+$0x20] =	vst v4;
	(pc) =	sbr.rel @p0 .LBB2_2-.Ltmp0, $4  }
0x1c: {  	[tilespmem:s18+$0x10] =	vst v4  }
0x1d: {  	[tilespmem:s18+$0x0] =	vst v4  }
0x1e: {  	[tilespmem:s18+$0xFFFFFFF0] =	vst v4  }
0x1f: {  	[tilespmem:s18+$0xFFFFFFE0] =	vst v4  }
0x20: {  	[tilespmem:s18+$0xFFFFFFD0] =	vst v4  }
0x21: {  	[tilespmem:$0x18680] =	vst v4  }
0x22: {  	s18 =	simm.s32 $0x0;
	[tilespmem:$0x18690] =	vst v4  }
.LBB2_4:
0x23: {  	s19 =	smul.u32 $0x7D0, s18;
	_ =	sdelay $0x1  }
0x24: {  	s19 =	sadd.s32 s8, s19  }
0x25: {  	s19 =	sshrl.u32 s19, $0x3  }
0x26: {  	s20 =	sadd.s32 s5, s19  }
0x27: {  	[tilespmem:s14], [sflag:$0x1] =	stream.linear.gather [hbm4b:s20+s1], $0x7D0, $0x38;
	[tilespmem:$0x19640] =	vst v63  }
0x28: {  	_ =	swait.ge [sflag:s15], $0x7D0  }
0x29: {  	[sflag:s15] =	ssyncset.done $0x0  }
0x2a: {  	s19 =	sadd.s32 s3, s19;
	[sflag:s15] =	ssyncadd.s32 $0xFFFFF830  }
0x2b: {  	[tilespmem:s16], [sflag:$0x1] =	stream.linear.gather [hbm4b:s19+s1], $0x7D0, $0x38;
	[tilespmem:$0x19640] =	vst v63  }
0x2c: {  	_ =	swait.ge [sflag:s15], $0x7D0  }
0x2d: {  	[sflag:s15] =	ssyncset.done $0x0  }
0x2e: {  	s19 =	simm.s32 $0x186B0;
	[sflag:s15] =	ssyncadd.s32 $0xFFFFF830  }
0x2f: {  	s20 =	simm.s32 $0x18E80;
	v7 =	vld [tilespmem:s19+$0xFFFFFFF0]  }
0x30: {  	v8 =	vld [tilespmem:s20+$0xFFFFFFF0];
	_ =	sdelay $0x3  }
0x31: {  	v7 =	vxor.u32 $0x80000000, v7  }
0x32: {  	(xrf1) =	vsort.ascd.msk.u32 $0xffff, v7, v8;
	_ =	sdelay $0xd  }
0x33: {  	v7, v8, _ =	vpop (xrf1)  }
0x34: {  	v7 =	vxor.u32 $0x80000000, v7  }
0x35: {  	v9 =	vperm.xlane v8, v0;
	v10 =	vperm.xlane v7, v0;
	_ =	sdelay $0x1  }
0x36: {  	v11 =	vperm.xlane v7, v6;
	v9 =	vmax.f32 v8, v9;
	vm1 =	veq.s32 v7, v10  }
0x37: {  	v8 =	vsel vm1, v9, v8  }
0x38: {  	v9 =	vperm.xlane v7, v1;
	vm1 =	vne.s32 v7, v11;
	v10 =	vperm.xlane v8, v1  }
0x39: {  	vm1 =	vmor vm1, vm0  }
0x3a: {  	vm2 =	veq.s32 v7, v9;
	v9 =	vmax.f32 v8, v10  }
0x3b: {  	v8 =	vsel vm2, v9, v8  }
0x3c: {  	v9 =	vperm.xlane v7, v2;
	v10 =	vperm.xlane v8, v2;
	_ =	sdelay $0x1  }
0x3d: {  	vm2 =	veq.s32 v7, v9;
	v9 =	vmax.f32 v8, v10  }
0x3e: {  	v10 =	vld.idx.msk [tilespmem:v7+s1+$0x0], vm1;
	v8 =	vsel vm2, v9, v8  }
0x3f: {  	v9 =	vperm.xlane v7, v5;
	v11 =	vperm.xlane v8, v5;
	_ =	sdelay $0x1  }
0x40: {  	vm2 =	veq.s32 v7, v9;
	v9 =	vmax.f32 v8, v11  }
0x41: {  	v8 =	vsel vm2, v9, v8  }
0x42: {  	v8 =	vmax.f32 v10, v8  }
0x43: {  	[tilespmem:v7+s1+$0x0] =	vst.idx.msk vm1, v8  }
0x44: {  	v7 =	vld [tilespmem:s19+$0x0]  }
0x45: {  	v8 =	vld [tilespmem:s20+$0x0];
	_ =	sdelay $0x3  }
0x46: {  	v7 =	vxor.u32 $0x80000000, v7  }
0x47: {  	(xrf1) =	vsort.ascd.msk.u32 $0xffff, v7, v8;
	_ =	sdelay $0xd  }
0x48: {  	v7, v8, _ =	vpop (xrf1)  }
0x49: {  	v7 =	vxor.u32 $0x80000000, v7  }
0x4a: {  	v9 =	vperm.xlane v8, v0;
	v10 =	vperm.xlane v7, v0;
	_ =	sdelay $0x1  }
0x4b: {  	v11 =	vperm.xlane v7, v6;
	v9 =	vmax.f32 v8, v9;
	vm1 =	veq.s32 v7, v10  }
0x4c: {  	v8 =	vsel vm1, v9, v8  }
0x4d: {  	v9 =	vperm.xlane v7, v1;
	vm1 =	vne.s32 v7, v11;
	v10 =	vperm.xlane v8, v1  }
0x4e: {  	vm1 =	vmor vm1, vm0  }
0x4f: {  	vm2 =	veq.s32 v7, v9;
	v9 =	vmax.f32 v8, v10  }
0x50: {  	v8 =	vsel vm2, v9, v8  }
0x51: {  	v9 =	vperm.xlane v7, v2;
	v10 =	vperm.xlane v8, v2;
	_ =	sdelay $0x1  }
0x52: {  	vm2 =	veq.s32 v7, v9;
	v9 =	vmax.f32 v8, v10  }
0x53: {  	v10 =	vld.idx.msk [tilespmem:v7+s1+$0x0], vm1;
	v8 =	vsel vm2, v9, v8  }
0x54: {  	v9 =	vperm.xlane v7, v5;
	v11 =	vperm.xlane v8, v5;
	_ =	sdelay $0x1  }
0x55: {  	vm2 =	veq.s32 v7, v9;
	v9 =	vmax.f32 v8, v11  }
0x56: {  	v8 =	vsel vm2, v9, v8  }
0x57: {  	s21 =	simm.s32 $0x0;
	v8 =	vmax.f32 v10, v8  }
.LBB2_5:
0x58: {  	s21 =	sadd.s32 $0x2, s21;
	[tilespmem:v7+s1+$0x0] =	vst.idx.msk vm1, v8;
	s19 =	sadd.s32 $0x20, s19;
	s20 =	sadd.s32 $0x20, s20  }
0x59: {  	v7 =	vld [tilespmem:s19+$0xFFFFFFF0];
	p0 =	slt.u32 s21, $0x7A  }
0x5a: {  	v8 =	vld [tilespmem:s20+$0xFFFFFFF0];
	_ =	sdelay $0x3  }
0x5b: {  	v7 =	vxor.u32 $0x80000000, v7  }
0x5c: {  	(xrf1) =	vsort.ascd.msk.u32 $0xffff, v7, v8;
	_ =	sdelay $0xd  }
0x5d: {  	v7, v8, _ =	vpop (xrf1)  }
0x5e: {  	v7 =	vxor.u32 $0x80000000, v7;
	v9 =	vperm.xlane v8, v0  }
0x5f: {  	v10 =	vperm.xlane v7, v0;
	v11 =	vperm.xlane v7, v6  }
0x60: {  	v12 =	vperm.xlane v7, v1;
	v13 =	vperm.xlane v7, v2;
	v9 =	vmax.f32 v8, v9  }
0x61: {  	vm1 =	veq.s32 v7, v10;
	v10 =	vperm.xlane v7, v5;
	vm2 =	vne.s32 v7, v11  }
0x62: {  	vm3 =	veq.s32 v7, v13;
	v8 =	vsel vm1, v9, v8;
	vm1 =	veq.s32 v7, v12  }
0x63: {  	vm2 =	vmor vm2, vm0;
	v9 =	vperm.xlane v8, v1;
	vm4 =	veq.s32 v7, v10;
	_ =	sdelay $0x1  }
0x64: {  	v9 =	vmax.f32 v8, v9  }
0x65: {  	v8 =	vsel vm1, v9, v8  }
0x66: {  	v9 =	vperm.xlane v8, v2;
	_ =	sdelay $0x1  }
0x67: {  	v9 =	vmax.f32 v8, v9;
	v10 =	vld.idx.msk [tilespmem:v7+s1+$0x0], vm2  }
0x68: {  	v8 =	vsel vm3, v9, v8  }
0x69: {  	v9 =	vperm.xlane v8, v5;
	_ =	sdelay $0x1  }
0x6a: {  	v9 =	vmax.f32 v8, v9  }
0x6b: {  	v8 =	vsel vm4, v9, v8  }
0x6c: {  	v8 =	vmax.f32 v10, v8  }
0x6d: {  	[tilespmem:v7+s1+$0x0] =	vst.idx.msk vm2, v8  }
0x6e: {  	v7 =	vld [tilespmem:s19+$0x0]  }
0x6f: {  	v8 =	vld [tilespmem:s20+$0x0];
	_ =	sdelay $0x3  }
0x70: {  	v7 =	vxor.u32 $0x80000000, v7  }
0x71: {  	(xrf1) =	vsort.ascd.msk.u32 $0xffff, v7, v8;
	_ =	sdelay $0xd  }
0x72: {  	v7, v8, _ =	vpop (xrf1)  }
0x73: {  	v7 =	vxor.u32 $0x80000000, v7;
	v9 =	vperm.xlane v8, v0  }
0x74: {  	v10 =	vperm.xlane v7, v0;
	v11 =	vperm.xlane v7, v6  }
0x75: {  	v12 =	vperm.xlane v7, v1;
	v13 =	vperm.xlane v7, v2;
	v9 =	vmax.f32 v8, v9  }
0x76: {  	vm1 =	veq.s32 v7, v10;
	v10 =	vperm.xlane v7, v5;
	vm2 =	vne.s32 v7, v11  }
0x77: {  	vm3 =	veq.s32 v7, v12;
	vm4 =	veq.s32 v7, v13;
	v8 =	vsel vm1, v9, v8  }
0x78: {  	vm1 =	vmor vm2, vm0;
	v9 =	vperm.xlane v8, v1;
	vm5 =	veq.s32 v7, v10;
	_ =	sdelay $0x1  }
0x79: {  	v9 =	vmax.f32 v8, v9  }
0x7a: {  	v8 =	vsel vm3, v9, v8  }
0x7b: {  	v9 =	vperm.xlane v8, v2;
	_ =	sdelay $0x1  }
0x7c: {  	v9 =	vmax.f32 v8, v9;
	v10 =	vld.idx.msk [tilespmem:v7+s1+$0x0], vm1  }
0x7d: {  	v8 =	vsel vm4, v9, v8  }
.Ltmp1:
0x7e: {  	v9 =	vperm.xlane v8, v5;
	(pc) =	sbr.rel @p0 .LBB2_5-.Ltmp1, $4  }
0x7f: {  	_ = 	snop  }
0x80: {  	v9 =	vmax.f32 v8, v9  }
0x81: {  	v8 =	vsel vm5, v9, v8  }
0x82: {  	v8 =	vmax.f32 v10, v8  }
0x83: {  	_ =	sdelay $0x4  }
0x84: {  	[tilespmem:v7+s1+$0x0] =	vst.idx.msk vm1, v8  }
0x85: {  	v7 =	vld [tilespmem:$0x18E60]  }
0x86: {  	v8 =	vld [tilespmem:$0x19630];
	_ =	sdelay $0x3  }
0x87: {  	v7 =	vxor.u32 $0x80000000, v7  }
0x88: {  	(xrf1) =	vsort.ascd.msk.u32 $0xffff, v7, v8;
	_ =	sdelay $0xd  }
0x89: {  	v7, v8, _ =	vpop (xrf1)  }
0x8a: {  	v7 =	vxor.u32 $0x80000000, v7  }
0x8b: {  	v10 =	vperm.xlane v8, v0;
	v9 =	vperm.xlane v7, v0;
	_ =	sdelay $0x1  }
0x8c: {  	v54 =	vperm.xlane v7, v3;
	v53 =	vmax.f32 v8, v10;
	vm1 =	veq.s32 v7, v9  }
0x8d: {  	v8 =	vsel vm1, v53, v8  }
0x8e: {  	v55 =	vperm.xlane v7, v1;
	vm1 =	vne.s32 v7, v54;
	v11 =	vperm.xlane v8, v1  }
0x8f: {  	vm1 =	vmor vm1, vm0  }
0x90: {  	vm2 =	veq.s32 v7, v55;
	v56 =	vmax.f32 v8, v11  }
0x91: {  	v8 =	vsel vm2, v56, v8  }
0x92: {  	v57 =	vperm.xlane v7, v2;
	v58 =	vperm.xlane v8, v2;
	_ =	sdelay $0x1  }
0x93: {  	vm2 =	veq.s32 v7, v57;
	v59 =	vmax.f32 v8, v58  }
0x94: {  	s18 =	sadd.s32 $0x1, s18;
	v60 =	vld.idx.msk [tilespmem:v7+s1+$0x0], vm1;
	v8 =	vsel vm2, v59, v8  }
0x95: {  	p0 =	sne.s32 s18, $0x64;
	v61 =	vperm.xlane v7, v5;
	v62 =	vperm.xlane v8, v5  }
.Ltmp2:
0x96: {  	_ = 	snop;
	(pc) =	sbr.rel @p0 .LBB2_4-.Ltmp2, $4  }
0x97: {  	vm2 =	veq.s32 v7, v61;
	v63 =	vmax.f32 v8, v62  }
0x98: {  	v8 =	vsel vm2, v63, v8  }
0x99: {  	v8 =	vmax.f32 v60, v8  }
0x9a: {  	[tilespmem:v7+s1+$0x0] =	vst.idx.msk vm1, v8  }
0x9b: {  	[hbm4b:s9+s1] =	stream.linear.scatter [tilespmem:s1], [sflag:$0x1], $0x186A0, $0x38;
	[tilespmem:$0x19640] =	vst v63  }
0x9c: {  	_ =	swait.ge [sflag:s15], $0x186A0  }
0x9d: {  	[sflag:s15] =	ssyncset.done $0x0  }
0x9e: {  	s18 =	simm.s32 $0x40;
	[sflag:s15] =	ssyncadd.s32 $0xFFFE7960  }
0x9f: {  	[tilespmem:s18+$0xFFFFFFC0] =	vst v4  }
0xa0: {  	[tilespmem:s18+$0x30] =	vst v4  }
0xa1: {  	[tilespmem:s18+$0x20] =	vst v4  }
0xa2: {  	[tilespmem:s18+$0x10] =	vst v4  }
0xa3: {  	[tilespmem:s18+$0x0] =	vst v4  }
0xa4: {  	[tilespmem:s18+$0xFFFFFFF0] =	vst v4  }
0xa5: {  	s19 =	simm.s32 $0x0;
	[tilespmem:s18+$0xFFFFFFE0] =	vst v4  }
.LBB2_8:
0xa6: {  	s19 =	sadd.s32 $0x8, s19;
	[tilespmem:s18+$0xFFFFFFD0] =	vst v4;
	s18 =	sadd.s32 $0x80, s18  }
0xa7: {  	[tilespmem:s18+$0xFFFFFFC0] =	vst v4;
	p0 =	slt.u32 s19, $0x1860  }
0xa8: {  	[tilespmem:s18+$0x30] =	vst v4  }
.Ltmp3:
0xa9: {  	[tilespmem:s18+$0x20] =	vst v4;
	(pc) =	sbr.rel @p0 .LBB2_8-.Ltmp3, $4  }
0xaa: {  	[tilespmem:s18+$0x10] =	vst v4  }
0xab: {  	[tilespmem:s18+$0x0] =	vst v4  }
0xac: {  	[tilespmem:s18+$0xFFFFFFF0] =	vst v4  }
0xad: {  	[tilespmem:s18+$0xFFFFFFE0] =	vst v4  }
0xae: {  	[tilespmem:s18+$0xFFFFFFD0] =	vst v4  }
0xaf: {  	[tilespmem:$0x18680] =	vst v4  }
0xb0: {  	s18 =	simm.s32 $0x0;
	[tilespmem:$0x18690] =	vst v4  }
.LBB2_10:
0xb1: {  	s19 =	smul.u32 $0x7D0, s18;
	_ =	sdelay $0x1  }
0xb2: {  	s19 =	sadd.s32 s8, s19  }
0xb3: {  	s19 =	sshrl.u32 s19, $0x3  }
0xb4: {  	s20 =	sadd.s32 s5, s19  }
0xb5: {  	[tilespmem:s14], [sflag:$0x1] =	stream.linear.gather [hbm4b:s20+s1], $0x7D0, $0x38;
	[tilespmem:$0x19640] =	vst v63  }
0xb6: {  	_ =	swait.ge [sflag:s15], $0x7D0  }
0xb7: {  	[sflag:s15] =	ssyncset.done $0x0  }
0xb8: {  	s19 =	sadd.s32 s4, s19;
	[sflag:s15] =	ssyncadd.s32 $0xFFFFF830  }
0xb9: {  	[tilespmem:s16], [sflag:$0x1] =	stream.linear.gather [hbm4b:s19+s1], $0x7D0, $0x38;
	[tilespmem:$0x19640] =	vst v63  }
0xba: {  	_ =	swait.ge [sflag:s15], $0x7D0  }
0xbb: {  	[sflag:s15] =	ssyncset.done $0x0  }
0xbc: {  	s19 =	simm.s32 $0x186B0;
	[sflag:s15] =	ssyncadd.s32 $0xFFFFF830  }
0xbd: {  	s20 =	simm.s32 $0x18E80;
	v7 =	vld [tilespmem:s19+$0xFFFFFFF0]  }
0xbe: {  	v8 =	vld [tilespmem:s20+$0xFFFFFFF0];
	_ =	sdelay $0x3  }
0xbf: {  	v7 =	vxor.u32 $0x80000000, v7  }
0xc0: {  	(xrf1) =	vsort.ascd.msk.u32 $0xffff, v7, v8;
	_ =	sdelay $0xd  }
0xc1: {  	v7, v8, _ =	vpop (xrf1)  }
0xc2: {  	v7 =	vxor.u32 $0x80000000, v7  }
0xc3: {  	v9 =	vperm.xlane v8, v0;
	v10 =	vperm.xlane v7, v0;
	_ =	sdelay $0x1  }
0xc4: {  	v11 =	vperm.xlane v7, v6;
	v9 =	vmax.f32 v8, v9;
	vm1 =	veq.s32 v7, v10  }
0xc5: {  	v8 =	vsel vm1, v9, v8  }
0xc6: {  	v9 =	vperm.xlane v7, v1;
	vm1 =	vne.s32 v7, v11;
	v10 =	vperm.xlane v8, v1  }
0xc7: {  	vm1 =	vmor vm1, vm0  }
0xc8: {  	vm2 =	veq.s32 v7, v9;
	v9 =	vmax.f32 v8, v10  }
0xc9: {  	v8 =	vsel vm2, v9, v8  }
0xca: {  	v9 =	vperm.xlane v7, v2;
	v10 =	vperm.xlane v8, v2;
	_ =	sdelay $0x1  }
0xcb: {  	vm2 =	veq.s32 v7, v9;
	v9 =	vmax.f32 v8, v10  }
0xcc: {  	v10 =	vld.idx.msk [tilespmem:v7+s1+$0x0], vm1;
	v8 =	vsel vm2, v9, v8  }
0xcd: {  	v9 =	vperm.xlane v7, v5;
	v11 =	vperm.xlane v8, v5;
	_ =	sdelay $0x1  }
0xce: {  	vm2 =	veq.s32 v7, v9;
	v9 =	vmax.f32 v8, v11  }
0xcf: {  	v8 =	vsel vm2, v9, v8  }
0xd0: {  	v8 =	vmax.f32 v10, v8  }
0xd1: {  	[tilespmem:v7+s1+$0x0] =	vst.idx.msk vm1, v8  }
0xd2: {  	v7 =	vld [tilespmem:s19+$0x0]  }
0xd3: {  	v8 =	vld [tilespmem:s20+$0x0];
	_ =	sdelay $0x3  }
0xd4: {  	v7 =	vxor.u32 $0x80000000, v7  }
0xd5: {  	(xrf1) =	vsort.ascd.msk.u32 $0xffff, v7, v8;
	_ =	sdelay $0xd  }
0xd6: {  	v7, v8, _ =	vpop (xrf1)  }
0xd7: {  	v7 =	vxor.u32 $0x80000000, v7  }
0xd8: {  	v9 =	vperm.xlane v8, v0;
	v10 =	vperm.xlane v7, v0;
	_ =	sdelay $0x1  }
0xd9: {  	v11 =	vperm.xlane v7, v6;
	v9 =	vmax.f32 v8, v9;
	vm1 =	veq.s32 v7, v10  }
0xda: {  	v8 =	vsel vm1, v9, v8  }
0xdb: {  	v9 =	vperm.xlane v7, v1;
	vm1 =	vne.s32 v7, v11;
	v10 =	vperm.xlane v8, v1  }
0xdc: {  	vm1 =	vmor vm1, vm0  }
0xdd: {  	vm2 =	veq.s32 v7, v9;
	v9 =	vmax.f32 v8, v10  }
0xde: {  	v8 =	vsel vm2, v9, v8  }
0xdf: {  	v9 =	vperm.xlane v7, v2;
	v10 =	vperm.xlane v8, v2;
	_ =	sdelay $0x1  }
0xe0: {  	vm2 =	veq.s32 v7, v9;
	v9 =	vmax.f32 v8, v10  }
0xe1: {  	v10 =	vld.idx.msk [tilespmem:v7+s1+$0x0], vm1;
	v8 =	vsel vm2, v9, v8  }
0xe2: {  	v9 =	vperm.xlane v7, v5;
	v11 =	vperm.xlane v8, v5;
	_ =	sdelay $0x1  }
0xe3: {  	vm2 =	veq.s32 v7, v9;
	v9 =	vmax.f32 v8, v11  }
0xe4: {  	v8 =	vsel vm2, v9, v8  }
0xe5: {  	s21 =	simm.s32 $0x0;
	v8 =	vmax.f32 v10, v8  }
.LBB2_11:
0xe6: {  	s21 =	sadd.s32 $0x2, s21;
	[tilespmem:v7+s1+$0x0] =	vst.idx.msk vm1, v8;
	s19 =	sadd.s32 $0x20, s19;
	s20 =	sadd.s32 $0x20, s20  }
0xe7: {  	v7 =	vld [tilespmem:s19+$0xFFFFFFF0];
	p0 =	slt.u32 s21, $0x7A  }
0xe8: {  	v8 =	vld [tilespmem:s20+$0xFFFFFFF0];
	_ =	sdelay $0x3  }
0xe9: {  	v7 =	vxor.u32 $0x80000000, v7  }
0xea: {  	(xrf1) =	vsort.ascd.msk.u32 $0xffff, v7, v8;
	_ =	sdelay $0xd  }
0xeb: {  	v7, v8, _ =	vpop (xrf1)  }
0xec: {  	v7 =	vxor.u32 $0x80000000, v7;
	v9 =	vperm.xlane v8, v0  }
0xed: {  	v10 =	vperm.xlane v7, v0;
	v11 =	vperm.xlane v7, v6  }
0xee: {  	v12 =	vperm.xlane v7, v1;
	v13 =	vperm.xlane v7, v2;
	v9 =	vmax.f32 v8, v9  }
0xef: {  	vm1 =	veq.s32 v7, v10;
	v10 =	vperm.xlane v7, v5;
	vm2 =	vne.s32 v7, v11  }
0xf0: {  	vm3 =	veq.s32 v7, v13;
	v8 =	vsel vm1, v9, v8;
	vm1 =	veq.s32 v7, v12  }
0xf1: {  	vm2 =	vmor vm2, vm0;
	v9 =	vperm.xlane v8, v1;
	vm4 =	veq.s32 v7, v10;
	_ =	sdelay $0x1  }
0xf2: {  	v9 =	vmax.f32 v8, v9  }
0xf3: {  	v8 =	vsel vm1, v9, v8  }
0xf4: {  	v9 =	vperm.xlane v8, v2;
	_ =	sdelay $0x1  }
0xf5: {  	v9 =	vmax.f32 v8, v9;
	v10 =	vld.idx.msk [tilespmem:v7+s1+$0x0], vm2  }
0xf6: {  	v8 =	vsel vm3, v9, v8  }
0xf7: {  	v9 =	vperm.xlane v8, v5;
	_ =	sdelay $0x1  }
0xf8: {  	v9 =	vmax.f32 v8, v9  }
0xf9: {  	v8 =	vsel vm4, v9, v8  }
0xfa: {  	v8 =	vmax.f32 v10, v8  }
0xfb: {  	[tilespmem:v7+s1+$0x0] =	vst.idx.msk vm2, v8  }
0xfc: {  	v7 =	vld [tilespmem:s19+$0x0]  }
0xfd: {  	v8 =	vld [tilespmem:s20+$0x0];
	_ =	sdelay $0x3  }
0xfe: {  	v7 =	vxor.u32 $0x80000000, v7  }
0xff: {  	(xrf1) =	vsort.ascd.msk.u32 $0xffff, v7, v8;
	_ =	sdelay $0xd  }
0x100: {  	v7, v8, _ =	vpop (xrf1)  }
0x101: {  	v7 =	vxor.u32 $0x80000000, v7;
	v9 =	vperm.xlane v8, v0  }
0x102: {  	v10 =	vperm.xlane v7, v0;
	v11 =	vperm.xlane v7, v6  }
0x103: {  	v12 =	vperm.xlane v7, v1;
	v13 =	vperm.xlane v7, v2;
	v9 =	vmax.f32 v8, v9  }
0x104: {  	vm1 =	veq.s32 v7, v10;
	v10 =	vperm.xlane v7, v5;
	vm2 =	vne.s32 v7, v11  }
0x105: {  	vm3 =	veq.s32 v7, v12;
	vm4 =	veq.s32 v7, v13;
	v8 =	vsel vm1, v9, v8  }
0x106: {  	vm1 =	vmor vm2, vm0;
	v9 =	vperm.xlane v8, v1;
	vm5 =	veq.s32 v7, v10;
	_ =	sdelay $0x1  }
0x107: {  	v9 =	vmax.f32 v8, v9  }
0x108: {  	v8 =	vsel vm3, v9, v8  }
0x109: {  	v9 =	vperm.xlane v8, v2;
	_ =	sdelay $0x1  }
0x10a: {  	v9 =	vmax.f32 v8, v9;
	v10 =	vld.idx.msk [tilespmem:v7+s1+$0x0], vm1  }
0x10b: {  	v8 =	vsel vm4, v9, v8  }
.Ltmp4:
0x10c: {  	v9 =	vperm.xlane v8, v5;
	(pc) =	sbr.rel @p0 .LBB2_11-.Ltmp4, $4  }
0x10d: {  	_ = 	snop  }
0x10e: {  	v9 =	vmax.f32 v8, v9  }
0x10f: {  	v8 =	vsel vm5, v9, v8  }
0x110: {  	v8 =	vmax.f32 v10, v8  }
0x111: {  	_ =	sdelay $0x4  }
0x112: {  	[tilespmem:v7+s1+$0x0] =	vst.idx.msk vm1, v8  }
0x113: {  	v7 =	vld [tilespmem:$0x18E60]  }
0x114: {  	v8 =	vld [tilespmem:$0x19630];
	_ =	sdelay $0x3  }
0x115: {  	v7 =	vxor.u32 $0x80000000, v7  }
0x116: {  	(xrf1) =	vsort.ascd.msk.u32 $0xffff, v7, v8;
	_ =	sdelay $0xd  }
0x117: {  	v7, v8, _ =	vpop (xrf1)  }
0x118: {  	v7 =	vxor.u32 $0x80000000, v7  }
0x119: {  	v10 =	vperm.xlane v8, v0;
	v9 =	vperm.xlane v7, v0;
	_ =	sdelay $0x1  }
0x11a: {  	v54 =	vperm.xlane v7, v3;
	v53 =	vmax.f32 v8, v10;
	vm1 =	veq.s32 v7, v9  }
0x11b: {  	v8 =	vsel vm1, v53, v8  }
0x11c: {  	v55 =	vperm.xlane v7, v1;
	vm1 =	vne.s32 v7, v54;
	v11 =	vperm.xlane v8, v1  }
0x11d: {  	vm1 =	vmor vm1, vm0  }
0x11e: {  	vm2 =	veq.s32 v7, v55;
	v56 =	vmax.f32 v8, v11  }
0x11f: {  	v8 =	vsel vm2, v56, v8  }
0x120: {  	v57 =	vperm.xlane v7, v2;
	v58 =	vperm.xlane v8, v2;
	_ =	sdelay $0x1  }
0x121: {  	vm2 =	veq.s32 v7, v57;
	v59 =	vmax.f32 v8, v58  }
0x122: {  	s18 =	sadd.s32 $0x1, s18;
	v60 =	vld.idx.msk [tilespmem:v7+s1+$0x0], vm1;
	v8 =	vsel vm2, v59, v8  }
0x123: {  	p0 =	sne.s32 s18, $0x64;
	v61 =	vperm.xlane v7, v5;
	v62 =	vperm.xlane v8, v5  }
.Ltmp5:
0x124: {  	_ = 	snop;
	(pc) =	sbr.rel @p0 .LBB2_10-.Ltmp5, $4  }
0x125: {  	vm2 =	veq.s32 v7, v61;
	v63 =	vmax.f32 v8, v62  }
0x126: {  	v8 =	vsel vm2, v63, v8  }
0x127: {  	v8 =	vmax.f32 v60, v8  }
0x128: {  	[tilespmem:v7+s1+$0x0] =	vst.idx.msk vm1, v8  }
0x129: {  	[hbm4b:s10+s1] =	stream.linear.scatter [tilespmem:s1], [sflag:$0x1], $0x186A0, $0x38;
	[tilespmem:$0x19640] =	vst v63  }
0x12a: {  	_ =	swait.ge [sflag:s15], $0x186A0  }
0x12b: {  	[sflag:s15] =	ssyncset.done $0x0  }
0x12c: {  	s18 =	simm.s32 $0x40;
	[sflag:s15] =	ssyncadd.s32 $0xFFFE7960  }
0x12d: {  	[tilespmem:s18+$0xFFFFFFC0] =	vst v4  }
0x12e: {  	[tilespmem:s18+$0x30] =	vst v4  }
0x12f: {  	[tilespmem:s18+$0x20] =	vst v4  }
0x130: {  	[tilespmem:s18+$0x10] =	vst v4  }
0x131: {  	[tilespmem:s18+$0x0] =	vst v4  }
0x132: {  	[tilespmem:s18+$0xFFFFFFF0] =	vst v4  }
0x133: {  	s19 =	simm.s32 $0x0;
	[tilespmem:s18+$0xFFFFFFE0] =	vst v4  }
.LBB2_14:
0x134: {  	s19 =	sadd.s32 $0x8, s19;
	[tilespmem:s18+$0xFFFFFFD0] =	vst v4;
	s18 =	sadd.s32 $0x80, s18  }
0x135: {  	[tilespmem:s18+$0xFFFFFFC0] =	vst v4;
	p0 =	slt.u32 s19, $0x1860  }
0x136: {  	[tilespmem:s18+$0x30] =	vst v4  }
.Ltmp6:
0x137: {  	[tilespmem:s18+$0x20] =	vst v4;
	(pc) =	sbr.rel @p0 .LBB2_14-.Ltmp6, $4  }
0x138: {  	[tilespmem:s18+$0x10] =	vst v4  }
0x139: {  	[tilespmem:s18+$0x0] =	vst v4  }
0x13a: {  	[tilespmem:s18+$0xFFFFFFF0] =	vst v4  }
0x13b: {  	[tilespmem:s18+$0xFFFFFFE0] =	vst v4  }
0x13c: {  	[tilespmem:s18+$0xFFFFFFD0] =	vst v4  }
0x13d: {  	[tilespmem:$0x18680] =	vst v4  }
0x13e: {  	s18 =	simm.s32 $0x0;
	[tilespmem:$0x18690] =	vst v4  }
.LBB2_16:
0x13f: {  	s19 =	smul.u32 $0x7D0, s18;
	_ =	sdelay $0x1  }
0x140: {  	s19 =	sadd.s32 s8, s19  }
0x141: {  	s19 =	sshrl.u32 s19, $0x3  }
0x142: {  	s20 =	sadd.s32 s5, s19  }
0x143: {  	[tilespmem:s14], [sflag:$0x1] =	stream.linear.gather [hbm4b:s20+s1], $0x7D0, $0x38;
	[tilespmem:$0x19640] =	vst v63  }
0x144: {  	_ =	swait.ge [sflag:s15], $0x7D0  }
0x145: {  	[sflag:s15] =	ssyncset.done $0x0  }
0x146: {  	s19 =	sadd.s32 s6, s19;
	[sflag:s15] =	ssyncadd.s32 $0xFFFFF830  }
0x147: {  	[tilespmem:s16], [sflag:$0x1] =	stream.linear.gather [hbm4b:s19+s1], $0x7D0, $0x38;
	[tilespmem:$0x19640] =	vst v63  }
0x148: {  	_ =	swait.ge [sflag:s15], $0x7D0  }
0x149: {  	[sflag:s15] =	ssyncset.done $0x0  }
0x14a: {  	s19 =	simm.s32 $0x186B0;
	[sflag:s15] =	ssyncadd.s32 $0xFFFFF830  }
0x14b: {  	s20 =	simm.s32 $0x18E80;
	v7 =	vld [tilespmem:s19+$0xFFFFFFF0]  }
0x14c: {  	v8 =	vld [tilespmem:s20+$0xFFFFFFF0];
	_ =	sdelay $0x3  }
0x14d: {  	v7 =	vxor.u32 $0x80000000, v7  }
0x14e: {  	(xrf1) =	vsort.ascd.msk.u32 $0xffff, v7, v8;
	_ =	sdelay $0xd  }
0x14f: {  	v7, v8, _ =	vpop (xrf1)  }
0x150: {  	v7 =	vxor.u32 $0x80000000, v7  }
0x151: {  	v9 =	vperm.xlane v8, v0;
	v10 =	vperm.xlane v7, v0;
	_ =	sdelay $0x1  }
0x152: {  	v11 =	vperm.xlane v7, v6;
	v9 =	vmax.f32 v8, v9;
	vm1 =	veq.s32 v7, v10  }
0x153: {  	v8 =	vsel vm1, v9, v8  }
0x154: {  	v9 =	vperm.xlane v7, v1;
	vm1 =	vne.s32 v7, v11;
	v10 =	vperm.xlane v8, v1  }
0x155: {  	vm1 =	vmor vm1, vm0  }
0x156: {  	vm2 =	veq.s32 v7, v9;
	v9 =	vmax.f32 v8, v10  }
0x157: {  	v8 =	vsel vm2, v9, v8  }
0x158: {  	v9 =	vperm.xlane v7, v2;
	v10 =	vperm.xlane v8, v2;
	_ =	sdelay $0x1  }
0x159: {  	vm2 =	veq.s32 v7, v9;
	v9 =	vmax.f32 v8, v10  }
0x15a: {  	v10 =	vld.idx.msk [tilespmem:v7+s1+$0x0], vm1;
	v8 =	vsel vm2, v9, v8  }
0x15b: {  	v9 =	vperm.xlane v7, v5;
	v11 =	vperm.xlane v8, v5;
	_ =	sdelay $0x1  }
0x15c: {  	vm2 =	veq.s32 v7, v9;
	v9 =	vmax.f32 v8, v11  }
0x15d: {  	v8 =	vsel vm2, v9, v8  }
0x15e: {  	v8 =	vmax.f32 v10, v8  }
0x15f: {  	[tilespmem:v7+s1+$0x0] =	vst.idx.msk vm1, v8  }
0x160: {  	v7 =	vld [tilespmem:s19+$0x0]  }
0x161: {  	v8 =	vld [tilespmem:s20+$0x0];
	_ =	sdelay $0x3  }
0x162: {  	v7 =	vxor.u32 $0x80000000, v7  }
0x163: {  	(xrf1) =	vsort.ascd.msk.u32 $0xffff, v7, v8;
	_ =	sdelay $0xd  }
0x164: {  	v7, v8, _ =	vpop (xrf1)  }
0x165: {  	v7 =	vxor.u32 $0x80000000, v7  }
0x166: {  	v9 =	vperm.xlane v8, v0;
	v10 =	vperm.xlane v7, v0;
	_ =	sdelay $0x1  }
0x167: {  	v11 =	vperm.xlane v7, v6;
	v9 =	vmax.f32 v8, v9;
	vm1 =	veq.s32 v7, v10  }
0x168: {  	v8 =	vsel vm1, v9, v8  }
0x169: {  	v9 =	vperm.xlane v7, v1;
	vm1 =	vne.s32 v7, v11;
	v10 =	vperm.xlane v8, v1  }
0x16a: {  	vm1 =	vmor vm1, vm0  }
0x16b: {  	vm2 =	veq.s32 v7, v9;
	v9 =	vmax.f32 v8, v10  }
0x16c: {  	v8 =	vsel vm2, v9, v8  }
0x16d: {  	v9 =	vperm.xlane v7, v2;
	v10 =	vperm.xlane v8, v2;
	_ =	sdelay $0x1  }
0x16e: {  	vm2 =	veq.s32 v7, v9;
	v9 =	vmax.f32 v8, v10  }
0x16f: {  	v10 =	vld.idx.msk [tilespmem:v7+s1+$0x0], vm1;
	v8 =	vsel vm2, v9, v8  }
0x170: {  	v9 =	vperm.xlane v7, v5;
	v11 =	vperm.xlane v8, v5;
	_ =	sdelay $0x1  }
0x171: {  	vm2 =	veq.s32 v7, v9;
	v9 =	vmax.f32 v8, v11  }
0x172: {  	v8 =	vsel vm2, v9, v8  }
0x173: {  	s21 =	simm.s32 $0x0;
	v8 =	vmax.f32 v10, v8  }
.LBB2_17:
0x174: {  	s21 =	sadd.s32 $0x2, s21;
	[tilespmem:v7+s1+$0x0] =	vst.idx.msk vm1, v8;
	s19 =	sadd.s32 $0x20, s19;
	s20 =	sadd.s32 $0x20, s20  }
0x175: {  	v7 =	vld [tilespmem:s19+$0xFFFFFFF0];
	p0 =	slt.u32 s21, $0x7A  }
0x176: {  	v8 =	vld [tilespmem:s20+$0xFFFFFFF0];
	_ =	sdelay $0x3  }
0x177: {  	v7 =	vxor.u32 $0x80000000, v7  }
0x178: {  	(xrf1) =	vsort.ascd.msk.u32 $0xffff, v7, v8;
	_ =	sdelay $0xd  }
0x179: {  	v7, v8, _ =	vpop (xrf1)  }
0x17a: {  	v7 =	vxor.u32 $0x80000000, v7;
	v9 =	vperm.xlane v8, v0  }
0x17b: {  	v10 =	vperm.xlane v7, v0;
	v11 =	vperm.xlane v7, v6  }
0x17c: {  	v12 =	vperm.xlane v7, v1;
	v13 =	vperm.xlane v7, v2;
	v9 =	vmax.f32 v8, v9  }
0x17d: {  	vm1 =	veq.s32 v7, v10;
	v10 =	vperm.xlane v7, v5;
	vm2 =	vne.s32 v7, v11  }
0x17e: {  	vm3 =	veq.s32 v7, v13;
	v8 =	vsel vm1, v9, v8;
	vm1 =	veq.s32 v7, v12  }
0x17f: {  	vm2 =	vmor vm2, vm0;
	v9 =	vperm.xlane v8, v1;
	vm4 =	veq.s32 v7, v10;
	_ =	sdelay $0x1  }
0x180: {  	v9 =	vmax.f32 v8, v9  }
0x181: {  	v8 =	vsel vm1, v9, v8  }
0x182: {  	v9 =	vperm.xlane v8, v2;
	_ =	sdelay $0x1  }
0x183: {  	v9 =	vmax.f32 v8, v9;
	v10 =	vld.idx.msk [tilespmem:v7+s1+$0x0], vm2  }
0x184: {  	v8 =	vsel vm3, v9, v8  }
0x185: {  	v9 =	vperm.xlane v8, v5;
	_ =	sdelay $0x1  }
0x186: {  	v9 =	vmax.f32 v8, v9  }
0x187: {  	v8 =	vsel vm4, v9, v8  }
0x188: {  	v8 =	vmax.f32 v10, v8  }
0x189: {  	[tilespmem:v7+s1+$0x0] =	vst.idx.msk vm2, v8  }
0x18a: {  	v7 =	vld [tilespmem:s19+$0x0]  }
0x18b: {  	v8 =	vld [tilespmem:s20+$0x0];
	_ =	sdelay $0x3  }
0x18c: {  	v7 =	vxor.u32 $0x80000000, v7  }
0x18d: {  	(xrf1) =	vsort.ascd.msk.u32 $0xffff, v7, v8;
	_ =	sdelay $0xd  }
0x18e: {  	v7, v8, _ =	vpop (xrf1)  }
0x18f: {  	v7 =	vxor.u32 $0x80000000, v7;
	v9 =	vperm.xlane v8, v0  }
0x190: {  	v10 =	vperm.xlane v7, v0;
	v11 =	vperm.xlane v7, v6  }
0x191: {  	v12 =	vperm.xlane v7, v1;
	v13 =	vperm.xlane v7, v2;
	v9 =	vmax.f32 v8, v9  }
0x192: {  	vm1 =	veq.s32 v7, v10;
	v10 =	vperm.xlane v7, v5;
	vm2 =	vne.s32 v7, v11  }
0x193: {  	vm3 =	veq.s32 v7, v12;
	vm4 =	veq.s32 v7, v13;
	v8 =	vsel vm1, v9, v8  }
0x194: {  	vm1 =	vmor vm2, vm0;
	v9 =	vperm.xlane v8, v1;
	vm5 =	veq.s32 v7, v10;
	_ =	sdelay $0x1  }
0x195: {  	v9 =	vmax.f32 v8, v9  }
0x196: {  	v8 =	vsel vm3, v9, v8  }
0x197: {  	v9 =	vperm.xlane v8, v2;
	_ =	sdelay $0x1  }
0x198: {  	v9 =	vmax.f32 v8, v9;
	v10 =	vld.idx.msk [tilespmem:v7+s1+$0x0], vm1  }
0x199: {  	v8 =	vsel vm4, v9, v8  }
.Ltmp7:
0x19a: {  	v9 =	vperm.xlane v8, v5;
	(pc) =	sbr.rel @p0 .LBB2_17-.Ltmp7, $4  }
0x19b: {  	_ = 	snop  }
0x19c: {  	v9 =	vmax.f32 v8, v9  }
0x19d: {  	v8 =	vsel vm5, v9, v8  }
0x19e: {  	v8 =	vmax.f32 v10, v8  }
0x19f: {  	_ =	sdelay $0x4  }
0x1a0: {  	[tilespmem:v7+s1+$0x0] =	vst.idx.msk vm1, v8  }
0x1a1: {  	v7 =	vld [tilespmem:$0x18E60]  }
0x1a2: {  	v8 =	vld [tilespmem:$0x19630];
	_ =	sdelay $0x3  }
0x1a3: {  	v7 =	vxor.u32 $0x80000000, v7  }
0x1a4: {  	(xrf1) =	vsort.ascd.msk.u32 $0xffff, v7, v8;
	_ =	sdelay $0xd  }
0x1a5: {  	v7, v8, _ =	vpop (xrf1)  }
0x1a6: {  	v7 =	vxor.u32 $0x80000000, v7  }
0x1a7: {  	v10 =	vperm.xlane v8, v0;
	v9 =	vperm.xlane v7, v0;
	_ =	sdelay $0x1  }
0x1a8: {  	v54 =	vperm.xlane v7, v3;
	v53 =	vmax.f32 v8, v10;
	vm1 =	veq.s32 v7, v9  }
0x1a9: {  	v8 =	vsel vm1, v53, v8  }
0x1aa: {  	v55 =	vperm.xlane v7, v1;
	vm1 =	vne.s32 v7, v54;
	v11 =	vperm.xlane v8, v1  }
0x1ab: {  	vm1 =	vmor vm1, vm0  }
0x1ac: {  	vm2 =	veq.s32 v7, v55;
	v56 =	vmax.f32 v8, v11  }
0x1ad: {  	v8 =	vsel vm2, v56, v8  }
0x1ae: {  	v57 =	vperm.xlane v7, v2;
	v58 =	vperm.xlane v8, v2;
	_ =	sdelay $0x1  }
0x1af: {  	vm2 =	veq.s32 v7, v57;
	v59 =	vmax.f32 v8, v58  }
0x1b0: {  	s18 =	sadd.s32 $0x1, s18;
	v60 =	vld.idx.msk [tilespmem:v7+s1+$0x0], vm1;
	v8 =	vsel vm2, v59, v8  }
0x1b1: {  	p0 =	sne.s32 s18, $0x64;
	v61 =	vperm.xlane v7, v5;
	v62 =	vperm.xlane v8, v5  }
.Ltmp8:
0x1b2: {  	_ = 	snop;
	(pc) =	sbr.rel @p0 .LBB2_16-.Ltmp8, $4  }
0x1b3: {  	vm2 =	veq.s32 v7, v61;
	v63 =	vmax.f32 v8, v62  }
0x1b4: {  	v8 =	vsel vm2, v63, v8  }
0x1b5: {  	v8 =	vmax.f32 v60, v8  }
0x1b6: {  	[tilespmem:v7+s1+$0x0] =	vst.idx.msk vm1, v8  }
0x1b7: {  	[hbm4b:s11+s1] =	stream.linear.scatter [tilespmem:s1], [sflag:$0x1], $0x186A0, $0x38;
	[tilespmem:$0x19640] =	vst v63  }
0x1b8: {  	_ =	swait.ge [sflag:s15], $0x186A0  }
0x1b9: {  	[sflag:s15] =	ssyncset.done $0x0  }
0x1ba: {  	s18 =	simm.s32 $0x40;
	[sflag:s15] =	ssyncadd.s32 $0xFFFE7960  }
0x1bb: {  	[tilespmem:s18+$0xFFFFFFC0] =	vst v4  }
0x1bc: {  	[tilespmem:s18+$0x30] =	vst v4  }
0x1bd: {  	[tilespmem:s18+$0x20] =	vst v4  }
0x1be: {  	[tilespmem:s18+$0x10] =	vst v4  }
0x1bf: {  	[tilespmem:s18+$0x0] =	vst v4  }
0x1c0: {  	[tilespmem:s18+$0xFFFFFFF0] =	vst v4  }
0x1c1: {  	s19 =	simm.s32 $0x0;
	[tilespmem:s18+$0xFFFFFFE0] =	vst v4  }
.LBB2_20:
0x1c2: {  	s19 =	sadd.s32 $0x8, s19;
	[tilespmem:s18+$0xFFFFFFD0] =	vst v4;
	s18 =	sadd.s32 $0x80, s18  }
0x1c3: {  	[tilespmem:s18+$0xFFFFFFC0] =	vst v4;
	p0 =	slt.u32 s19, $0x1860  }
0x1c4: {  	[tilespmem:s18+$0x30] =	vst v4  }
.Ltmp9:
0x1c5: {  	[tilespmem:s18+$0x20] =	vst v4;
	(pc) =	sbr.rel @p0 .LBB2_20-.Ltmp9, $4  }
0x1c6: {  	[tilespmem:s18+$0x10] =	vst v4  }
0x1c7: {  	[tilespmem:s18+$0x0] =	vst v4  }
0x1c8: {  	[tilespmem:s18+$0xFFFFFFF0] =	vst v4  }
0x1c9: {  	[tilespmem:s18+$0xFFFFFFE0] =	vst v4  }
0x1ca: {  	[tilespmem:s18+$0xFFFFFFD0] =	vst v4  }
0x1cb: {  	[tilespmem:$0x18680] =	vst v4  }
0x1cc: {  	s18 =	simm.s32 $0x0;
	[tilespmem:$0x18690] =	vst v4  }
.LBB2_22:
0x1cd: {  	s19 =	smul.u32 $0x7D0, s18;
	_ =	sdelay $0x1  }
0x1ce: {  	s19 =	sadd.s32 s8, s19  }
0x1cf: {  	s19 =	sshrl.u32 s19, $0x3  }
0x1d0: {  	s20 =	sadd.s32 s5, s19  }
0x1d1: {  	[tilespmem:s14], [sflag:$0x1] =	stream.linear.gather [hbm4b:s20+s1], $0x7D0, $0x38;
	[tilespmem:$0x19640] =	vst v63  }
0x1d2: {  	_ =	swait.ge [sflag:s15], $0x7D0  }
0x1d3: {  	[sflag:s15] =	ssyncset.done $0x0  }
0x1d4: {  	s19 =	sadd.s32 s7, s19;
	[sflag:s15] =	ssyncadd.s32 $0xFFFFF830  }
0x1d5: {  	[tilespmem:s16], [sflag:$0x1] =	stream.linear.gather [hbm4b:s19+s1], $0x7D0, $0x38;
	[tilespmem:$0x19640] =	vst v63  }
0x1d6: {  	_ =	swait.ge [sflag:s15], $0x7D0  }
0x1d7: {  	[sflag:s15] =	ssyncset.done $0x0  }
0x1d8: {  	s19 =	simm.s32 $0x186B0;
	[sflag:s15] =	ssyncadd.s32 $0xFFFFF830  }
0x1d9: {  	s20 =	simm.s32 $0x18E80;
	v7 =	vld [tilespmem:s19+$0xFFFFFFF0]  }
0x1da: {  	v8 =	vld [tilespmem:s20+$0xFFFFFFF0];
	_ =	sdelay $0x3  }
0x1db: {  	v7 =	vxor.u32 $0x80000000, v7  }
0x1dc: {  	(xrf1) =	vsort.ascd.msk.u32 $0xffff, v7, v8;
	_ =	sdelay $0xd  }
0x1dd: {  	v7, v8, _ =	vpop (xrf1)  }
0x1de: {  	v7 =	vxor.u32 $0x80000000, v7  }
0x1df: {  	v9 =	vperm.xlane v8, v0;
	v10 =	vperm.xlane v7, v0;
	_ =	sdelay $0x1  }
0x1e0: {  	v11 =	vperm.xlane v7, v6;
	v9 =	vmax.f32 v8, v9;
	vm1 =	veq.s32 v7, v10  }
0x1e1: {  	v8 =	vsel vm1, v9, v8  }
0x1e2: {  	v9 =	vperm.xlane v7, v1;
	vm1 =	vne.s32 v7, v11;
	v10 =	vperm.xlane v8, v1  }
0x1e3: {  	vm1 =	vmor vm1, vm0  }
0x1e4: {  	vm2 =	veq.s32 v7, v9;
	v9 =	vmax.f32 v8, v10  }
0x1e5: {  	v8 =	vsel vm2, v9, v8  }
0x1e6: {  	v9 =	vperm.xlane v7, v2;
	v10 =	vperm.xlane v8, v2;
	_ =	sdelay $0x1  }
0x1e7: {  	vm2 =	veq.s32 v7, v9;
	v9 =	vmax.f32 v8, v10  }
0x1e8: {  	v10 =	vld.idx.msk [tilespmem:v7+s1+$0x0], vm1;
	v8 =	vsel vm2, v9, v8  }
0x1e9: {  	v9 =	vperm.xlane v7, v5;
	v11 =	vperm.xlane v8, v5;
	_ =	sdelay $0x1  }
0x1ea: {  	vm2 =	veq.s32 v7, v9;
	v9 =	vmax.f32 v8, v11  }
0x1eb: {  	v8 =	vsel vm2, v9, v8  }
0x1ec: {  	v8 =	vmax.f32 v10, v8  }
0x1ed: {  	[tilespmem:v7+s1+$0x0] =	vst.idx.msk vm1, v8  }
0x1ee: {  	v7 =	vld [tilespmem:s19+$0x0]  }
0x1ef: {  	v8 =	vld [tilespmem:s20+$0x0];
	_ =	sdelay $0x3  }
0x1f0: {  	v7 =	vxor.u32 $0x80000000, v7  }
0x1f1: {  	(xrf1) =	vsort.ascd.msk.u32 $0xffff, v7, v8;
	_ =	sdelay $0xd  }
0x1f2: {  	v7, v8, _ =	vpop (xrf1)  }
0x1f3: {  	v7 =	vxor.u32 $0x80000000, v7  }
0x1f4: {  	v9 =	vperm.xlane v8, v0;
	v10 =	vperm.xlane v7, v0;
	_ =	sdelay $0x1  }
0x1f5: {  	v11 =	vperm.xlane v7, v6;
	v9 =	vmax.f32 v8, v9;
	vm1 =	veq.s32 v7, v10  }
0x1f6: {  	v8 =	vsel vm1, v9, v8  }
0x1f7: {  	v9 =	vperm.xlane v7, v1;
	vm1 =	vne.s32 v7, v11;
	v10 =	vperm.xlane v8, v1  }
0x1f8: {  	vm1 =	vmor vm1, vm0  }
0x1f9: {  	vm2 =	veq.s32 v7, v9;
	v9 =	vmax.f32 v8, v10  }
0x1fa: {  	v8 =	vsel vm2, v9, v8  }
0x1fb: {  	v9 =	vperm.xlane v7, v2;
	v10 =	vperm.xlane v8, v2;
	_ =	sdelay $0x1  }
0x1fc: {  	vm2 =	veq.s32 v7, v9;
	v9 =	vmax.f32 v8, v10  }
0x1fd: {  	v10 =	vld.idx.msk [tilespmem:v7+s1+$0x0], vm1;
	v8 =	vsel vm2, v9, v8  }
0x1fe: {  	v9 =	vperm.xlane v7, v5;
	v11 =	vperm.xlane v8, v5;
	_ =	sdelay $0x1  }
0x1ff: {  	vm2 =	veq.s32 v7, v9;
	v9 =	vmax.f32 v8, v11  }
0x200: {  	v8 =	vsel vm2, v9, v8  }
0x201: {  	s21 =	simm.s32 $0x0;
	v8 =	vmax.f32 v10, v8  }
.LBB2_23:
0x202: {  	s21 =	sadd.s32 $0x2, s21;
	[tilespmem:v7+s1+$0x0] =	vst.idx.msk vm1, v8;
	s19 =	sadd.s32 $0x20, s19;
	s20 =	sadd.s32 $0x20, s20  }
0x203: {  	v7 =	vld [tilespmem:s19+$0xFFFFFFF0];
	p0 =	slt.u32 s21, $0x7A  }
0x204: {  	v8 =	vld [tilespmem:s20+$0xFFFFFFF0];
	_ =	sdelay $0x3  }
0x205: {  	v7 =	vxor.u32 $0x80000000, v7  }
0x206: {  	(xrf1) =	vsort.ascd.msk.u32 $0xffff, v7, v8;
	_ =	sdelay $0xd  }
0x207: {  	v7, v8, _ =	vpop (xrf1)  }
0x208: {  	v7 =	vxor.u32 $0x80000000, v7;
	v9 =	vperm.xlane v8, v0  }
0x209: {  	v10 =	vperm.xlane v7, v0;
	v11 =	vperm.xlane v7, v6  }
0x20a: {  	v12 =	vperm.xlane v7, v1;
	v13 =	vperm.xlane v7, v2;
	v9 =	vmax.f32 v8, v9  }
0x20b: {  	vm1 =	veq.s32 v7, v10;
	v10 =	vperm.xlane v7, v5;
	vm2 =	vne.s32 v7, v11  }
0x20c: {  	vm3 =	veq.s32 v7, v13;
	v8 =	vsel vm1, v9, v8;
	vm1 =	veq.s32 v7, v12  }
0x20d: {  	vm2 =	vmor vm2, vm0;
	v9 =	vperm.xlane v8, v1;
	vm4 =	veq.s32 v7, v10;
	_ =	sdelay $0x1  }
0x20e: {  	v9 =	vmax.f32 v8, v9  }
0x20f: {  	v8 =	vsel vm1, v9, v8  }
0x210: {  	v9 =	vperm.xlane v8, v2;
	_ =	sdelay $0x1  }
0x211: {  	v9 =	vmax.f32 v8, v9;
	v10 =	vld.idx.msk [tilespmem:v7+s1+$0x0], vm2  }
0x212: {  	v8 =	vsel vm3, v9, v8  }
0x213: {  	v9 =	vperm.xlane v8, v5;
	_ =	sdelay $0x1  }
0x214: {  	v9 =	vmax.f32 v8, v9  }
0x215: {  	v8 =	vsel vm4, v9, v8  }
0x216: {  	v8 =	vmax.f32 v10, v8  }
0x217: {  	[tilespmem:v7+s1+$0x0] =	vst.idx.msk vm2, v8  }
0x218: {  	v7 =	vld [tilespmem:s19+$0x0]  }
0x219: {  	v8 =	vld [tilespmem:s20+$0x0];
	_ =	sdelay $0x3  }
0x21a: {  	v7 =	vxor.u32 $0x80000000, v7  }
0x21b: {  	(xrf1) =	vsort.ascd.msk.u32 $0xffff, v7, v8;
	_ =	sdelay $0xd  }
0x21c: {  	v7, v8, _ =	vpop (xrf1)  }
0x21d: {  	v7 =	vxor.u32 $0x80000000, v7;
	v9 =	vperm.xlane v8, v0  }
0x21e: {  	v10 =	vperm.xlane v7, v0;
	v11 =	vperm.xlane v7, v6  }
0x21f: {  	v12 =	vperm.xlane v7, v1;
	v13 =	vperm.xlane v7, v2;
	v9 =	vmax.f32 v8, v9  }
0x220: {  	vm1 =	veq.s32 v7, v10;
	v10 =	vperm.xlane v7, v5;
	vm2 =	vne.s32 v7, v11  }
0x221: {  	vm3 =	veq.s32 v7, v12;
	vm4 =	veq.s32 v7, v13;
	v8 =	vsel vm1, v9, v8  }
0x222: {  	vm1 =	vmor vm2, vm0;
	v9 =	vperm.xlane v8, v1;
	vm5 =	veq.s32 v7, v10;
	_ =	sdelay $0x1  }
0x223: {  	v9 =	vmax.f32 v8, v9  }
0x224: {  	v8 =	vsel vm3, v9, v8  }
0x225: {  	v9 =	vperm.xlane v8, v2;
	_ =	sdelay $0x1  }
0x226: {  	v9 =	vmax.f32 v8, v9;
	v10 =	vld.idx.msk [tilespmem:v7+s1+$0x0], vm1  }
0x227: {  	v8 =	vsel vm4, v9, v8  }
.Ltmp10:
0x228: {  	v9 =	vperm.xlane v8, v5;
	(pc) =	sbr.rel @p0 .LBB2_23-.Ltmp10, $4  }
0x229: {  	_ = 	snop  }
0x22a: {  	v9 =	vmax.f32 v8, v9  }
0x22b: {  	v8 =	vsel vm5, v9, v8  }
0x22c: {  	v8 =	vmax.f32 v10, v8  }
0x22d: {  	_ =	sdelay $0x4  }
0x22e: {  	[tilespmem:v7+s1+$0x0] =	vst.idx.msk vm1, v8  }
0x22f: {  	v7 =	vld [tilespmem:$0x18E60]  }
0x230: {  	v8 =	vld [tilespmem:$0x19630];
	_ =	sdelay $0x3  }
0x231: {  	v7 =	vxor.u32 $0x80000000, v7  }
0x232: {  	(xrf1) =	vsort.ascd.msk.u32 $0xffff, v7, v8;
	_ =	sdelay $0xd  }
0x233: {  	v7, v8, _ =	vpop (xrf1)  }
0x234: {  	v7 =	vxor.u32 $0x80000000, v7  }
0x235: {  	v10 =	vperm.xlane v8, v0;
	v9 =	vperm.xlane v7, v0;
	_ =	sdelay $0x1  }
0x236: {  	v54 =	vperm.xlane v7, v3;
	v53 =	vmax.f32 v8, v10;
	vm1 =	veq.s32 v7, v9  }
0x237: {  	v8 =	vsel vm1, v53, v8  }
0x238: {  	v55 =	vperm.xlane v7, v1;
	vm1 =	vne.s32 v7, v54;
	v11 =	vperm.xlane v8, v1  }
0x239: {  	vm1 =	vmor vm1, vm0  }
0x23a: {  	vm2 =	veq.s32 v7, v55;
	v56 =	vmax.f32 v8, v11  }
0x23b: {  	v8 =	vsel vm2, v56, v8  }
0x23c: {  	v57 =	vperm.xlane v7, v2;
	v58 =	vperm.xlane v8, v2;
	_ =	sdelay $0x1  }
0x23d: {  	vm2 =	veq.s32 v7, v57;
	v59 =	vmax.f32 v8, v58  }
0x23e: {  	s18 =	sadd.s32 $0x1, s18;
	v60 =	vld.idx.msk [tilespmem:v7+s1+$0x0], vm1;
	v8 =	vsel vm2, v59, v8  }
0x23f: {  	p0 =	sne.s32 s18, $0x64;
	v61 =	vperm.xlane v7, v5;
	v62 =	vperm.xlane v8, v5  }
.Ltmp11:
0x240: {  	_ = 	snop;
	(pc) =	sbr.rel @p0 .LBB2_22-.Ltmp11, $4  }
0x241: {  	vm2 =	veq.s32 v7, v61;
	v63 =	vmax.f32 v8, v62  }
0x242: {  	v8 =	vsel vm2, v63, v8  }
0x243: {  	v8 =	vmax.f32 v60, v8  }
0x244: {  	[tilespmem:v7+s1+$0x0] =	vst.idx.msk vm1, v8  }
0x245: {  	s17 =	sadd.s32 $0x1, s17  }
0x246: {  	p0 =	sne.s32 s17, s13  }
.Ltmp12:
0x247: {  	_ = 	snop;
	(pc) =	sbr.rel @p0 .LBB2_1-.Ltmp12, $4  }
0x248: {  	[hbm4b:s12+s1] =	stream.linear.scatter [tilespmem:s1], [sflag:$0x1], $0x186A0, $0x38;
	[tilespmem:$0x19640] =	vst v63  }
0x249: {  	_ =	swait.ge [sflag:s15], $0x186A0  }
0x24a: {  	[sflag:s15] =	ssyncset.done $0x0  }
0x24b: {  	[sflag:s15] =	ssyncadd.s32 $0xFFFE7960  }
0x24c: {  	_ =	sfence.sel $0x180000  }
0x24d: {  	[bflag:$0x0] =	sbarrier.arrive $0xFFFF  }
0x24e: {  	p0 =	sne.s32 s2, $0x0;
	_ =	strace $0x9000004A  }
0x24f: {  	s0 =	sadd.s32 @!p0 $0x100000, s0;
	[bflag:$0x2] =	sbarrier.arrive $0xFFFF  }
0x250: {  	[sflag:s0] =	ssyncadd.tile.s32 @!p0 $0x1;
	_ =	shalt  }
.Lfunc_end2:
_tile_overlayer_lowered:
.L_overlay_start_2:
0x251: {  	(tag) =	ssettag $0x2  }
0x252: {  	s0 =	rddreg [dreg:$0x0];
	s2 =	stileid.u32  }
0x253: {  	s1 =	rddreg [dreg:$0x1];
	p0 =	sne.s32 s2, $0x0  }
0x254: {  	s3 =	rddreg [dreg:$0x2];
	[bflag:$0x3] =	sbarrier.arrive $0xFFFF;
	s2 =	simm.s32 @!p0 $0x1C01  }
0x255: {  	[timem:s3], [sflag:s2] =	dma.local @!p0 [hbm:s0], s1  }
0x256: {  	s0 =	simm.s32 @!p0 $0x1  }
0x257: {  	_ =	swait.ge @!p0 [sflag:s0], s1  }
0x258: {  	s1 =	ssub.s32 @!p0 $0x0, s1;
	[sflag:s0] =	ssyncset.done @!p0 $0x0  }
0x259: {  	[sflag:s0] =	ssyncadd.s32 @!p0 s1  }
0x25a: {  	[bflag:$0x3] =	sbarrier.arrive $0xFFFF  }
0x25b: {  	_ =	shalt  }

</sc_bundles>
